<compile_context>
chip_gen: v7x
topology: tpu7x:2x2x1
jax: 0.10.2.dev20260603
libtpu: 0.0.44.dev20260713+nightly
codegen_flags: <defaults>
</compile_context>

<pallas_src>
import functools

import jax
import jax.numpy as jnp
from jax import lax
from jax.experimental import pallas as pl
from jax.experimental.pallas import tpu as pltpu
from jax.experimental.pallas import tpu_sc as plsc

N = 10000
E = 320000
D = 128
DE = 16
NLAYER = 3
G = 512

NC, NS = 2, 16
NW = NC * NS
CH = 96
E_PAD = 328704
NCHUNK = E_PAD // CH
CPT = NCHUNK // NW
RPT = 624
CBYTES = CH * D * 4

NB = 1000
NBLK = N // NB
BE = 512
NEB = E // BE
NEB_PAD = E_PAD // BE

NEG = -1e30



def _eemb_body(ea_ref, we_ref, out_ref):
    i = pl.program_id(0)
    v = jnp.dot(ea_ref[...], we_ref[...], preferred_element_type=jnp.float32)
    rowid = lax.broadcasted_iota(jnp.int32, (BE, D), 0) + i * BE
    v = jnp.where(rowid < E, v, NEG)
    out_ref[...] = v


def _eemb(edge_attr, w_edge_l):
    return pl.pallas_call(
        _eemb_body,
        grid=(NEB_PAD,),
        in_specs=[
            pl.BlockSpec((BE, DE), lambda i: (jnp.minimum(i, NEB - 1), 0)),
            pl.BlockSpec((DE, D), lambda i: (0, 0)),
        ],
        out_specs=pl.BlockSpec((BE, D), lambda i: (i, 0)),
        out_shape=jax.ShapeDtypeStruct((E_PAD, D), jnp.float32),
    )(edge_attr, w_edge_l)



def _make_sc_msg():
    mesh = plsc.VectorSubcoreMesh(
        core_axis_name="c", subcore_axis_name="s", num_cores=NC, num_subcores=NS
    )

    @functools.partial(
        pl.kernel,
        out_type=jax.ShapeDtypeStruct((NC, N, D), jnp.float32),
        mesh=mesh,
        scratch_types=[
            pltpu.VMEM_SHARED((N, D), jnp.float32),
            pltpu.VMEM((2, CH), jnp.int32),
            pltpu.VMEM((2, CH), jnp.int32),
            pltpu.VMEM((2, CH, D), jnp.float32),
            pltpu.VMEM((2, CH, D), jnp.float32),
            pltpu.SemaphoreType.DMA((2,)),
            pltpu.SemaphoreType.DMA((2,)),
        ],
    )
    def sc_msg(h_hbm, e_hbm, src_hbm, dst_hbm, zeros_hbm, out_hbm,
               agg, srcring, dstring, rows, embs, gsem, esem):
        cid = lax.axis_index("c")
        sid = lax.axis_index("s")
        wid = sid * NC + cid
        base = wid * CPT
        r0 = sid * RPT

        pltpu.sync_copy(zeros_hbm.at[pl.ds(r0, RPT), :],
                        agg.at[pl.ds(r0, RPT), :])

        @pl.when(sid == NS - 1)
        def _():
            pltpu.sync_copy(zeros_hbm.at[pl.ds(RPT * NS, N - RPT * NS), :],
                            agg.at[pl.ds(RPT * NS, N - RPT * NS), :])

        plsc.subcore_barrier()

        def prefetch(c, b):
            pltpu.sync_copy(src_hbm.at[pl.ds((base + c) * CH, CH)],
                            srcring.at[b])
            pltpu.make_async_copy(h_hbm.at[srcring.at[b]], rows.at[b],
                                  gsem.at[b]).start()
            pltpu.make_async_copy(e_hbm.at[pl.ds((base + c) * CH, CH), :],
                                  embs.at[b], esem.at[b]).start()

        def process(c, b):
            @pl.when(c < CPT - 1)
            def _():
                prefetch(c + 1, 1 - b)

            pltpu.make_async_copy(h_hbm.at[srcring.at[b]], rows.at[b],
                                  gsem.at[b]).wait()
            pltpu.make_async_copy(e_hbm.at[pl.ds((base + c) * CH, CH), :],
                                  embs.at[b], esem.at[b]).wait()

            def row_body(r, carry):
                for q in range(D // 16):
                    sl = pl.ds(q * 16, 16)
                    rows[b, r, sl] = jnp.maximum(rows[b, r, sl] +
                                                 embs[b, r, sl], 0.0)
                return carry

            lax.fori_loop(0, CH, row_body, 0)

            pltpu.sync_copy(dst_hbm.at[pl.ds((base + c) * CH, CH)],
                            dstring.at[b])
            pltpu.sync_copy(rows.at[b], agg.at[dstring.at[b]], add=True)

        prefetch(0, 0)

        @pl.loop(0, CPT - 1, step=2)
        def _(g):
            for b in range(2):
                process(g + b, b)

        process(CPT - 1, (CPT - 1) % 2)

        plsc.subcore_barrier()
        pltpu.sync_copy(agg.at[pl.ds(r0, RPT), :],
                        out_hbm.at[cid, pl.ds(r0, RPT), :])

        @pl.when(sid == NS - 1)
        def _():
            pltpu.sync_copy(agg.at[pl.ds(RPT * NS, N - RPT * NS), :],
                            out_hbm.at[cid, pl.ds(RPT * NS, N - RPT * NS), :])

    return sc_msg



def _mlp_body(last, parts_ref, h_ref, w1_ref, b1_ref, w2_ref, b2_ref,
              scale_ref, out_ref):
    t = parts_ref[0] + parts_ref[1] + scale_ref[0, 0] * h_ref[...]
    u = jnp.dot(t, w1_ref[...], preferred_element_type=jnp.float32)
    u = jnp.maximum(u + b1_ref[...], 0.0)
    v = jnp.dot(u, w2_ref[...], preferred_element_type=jnp.float32)
    v = v + b2_ref[...]
    if not last:
        v = jnp.maximum(v, 0.0)
    out_ref[...] = v


def _mlp(parts, h, w1, b1, w2, b2, scale, last):
    return pl.pallas_call(
        functools.partial(_mlp_body, last),
        grid=(NBLK,),
        in_specs=[
            pl.BlockSpec((NC, NB, D), lambda i: (0, i, 0)),
            pl.BlockSpec((NB, D), lambda i: (i, 0)),
            pl.BlockSpec((D, D), lambda i: (0, 0)),
            pl.BlockSpec((1, D), lambda i: (0, 0)),
            pl.BlockSpec((D, D), lambda i: (0, 0)),
            pl.BlockSpec((1, D), lambda i: (0, 0)),
            pl.BlockSpec((1, 1), lambda i: (0, 0)),
        ],
        out_specs=pl.BlockSpec((NB, D), lambda i: (i, 0)),
        out_shape=jax.ShapeDtypeStruct((N, D), jnp.float32),
    )(parts, h, w1, b1, w2, b2, scale)



def _pool_body(batch_ref, h_ref, out_ref, sums, counts):
    i = pl.program_id(0)
    b = batch_ref[0, 0, :]
    gid = lax.broadcasted_iota(jnp.int32, (G, NB), 0)
    mask = (b[None, :] == gid).astype(jnp.float32)
    psum = jnp.dot(mask, h_ref[...], preferred_element_type=jnp.float32)
    pcnt = jnp.broadcast_to(jnp.sum(mask, axis=1, keepdims=True), (G, D))

    @pl.when(i == 0)
    def _():
        sums[...] = psum
        counts[...] = pcnt

    @pl.when(i > 0)
    def _():
        sums[...] += psum
        counts[...] += pcnt

    @pl.when(i == NBLK - 1)
    def _():
        out_ref[...] = sums[...] / jnp.maximum(counts[...], 1.0)


def _pool(batch3d, h):
    return pl.pallas_call(
        _pool_body,
        grid=(NBLK,),
        in_specs=[
            pl.BlockSpec((1, 1, NB), lambda i: (i, 0, 0)),
            pl.BlockSpec((NB, D), lambda i: (i, 0)),
        ],
        out_specs=pl.BlockSpec((G, D), lambda i: (0, 0)),
        out_shape=jax.ShapeDtypeStruct((G, D), jnp.float32),
        scratch_shapes=[
            pltpu.VMEM((G, D), jnp.float32),
            pltpu.VMEM((G, D), jnp.float32),
        ],
    )(batch3d, h)



def kernel(x, edge_index, edge_attr, batch, W_edge, W1, b1, W2, b2, eps):
    pad = jnp.zeros((E_PAD - E,), jnp.int32)
    src = jnp.concatenate([edge_index[0].astype(jnp.int32), pad])
    dst = jnp.concatenate([edge_index[1].astype(jnp.int32), pad])
    batch3d = batch.astype(jnp.int32).reshape(NBLK, 1, NB)
    zeros = jnp.zeros((N, D), jnp.float32)

    e_embs = [_eemb(edge_attr, W_edge[l]) for l in range(NLAYER)]
    sc_msg = _make_sc_msg()

    h = x
    for l in range(NLAYER):
        parts = sc_msg(h, e_embs[l], src, dst, zeros)
        scale = (1.0 + eps[l]).reshape(1, 1)
        h = _mlp(parts, h, W1[l], b1[l].reshape(1, D), W2[l],
                 b2[l].reshape(1, D), scale, last=(l == NLAYER - 1))
    return _pool(batch3d, h)

# --- scband reference (transcript-rebuilt; emitter-appended) ---
"""Pipeline reference for scband-krgts-27084063768652 (READ-ONLY COPY).

The authoritative reference and input builder live on the scoring server;
editing this copy changes nothing except your own understanding.
"""

import jax, jax.numpy as jnp
import numpy as np

N = 10000   # nodes
E = 320000  # edges
D = 128     # emb_dim
DE = 16     # edge attr dim
L = 3       # mol_num_layer
G = 512     # graphs in batch


def setup_inputs(seed: int = 0) -> dict:
    key = jax.random.key(seed)
    ks = jax.random.split(key, 12)
    x = jax.random.normal(ks[0], (N, D), dtype=jnp.float32)
    edge_index = jax.random.randint(ks[1], (2, E), 0, N, dtype=jnp.int64)
    edge_attr = jax.random.normal(ks[2], (E, DE), dtype=jnp.float32)
    batch = jnp.sort(jax.random.randint(ks[3], (N,), 0, G, dtype=jnp.int64))
    # learned parameters of the GIN molecule encoder (per-layer edge embedding + 2-layer MLP)
    W_edge = jax.random.normal(ks[4], (L, DE, D), dtype=jnp.float32) * 0.05
    W1 = jax.random.normal(ks[5], (L, D, D), dtype=jnp.float32) * 0.05
    b1 = jnp.zeros((L, D), dtype=jnp.float32)
    W2 = jax.random.normal(ks[6], (L, D, D), dtype=jnp.float32) * 0.05
    b2 = jnp.zeros((L, D), dtype=jnp.float32)
    eps = jnp.zeros((L,), dtype=jnp.float32)
    return {"x": x, "edge_index": edge_index, "edge_attr": edge_attr, "batch": batch,
            "W_edge": W_edge, "W1": W1, "b1": b1, "W2": W2, "b2": b2, "eps": eps}


def reference(x, edge_index, edge_attr, batch, W_edge, W1, b1, W2, b2, eps):
    # Faithful jax translation of KRGTS.encode_mol: a GIN-style GNN_Encoder with
    # edge-attribute embeddings, JK='last', and mean graph pooling.
    src = edge_index[0]
    dst = edge_index[1]
    h = x
    for l in range(L):
        e_emb = edge_attr @ W_edge[l]                      # [E, D] edge embedding
        msg = jax.nn.relu(h[src] + e_emb)                  # gather + message
        agg = jax.ops.segment_sum(msg, dst, num_segments=N)  # scatter-add aggregation
        h_new = agg + (1.0 + eps[l]) * h                   # GIN self-loop term
        h_new = jax.nn.relu(h_new @ W1[l] + b1[l])         # GIN MLP
        h_new = h_new @ W2[l] + b2[l]
        if l < L - 1:
            h_new = jax.nn.relu(h_new)
        h = h_new
    # global mean pooling per molecule graph
    sums = jax.ops.segment_sum(h, batch, num_segments=G)
    counts = jax.ops.segment_sum(jnp.ones((N, 1), dtype=h.dtype), batch, num_segments=G)
    graph_emb = sums / jnp.clip(counts, 1.0, None)
    return graph_emb

if __name__ == "__main__":
    import jax
    _d = setup_inputs()
    print(jax.jit(kernel)(*tuple(_d.values())))

</pallas_src>

<mosaic_0001>
#map = affine_map<(d0, d1) -> (0, 0)>
#map1 = affine_map<(d0, d1) -> (0)>
#map2 = affine_map<(d0, d1) -> (0, 0, 0)>
module attributes {stable_mosaic.version = 14 : i64} {
  func.func @sc_msg(%arg0: i32, %arg1: i32, %arg2: memref<10000x128xf32, #tpu.memory_space<hbm>>, %arg3: memref<328704x128xf32, #tpu.memory_space<hbm>>, %arg4: memref<328704xi32, #tpu.memory_space<hbm>>, %arg5: memref<328704xi32, #tpu.memory_space<hbm>>, %arg6: memref<10000x128xf32, #tpu.memory_space<hbm>>, %arg7: memref<2x10000x128xf32, #tpu.memory_space<hbm>>, %arg8: memref<10000x128xf32, #tpu.memory_space<vmem_shared>>, %arg9: memref<2x96xi32, #tpu.memory_space<vmem>>, %arg10: memref<2x96xi32, #tpu.memory_space<vmem>>, %arg11: memref<2x96x128xf32, #tpu.memory_space<vmem>>, %arg12: memref<2x96x128xf32, #tpu.memory_space<vmem>>, %arg13: memref<2x!tpu.dma_semaphore, #tpu.memory_space<semaphore_mem>>, %arg14: memref<2x!tpu.dma_semaphore, #tpu.memory_space<semaphore_mem>>) attributes {dimension_semantics = [#tpu.dimension_semantics<core_parallel>, #tpu.dimension_semantics<subcore_parallel>], iteration_bounds = array<i64: 2, 16>, scalar_prefetch = 0 : i64, scratch_operands = 7 : i64, tpu.core_type = #tpu.core_type<sc_vector_subcore>, window_params = [{transform_indices = #map}, {transform_indices = #map}, {transform_indices = #map1}, {transform_indices = #map1}, {transform_indices = #map}, {transform_indices = #map2}]} {
    %mul3A = arith.constant 2 : i32
    %mul3A_0 = arith.muli %arg1, %mul3A : i32
    %add3A = arith.addi %mul3A_0, %arg0 : i32
    %mul3A_1 = arith.constant 107 : i32
    %mul3A_2 = arith.muli %add3A, %mul3A_1 : i32
    %mul3A_3 = arith.constant 624 : i32
    %mul3A_4 = arith.muli %arg1, %mul3A_3 : i32
    "tpu.region"() ({
      %run_scoped3A_102 = tpu.sem_alloc : memref<!tpu.dma_semaphore, #tpu.memory_space<semaphore_mem>>
      %dma_start3A_103 = arith.constant 0 : i32
      %dma_start3A_104 = tpu.memref_slice %arg8[%mul3A_4, %dma_start3A_103] : memref<10000x128xf32, #tpu.memory_space<vmem_shared>> -> memref<624x128xf32, #tpu.memory_space<vmem_shared>>
      %dma_start3A_105 = arith.constant 0 : i32
      %dma_start3A_106 = tpu.memref_slice %arg6[%mul3A_4, %dma_start3A_105] : memref<10000x128xf32, #tpu.memory_space<hbm>> -> memref<624x128xf32, #tpu.memory_space<hbm>>
      tpu.enqueue_dma source(%dma_start3A_106 : memref<624x128xf32, #tpu.memory_space<hbm>>) target(%dma_start3A_104 : memref<624x128xf32, #tpu.memory_space<vmem_shared>>) target_semaphore(%run_scoped3A_102 : memref<!tpu.dma_semaphore, #tpu.memory_space<semaphore_mem>>)
      %dma_wait3A_107 = arith.constant 0 : i32
      %dma_wait3A_108 = tpu.memref_slice %arg8[%mul3A_4, %dma_wait3A_107] : memref<10000x128xf32, #tpu.memory_space<vmem_shared>> -> memref<624x128xf32, #tpu.memory_space<vmem_shared>>
      %dma_wait3A_109 = arith.constant 0 : i32
      %dma_wait3A_110 = tpu.memref_slice %arg6[%mul3A_4, %dma_wait3A_109] : memref<10000x128xf32, #tpu.memory_space<hbm>> -> memref<624x128xf32, #tpu.memory_space<hbm>>
      tpu.wait_dma2 semaphore(%run_scoped3A_102 : memref<!tpu.dma_semaphore, #tpu.memory_space<semaphore_mem>>) src(%dma_wait3A_110 : memref<624x128xf32, #tpu.memory_space<hbm>>) dst(%dma_wait3A_108 : memref<624x128xf32, #tpu.memory_space<vmem_shared>>)
      tpu.yield
    }) : () -> ()
    %eq3A = arith.constant 15 : i32
    %eq3A_5 = arith.cmpi eq, %arg1, %eq3A : i32
    %convert_element_type3A = arith.extui %eq3A_5 : i1 to i32
    %cond3A = arith.constant 0 : i32
    %cond3A_6 = arith.cmpi ne, %convert_element_type3A, %cond3A : i32
    scf.if %cond3A_6 {
      "tpu.region"() ({
        %run_scoped3A_102 = tpu.sem_alloc : memref<!tpu.dma_semaphore, #tpu.memory_space<semaphore_mem>>
        %dma_start3A_103 = arith.constant 9984 : i32
        %dma_start3A_104 = arith.constant 0 : i32
        %dma_start3A_105 = tpu.memref_slice %arg8[%dma_start3A_103, %dma_start3A_104] : memref<10000x128xf32, #tpu.memory_space<vmem_shared>> -> memref<16x128xf32, #tpu.memory_space<vmem_shared>>
        %dma_start3A_106 = arith.constant 9984 : i32
        %dma_start3A_107 = arith.constant 0 : i32
        %dma_start3A_108 = tpu.memref_slice %arg6[%dma_start3A_106, %dma_start3A_107] : memref<10000x128xf32, #tpu.memory_space<hbm>> -> memref<16x128xf32, #tpu.memory_space<hbm>>
        tpu.enqueue_dma source(%dma_start3A_108 : memref<16x128xf32, #tpu.memory_space<hbm>>) target(%dma_start3A_105 : memref<16x128xf32, #tpu.memory_space<vmem_shared>>) target_semaphore(%run_scoped3A_102 : memref<!tpu.dma_semaphore, #tpu.memory_space<semaphore_mem>>)
        %dma_wait3A_109 = arith.constant 9984 : i32
        %dma_wait3A_110 = arith.constant 0 : i32
        %dma_wait3A_111 = tpu.memref_slice %arg8[%dma_wait3A_109, %dma_wait3A_110] : memref<10000x128xf32, #tpu.memory_space<vmem_shared>> -> memref<16x128xf32, #tpu.memory_space<vmem_shared>>
        %dma_wait3A_112 = arith.constant 9984 : i32
        %dma_wait3A_113 = arith.constant 0 : i32
        %dma_wait3A_114 = tpu.memref_slice %arg6[%dma_wait3A_112, %dma_wait3A_113] : memref<10000x128xf32, #tpu.memory_space<hbm>> -> memref<16x128xf32, #tpu.memory_space<hbm>>
        tpu.wait_dma2 semaphore(%run_scoped3A_102 : memref<!tpu.dma_semaphore, #tpu.memory_space<semaphore_mem>>) src(%dma_wait3A_114 : memref<16x128xf32, #tpu.memory_space<hbm>>) dst(%dma_wait3A_111 : memref<16x128xf32, #tpu.memory_space<vmem_shared>>)
        tpu.yield
      }) : () -> ()
    } else {
    }
    %barrier3A = arith.constant 0 : index
    tpu.barrier barrier_id(%barrier3A)
    %add3A_7 = arith.constant 0 : i32
    %add3A_8 = arith.addi %mul3A_2, %add3A_7 : i32
    %mul3A_9 = arith.constant 96 : i32
    %mul3A_10 = arith.muli %add3A_8, %mul3A_9 : i32
    %run_scoped3A = arith.constant 0 : i32
    "tpu.region"() ({
      %run_scoped3A_102 = tpu.sem_alloc : memref<!tpu.dma_semaphore, #tpu.memory_space<semaphore_mem>>
      %dma_start3A_103 = arith.constant 0 : i32
      %dma_start3A_104 = tpu.memref_slice %arg9[%run_scoped3A, %dma_start3A_103] : memref<2x96xi32, #tpu.memory_space<vmem>> -> memref<1x96xi32, #tpu.memory_space<vmem>>
      %dma_start3A_105 = tpu.memref_squeeze %dma_start3A_104 : memref<1x96xi32, #tpu.memory_space<vmem>> -> memref<96xi32, #tpu.memory_space<vmem>>
      %dma_start3A_106 = tpu.memref_slice %arg4[%mul3A_10] : memref<328704xi32, #tpu.memory_space<hbm>> -> memref<96xi32, #tpu.memory_space<hbm>>
      %dma_start3A_107 = arith.constant 0 : i32
      %dma_start3A_108 = tpu.memref_slice %arg9[%run_scoped3A, %dma_start3A_107] : memref<2x96xi32, #tpu.memory_space<vmem>> -> memref<1x96xi32, #tpu.memory_space<vmem>>
      %dma_start3A_109 = tpu.memref_squeeze %dma_start3A_108 : memref<1x96xi32, #tpu.memory_space<vmem>> -> memref<96xi32, #tpu.memory_space<vmem>>
      %dma_start3A_110 = tpu.memref_slice %arg4[%mul3A_10] : memref<328704xi32, #tpu.memory_space<hbm>> -> memref<96xi32, #tpu.memory_space<hbm>>
      tpu.enqueue_dma source(%dma_start3A_110 : memref<96xi32, #tpu.memory_space<hbm>>) target(%dma_start3A_109 : memref<96xi32, #tpu.memory_space<vmem>>) target_semaphore(%run_scoped3A_102 : memref<!tpu.dma_semaphore, #tpu.memory_space<semaphore_mem>>)
      %dma_wait3A_111 = arith.constant 0 : i32
      %dma_wait3A_112 = tpu.memref_slice %arg9[%run_scoped3A, %dma_wait3A_111] : memref<2x96xi32, #tpu.memory_space<vmem>> -> memref<1x96xi32, #tpu.memory_space<vmem>>
      %dma_wait3A_113 = tpu.memref_squeeze %dma_wait3A_112 : memref<1x96xi32, #tpu.memory_space<vmem>> -> memref<96xi32, #tpu.memory_space<vmem>>
      %dma_wait3A_114 = tpu.memref_slice %arg4[%mul3A_10] : memref<328704xi32, #tpu.memory_space<hbm>> -> memref<96xi32, #tpu.memory_space<hbm>>
      %dma_wait3A_115 = arith.constant 0 : i32
      %dma_wait3A_116 = tpu.memref_slice %arg9[%run_scoped3A, %dma_wait3A_115] : memref<2x96xi32, #tpu.memory_space<vmem>> -> memref<1x96xi32, #tpu.memory_space<vmem>>
      %dma_wait3A_117 = tpu.memref_squeeze %dma_wait3A_116 : memref<1x96xi32, #tpu.memory_space<vmem>> -> memref<96xi32, #tpu.memory_space<vmem>>
      %dma_wait3A_118 = tpu.memref_slice %arg4[%mul3A_10] : memref<328704xi32, #tpu.memory_space<hbm>> -> memref<96xi32, #tpu.memory_space<hbm>>
      tpu.wait_dma2 semaphore(%run_scoped3A_102 : memref<!tpu.dma_semaphore, #tpu.memory_space<semaphore_mem>>) src(%dma_wait3A_118 : memref<96xi32, #tpu.memory_space<hbm>>) dst(%dma_wait3A_117 : memref<96xi32, #tpu.memory_space<vmem>>)
      tpu.yield
    }) : () -> ()
    %dma_start3A = arith.constant 0 : i32
    %dma_start3A_11 = arith.constant 0 : i32
    %dma_start3A_12 = arith.constant 0 : i32
    %dma_start3A_13 = arith.constant 0 : i32
    %dma_start3A_14 = arith.constant 0 : i32
    %dma_start3A_15 = tpu.memref_slice %arg11[%dma_start3A_11, %dma_start3A_13, %dma_start3A_14] : memref<2x96x128xf32, #tpu.memory_space<vmem>> -> memref<1x96x128xf32, #tpu.memory_space<vmem>>
    %dma_start3A_16 = tpu.memref_squeeze %dma_start3A_15 : memref<1x96x128xf32, #tpu.memory_space<vmem>> -> memref<96x128xf32, #tpu.memory_space<vmem>>
    %dma_start3A_17 = arith.constant 0 : i32
    %dma_start3A_18 = tpu.memref_slice %arg9[%dma_start3A, %dma_start3A_17] : memref<2x96xi32, #tpu.memory_space<vmem>> -> memref<1x96xi32, #tpu.memory_space<vmem>>
    %dma_start3A_19 = tpu.memref_squeeze %dma_start3A_18 : memref<1x96xi32, #tpu.memory_space<vmem>> -> memref<96xi32, #tpu.memory_space<vmem>>
    %dma_start3A_20 = arith.constant 0 : i32
    %dma_start3A_21 = arith.constant 0 : i32
    %dma_start3A_22 = tpu.memref_slice %arg2[%dma_start3A_20, %dma_start3A_21] : memref<10000x128xf32, #tpu.memory_space<hbm>> -> memref<10000x128xf32, #tpu.memory_space<hbm>>
    %dma_start3A_23 = tpu.memref_slice %arg13[%dma_start3A_12] : memref<2x!tpu.dma_semaphore, #tpu.memory_space<semaphore_mem>> -> memref<1x!tpu.dma_semaphore, #tpu.memory_space<semaphore_mem>>
    %dma_start3A_24 = tpu.memref_squeeze %dma_start3A_23 : memref<1x!tpu.dma_semaphore, #tpu.memory_space<semaphore_mem>> -> memref<!tpu.dma_semaphore, #tpu.memory_space<semaphore_mem>>
    tpu.enqueue_indirect_dma source(%dma_start3A_22 : memref<10000x128xf32, #tpu.memory_space<hbm>>) target(%dma_start3A_16 : memref<96x128xf32, #tpu.memory_space<vmem>>) offsets(%dma_start3A_19 : memref<96xi32, #tpu.memory_space<vmem>>) semaphore(%dma_start3A_24 : memref<!tpu.dma_semaphore, #tpu.memory_space<semaphore_mem>>)
    %add3A_25 = arith.constant 0 : i32
    %add3A_26 = arith.addi %mul3A_2, %add3A_25 : i32
    %mul3A_27 = arith.constant 96 : i32
    %mul3A_28 = arith.muli %add3A_26, %mul3A_27 : i32
    %dma_start3A_29 = arith.constant 0 : i32
    %dma_start3A_30 = arith.constant 0 : i32
    %dma_start3A_31 = arith.constant 0 : i32
    %dma_start3A_32 = arith.constant 0 : i32
    %dma_start3A_33 = tpu.memref_slice %arg12[%dma_start3A_29, %dma_start3A_31, %dma_start3A_32] : memref<2x96x128xf32, #tpu.memory_space<vmem>> -> memref<1x96x128xf32, #tpu.memory_space<vmem>>
    %dma_start3A_34 = tpu.memref_squeeze %dma_start3A_33 : memref<1x96x128xf32, #tpu.memory_space<vmem>> -> memref<96x128xf32, #tpu.memory_space<vmem>>
    %dma_start3A_35 = arith.constant 0 : i32
    %dma_start3A_36 = tpu.memref_slice %arg3[%mul3A_28, %dma_start3A_35] : memref<328704x128xf32, #tpu.memory_space<hbm>> -> memref<96x128xf32, #tpu.memory_space<hbm>>
    %dma_start3A_37 = tpu.memref_slice %arg14[%dma_start3A_30] : memref<2x!tpu.dma_semaphore, #tpu.memory_space<semaphore_mem>> -> memref<1x!tpu.dma_semaphore, #tpu.memory_space<semaphore_mem>>
    %dma_start3A_38 = tpu.memref_squeeze %dma_start3A_37 : memref<1x!tpu.dma_semaphore, #tpu.memory_space<semaphore_mem>> -> memref<!tpu.dma_semaphore, #tpu.memory_space<semaphore_mem>>
    %dma_start3A_39 = arith.constant 0 : i32
    %dma_start3A_40 = arith.constant 0 : i32
    %dma_start3A_41 = tpu.memref_slice %arg12[%dma_start3A_29, %dma_start3A_39, %dma_start3A_40] : memref<2x96x128xf32, #tpu.memory_space<vmem>> -> memref<1x96x128xf32, #tpu.memory_space<vmem>>
    %dma_start3A_42 = tpu.memref_squeeze %dma_start3A_41 : memref<1x96x128xf32, #tpu.memory_space<vmem>> -> memref<96x128xf32, #tpu.memory_space<vmem>>
    %dma_start3A_43 = arith.constant 0 : i32
    %dma_start3A_44 = tpu.memref_slice %arg3[%mul3A_28, %dma_start3A_43] : memref<328704x128xf32, #tpu.memory_space<hbm>> -> memref<96x128xf32, #tpu.memory_space<hbm>>
    tpu.enqueue_dma source(%dma_start3A_44 : memref<96x128xf32, #tpu.memory_space<hbm>>) target(%dma_start3A_42 : memref<96x128xf32, #tpu.memory_space<vmem>>) target_semaphore(%dma_start3A_38 : memref<!tpu.dma_semaphore, #tpu.memory_space<semaphore_mem>>)
    %scan3A = arith.constant 0 : i32
    %scan3A_45 = arith.constant 53 : i32
    %scan3A_46 = arith.addi %scan3A, %scan3A_45 : i32
    %scan3A_47 = arith.constant 1 : i32
    scf.for %scan3A_102 = %scan3A to %scan3A_46 step %scan3A_47  : i32 {
      %mul3A_103 = arith.constant 2 : i32
      %mul3A_104 = arith.muli %scan3A_102, %mul3A_103 : i32
      %add3A_105 = arith.constant 0 : i32
      %add3A_106 = arith.addi %add3A_105, %mul3A_104 : i32
      %add3A_107 = arith.constant 0 : i32
      %add3A_108 = arith.addi %add3A_106, %add3A_107 : i32
      %lt3A = arith.constant 106 : i32
      %lt3A_109 = arith.cmpi slt, %add3A_108, %lt3A : i32
      %convert_element_type3A_110 = arith.extui %lt3A_109 : i1 to i32
      %cond3A_111 = arith.constant 0 : i32
      %cond3A_112 = arith.cmpi ne, %convert_element_type3A_110, %cond3A_111 : i32
      scf.if %cond3A_112 {
        %add3A_212 = arith.constant 1 : i32
        %add3A_213 = arith.addi %add3A_108, %add3A_212 : i32
        %add3A_214 = arith.addi %mul3A_2, %add3A_213 : i32
        %mul3A_215 = arith.constant 96 : i32
        %mul3A_216 = arith.muli %add3A_214, %mul3A_215 : i32
        %run_scoped3A_217 = arith.constant 1 : i32
        "tpu.region"() ({
          %run_scoped3A_252 = tpu.sem_alloc : memref<!tpu.dma_semaphore, #tpu.memory_space<semaphore_mem>>
          %dma_start3A_253 = arith.constant 0 : i32
          %dma_start3A_254 = tpu.memref_slice %arg9[%run_scoped3A_217, %dma_start3A_253] : memref<2x96xi32, #tpu.memory_space<vmem>> -> memref<1x96xi32, #tpu.memory_space<vmem>>
          %dma_start3A_255 = tpu.memref_squeeze %dma_start3A_254 : memref<1x96xi32, #tpu.memory_space<vmem>> -> memref<96xi32, #tpu.memory_space<vmem>>
          %dma_start3A_256 = tpu.memref_slice %arg4[%mul3A_216] : memref<328704xi32, #tpu.memory_space<hbm>> -> memref<96xi32, #tpu.memory_space<hbm>>
          %dma_start3A_257 = arith.constant 0 : i32
          %dma_start3A_258 = tpu.memref_slice %arg9[%run_scoped3A_217, %dma_start3A_257] : memref<2x96xi32, #tpu.memory_space<vmem>> -> memref<1x96xi32, #tpu.memory_space<vmem>>
          %dma_start3A_259 = tpu.memref_squeeze %dma_start3A_258 : memref<1x96xi32, #tpu.memory_space<vmem>> -> memref<96xi32, #tpu.memory_space<vmem>>
          %dma_start3A_260 = tpu.memref_slice %arg4[%mul3A_216] : memref<328704xi32, #tpu.memory_space<hbm>> -> memref<96xi32, #tpu.memory_space<hbm>>
          tpu.enqueue_dma source(%dma_start3A_260 : memref<96xi32, #tpu.memory_space<hbm>>) target(%dma_start3A_259 : memref<96xi32, #tpu.memory_space<vmem>>) target_semaphore(%run_scoped3A_252 : memref<!tpu.dma_semaphore, #tpu.memory_space<semaphore_mem>>)
          %dma_wait3A_261 = arith.constant 0 : i32
          %dma_wait3A_262 = tpu.memref_slice %arg9[%run_scoped3A_217, %dma_wait3A_261] : memref<2x96xi32, #tpu.memory_space<vmem>> -> memref<1x96xi32, #tpu.memory_space<vmem>>
          %dma_wait3A_263 = tpu.memref_squeeze %dma_wait3A_262 : memref<1x96xi32, #tpu.memory_space<vmem>> -> memref<96xi32, #tpu.memory_space<vmem>>
          %dma_wait3A_264 = tpu.memref_slice %arg4[%mul3A_216] : memref<328704xi32, #tpu.memory_space<hbm>> -> memref<96xi32, #tpu.memory_space<hbm>>
          %dma_wait3A_265 = arith.constant 0 : i32
          %dma_wait3A_266 = tpu.memref_slice %arg9[%run_scoped3A_217, %dma_wait3A_265] : memref<2x96xi32, #tpu.memory_space<vmem>> -> memref<1x96xi32, #tpu.memory_space<vmem>>
          %dma_wait3A_267 = tpu.memref_squeeze %dma_wait3A_266 : memref<1x96xi32, #tpu.memory_space<vmem>> -> memref<96xi32, #tpu.memory_space<vmem>>
          %dma_wait3A_268 = tpu.memref_slice %arg4[%mul3A_216] : memref<328704xi32, #tpu.memory_space<hbm>> -> memref<96xi32, #tpu.memory_space<hbm>>
          tpu.wait_dma2 semaphore(%run_scoped3A_252 : memref<!tpu.dma_semaphore, #tpu.memory_space<semaphore_mem>>) src(%dma_wait3A_268 : memref<96xi32, #tpu.memory_space<hbm>>) dst(%dma_wait3A_267 : memref<96xi32, #tpu.memory_space<vmem>>)
          tpu.yield
        }) : () -> ()
        %dma_start3A_218 = arith.constant 1 : i32
        %dma_start3A_219 = arith.constant 1 : i32
        %dma_start3A_220 = arith.constant 1 : i32
        %dma_start3A_221 = arith.constant 0 : i32
        %dma_start3A_222 = arith.constant 0 : i32
        %dma_start3A_223 = tpu.memref_slice %arg11[%dma_start3A_219, %dma_start3A_221, %dma_start3A_222] : memref<2x96x128xf32, #tpu.memory_space<vmem>> -> memref<1x96x128xf32, #tpu.memory_space<vmem>>
        %dma_start3A_224 = tpu.memref_squeeze %dma_start3A_223 : memref<1x96x128xf32, #tpu.memory_space<vmem>> -> memref<96x128xf32, #tpu.memory_space<vmem>>
        %dma_start3A_225 = arith.constant 0 : i32
        %dma_start3A_226 = tpu.memref_slice %arg9[%dma_start3A_218, %dma_start3A_225] : memref<2x96xi32, #tpu.memory_space<vmem>> -> memref<1x96xi32, #tpu.memory_space<vmem>>
        %dma_start3A_227 = tpu.memref_squeeze %dma_start3A_226 : memref<1x96xi32, #tpu.memory_space<vmem>> -> memref<96xi32, #tpu.memory_space<vmem>>
        %dma_start3A_228 = arith.constant 0 : i32
        %dma_start3A_229 = arith.constant 0 : i32
        %dma_start3A_230 = tpu.memref_slice %arg2[%dma_start3A_228, %dma_start3A_229] : memref<10000x128xf32, #tpu.memory_space<hbm>> -> memref<10000x128xf32, #tpu.memory_space<hbm>>
        %dma_start3A_231 = tpu.memref_slice %arg13[%dma_start3A_220] : memref<2x!tpu.dma_semaphore, #tpu.memory_space<semaphore_mem>> -> memref<1x!tpu.dma_semaphore, #tpu.memory_space<semaphore_mem>>
        %dma_start3A_232 = tpu.memref_squeeze %dma_start3A_231 : memref<1x!tpu.dma_semaphore, #tpu.memory_space<semaphore_mem>> -> memref<!tpu.dma_semaphore, #tpu.memory_space<semaphore_mem>>
        tpu.enqueue_indirect_dma source(%dma_start3A_230 : memref<10000x128xf32, #tpu.memory_space<hbm>>) target(%dma_start3A_224 : memref<96x128xf32, #tpu.memory_space<vmem>>) offsets(%dma_start3A_227 : memref<96xi32, #tpu.memory_space<vmem>>) semaphore(%dma_start3A_232 : memref<!tpu.dma_semaphore, #tpu.memory_space<semaphore_mem>>)
        %add3A_233 = arith.addi %mul3A_2, %add3A_213 : i32
        %mul3A_234 = arith.constant 96 : i32
        %mul3A_235 = arith.muli %add3A_233, %mul3A_234 : i32
        %dma_start3A_236 = arith.constant 1 : i32
        %dma_start3A_237 = arith.constant 1 : i32
        %dma_start3A_238 = arith.constant 0 : i32
        %dma_start3A_239 = arith.constant 0 : i32
        %dma_start3A_240 = tpu.memref_slice %arg12[%dma_start3A_236, %dma_start3A_238, %dma_start3A_239] : memref<2x96x128xf32, #tpu.memory_space<vmem>> -> memref<1x96x128xf32, #tpu.memory_space<vmem>>
        %dma_start3A_241 = tpu.memref_squeeze %dma_start3A_240 : memref<1x96x128xf32, #tpu.memory_space<vmem>> -> memref<96x128xf32, #tpu.memory_space<vmem>>
        %dma_start3A_242 = arith.constant 0 : i32
        %dma_start3A_243 = tpu.memref_slice %arg3[%mul3A_235, %dma_start3A_242] : memref<328704x128xf32, #tpu.memory_space<hbm>> -> memref<96x128xf32, #tpu.memory_space<hbm>>
        %dma_start3A_244 = tpu.memref_slice %arg14[%dma_start3A_237] : memref<2x!tpu.dma_semaphore, #tpu.memory_space<semaphore_mem>> -> memref<1x!tpu.dma_semaphore, #tpu.memory_space<semaphore_mem>>
        %dma_start3A_245 = tpu.memref_squeeze %dma_start3A_244 : memref<1x!tpu.dma_semaphore, #tpu.memory_space<semaphore_mem>> -> memref<!tpu.dma_semaphore, #tpu.memory_space<semaphore_mem>>
        %dma_start3A_246 = arith.constant 0 : i32
        %dma_start3A_247 = arith.constant 0 : i32
        %dma_start3A_248 = tpu.memref_slice %arg12[%dma_start3A_236, %dma_start3A_246, %dma_start3A_247] : memref<2x96x128xf32, #tpu.memory_space<vmem>> -> memref<1x96x128xf32, #tpu.memory_space<vmem>>
        %dma_start3A_249 = tpu.memref_squeeze %dma_start3A_248 : memref<1x96x128xf32, #tpu.memory_space<vmem>> -> memref<96x128xf32, #tpu.memory_space<vmem>>
        %dma_start3A_250 = arith.constant 0 : i32
        %dma_start3A_251 = tpu.memref_slice %arg3[%mul3A_235, %dma_start3A_250] : memref<328704x128xf32, #tpu.memory_space<hbm>> -> memref<96x128xf32, #tpu.memory_space<hbm>>
        tpu.enqueue_dma source(%dma_start3A_251 : memref<96x128xf32, #tpu.memory_space<hbm>>) target(%dma_start3A_249 : memref<96x128xf32, #tpu.memory_space<vmem>>) target_semaphore(%dma_start3A_245 : memref<!tpu.dma_semaphore, #tpu.memory_space<semaphore_mem>>)
      } else {
      }
      %dma_wait3A_113 = arith.constant 0 : i32
      %dma_wait3A_114 = arith.constant 0 : i32
      %dma_wait3A_115 = arith.constant 0 : i32
      %dma_wait3A_116 = arith.constant 0 : i32
      %dma_wait3A_117 = arith.constant 0 : i32
      %dma_wait3A_118 = tpu.memref_slice %arg11[%dma_wait3A_114, %dma_wait3A_116, %dma_wait3A_117] : memref<2x96x128xf32, #tpu.memory_space<vmem>> -> memref<1x96x128xf32, #tpu.memory_space<vmem>>
      %dma_wait3A_119 = tpu.memref_squeeze %dma_wait3A_118 : memref<1x96x128xf32, #tpu.memory_space<vmem>> -> memref<96x128xf32, #tpu.memory_space<vmem>>
      %dma_wait3A_120 = arith.constant 0 : i32
      %dma_wait3A_121 = tpu.memref_slice %arg9[%dma_wait3A_113, %dma_wait3A_120] : memref<2x96xi32, #tpu.memory_space<vmem>> -> memref<1x96xi32, #tpu.memory_space<vmem>>
      %dma_wait3A_122 = tpu.memref_squeeze %dma_wait3A_121 : memref<1x96xi32, #tpu.memory_space<vmem>> -> memref<96xi32, #tpu.memory_space<vmem>>
      %dma_wait3A_123 = arith.constant 0 : i32
      %dma_wait3A_124 = arith.constant 0 : i32
      %dma_wait3A_125 = tpu.memref_slice %arg2[%dma_wait3A_123, %dma_wait3A_124] : memref<10000x128xf32, #tpu.memory_space<hbm>> -> memref<10000x128xf32, #tpu.memory_space<hbm>>
      %dma_wait3A_126 = tpu.memref_slice %arg13[%dma_wait3A_115] : memref<2x!tpu.dma_semaphore, #tpu.memory_space<semaphore_mem>> -> memref<1x!tpu.dma_semaphore, #tpu.memory_space<semaphore_mem>>
      %dma_wait3A_127 = tpu.memref_squeeze %dma_wait3A_126 : memref<1x!tpu.dma_semaphore, #tpu.memory_space<semaphore_mem>> -> memref<!tpu.dma_semaphore, #tpu.memory_space<semaphore_mem>>
      tpu.wait_indirect_dma semaphore(%dma_wait3A_127 : memref<!tpu.dma_semaphore, #tpu.memory_space<semaphore_mem>>) src(%dma_wait3A_125 : memref<10000x128xf32, #tpu.memory_space<hbm>>) dst(%dma_wait3A_119 : memref<96x128xf32, #tpu.memory_space<vmem>>)
      %add3A_128 = arith.addi %mul3A_2, %add3A_108 : i32
      %mul3A_129 = arith.constant 96 : i32
      %mul3A_130 = arith.muli %add3A_128, %mul3A_129 : i32
      %dma_wait3A_131 = arith.constant 0 : i32
      %dma_wait3A_132 = arith.constant 0 : i32
      %dma_wait3A_133 = arith.constant 0 : i32
      %dma_wait3A_134 = arith.constant 0 : i32
      %dma_wait3A_135 = tpu.memref_slice %arg12[%dma_wait3A_131, %dma_wait3A_133, %dma_wait3A_134] : memref<2x96x128xf32, #tpu.memory_space<vmem>> -> memref<1x96x128xf32, #tpu.memory_space<vmem>>
      %dma_wait3A_136 = tpu.memref_squeeze %dma_wait3A_135 : memref<1x96x128xf32, #tpu.memory_space<vmem>> -> memref<96x128xf32, #tpu.memory_space<vmem>>
      %dma_wait3A_137 = arith.constant 0 : i32
      %dma_wait3A_138 = tpu.memref_slice %arg3[%mul3A_130, %dma_wait3A_137] : memref<328704x128xf32, #tpu.memory_space<hbm>> -> memref<96x128xf32, #tpu.memory_space<hbm>>
      %dma_wait3A_139 = tpu.memref_slice %arg14[%dma_wait3A_132] : memref<2x!tpu.dma_semaphore, #tpu.memory_space<semaphore_mem>> -> memref<1x!tpu.dma_semaphore, #tpu.memory_space<semaphore_mem>>
      %dma_wait3A_140 = tpu.memref_squeeze %dma_wait3A_139 : memref<1x!tpu.dma_semaphore, #tpu.memory_space<semaphore_mem>> -> memref<!tpu.dma_semaphore, #tpu.memory_space<semaphore_mem>>
      %dma_wait3A_141 = arith.constant 0 : i32
      %dma_wait3A_142 = arith.constant 0 : i32
      %dma_wait3A_143 = tpu.memref_slice %arg12[%dma_wait3A_131, %dma_wait3A_141, %dma_wait3A_142] : memref<2x96x128xf32, #tpu.memory_space<vmem>> -> memref<1x96x128xf32, #tpu.memory_space<vmem>>
      %dma_wait3A_144 = tpu.memref_squeeze %dma_wait3A_143 : memref<1x96x128xf32, #tpu.memory_space<vmem>> -> memref<96x128xf32, #tpu.memory_space<vmem>>
      %dma_wait3A_145 = arith.constant 0 : i32
      %dma_wait3A_146 = tpu.memref_slice %arg3[%mul3A_130, %dma_wait3A_145] : memref<328704x128xf32, #tpu.memory_space<hbm>> -> memref<96x128xf32, #tpu.memory_space<hbm>>
      tpu.wait_dma2 semaphore(%dma_wait3A_140 : memref<!tpu.dma_semaphore, #tpu.memory_space<semaphore_mem>>) src(%dma_wait3A_146 : memref<96x128xf32, #tpu.memory_space<hbm>>) dst(%dma_wait3A_144 : memref<96x128xf32, #tpu.memory_space<vmem>>)
      %scan3A_147 = arith.constant 0 : i32
      %scan3A_148 = arith.constant 0 : i32
      %scan3A_149 = arith.constant 96 : i32
      %scan3A_150 = arith.addi %scan3A_148, %scan3A_149 : i32
      %scan3A_151 = arith.constant 1 : i32
      scf.for %scan3A_212 = %scan3A_148 to %scan3A_150 step %scan3A_151  : i32 {
        %get3A = arith.constant 0 : i32
        %get3A_213 = arith.index_cast %get3A : i32 to index
        %get3A_214 = arith.index_cast %scan3A_212 : i32 to index
        %get3A_215 = arith.constant 0 : index
        %get3A_216 = tpu.vector_load %arg11[%get3A_213, %get3A_214, %get3A_215] {strides = array<i32>} : memref<2x96x128xf32, #tpu.memory_space<vmem>>, vector<1x1x16xf32>,
        %get3A_217 = vector.shape_cast %get3A_216 : vector<1x1x16xf32> to vector<16xf32>
        %get3A_218 = arith.constant 0 : i32
        %get3A_219 = arith.index_cast %get3A_218 : i32 to index
        %get3A_220 = arith.index_cast %scan3A_212 : i32 to index
        %get3A_221 = arith.constant 0 : index
        %get3A_222 = tpu.vector_load %arg12[%get3A_219, %get3A_220, %get3A_221] {strides = array<i32>} : memref<2x96x128xf32, #tpu.memory_space<vmem>>, vector<1x1x16xf32>,
        %get3A_223 = vector.shape_cast %get3A_222 : vector<1x1x16xf32> to vector<16xf32>
        %add3A_224 = arith.addf %get3A_217, %get3A_223 : vector<16xf32>
        %max3A = arith.constant 0.000000e+00 : f32
        %max3A_225 = vector.broadcast %max3A : f32 to vector<16xf32>
        %max3A_226 = arith.maximumf %add3A_224, %max3A_225 : vector<16xf32>
        %swap3A = arith.constant 0 : i32
        %swap3A_227 = arith.index_cast %swap3A : i32 to index
        %swap3A_228 = arith.index_cast %scan3A_212 : i32 to index
        %swap3A_229 = arith.constant 0 : index
        %swap3A_230 = tpu.vector_load %arg11[%swap3A_227, %swap3A_228, %swap3A_229] {strides = array<i32>} : memref<2x96x128xf32, #tpu.memory_space<vmem>>, vector<1x1x16xf32>,
        %swap3A_231 = vector.shape_cast %swap3A_230 : vector<1x1x16xf32> to vector<16xf32>
        %swap3A_232 = vector.shape_cast %max3A_226 : vector<16xf32> to vector<1x1x16xf32>
        tpu.vector_store %arg11[%swap3A_227, %swap3A_228, %swap3A_229], %swap3A_232 {strides = array<i32>} : memref<2x96x128xf32, #tpu.memory_space<vmem>>, vector<1x1x16xf32>,
        %get3A_233 = arith.constant 0 : i32
        %get3A_234 = arith.index_cast %get3A_233 : i32 to index
        %get3A_235 = arith.index_cast %scan3A_212 : i32 to index
        %get3A_236 = arith.constant 16 : index
        %get3A_237 = tpu.vector_load %arg11[%get3A_234, %get3A_235, %get3A_236] {strides = array<i32>} : memref<2x96x128xf32, #tpu.memory_space<vmem>>, vector<1x1x16xf32>,
        %get3A_238 = vector.shape_cast %get3A_237 : vector<1x1x16xf32> to vector<16xf32>
        %get3A_239 = arith.constant 0 : i32
        %get3A_240 = arith.index_cast %get3A_239 : i32 to index
        %get3A_241 = arith.index_cast %scan3A_212 : i32 to index
        %get3A_242 = arith.constant 16 : index
        %get3A_243 = tpu.vector_load %arg12[%get3A_240, %get3A_241, %get3A_242] {strides = array<i32>} : memref<2x96x128xf32, #tpu.memory_space<vmem>>, vector<1x1x16xf32>,
        %get3A_244 = vector.shape_cast %get3A_243 : vector<1x1x16xf32> to vector<16xf32>
        %add3A_245 = arith.addf %get3A_238, %get3A_244 : vector<16xf32>
        %max3A_246 = arith.constant 0.000000e+00 : f32
        %max3A_247 = vector.broadcast %max3A_246 : f32 to vector<16xf32>
        %max3A_248 = arith.maximumf %add3A_245, %max3A_247 : vector<16xf32>
        %swap3A_249 = arith.constant 0 : i32
        %swap3A_250 = arith.index_cast %swap3A_249 : i32 to index
        %swap3A_251 = arith.index_cast %scan3A_212 : i32 to index
        %swap3A_252 = arith.constant 16 : index
        %swap3A_253 = tpu.vector_load %arg11[%swap3A_250, %swap3A_251, %swap3A_252] {strides = array<i32>} : memref<2x96x128xf32, #tpu.memory_space<vmem>>, vector<1x1x16xf32>,
        %swap3A_254 = vector.shape_cast %swap3A_253 : vector<1x1x16xf32> to vector<16xf32>
        %swap3A_255 = vector.shape_cast %max3A_248 : vector<16xf32> to vector<1x1x16xf32>
        tpu.vector_store %arg11[%swap3A_250, %swap3A_251, %swap3A_252], %swap3A_255 {strides = array<i32>} : memref<2x96x128xf32, #tpu.memory_space<vmem>>, vector<1x1x16xf32>,
        %get3A_256 = arith.constant 0 : i32
        %get3A_257 = arith.index_cast %get3A_256 : i32 to index
        %get3A_258 = arith.index_cast %scan3A_212 : i32 to index
        %get3A_259 = arith.constant 32 : index
        %get3A_260 = tpu.vector_load %arg11[%get3A_257, %get3A_258, %get3A_259] {strides = array<i32>} : memref<2x96x128xf32, #tpu.memory_space<vmem>>, vector<1x1x16xf32>,
        %get3A_261 = vector.shape_cast %get3A_260 : vector<1x1x16xf32> to vector<16xf32>
        %get3A_262 = arith.constant 0 : i32
        %get3A_263 = arith.index_cast %get3A_262 : i32 to index
        %get3A_264 = arith.index_cast %scan3A_212 : i32 to index
        %get3A_265 = arith.constant 32 : index
        %get3A_266 = tpu.vector_load %arg12[%get3A_263, %get3A_264, %get3A_265] {strides = array<i32>} : memref<2x96x128xf32, #tpu.memory_space<vmem>>, vector<1x1x16xf32>,
        %get3A_267 = vector.shape_cast %get3A_266 : vector<1x1x16xf32> to vector<16xf32>
        %add3A_268 = arith.addf %get3A_261, %get3A_267 : vector<16xf32>
        %max3A_269 = arith.constant 0.000000e+00 : f32
        %max3A_270 = vector.broadcast %max3A_269 : f32 to vector<16xf32>
        %max3A_271 = arith.maximumf %add3A_268, %max3A_270 : vector<16xf32>
        %swap3A_272 = arith.constant 0 : i32
        %swap3A_273 = arith.index_cast %swap3A_272 : i32 to index
        %swap3A_274 = arith.index_cast %scan3A_212 : i32 to index
        %swap3A_275 = arith.constant 32 : index
        %swap3A_276 = tpu.vector_load %arg11[%swap3A_273, %swap3A_274, %swap3A_275] {strides = array<i32>} : memref<2x96x128xf32, #tpu.memory_space<vmem>>, vector<1x1x16xf32>,
        %swap3A_277 = vector.shape_cast %swap3A_276 : vector<1x1x16xf32> to vector<16xf32>
        %swap3A_278 = vector.shape_cast %max3A_271 : vector<16xf32> to vector<1x1x16xf32>
        tpu.vector_store %arg11[%swap3A_273, %swap3A_274, %swap3A_275], %swap3A_278 {strides = array<i32>} : memref<2x96x128xf32, #tpu.memory_space<vmem>>, vector<1x1x16xf32>,
        %get3A_279 = arith.constant 0 : i32
        %get3A_280 = arith.index_cast %get3A_279 : i32 to index
        %get3A_281 = arith.index_cast %scan3A_212 : i32 to index
        %get3A_282 = arith.constant 48 : index
        %get3A_283 = tpu.vector_load %arg11[%get3A_280, %get3A_281, %get3A_282] {strides = array<i32>} : memref<2x96x128xf32, #tpu.memory_space<vmem>>, vector<1x1x16xf32>,
        %get3A_284 = vector.shape_cast %get3A_283 : vector<1x1x16xf32> to vector<16xf32>
        %get3A_285 = arith.constant 0 : i32
        %get3A_286 = arith.index_cast %get3A_285 : i32 to index
        %get3A_287 = arith.index_cast %scan3A_212 : i32 to index
        %get3A_288 = arith.constant 48 : index
        %get3A_289 = tpu.vector_load %arg12[%get3A_286, %get3A_287, %get3A_288] {strides = array<i32>} : memref<2x96x128xf32, #tpu.memory_space<vmem>>, vector<1x1x16xf32>,
        %get3A_290 = vector.shape_cast %get3A_289 : vector<1x1x16xf32> to vector<16xf32>
        %add3A_291 = arith.addf %get3A_284, %get3A_290 : vector<16xf32>
        %max3A_292 = arith.constant 0.000000e+00 : f32
        %max3A_293 = vector.broadcast %max3A_292 : f32 to vector<16xf32>
        %max3A_294 = arith.maximumf %add3A_291, %max3A_293 : vector<16xf32>
        %swap3A_295 = arith.constant 0 : i32
        %swap3A_296 = arith.index_cast %swap3A_295 : i32 to index
        %swap3A_297 = arith.index_cast %scan3A_212 : i32 to index
        %swap3A_298 = arith.constant 48 : index
        %swap3A_299 = tpu.vector_load %arg11[%swap3A_296, %swap3A_297, %swap3A_298] {strides = array<i32>} : memref<2x96x128xf32, #tpu.memory_space<vmem>>, vector<1x1x16xf32>,
        %swap3A_300 = vector.shape_cast %swap3A_299 : vector<1x1x16xf32> to vector<16xf32>
        %swap3A_301 = vector.shape_cast %max3A_294 : vector<16xf32> to vector<1x1x16xf32>
        tpu.vector_store %arg11[%swap3A_296, %swap3A_297, %swap3A_298], %swap3A_301 {strides = array<i32>} : memref<2x96x128xf32, #tpu.memory_space<vmem>>, vector<1x1x16xf32>,
        %get3A_302 = arith.constant 0 : i32
        %get3A_303 = arith.index_cast %get3A_302 : i32 to index
        %get3A_304 = arith.index_cast %scan3A_212 : i32 to index
        %get3A_305 = arith.constant 64 : index
        %get3A_306 = tpu.vector_load %arg11[%get3A_303, %get3A_304, %get3A_305] {strides = array<i32>} : memref<2x96x128xf32, #tpu.memory_space<vmem>>, vector<1x1x16xf32>,
        %get3A_307 = vector.shape_cast %get3A_306 : vector<1x1x16xf32> to vector<16xf32>
        %get3A_308 = arith.constant 0 : i32
        %get3A_309 = arith.index_cast %get3A_308 : i32 to index
        %get3A_310 = arith.index_cast %scan3A_212 : i32 to index
        %get3A_311 = arith.constant 64 : index
        %get3A_312 = tpu.vector_load %arg12[%get3A_309, %get3A_310, %get3A_311] {strides = array<i32>} : memref<2x96x128xf32, #tpu.memory_space<vmem>>, vector<1x1x16xf32>,
        %get3A_313 = vector.shape_cast %get3A_312 : vector<1x1x16xf32> to vector<16xf32>
        %add3A_314 = arith.addf %get3A_307, %get3A_313 : vector<16xf32>
        %max3A_315 = arith.constant 0.000000e+00 : f32
        %max3A_316 = vector.broadcast %max3A_315 : f32 to vector<16xf32>
        %max3A_317 = arith.maximumf %add3A_314, %max3A_316 : vector<16xf32>
        %swap3A_318 = arith.constant 0 : i32
        %swap3A_319 = arith.index_cast %swap3A_318 : i32 to index
        %swap3A_320 = arith.index_cast %scan3A_212 : i32 to index
        %swap3A_321 = arith.constant 64 : index
        %swap3A_322 = tpu.vector_load %arg11[%swap3A_319, %swap3A_320, %swap3A_321] {strides = array<i32>} : memref<2x96x128xf32, #tpu.memory_space<vmem>>, vector<1x1x16xf32>,
        %swap3A_323 = vector.shape_cast %swap3A_322 : vector<1x1x16xf32> to vector<16xf32>
        %swap3A_324 = vector.shape_cast %max3A_317 : vector<16xf32> to vector<1x1x16xf32>
        tpu.vector_store %arg11[%swap3A_319, %swap3A_320, %swap3A_321], %swap3A_324 {strides = array<i32>} : memref<2x96x128xf32, #tpu.memory_space<vmem>>, vector<1x1x16xf32>,
        %get3A_325 = arith.constant 0 : i32
        %get3A_326 = arith.index_cast %get3A_325 : i32 to index
        %get3A_327 = arith.index_cast %scan3A_212 : i32 to index
        %get3A_328 = arith.constant 80 : index
        %get3A_329 = tpu.vector_load %arg11[%get3A_326, %get3A_327, %get3A_328] {strides = array<i32>} : memref<2x96x128xf32, #tpu.memory_space<vmem>>, vector<1x1x16xf32>,
        %get3A_330 = vector.shape_cast %get3A_329 : vector<1x1x16xf32> to vector<16xf32>
        %get3A_331 = arith.constant 0 : i32
        %get3A_332 = arith.index_cast %get3A_331 : i32 to index
        %get3A_333 = arith.index_cast %scan3A_212 : i32 to index
        %get3A_334 = arith.constant 80 : index
        %get3A_335 = tpu.vector_load %arg12[%get3A_332, %get3A_333, %get3A_334] {strides = array<i32>} : memref<2x96x128xf32, #tpu.memory_space<vmem>>, vector<1x1x16xf32>,
        %get3A_336 = vector.shape_cast %get3A_335 : vector<1x1x16xf32> to vector<16xf32>
        %add3A_337 = arith.addf %get3A_330, %get3A_336 : vector<16xf32>
        %max3A_338 = arith.constant 0.000000e+00 : f32
        %max3A_339 = vector.broadcast %max3A_338 : f32 to vector<16xf32>
        %max3A_340 = arith.maximumf %add3A_337, %max3A_339 : vector<16xf32>
        %swap3A_341 = arith.constant 0 : i32
        %swap3A_342 = arith.index_cast %swap3A_341 : i32 to index
        %swap3A_343 = arith.index_cast %scan3A_212 : i32 to index
        %swap3A_344 = arith.constant 80 : index
        %swap3A_345 = tpu.vector_load %arg11[%swap3A_342, %swap3A_343, %swap3A_344] {strides = array<i32>} : memref<2x96x128xf32, #tpu.memory_space<vmem>>, vector<1x1x16xf32>,
        %swap3A_346 = vector.shape_cast %swap3A_345 : vector<1x1x16xf32> to vector<16xf32>
        %swap3A_347 = vector.shape_cast %max3A_340 : vector<16xf32> to vector<1x1x16xf32>
        tpu.vector_store %arg11[%swap3A_342, %swap3A_343, %swap3A_344], %swap3A_347 {strides = array<i32>} : memref<2x96x128xf32, #tpu.memory_space<vmem>>, vector<1x1x16xf32>,
        %get3A_348 = arith.constant 0 : i32
        %get3A_349 = arith.index_cast %get3A_348 : i32 to index
        %get3A_350 = arith.index_cast %scan3A_212 : i32 to index
        %get3A_351 = arith.constant 96 : index
        %get3A_352 = tpu.vector_load %arg11[%get3A_349, %get3A_350, %get3A_351] {strides = array<i32>} : memref<2x96x128xf32, #tpu.memory_space<vmem>>, vector<1x1x16xf32>,
        %get3A_353 = vector.shape_cast %get3A_352 : vector<1x1x16xf32> to vector<16xf32>
        %get3A_354 = arith.constant 0 : i32
        %get3A_355 = arith.index_cast %get3A_354 : i32 to index
        %get3A_356 = arith.index_cast %scan3A_212 : i32 to index
        %get3A_357 = arith.constant 96 : index
        %get3A_358 = tpu.vector_load %arg12[%get3A_355, %get3A_356, %get3A_357] {strides = array<i32>} : memref<2x96x128xf32, #tpu.memory_space<vmem>>, vector<1x1x16xf32>,
        %get3A_359 = vector.shape_cast %get3A_358 : vector<1x1x16xf32> to vector<16xf32>
        %add3A_360 = arith.addf %get3A_353, %get3A_359 : vector<16xf32>
        %max3A_361 = arith.constant 0.000000e+00 : f32
        %max3A_362 = vector.broadcast %max3A_361 : f32 to vector<16xf32>
        %max3A_363 = arith.maximumf %add3A_360, %max3A_362 : vector<16xf32>
        %swap3A_364 = arith.constant 0 : i32
        %swap3A_365 = arith.index_cast %swap3A_364 : i32 to index
        %swap3A_366 = arith.index_cast %scan3A_212 : i32 to index
        %swap3A_367 = arith.constant 96 : index
        %swap3A_368 = tpu.vector_load %arg11[%swap3A_365, %swap3A_366, %swap3A_367] {strides = array<i32>} : memref<2x96x128xf32, #tpu.memory_space<vmem>>, vector<1x1x16xf32>,
        %swap3A_369 = vector.shape_cast %swap3A_368 : vector<1x1x16xf32> to vector<16xf32>
        %swap3A_370 = vector.shape_cast %max3A_363 : vector<16xf32> to vector<1x1x16xf32>
        tpu.vector_store %arg11[%swap3A_365, %swap3A_366, %swap3A_367], %swap3A_370 {strides = array<i32>} : memref<2x96x128xf32, #tpu.memory_space<vmem>>, vector<1x1x16xf32>,
        %get3A_371 = arith.constant 0 : i32
        %get3A_372 = arith.index_cast %get3A_371 : i32 to index
        %get3A_373 = arith.index_cast %scan3A_212 : i32 to index
        %get3A_374 = arith.constant 112 : index
        %get3A_375 = tpu.vector_load %arg11[%get3A_372, %get3A_373, %get3A_374] {strides = array<i32>} : memref<2x96x128xf32, #tpu.memory_space<vmem>>, vector<1x1x16xf32>,
        %get3A_376 = vector.shape_cast %get3A_375 : vector<1x1x16xf32> to vector<16xf32>
        %get3A_377 = arith.constant 0 : i32
        %get3A_378 = arith.index_cast %get3A_377 : i32 to index
        %get3A_379 = arith.index_cast %scan3A_212 : i32 to index
        %get3A_380 = arith.constant 112 : index
        %get3A_381 = tpu.vector_load %arg12[%get3A_378, %get3A_379, %get3A_380] {strides = array<i32>} : memref<2x96x128xf32, #tpu.memory_space<vmem>>, vector<1x1x16xf32>,
        %get3A_382 = vector.shape_cast %get3A_381 : vector<1x1x16xf32> to vector<16xf32>
        %add3A_383 = arith.addf %get3A_376, %get3A_382 : vector<16xf32>
        %max3A_384 = arith.constant 0.000000e+00 : f32
        %max3A_385 = vector.broadcast %max3A_384 : f32 to vector<16xf32>
        %max3A_386 = arith.maximumf %add3A_383, %max3A_385 : vector<16xf32>
        %swap3A_387 = arith.constant 0 : i32
        %swap3A_388 = arith.index_cast %swap3A_387 : i32 to index
        %swap3A_389 = arith.index_cast %scan3A_212 : i32 to index
        %swap3A_390 = arith.constant 112 : index
        %swap3A_391 = tpu.vector_load %arg11[%swap3A_388, %swap3A_389, %swap3A_390] {strides = array<i32>} : memref<2x96x128xf32, #tpu.memory_space<vmem>>, vector<1x1x16xf32>,
        %swap3A_392 = vector.shape_cast %swap3A_391 : vector<1x1x16xf32> to vector<16xf32>
        %swap3A_393 = vector.shape_cast %max3A_386 : vector<16xf32> to vector<1x1x16xf32>
        tpu.vector_store %arg11[%swap3A_388, %swap3A_389, %swap3A_390], %swap3A_393 {strides = array<i32>} : memref<2x96x128xf32, #tpu.memory_space<vmem>>, vector<1x1x16xf32>,
      }
      %scan3A_152 = arith.constant 96 : i32
      %add3A_153 = arith.addi %mul3A_2, %add3A_108 : i32
      %mul3A_154 = arith.constant 96 : i32
      %mul3A_155 = arith.muli %add3A_153, %mul3A_154 : i32
      %run_scoped3A_156 = arith.constant 0 : i32
      "tpu.region"() ({
        %run_scoped3A_212 = tpu.sem_alloc : memref<!tpu.dma_semaphore, #tpu.memory_space<semaphore_mem>>
        %dma_start3A_213 = arith.constant 0 : i32
        %dma_start3A_214 = tpu.memref_slice %arg10[%run_scoped3A_156, %dma_start3A_213] : memref<2x96xi32, #tpu.memory_space<vmem>> -> memref<1x96xi32, #tpu.memory_space<vmem>>
        %dma_start3A_215 = tpu.memref_squeeze %dma_start3A_214 : memref<1x96xi32, #tpu.memory_space<vmem>> -> memref<96xi32, #tpu.memory_space<vmem>>
        %dma_start3A_216 = tpu.memref_slice %arg5[%mul3A_155] : memref<328704xi32, #tpu.memory_space<hbm>> -> memref<96xi32, #tpu.memory_space<hbm>>
        %dma_start3A_217 = arith.constant 0 : i32
        %dma_start3A_218 = tpu.memref_slice %arg10[%run_scoped3A_156, %dma_start3A_217] : memref<2x96xi32, #tpu.memory_space<vmem>> -> memref<1x96xi32, #tpu.memory_space<vmem>>
        %dma_start3A_219 = tpu.memref_squeeze %dma_start3A_218 : memref<1x96xi32, #tpu.memory_space<vmem>> -> memref<96xi32, #tpu.memory_space<vmem>>
        %dma_start3A_220 = tpu.memref_slice %arg5[%mul3A_155] : memref<328704xi32, #tpu.memory_space<hbm>> -> memref<96xi32, #tpu.memory_space<hbm>>
        tpu.enqueue_dma source(%dma_start3A_220 : memref<96xi32, #tpu.memory_space<hbm>>) target(%dma_start3A_219 : memref<96xi32, #tpu.memory_space<vmem>>) target_semaphore(%run_scoped3A_212 : memref<!tpu.dma_semaphore, #tpu.memory_space<semaphore_mem>>)
        %dma_wait3A_221 = arith.constant 0 : i32
        %dma_wait3A_222 = tpu.memref_slice %arg10[%run_scoped3A_156, %dma_wait3A_221] : memref<2x96xi32, #tpu.memory_space<vmem>> -> memref<1x96xi32, #tpu.memory_space<vmem>>
        %dma_wait3A_223 = tpu.memref_squeeze %dma_wait3A_222 : memref<1x96xi32, #tpu.memory_space<vmem>> -> memref<96xi32, #tpu.memory_space<vmem>>
        %dma_wait3A_224 = tpu.memref_slice %arg5[%mul3A_155] : memref<328704xi32, #tpu.memory_space<hbm>> -> memref<96xi32, #tpu.memory_space<hbm>>
        %dma_wait3A_225 = arith.constant 0 : i32
        %dma_wait3A_226 = tpu.memref_slice %arg10[%run_scoped3A_156, %dma_wait3A_225] : memref<2x96xi32, #tpu.memory_space<vmem>> -> memref<1x96xi32, #tpu.memory_space<vmem>>
        %dma_wait3A_227 = tpu.memref_squeeze %dma_wait3A_226 : memref<1x96xi32, #tpu.memory_space<vmem>> -> memref<96xi32, #tpu.memory_space<vmem>>
        %dma_wait3A_228 = tpu.memref_slice %arg5[%mul3A_155] : memref<328704xi32, #tpu.memory_space<hbm>> -> memref<96xi32, #tpu.memory_space<hbm>>
        tpu.wait_dma2 semaphore(%run_scoped3A_212 : memref<!tpu.dma_semaphore, #tpu.memory_space<semaphore_mem>>) src(%dma_wait3A_228 : memref<96xi32, #tpu.memory_space<hbm>>) dst(%dma_wait3A_227 : memref<96xi32, #tpu.memory_space<vmem>>)
        tpu.yield
      }) : () -> ()
      %run_scoped3A_157 = arith.constant 0 : i32
      %run_scoped3A_158 = arith.constant 0 : i32
      "tpu.region"() ({
        %run_scoped3A_212 = tpu.sem_alloc : memref<!tpu.dma_semaphore, #tpu.memory_space<semaphore_mem>>
        %dma_start3A_213 = arith.constant 0 : i32
        %dma_start3A_214 = arith.constant 0 : i32
        %dma_start3A_215 = tpu.memref_slice %arg11[%run_scoped3A_157, %dma_start3A_213, %dma_start3A_214] : memref<2x96x128xf32, #tpu.memory_space<vmem>> -> memref<1x96x128xf32, #tpu.memory_space<vmem>>
        %dma_start3A_216 = tpu.memref_squeeze %dma_start3A_215 : memref<1x96x128xf32, #tpu.memory_space<vmem>> -> memref<96x128xf32, #tpu.memory_space<vmem>>
        %dma_start3A_217 = arith.constant 0 : i32
        %dma_start3A_218 = tpu.memref_slice %arg10[%run_scoped3A_158, %dma_start3A_217] : memref<2x96xi32, #tpu.memory_space<vmem>> -> memref<1x96xi32, #tpu.memory_space<vmem>>
        %dma_start3A_219 = tpu.memref_squeeze %dma_start3A_218 : memref<1x96xi32, #tpu.memory_space<vmem>> -> memref<96xi32, #tpu.memory_space<vmem>>
        %dma_start3A_220 = arith.constant 0 : i32
        %dma_start3A_221 = arith.constant 0 : i32
        %dma_start3A_222 = tpu.memref_slice %arg8[%dma_start3A_220, %dma_start3A_221] : memref<10000x128xf32, #tpu.memory_space<vmem_shared>> -> memref<10000x128xf32, #tpu.memory_space<vmem_shared>>
        tpu.enqueue_indirect_dma source(%dma_start3A_216 : memref<96x128xf32, #tpu.memory_space<vmem>>) target(%dma_start3A_222 : memref<10000x128xf32, #tpu.memory_space<vmem_shared>>) offsets(%dma_start3A_219 : memref<96xi32, #tpu.memory_space<vmem>>) semaphore(%run_scoped3A_212 : memref<!tpu.dma_semaphore, #tpu.memory_space<semaphore_mem>>) {add = true}
        %dma_wait3A_223 = arith.constant 0 : i32
        %dma_wait3A_224 = arith.constant 0 : i32
        %dma_wait3A_225 = tpu.memref_slice %arg11[%run_scoped3A_157, %dma_wait3A_223, %dma_wait3A_224] : memref<2x96x128xf32, #tpu.memory_space<vmem>> -> memref<1x96x128xf32, #tpu.memory_space<vmem>>
        %dma_wait3A_226 = tpu.memref_squeeze %dma_wait3A_225 : memref<1x96x128xf32, #tpu.memory_space<vmem>> -> memref<96x128xf32, #tpu.memory_space<vmem>>
        %dma_wait3A_227 = arith.constant 0 : i32
        %dma_wait3A_228 = tpu.memref_slice %arg10[%run_scoped3A_158, %dma_wait3A_227] : memref<2x96xi32, #tpu.memory_space<vmem>> -> memref<1x96xi32, #tpu.memory_space<vmem>>
        %dma_wait3A_229 = tpu.memref_squeeze %dma_wait3A_228 : memref<1x96xi32, #tpu.memory_space<vmem>> -> memref<96xi32, #tpu.memory_space<vmem>>
        %dma_wait3A_230 = arith.constant 0 : i32
        %dma_wait3A_231 = arith.constant 0 : i32
        %dma_wait3A_232 = tpu.memref_slice %arg8[%dma_wait3A_230, %dma_wait3A_231] : memref<10000x128xf32, #tpu.memory_space<vmem_shared>> -> memref<10000x128xf32, #tpu.memory_space<vmem_shared>>
        tpu.wait_indirect_dma semaphore(%run_scoped3A_212 : memref<!tpu.dma_semaphore, #tpu.memory_space<semaphore_mem>>) src(%dma_wait3A_226 : memref<96x128xf32, #tpu.memory_space<vmem>>) dst(%dma_wait3A_232 : memref<10000x128xf32, #tpu.memory_space<vmem_shared>>)
        tpu.yield
      }) : () -> ()
      %add3A_159 = arith.constant 1 : i32
      %add3A_160 = arith.addi %add3A_106, %add3A_159 : i32
      %lt3A_161 = arith.constant 106 : i32
      %lt3A_162 = arith.cmpi slt, %add3A_160, %lt3A_161 : i32
      %convert_element_type3A_163 = arith.extui %lt3A_162 : i1 to i32
      %cond3A_164 = arith.constant 0 : i32
      %cond3A_165 = arith.cmpi ne, %convert_element_type3A_163, %cond3A_164 : i32
      scf.if %cond3A_165 {
        %add3A_212 = arith.constant 1 : i32
        %add3A_213 = arith.addi %add3A_160, %add3A_212 : i32
        %add3A_214 = arith.addi %mul3A_2, %add3A_213 : i32
        %mul3A_215 = arith.constant 96 : i32
        %mul3A_216 = arith.muli %add3A_214, %mul3A_215 : i32
        %run_scoped3A_217 = arith.constant 0 : i32
        "tpu.region"() ({
          %run_scoped3A_252 = tpu.sem_alloc : memref<!tpu.dma_semaphore, #tpu.memory_space<semaphore_mem>>
          %dma_start3A_253 = arith.constant 0 : i32
          %dma_start3A_254 = tpu.memref_slice %arg9[%run_scoped3A_217, %dma_start3A_253] : memref<2x96xi32, #tpu.memory_space<vmem>> -> memref<1x96xi32, #tpu.memory_space<vmem>>
          %dma_start3A_255 = tpu.memref_squeeze %dma_start3A_254 : memref<1x96xi32, #tpu.memory_space<vmem>> -> memref<96xi32, #tpu.memory_space<vmem>>
          %dma_start3A_256 = tpu.memref_slice %arg4[%mul3A_216] : memref<328704xi32, #tpu.memory_space<hbm>> -> memref<96xi32, #tpu.memory_space<hbm>>
          %dma_start3A_257 = arith.constant 0 : i32
          %dma_start3A_258 = tpu.memref_slice %arg9[%run_scoped3A_217, %dma_start3A_257] : memref<2x96xi32, #tpu.memory_space<vmem>> -> memref<1x96xi32, #tpu.memory_space<vmem>>
          %dma_start3A_259 = tpu.memref_squeeze %dma_start3A_258 : memref<1x96xi32, #tpu.memory_space<vmem>> -> memref<96xi32, #tpu.memory_space<vmem>>
          %dma_start3A_260 = tpu.memref_slice %arg4[%mul3A_216] : memref<328704xi32, #tpu.memory_space<hbm>> -> memref<96xi32, #tpu.memory_space<hbm>>
          tpu.enqueue_dma source(%dma_start3A_260 : memref<96xi32, #tpu.memory_space<hbm>>) target(%dma_start3A_259 : memref<96xi32, #tpu.memory_space<vmem>>) target_semaphore(%run_scoped3A_252 : memref<!tpu.dma_semaphore, #tpu.memory_space<semaphore_mem>>)
          %dma_wait3A_261 = arith.constant 0 : i32
          %dma_wait3A_262 = tpu.memref_slice %arg9[%run_scoped3A_217, %dma_wait3A_261] : memref<2x96xi32, #tpu.memory_space<vmem>> -> memref<1x96xi32, #tpu.memory_space<vmem>>
          %dma_wait3A_263 = tpu.memref_squeeze %dma_wait3A_262 : memref<1x96xi32, #tpu.memory_space<vmem>> -> memref<96xi32, #tpu.memory_space<vmem>>
          %dma_wait3A_264 = tpu.memref_slice %arg4[%mul3A_216] : memref<328704xi32, #tpu.memory_space<hbm>> -> memref<96xi32, #tpu.memory_space<hbm>>
          %dma_wait3A_265 = arith.constant 0 : i32
          %dma_wait3A_266 = tpu.memref_slice %arg9[%run_scoped3A_217, %dma_wait3A_265] : memref<2x96xi32, #tpu.memory_space<vmem>> -> memref<1x96xi32, #tpu.memory_space<vmem>>
          %dma_wait3A_267 = tpu.memref_squeeze %dma_wait3A_266 : memref<1x96xi32, #tpu.memory_space<vmem>> -> memref<96xi32, #tpu.memory_space<vmem>>
          %dma_wait3A_268 = tpu.memref_slice %arg4[%mul3A_216] : memref<328704xi32, #tpu.memory_space<hbm>> -> memref<96xi32, #tpu.memory_space<hbm>>
          tpu.wait_dma2 semaphore(%run_scoped3A_252 : memref<!tpu.dma_semaphore, #tpu.memory_space<semaphore_mem>>) src(%dma_wait3A_268 : memref<96xi32, #tpu.memory_space<hbm>>) dst(%dma_wait3A_267 : memref<96xi32, #tpu.memory_space<vmem>>)
          tpu.yield
        }) : () -> ()
        %dma_start3A_218 = arith.constant 0 : i32
        %dma_start3A_219 = arith.constant 0 : i32
        %dma_start3A_220 = arith.constant 0 : i32
        %dma_start3A_221 = arith.constant 0 : i32
        %dma_start3A_222 = arith.constant 0 : i32
        %dma_start3A_223 = tpu.memref_slice %arg11[%dma_start3A_219, %dma_start3A_221, %dma_start3A_222] : memref<2x96x128xf32, #tpu.memory_space<vmem>> -> memref<1x96x128xf32, #tpu.memory_space<vmem>>
        %dma_start3A_224 = tpu.memref_squeeze %dma_start3A_223 : memref<1x96x128xf32, #tpu.memory_space<vmem>> -> memref<96x128xf32, #tpu.memory_space<vmem>>
        %dma_start3A_225 = arith.constant 0 : i32
        %dma_start3A_226 = tpu.memref_slice %arg9[%dma_start3A_218, %dma_start3A_225] : memref<2x96xi32, #tpu.memory_space<vmem>> -> memref<1x96xi32, #tpu.memory_space<vmem>>
        %dma_start3A_227 = tpu.memref_squeeze %dma_start3A_226 : memref<1x96xi32, #tpu.memory_space<vmem>> -> memref<96xi32, #tpu.memory_space<vmem>>
        %dma_start3A_228 = arith.constant 0 : i32
        %dma_start3A_229 = arith.constant 0 : i32
        %dma_start3A_230 = tpu.memref_slice %arg2[%dma_start3A_228, %dma_start3A_229] : memref<10000x128xf32, #tpu.memory_space<hbm>> -> memref<10000x128xf32, #tpu.memory_space<hbm>>
        %dma_start3A_231 = tpu.memref_slice %arg13[%dma_start3A_220] : memref<2x!tpu.dma_semaphore, #tpu.memory_space<semaphore_mem>> -> memref<1x!tpu.dma_semaphore, #tpu.memory_space<semaphore_mem>>
        %dma_start3A_232 = tpu.memref_squeeze %dma_start3A_231 : memref<1x!tpu.dma_semaphore, #tpu.memory_space<semaphore_mem>> -> memref<!tpu.dma_semaphore, #tpu.memory_space<semaphore_mem>>
        tpu.enqueue_indirect_dma source(%dma_start3A_230 : memref<10000x128xf32, #tpu.memory_space<hbm>>) target(%dma_start3A_224 : memref<96x128xf32, #tpu.memory_space<vmem>>) offsets(%dma_start3A_227 : memref<96xi32, #tpu.memory_space<vmem>>) semaphore(%dma_start3A_232 : memref<!tpu.dma_semaphore, #tpu.memory_space<semaphore_mem>>)
        %add3A_233 = arith.addi %mul3A_2, %add3A_213 : i32
        %mul3A_234 = arith.constant 96 : i32
        %mul3A_235 = arith.muli %add3A_233, %mul3A_234 : i32
        %dma_start3A_236 = arith.constant 0 : i32
        %dma_start3A_237 = arith.constant 0 : i32
        %dma_start3A_238 = arith.constant 0 : i32
        %dma_start3A_239 = arith.constant 0 : i32
        %dma_start3A_240 = tpu.memref_slice %arg12[%dma_start3A_236, %dma_start3A_238, %dma_start3A_239] : memref<2x96x128xf32, #tpu.memory_space<vmem>> -> memref<1x96x128xf32, #tpu.memory_space<vmem>>
        %dma_start3A_241 = tpu.memref_squeeze %dma_start3A_240 : memref<1x96x128xf32, #tpu.memory_space<vmem>> -> memref<96x128xf32, #tpu.memory_space<vmem>>
        %dma_start3A_242 = arith.constant 0 : i32
        %dma_start3A_243 = tpu.memref_slice %arg3[%mul3A_235, %dma_start3A_242] : memref<328704x128xf32, #tpu.memory_space<hbm>> -> memref<96x128xf32, #tpu.memory_space<hbm>>
        %dma_start3A_244 = tpu.memref_slice %arg14[%dma_start3A_237] : memref<2x!tpu.dma_semaphore, #tpu.memory_space<semaphore_mem>> -> memref<1x!tpu.dma_semaphore, #tpu.memory_space<semaphore_mem>>
        %dma_start3A_245 = tpu.memref_squeeze %dma_start3A_244 : memref<1x!tpu.dma_semaphore, #tpu.memory_space<semaphore_mem>> -> memref<!tpu.dma_semaphore, #tpu.memory_space<semaphore_mem>>
        %dma_start3A_246 = arith.constant 0 : i32
        %dma_start3A_247 = arith.constant 0 : i32
        %dma_start3A_248 = tpu.memref_slice %arg12[%dma_start3A_236, %dma_start3A_246, %dma_start3A_247] : memref<2x96x128xf32, #tpu.memory_space<vmem>> -> memref<1x96x128xf32, #tpu.memory_space<vmem>>
        %dma_start3A_249 = tpu.memref_squeeze %dma_start3A_248 : memref<1x96x128xf32, #tpu.memory_space<vmem>> -> memref<96x128xf32, #tpu.memory_space<vmem>>
        %dma_start3A_250 = arith.constant 0 : i32
        %dma_start3A_251 = tpu.memref_slice %arg3[%mul3A_235, %dma_start3A_250] : memref<328704x128xf32, #tpu.memory_space<hbm>> -> memref<96x128xf32, #tpu.memory_space<hbm>>
        tpu.enqueue_dma source(%dma_start3A_251 : memref<96x128xf32, #tpu.memory_space<hbm>>) target(%dma_start3A_249 : memref<96x128xf32, #tpu.memory_space<vmem>>) target_semaphore(%dma_start3A_245 : memref<!tpu.dma_semaphore, #tpu.memory_space<semaphore_mem>>)
      } else {
      }
      %dma_wait3A_166 = arith.constant 1 : i32
      %dma_wait3A_167 = arith.constant 1 : i32
      %dma_wait3A_168 = arith.constant 1 : i32
      %dma_wait3A_169 = arith.constant 0 : i32
      %dma_wait3A_170 = arith.constant 0 : i32
      %dma_wait3A_171 = tpu.memref_slice %arg11[%dma_wait3A_167, %dma_wait3A_169, %dma_wait3A_170] : memref<2x96x128xf32, #tpu.memory_space<vmem>> -> memref<1x96x128xf32, #tpu.memory_space<vmem>>
      %dma_wait3A_172 = tpu.memref_squeeze %dma_wait3A_171 : memref<1x96x128xf32, #tpu.memory_space<vmem>> -> memref<96x128xf32, #tpu.memory_space<vmem>>
      %dma_wait3A_173 = arith.constant 0 : i32
      %dma_wait3A_174 = tpu.memref_slice %arg9[%dma_wait3A_166, %dma_wait3A_173] : memref<2x96xi32, #tpu.memory_space<vmem>> -> memref<1x96xi32, #tpu.memory_space<vmem>>
      %dma_wait3A_175 = tpu.memref_squeeze %dma_wait3A_174 : memref<1x96xi32, #tpu.memory_space<vmem>> -> memref<96xi32, #tpu.memory_space<vmem>>
      %dma_wait3A_176 = arith.constant 0 : i32
      %dma_wait3A_177 = arith.constant 0 : i32
      %dma_wait3A_178 = tpu.memref_slice %arg2[%dma_wait3A_176, %dma_wait3A_177] : memref<10000x128xf32, #tpu.memory_space<hbm>> -> memref<10000x128xf32, #tpu.memory_space<hbm>>
      %dma_wait3A_179 = tpu.memref_slice %arg13[%dma_wait3A_168] : memref<2x!tpu.dma_semaphore, #tpu.memory_space<semaphore_mem>> -> memref<1x!tpu.dma_semaphore, #tpu.memory_space<semaphore_mem>>
      %dma_wait3A_180 = tpu.memref_squeeze %dma_wait3A_179 : memref<1x!tpu.dma_semaphore, #tpu.memory_space<semaphore_mem>> -> memref<!tpu.dma_semaphore, #tpu.memory_space<semaphore_mem>>
      tpu.wait_indirect_dma semaphore(%dma_wait3A_180 : memref<!tpu.dma_semaphore, #tpu.memory_space<semaphore_mem>>) src(%dma_wait3A_178 : memref<10000x128xf32, #tpu.memory_space<hbm>>) dst(%dma_wait3A_172 : memref<96x128xf32, #tpu.memory_space<vmem>>)
      %add3A_181 = arith.addi %mul3A_2, %add3A_160 : i32
      %mul3A_182 = arith.constant 96 : i32
      %mul3A_183 = arith.muli %add3A_181, %mul3A_182 : i32
      %dma_wait3A_184 = arith.constant 1 : i32
      %dma_wait3A_185 = arith.constant 1 : i32
      %dma_wait3A_186 = arith.constant 0 : i32
      %dma_wait3A_187 = arith.constant 0 : i32
      %dma_wait3A_188 = tpu.memref_slice %arg12[%dma_wait3A_184, %dma_wait3A_186, %dma_wait3A_187] : memref<2x96x128xf32, #tpu.memory_space<vmem>> -> memref<1x96x128xf32, #tpu.memory_space<vmem>>
      %dma_wait3A_189 = tpu.memref_squeeze %dma_wait3A_188 : memref<1x96x128xf32, #tpu.memory_space<vmem>> -> memref<96x128xf32, #tpu.memory_space<vmem>>
      %dma_wait3A_190 = arith.constant 0 : i32
      %dma_wait3A_191 = tpu.memref_slice %arg3[%mul3A_183, %dma_wait3A_190] : memref<328704x128xf32, #tpu.memory_space<hbm>> -> memref<96x128xf32, #tpu.memory_space<hbm>>
      %dma_wait3A_192 = tpu.memref_slice %arg14[%dma_wait3A_185] : memref<2x!tpu.dma_semaphore, #tpu.memory_space<semaphore_mem>> -> memref<1x!tpu.dma_semaphore, #tpu.memory_space<semaphore_mem>>
      %dma_wait3A_193 = tpu.memref_squeeze %dma_wait3A_192 : memref<1x!tpu.dma_semaphore, #tpu.memory_space<semaphore_mem>> -> memref<!tpu.dma_semaphore, #tpu.memory_space<semaphore_mem>>
      %dma_wait3A_194 = arith.constant 0 : i32
      %dma_wait3A_195 = arith.constant 0 : i32
      %dma_wait3A_196 = tpu.memref_slice %arg12[%dma_wait3A_184, %dma_wait3A_194, %dma_wait3A_195] : memref<2x96x128xf32, #tpu.memory_space<vmem>> -> memref<1x96x128xf32, #tpu.memory_space<vmem>>
      %dma_wait3A_197 = tpu.memref_squeeze %dma_wait3A_196 : memref<1x96x128xf32, #tpu.memory_space<vmem>> -> memref<96x128xf32, #tpu.memory_space<vmem>>
      %dma_wait3A_198 = arith.constant 0 : i32
      %dma_wait3A_199 = tpu.memref_slice %arg3[%mul3A_183, %dma_wait3A_198] : memref<328704x128xf32, #tpu.memory_space<hbm>> -> memref<96x128xf32, #tpu.memory_space<hbm>>
      tpu.wait_dma2 semaphore(%dma_wait3A_193 : memref<!tpu.dma_semaphore, #tpu.memory_space<semaphore_mem>>) src(%dma_wait3A_199 : memref<96x128xf32, #tpu.memory_space<hbm>>) dst(%dma_wait3A_197 : memref<96x128xf32, #tpu.memory_space<vmem>>)
      %scan3A_200 = arith.constant 0 : i32
      %scan3A_201 = arith.constant 0 : i32
      %scan3A_202 = arith.constant 96 : i32
      %scan3A_203 = arith.addi %scan3A_201, %scan3A_202 : i32
      %scan3A_204 = arith.constant 1 : i32
      scf.for %scan3A_212 = %scan3A_201 to %scan3A_203 step %scan3A_204  : i32 {
        %get3A = arith.constant 1 : i32
        %get3A_213 = arith.index_cast %get3A : i32 to index
        %get3A_214 = arith.index_cast %scan3A_212 : i32 to index
        %get3A_215 = arith.constant 0 : index
        %get3A_216 = tpu.vector_load %arg11[%get3A_213, %get3A_214, %get3A_215] {strides = array<i32>} : memref<2x96x128xf32, #tpu.memory_space<vmem>>, vector<1x1x16xf32>,
        %get3A_217 = vector.shape_cast %get3A_216 : vector<1x1x16xf32> to vector<16xf32>
        %get3A_218 = arith.constant 1 : i32
        %get3A_219 = arith.index_cast %get3A_218 : i32 to index
        %get3A_220 = arith.index_cast %scan3A_212 : i32 to index
        %get3A_221 = arith.constant 0 : index
        %get3A_222 = tpu.vector_load %arg12[%get3A_219, %get3A_220, %get3A_221] {strides = array<i32>} : memref<2x96x128xf32, #tpu.memory_space<vmem>>, vector<1x1x16xf32>,
        %get3A_223 = vector.shape_cast %get3A_222 : vector<1x1x16xf32> to vector<16xf32>
        %add3A_224 = arith.addf %get3A_217, %get3A_223 : vector<16xf32>
        %max3A = arith.constant 0.000000e+00 : f32
        %max3A_225 = vector.broadcast %max3A : f32 to vector<16xf32>
        %max3A_226 = arith.maximumf %add3A_224, %max3A_225 : vector<16xf32>
        %swap3A = arith.constant 1 : i32
        %swap3A_227 = arith.index_cast %swap3A : i32 to index
        %swap3A_228 = arith.index_cast %scan3A_212 : i32 to index
        %swap3A_229 = arith.constant 0 : index
        %swap3A_230 = tpu.vector_load %arg11[%swap3A_227, %swap3A_228, %swap3A_229] {strides = array<i32>} : memref<2x96x128xf32, #tpu.memory_space<vmem>>, vector<1x1x16xf32>,
        %swap3A_231 = vector.shape_cast %swap3A_230 : vector<1x1x16xf32> to vector<16xf32>
        %swap3A_232 = vector.shape_cast %max3A_226 : vector<16xf32> to vector<1x1x16xf32>
        tpu.vector_store %arg11[%swap3A_227, %swap3A_228, %swap3A_229], %swap3A_232 {strides = array<i32>} : memref<2x96x128xf32, #tpu.memory_space<vmem>>, vector<1x1x16xf32>,
        %get3A_233 = arith.constant 1 : i32
        %get3A_234 = arith.index_cast %get3A_233 : i32 to index
        %get3A_235 = arith.index_cast %scan3A_212 : i32 to index
        %get3A_236 = arith.constant 16 : index
        %get3A_237 = tpu.vector_load %arg11[%get3A_234, %get3A_235, %get3A_236] {strides = array<i32>} : memref<2x96x128xf32, #tpu.memory_space<vmem>>, vector<1x1x16xf32>,
        %get3A_238 = vector.shape_cast %get3A_237 : vector<1x1x16xf32> to vector<16xf32>
        %get3A_239 = arith.constant 1 : i32
        %get3A_240 = arith.index_cast %get3A_239 : i32 to index
        %get3A_241 = arith.index_cast %scan3A_212 : i32 to index
        %get3A_242 = arith.constant 16 : index
        %get3A_243 = tpu.vector_load %arg12[%get3A_240, %get3A_241, %get3A_242] {strides = array<i32>} : memref<2x96x128xf32, #tpu.memory_space<vmem>>, vector<1x1x16xf32>,
        %get3A_244 = vector.shape_cast %get3A_243 : vector<1x1x16xf32> to vector<16xf32>
        %add3A_245 = arith.addf %get3A_238, %get3A_244 : vector<16xf32>
        %max3A_246 = arith.constant 0.000000e+00 : f32
        %max3A_247 = vector.broadcast %max3A_246 : f32 to vector<16xf32>
        %max3A_248 = arith.maximumf %add3A_245, %max3A_247 : vector<16xf32>
        %swap3A_249 = arith.constant 1 : i32
        %swap3A_250 = arith.index_cast %swap3A_249 : i32 to index
        %swap3A_251 = arith.index_cast %scan3A_212 : i32 to index
        %swap3A_252 = arith.constant 16 : index
        %swap3A_253 = tpu.vector_load %arg11[%swap3A_250, %swap3A_251, %swap3A_252] {strides = array<i32>} : memref<2x96x128xf32, #tpu.memory_space<vmem>>, vector<1x1x16xf32>,
        %swap3A_254 = vector.shape_cast %swap3A_253 : vector<1x1x16xf32> to vector<16xf32>
        %swap3A_255 = vector.shape_cast %max3A_248 : vector<16xf32> to vector<1x1x16xf32>
        tpu.vector_store %arg11[%swap3A_250, %swap3A_251, %swap3A_252], %swap3A_255 {strides = array<i32>} : memref<2x96x128xf32, #tpu.memory_space<vmem>>, vector<1x1x16xf32>,
        %get3A_256 = arith.constant 1 : i32
        %get3A_257 = arith.index_cast %get3A_256 : i32 to index
        %get3A_258 = arith.index_cast %scan3A_212 : i32 to index
        %get3A_259 = arith.constant 32 : index
        %get3A_260 = tpu.vector_load %arg11[%get3A_257, %get3A_258, %get3A_259] {strides = array<i32>} : memref<2x96x128xf32, #tpu.memory_space<vmem>>, vector<1x1x16xf32>,
        %get3A_261 = vector.shape_cast %get3A_260 : vector<1x1x16xf32> to vector<16xf32>
        %get3A_262 = arith.constant 1 : i32
        %get3A_263 = arith.index_cast %get3A_262 : i32 to index
        %get3A_264 = arith.index_cast %scan3A_212 : i32 to index
        %get3A_265 = arith.constant 32 : index
        %get3A_266 = tpu.vector_load %arg12[%get3A_263, %get3A_264, %get3A_265] {strides = array<i32>} : memref<2x96x128xf32, #tpu.memory_space<vmem>>, vector<1x1x16xf32>,
        %get3A_267 = vector.shape_cast %get3A_266 : vector<1x1x16xf32> to vector<16xf32>
        %add3A_268 = arith.addf %get3A_261, %get3A_267 : vector<16xf32>
        %max3A_269 = arith.constant 0.000000e+00 : f32
        %max3A_270 = vector.broadcast %max3A_269 : f32 to vector<16xf32>
        %max3A_271 = arith.maximumf %add3A_268, %max3A_270 : vector<16xf32>
        %swap3A_272 = arith.constant 1 : i32
        %swap3A_273 = arith.index_cast %swap3A_272 : i32 to index
        %swap3A_274 = arith.index_cast %scan3A_212 : i32 to index
        %swap3A_275 = arith.constant 32 : index
        %swap3A_276 = tpu.vector_load %arg11[%swap3A_273, %swap3A_274, %swap3A_275] {strides = array<i32>} : memref<2x96x128xf32, #tpu.memory_space<vmem>>, vector<1x1x16xf32>,
        %swap3A_277 = vector.shape_cast %swap3A_276 : vector<1x1x16xf32> to vector<16xf32>
        %swap3A_278 = vector.shape_cast %max3A_271 : vector<16xf32> to vector<1x1x16xf32>
        tpu.vector_store %arg11[%swap3A_273, %swap3A_274, %swap3A_275], %swap3A_278 {strides = array<i32>} : memref<2x96x128xf32, #tpu.memory_space<vmem>>, vector<1x1x16xf32>,
        %get3A_279 = arith.constant 1 : i32
        %get3A_280 = arith.index_cast %get3A_279 : i32 to index
        %get3A_281 = arith.index_cast %scan3A_212 : i32 to index
        %get3A_282 = arith.constant 48 : index
        %get3A_283 = tpu.vector_load %arg11[%get3A_280, %get3A_281, %get3A_282] {strides = array<i32>} : memref<2x96x128xf32, #tpu.memory_space<vmem>>, vector<1x1x16xf32>,
        %get3A_284 = vector.shape_cast %get3A_283 : vector<1x1x16xf32> to vector<16xf32>
        %get3A_285 = arith.constant 1 : i32
        %get3A_286 = arith.index_cast %get3A_285 : i32 to index
        %get3A_287 = arith.index_cast %scan3A_212 : i32 to index
        %get3A_288 = arith.constant 48 : index
        %get3A_289 = tpu.vector_load %arg12[%get3A_286, %get3A_287, %get3A_288] {strides = array<i32>} : memref<2x96x128xf32, #tpu.memory_space<vmem>>, vector<1x1x16xf32>,
        %get3A_290 = vector.shape_cast %get3A_289 : vector<1x1x16xf32> to vector<16xf32>
        %add3A_291 = arith.addf %get3A_284, %get3A_290 : vector<16xf32>
        %max3A_292 = arith.constant 0.000000e+00 : f32
        %max3A_293 = vector.broadcast %max3A_292 : f32 to vector<16xf32>
        %max3A_294 = arith.maximumf %add3A_291, %max3A_293 : vector<16xf32>
        %swap3A_295 = arith.constant 1 : i32
        %swap3A_296 = arith.index_cast %swap3A_295 : i32 to index
        %swap3A_297 = arith.index_cast %scan3A_212 : i32 to index
        %swap3A_298 = arith.constant 48 : index
        %swap3A_299 = tpu.vector_load %arg11[%swap3A_296, %swap3A_297, %swap3A_298] {strides = array<i32>} : memref<2x96x128xf32, #tpu.memory_space<vmem>>, vector<1x1x16xf32>,
        %swap3A_300 = vector.shape_cast %swap3A_299 : vector<1x1x16xf32> to vector<16xf32>
        %swap3A_301 = vector.shape_cast %max3A_294 : vector<16xf32> to vector<1x1x16xf32>
        tpu.vector_store %arg11[%swap3A_296, %swap3A_297, %swap3A_298], %swap3A_301 {strides = array<i32>} : memref<2x96x128xf32, #tpu.memory_space<vmem>>, vector<1x1x16xf32>,
        %get3A_302 = arith.constant 1 : i32
        %get3A_303 = arith.index_cast %get3A_302 : i32 to index
        %get3A_304 = arith.index_cast %scan3A_212 : i32 to index
        %get3A_305 = arith.constant 64 : index
        %get3A_306 = tpu.vector_load %arg11[%get3A_303, %get3A_304, %get3A_305] {strides = array<i32>} : memref<2x96x128xf32, #tpu.memory_space<vmem>>, vector<1x1x16xf32>,
        %get3A_307 = vector.shape_cast %get3A_306 : vector<1x1x16xf32> to vector<16xf32>
        %get3A_308 = arith.constant 1 : i32
        %get3A_309 = arith.index_cast %get3A_308 : i32 to index
        %get3A_310 = arith.index_cast %scan3A_212 : i32 to index
        %get3A_311 = arith.constant 64 : index
        %get3A_312 = tpu.vector_load %arg12[%get3A_309, %get3A_310, %get3A_311] {strides = array<i32>} : memref<2x96x128xf32, #tpu.memory_space<vmem>>, vector<1x1x16xf32>,
        %get3A_313 = vector.shape_cast %get3A_312 : vector<1x1x16xf32> to vector<16xf32>
        %add3A_314 = arith.addf %get3A_307, %get3A_313 : vector<16xf32>
        %max3A_315 = arith.constant 0.000000e+00 : f32
        %max3A_316 = vector.broadcast %max3A_315 : f32 to vector<16xf32>
        %max3A_317 = arith.maximumf %add3A_314, %max3A_316 : vector<16xf32>
        %swap3A_318 = arith.constant 1 : i32
        %swap3A_319 = arith.index_cast %swap3A_318 : i32 to index
        %swap3A_320 = arith.index_cast %scan3A_212 : i32 to index
        %swap3A_321 = arith.constant 64 : index
        %swap3A_322 = tpu.vector_load %arg11[%swap3A_319, %swap3A_320, %swap3A_321] {strides = array<i32>} : memref<2x96x128xf32, #tpu.memory_space<vmem>>, vector<1x1x16xf32>,
        %swap3A_323 = vector.shape_cast %swap3A_322 : vector<1x1x16xf32> to vector<16xf32>
        %swap3A_324 = vector.shape_cast %max3A_317 : vector<16xf32> to vector<1x1x16xf32>
        tpu.vector_store %arg11[%swap3A_319, %swap3A_320, %swap3A_321], %swap3A_324 {strides = array<i32>} : memref<2x96x128xf32, #tpu.memory_space<vmem>>, vector<1x1x16xf32>,
        %get3A_325 = arith.constant 1 : i32
        %get3A_326 = arith.index_cast %get3A_325 : i32 to index
        %get3A_327 = arith.index_cast %scan3A_212 : i32 to index
        %get3A_328 = arith.constant 80 : index
        %get3A_329 = tpu.vector_load %arg11[%get3A_326, %get3A_327, %get3A_328] {strides = array<i32>} : memref<2x96x128xf32, #tpu.memory_space<vmem>>, vector<1x1x16xf32>,
        %get3A_330 = vector.shape_cast %get3A_329 : vector<1x1x16xf32> to vector<16xf32>
        %get3A_331 = arith.constant 1 : i32
        %get3A_332 = arith.index_cast %get3A_331 : i32 to index
        %get3A_333 = arith.index_cast %scan3A_212 : i32 to index
        %get3A_334 = arith.constant 80 : index
        %get3A_335 = tpu.vector_load %arg12[%get3A_332, %get3A_333, %get3A_334] {strides = array<i32>} : memref<2x96x128xf32, #tpu.memory_space<vmem>>, vector<1x1x16xf32>,
        %get3A_336 = vector.shape_cast %get3A_335 : vector<1x1x16xf32> to vector<16xf32>
        %add3A_337 = arith.addf %get3A_330, %get3A_336 : vector<16xf32>
        %max3A_338 = arith.constant 0.000000e+00 : f32
        %max3A_339 = vector.broadcast %max3A_338 : f32 to vector<16xf32>
        %max3A_340 = arith.maximumf %add3A_337, %max3A_339 : vector<16xf32>
        %swap3A_341 = arith.constant 1 : i32
        %swap3A_342 = arith.index_cast %swap3A_341 : i32 to index
        %swap3A_343 = arith.index_cast %scan3A_212 : i32 to index
        %swap3A_344 = arith.constant 80 : index
        %swap3A_345 = tpu.vector_load %arg11[%swap3A_342, %swap3A_343, %swap3A_344] {strides = array<i32>} : memref<2x96x128xf32, #tpu.memory_space<vmem>>, vector<1x1x16xf32>,
        %swap3A_346 = vector.shape_cast %swap3A_345 : vector<1x1x16xf32> to vector<16xf32>
        %swap3A_347 = vector.shape_cast %max3A_340 : vector<16xf32> to vector<1x1x16xf32>
        tpu.vector_store %arg11[%swap3A_342, %swap3A_343, %swap3A_344], %swap3A_347 {strides = array<i32>} : memref<2x96x128xf32, #tpu.memory_space<vmem>>, vector<1x1x16xf32>,
        %get3A_348 = arith.constant 1 : i32
        %get3A_349 = arith.index_cast %get3A_348 : i32 to index
        %get3A_350 = arith.index_cast %scan3A_212 : i32 to index
        %get3A_351 = arith.constant 96 : index
        %get3A_352 = tpu.vector_load %arg11[%get3A_349, %get3A_350, %get3A_351] {strides = array<i32>} : memref<2x96x128xf32, #tpu.memory_space<vmem>>, vector<1x1x16xf32>,
        %get3A_353 = vector.shape_cast %get3A_352 : vector<1x1x16xf32> to vector<16xf32>
        %get3A_354 = arith.constant 1 : i32
        %get3A_355 = arith.index_cast %get3A_354 : i32 to index
        %get3A_356 = arith.index_cast %scan3A_212 : i32 to index
        %get3A_357 = arith.constant 96 : index
        %get3A_358 = tpu.vector_load %arg12[%get3A_355, %get3A_356, %get3A_357] {strides = array<i32>} : memref<2x96x128xf32, #tpu.memory_space<vmem>>, vector<1x1x16xf32>,
        %get3A_359 = vector.shape_cast %get3A_358 : vector<1x1x16xf32> to vector<16xf32>
        %add3A_360 = arith.addf %get3A_353, %get3A_359 : vector<16xf32>
        %max3A_361 = arith.constant 0.000000e+00 : f32
        %max3A_362 = vector.broadcast %max3A_361 : f32 to vector<16xf32>
        %max3A_363 = arith.maximumf %add3A_360, %max3A_362 : vector<16xf32>
        %swap3A_364 = arith.constant 1 : i32
        %swap3A_365 = arith.index_cast %swap3A_364 : i32 to index
        %swap3A_366 = arith.index_cast %scan3A_212 : i32 to index
        %swap3A_367 = arith.constant 96 : index
        %swap3A_368 = tpu.vector_load %arg11[%swap3A_365, %swap3A_366, %swap3A_367] {strides = array<i32>} : memref<2x96x128xf32, #tpu.memory_space<vmem>>, vector<1x1x16xf32>,
        %swap3A_369 = vector.shape_cast %swap3A_368 : vector<1x1x16xf32> to vector<16xf32>
        %swap3A_370 = vector.shape_cast %max3A_363 : vector<16xf32> to vector<1x1x16xf32>
        tpu.vector_store %arg11[%swap3A_365, %swap3A_366, %swap3A_367], %swap3A_370 {strides = array<i32>} : memref<2x96x128xf32, #tpu.memory_space<vmem>>, vector<1x1x16xf32>,
        %get3A_371 = arith.constant 1 : i32
        %get3A_372 = arith.index_cast %get3A_371 : i32 to index
        %get3A_373 = arith.index_cast %scan3A_212 : i32 to index
        %get3A_374 = arith.constant 112 : index
        %get3A_375 = tpu.vector_load %arg11[%get3A_372, %get3A_373, %get3A_374] {strides = array<i32>} : memref<2x96x128xf32, #tpu.memory_space<vmem>>, vector<1x1x16xf32>,
        %get3A_376 = vector.shape_cast %get3A_375 : vector<1x1x16xf32> to vector<16xf32>
        %get3A_377 = arith.constant 1 : i32
        %get3A_378 = arith.index_cast %get3A_377 : i32 to index
        %get3A_379 = arith.index_cast %scan3A_212 : i32 to index
        %get3A_380 = arith.constant 112 : index
        %get3A_381 = tpu.vector_load %arg12[%get3A_378, %get3A_379, %get3A_380] {strides = array<i32>} : memref<2x96x128xf32, #tpu.memory_space<vmem>>, vector<1x1x16xf32>,
        %get3A_382 = vector.shape_cast %get3A_381 : vector<1x1x16xf32> to vector<16xf32>
        %add3A_383 = arith.addf %get3A_376, %get3A_382 : vector<16xf32>
        %max3A_384 = arith.constant 0.000000e+00 : f32
        %max3A_385 = vector.broadcast %max3A_384 : f32 to vector<16xf32>
        %max3A_386 = arith.maximumf %add3A_383, %max3A_385 : vector<16xf32>
        %swap3A_387 = arith.constant 1 : i32
        %swap3A_388 = arith.index_cast %swap3A_387 : i32 to index
        %swap3A_389 = arith.index_cast %scan3A_212 : i32 to index
        %swap3A_390 = arith.constant 112 : index
        %swap3A_391 = tpu.vector_load %arg11[%swap3A_388, %swap3A_389, %swap3A_390] {strides = array<i32>} : memref<2x96x128xf32, #tpu.memory_space<vmem>>, vector<1x1x16xf32>,
        %swap3A_392 = vector.shape_cast %swap3A_391 : vector<1x1x16xf32> to vector<16xf32>
        %swap3A_393 = vector.shape_cast %max3A_386 : vector<16xf32> to vector<1x1x16xf32>
        tpu.vector_store %arg11[%swap3A_388, %swap3A_389, %swap3A_390], %swap3A_393 {strides = array<i32>} : memref<2x96x128xf32, #tpu.memory_space<vmem>>, vector<1x1x16xf32>,
      }
      %scan3A_205 = arith.constant 96 : i32
      %add3A_206 = arith.addi %mul3A_2, %add3A_160 : i32
      %mul3A_207 = arith.constant 96 : i32
      %mul3A_208 = arith.muli %add3A_206, %mul3A_207 : i32
      %run_scoped3A_209 = arith.constant 1 : i32
      "tpu.region"() ({
        %run_scoped3A_212 = tpu.sem_alloc : memref<!tpu.dma_semaphore, #tpu.memory_space<semaphore_mem>>
        %dma_start3A_213 = arith.constant 0 : i32
        %dma_start3A_214 = tpu.memref_slice %arg10[%run_scoped3A_209, %dma_start3A_213] : memref<2x96xi32, #tpu.memory_space<vmem>> -> memref<1x96xi32, #tpu.memory_space<vmem>>
        %dma_start3A_215 = tpu.memref_squeeze %dma_start3A_214 : memref<1x96xi32, #tpu.memory_space<vmem>> -> memref<96xi32, #tpu.memory_space<vmem>>
        %dma_start3A_216 = tpu.memref_slice %arg5[%mul3A_208] : memref<328704xi32, #tpu.memory_space<hbm>> -> memref<96xi32, #tpu.memory_space<hbm>>
        %dma_start3A_217 = arith.constant 0 : i32
        %dma_start3A_218 = tpu.memref_slice %arg10[%run_scoped3A_209, %dma_start3A_217] : memref<2x96xi32, #tpu.memory_space<vmem>> -> memref<1x96xi32, #tpu.memory_space<vmem>>
        %dma_start3A_219 = tpu.memref_squeeze %dma_start3A_218 : memref<1x96xi32, #tpu.memory_space<vmem>> -> memref<96xi32, #tpu.memory_space<vmem>>
        %dma_start3A_220 = tpu.memref_slice %arg5[%mul3A_208] : memref<328704xi32, #tpu.memory_space<hbm>> -> memref<96xi32, #tpu.memory_space<hbm>>
        tpu.enqueue_dma source(%dma_start3A_220 : memref<96xi32, #tpu.memory_space<hbm>>) target(%dma_start3A_219 : memref<96xi32, #tpu.memory_space<vmem>>) target_semaphore(%run_scoped3A_212 : memref<!tpu.dma_semaphore, #tpu.memory_space<semaphore_mem>>)
        %dma_wait3A_221 = arith.constant 0 : i32
        %dma_wait3A_222 = tpu.memref_slice %arg10[%run_scoped3A_209, %dma_wait3A_221] : memref<2x96xi32, #tpu.memory_space<vmem>> -> memref<1x96xi32, #tpu.memory_space<vmem>>
        %dma_wait3A_223 = tpu.memref_squeeze %dma_wait3A_222 : memref<1x96xi32, #tpu.memory_space<vmem>> -> memref<96xi32, #tpu.memory_space<vmem>>
        %dma_wait3A_224 = tpu.memref_slice %arg5[%mul3A_208] : memref<328704xi32, #tpu.memory_space<hbm>> -> memref<96xi32, #tpu.memory_space<hbm>>
        %dma_wait3A_225 = arith.constant 0 : i32
        %dma_wait3A_226 = tpu.memref_slice %arg10[%run_scoped3A_209, %dma_wait3A_225] : memref<2x96xi32, #tpu.memory_space<vmem>> -> memref<1x96xi32, #tpu.memory_space<vmem>>
        %dma_wait3A_227 = tpu.memref_squeeze %dma_wait3A_226 : memref<1x96xi32, #tpu.memory_space<vmem>> -> memref<96xi32, #tpu.memory_space<vmem>>
        %dma_wait3A_228 = tpu.memref_slice %arg5[%mul3A_208] : memref<328704xi32, #tpu.memory_space<hbm>> -> memref<96xi32, #tpu.memory_space<hbm>>
        tpu.wait_dma2 semaphore(%run_scoped3A_212 : memref<!tpu.dma_semaphore, #tpu.memory_space<semaphore_mem>>) src(%dma_wait3A_228 : memref<96xi32, #tpu.memory_space<hbm>>) dst(%dma_wait3A_227 : memref<96xi32, #tpu.memory_space<vmem>>)
        tpu.yield
      }) : () -> ()
      %run_scoped3A_210 = arith.constant 1 : i32
      %run_scoped3A_211 = arith.constant 1 : i32
      "tpu.region"() ({
        %run_scoped3A_212 = tpu.sem_alloc : memref<!tpu.dma_semaphore, #tpu.memory_space<semaphore_mem>>
        %dma_start3A_213 = arith.constant 0 : i32
        %dma_start3A_214 = arith.constant 0 : i32
        %dma_start3A_215 = tpu.memref_slice %arg11[%run_scoped3A_210, %dma_start3A_213, %dma_start3A_214] : memref<2x96x128xf32, #tpu.memory_space<vmem>> -> memref<1x96x128xf32, #tpu.memory_space<vmem>>
        %dma_start3A_216 = tpu.memref_squeeze %dma_start3A_215 : memref<1x96x128xf32, #tpu.memory_space<vmem>> -> memref<96x128xf32, #tpu.memory_space<vmem>>
        %dma_start3A_217 = arith.constant 0 : i32
        %dma_start3A_218 = tpu.memref_slice %arg10[%run_scoped3A_211, %dma_start3A_217] : memref<2x96xi32, #tpu.memory_space<vmem>> -> memref<1x96xi32, #tpu.memory_space<vmem>>
        %dma_start3A_219 = tpu.memref_squeeze %dma_start3A_218 : memref<1x96xi32, #tpu.memory_space<vmem>> -> memref<96xi32, #tpu.memory_space<vmem>>
        %dma_start3A_220 = arith.constant 0 : i32
        %dma_start3A_221 = arith.constant 0 : i32
        %dma_start3A_222 = tpu.memref_slice %arg8[%dma_start3A_220, %dma_start3A_221] : memref<10000x128xf32, #tpu.memory_space<vmem_shared>> -> memref<10000x128xf32, #tpu.memory_space<vmem_shared>>
        tpu.enqueue_indirect_dma source(%dma_start3A_216 : memref<96x128xf32, #tpu.memory_space<vmem>>) target(%dma_start3A_222 : memref<10000x128xf32, #tpu.memory_space<vmem_shared>>) offsets(%dma_start3A_219 : memref<96xi32, #tpu.memory_space<vmem>>) semaphore(%run_scoped3A_212 : memref<!tpu.dma_semaphore, #tpu.memory_space<semaphore_mem>>) {add = true}
        %dma_wait3A_223 = arith.constant 0 : i32
        %dma_wait3A_224 = arith.constant 0 : i32
        %dma_wait3A_225 = tpu.memref_slice %arg11[%run_scoped3A_210, %dma_wait3A_223, %dma_wait3A_224] : memref<2x96x128xf32, #tpu.memory_space<vmem>> -> memref<1x96x128xf32, #tpu.memory_space<vmem>>
        %dma_wait3A_226 = tpu.memref_squeeze %dma_wait3A_225 : memref<1x96x128xf32, #tpu.memory_space<vmem>> -> memref<96x128xf32, #tpu.memory_space<vmem>>
        %dma_wait3A_227 = arith.constant 0 : i32
        %dma_wait3A_228 = tpu.memref_slice %arg10[%run_scoped3A_211, %dma_wait3A_227] : memref<2x96xi32, #tpu.memory_space<vmem>> -> memref<1x96xi32, #tpu.memory_space<vmem>>
        %dma_wait3A_229 = tpu.memref_squeeze %dma_wait3A_228 : memref<1x96xi32, #tpu.memory_space<vmem>> -> memref<96xi32, #tpu.memory_space<vmem>>
        %dma_wait3A_230 = arith.constant 0 : i32
        %dma_wait3A_231 = arith.constant 0 : i32
        %dma_wait3A_232 = tpu.memref_slice %arg8[%dma_wait3A_230, %dma_wait3A_231] : memref<10000x128xf32, #tpu.memory_space<vmem_shared>> -> memref<10000x128xf32, #tpu.memory_space<vmem_shared>>
        tpu.wait_indirect_dma semaphore(%run_scoped3A_212 : memref<!tpu.dma_semaphore, #tpu.memory_space<semaphore_mem>>) src(%dma_wait3A_226 : memref<96x128xf32, #tpu.memory_space<vmem>>) dst(%dma_wait3A_232 : memref<10000x128xf32, #tpu.memory_space<vmem_shared>>)
        tpu.yield
      }) : () -> ()
    }
    %scan3A_48 = arith.constant 53 : i32
    %dma_wait3A = arith.constant 0 : i32
    %dma_wait3A_49 = arith.constant 0 : i32
    %dma_wait3A_50 = arith.constant 0 : i32
    %dma_wait3A_51 = arith.constant 0 : i32
    %dma_wait3A_52 = arith.constant 0 : i32
    %dma_wait3A_53 = tpu.memref_slice %arg11[%dma_wait3A_49, %dma_wait3A_51, %dma_wait3A_52] : memref<2x96x128xf32, #tpu.memory_space<vmem>> -> memref<1x96x128xf32, #tpu.memory_space<vmem>>
    %dma_wait3A_54 = tpu.memref_squeeze %dma_wait3A_53 : memref<1x96x128xf32, #tpu.memory_space<vmem>> -> memref<96x128xf32, #tpu.memory_space<vmem>>
    %dma_wait3A_55 = arith.constant 0 : i32
    %dma_wait3A_56 = tpu.memref_slice %arg9[%dma_wait3A, %dma_wait3A_55] : memref<2x96xi32, #tpu.memory_space<vmem>> -> memref<1x96xi32, #tpu.memory_space<vmem>>
    %dma_wait3A_57 = tpu.memref_squeeze %dma_wait3A_56 : memref<1x96xi32, #tpu.memory_space<vmem>> -> memref<96xi32, #tpu.memory_space<vmem>>
    %dma_wait3A_58 = arith.constant 0 : i32
    %dma_wait3A_59 = arith.constant 0 : i32
    %dma_wait3A_60 = tpu.memref_slice %arg2[%dma_wait3A_58, %dma_wait3A_59] : memref<10000x128xf32, #tpu.memory_space<hbm>> -> memref<10000x128xf32, #tpu.memory_space<hbm>>
    %dma_wait3A_61 = tpu.memref_slice %arg13[%dma_wait3A_50] : memref<2x!tpu.dma_semaphore, #tpu.memory_space<semaphore_mem>> -> memref<1x!tpu.dma_semaphore, #tpu.memory_space<semaphore_mem>>
    %dma_wait3A_62 = tpu.memref_squeeze %dma_wait3A_61 : memref<1x!tpu.dma_semaphore, #tpu.memory_space<semaphore_mem>> -> memref<!tpu.dma_semaphore, #tpu.memory_space<semaphore_mem>>
    tpu.wait_indirect_dma semaphore(%dma_wait3A_62 : memref<!tpu.dma_semaphore, #tpu.memory_space<semaphore_mem>>) src(%dma_wait3A_60 : memref<10000x128xf32, #tpu.memory_space<hbm>>) dst(%dma_wait3A_54 : memref<96x128xf32, #tpu.memory_space<vmem>>)
    %add3A_63 = arith.constant 106 : i32
    %add3A_64 = arith.addi %mul3A_2, %add3A_63 : i32
    %mul3A_65 = arith.constant 96 : i32
    %mul3A_66 = arith.muli %add3A_64, %mul3A_65 : i32
    %dma_wait3A_67 = arith.constant 0 : i32
    %dma_wait3A_68 = arith.constant 0 : i32
    %dma_wait3A_69 = arith.constant 0 : i32
    %dma_wait3A_70 = arith.constant 0 : i32
    %dma_wait3A_71 = tpu.memref_slice %arg12[%dma_wait3A_67, %dma_wait3A_69, %dma_wait3A_70] : memref<2x96x128xf32, #tpu.memory_space<vmem>> -> memref<1x96x128xf32, #tpu.memory_space<vmem>>
    %dma_wait3A_72 = tpu.memref_squeeze %dma_wait3A_71 : memref<1x96x128xf32, #tpu.memory_space<vmem>> -> memref<96x128xf32, #tpu.memory_space<vmem>>
    %dma_wait3A_73 = arith.constant 0 : i32
    %dma_wait3A_74 = tpu.memref_slice %arg3[%mul3A_66, %dma_wait3A_73] : memref<328704x128xf32, #tpu.memory_space<hbm>> -> memref<96x128xf32, #tpu.memory_space<hbm>>
    %dma_wait3A_75 = tpu.memref_slice %arg14[%dma_wait3A_68] : memref<2x!tpu.dma_semaphore, #tpu.memory_space<semaphore_mem>> -> memref<1x!tpu.dma_semaphore, #tpu.memory_space<semaphore_mem>>
    %dma_wait3A_76 = tpu.memref_squeeze %dma_wait3A_75 : memref<1x!tpu.dma_semaphore, #tpu.memory_space<semaphore_mem>> -> memref<!tpu.dma_semaphore, #tpu.memory_space<semaphore_mem>>
    %dma_wait3A_77 = arith.constant 0 : i32
    %dma_wait3A_78 = arith.constant 0 : i32
    %dma_wait3A_79 = tpu.memref_slice %arg12[%dma_wait3A_67, %dma_wait3A_77, %dma_wait3A_78] : memref<2x96x128xf32, #tpu.memory_space<vmem>> -> memref<1x96x128xf32, #tpu.memory_space<vmem>>
    %dma_wait3A_80 = tpu.memref_squeeze %dma_wait3A_79 : memref<1x96x128xf32, #tpu.memory_space<vmem>> -> memref<96x128xf32, #tpu.memory_space<vmem>>
    %dma_wait3A_81 = arith.constant 0 : i32
    %dma_wait3A_82 = tpu.memref_slice %arg3[%mul3A_66, %dma_wait3A_81] : memref<328704x128xf32, #tpu.memory_space<hbm>> -> memref<96x128xf32, #tpu.memory_space<hbm>>
    tpu.wait_dma2 semaphore(%dma_wait3A_76 : memref<!tpu.dma_semaphore, #tpu.memory_space<semaphore_mem>>) src(%dma_wait3A_82 : memref<96x128xf32, #tpu.memory_space<hbm>>) dst(%dma_wait3A_80 : memref<96x128xf32, #tpu.memory_space<vmem>>)
    %scan3A_83 = arith.constant 0 : i32
    %scan3A_84 = arith.constant 0 : i32
    %scan3A_85 = arith.constant 96 : i32
    %scan3A_86 = arith.addi %scan3A_84, %scan3A_85 : i32
    %scan3A_87 = arith.constant 1 : i32
    scf.for %scan3A_102 = %scan3A_84 to %scan3A_86 step %scan3A_87  : i32 {
      %get3A = arith.constant 0 : i32
      %get3A_103 = arith.index_cast %get3A : i32 to index
      %get3A_104 = arith.index_cast %scan3A_102 : i32 to index
      %get3A_105 = arith.constant 0 : index
      %get3A_106 = tpu.vector_load %arg11[%get3A_103, %get3A_104, %get3A_105] {strides = array<i32>} : memref<2x96x128xf32, #tpu.memory_space<vmem>>, vector<1x1x16xf32>,
      %get3A_107 = vector.shape_cast %get3A_106 : vector<1x1x16xf32> to vector<16xf32>
      %get3A_108 = arith.constant 0 : i32
      %get3A_109 = arith.index_cast %get3A_108 : i32 to index
      %get3A_110 = arith.index_cast %scan3A_102 : i32 to index
      %get3A_111 = arith.constant 0 : index
      %get3A_112 = tpu.vector_load %arg12[%get3A_109, %get3A_110, %get3A_111] {strides = array<i32>} : memref<2x96x128xf32, #tpu.memory_space<vmem>>, vector<1x1x16xf32>,
      %get3A_113 = vector.shape_cast %get3A_112 : vector<1x1x16xf32> to vector<16xf32>
      %add3A_114 = arith.addf %get3A_107, %get3A_113 : vector<16xf32>
      %max3A = arith.constant 0.000000e+00 : f32
      %max3A_115 = vector.broadcast %max3A : f32 to vector<16xf32>
      %max3A_116 = arith.maximumf %add3A_114, %max3A_115 : vector<16xf32>
      %swap3A = arith.constant 0 : i32
      %swap3A_117 = arith.index_cast %swap3A : i32 to index
      %swap3A_118 = arith.index_cast %scan3A_102 : i32 to index
      %swap3A_119 = arith.constant 0 : index
      %swap3A_120 = tpu.vector_load %arg11[%swap3A_117, %swap3A_118, %swap3A_119] {strides = array<i32>} : memref<2x96x128xf32, #tpu.memory_space<vmem>>, vector<1x1x16xf32>,
      %swap3A_121 = vector.shape_cast %swap3A_120 : vector<1x1x16xf32> to vector<16xf32>
      %swap3A_122 = vector.shape_cast %max3A_116 : vector<16xf32> to vector<1x1x16xf32>
      tpu.vector_store %arg11[%swap3A_117, %swap3A_118, %swap3A_119], %swap3A_122 {strides = array<i32>} : memref<2x96x128xf32, #tpu.memory_space<vmem>>, vector<1x1x16xf32>,
      %get3A_123 = arith.constant 0 : i32
      %get3A_124 = arith.index_cast %get3A_123 : i32 to index
      %get3A_125 = arith.index_cast %scan3A_102 : i32 to index
      %get3A_126 = arith.constant 16 : index
      %get3A_127 = tpu.vector_load %arg11[%get3A_124, %get3A_125, %get3A_126] {strides = array<i32>} : memref<2x96x128xf32, #tpu.memory_space<vmem>>, vector<1x1x16xf32>,
      %get3A_128 = vector.shape_cast %get3A_127 : vector<1x1x16xf32> to vector<16xf32>
      %get3A_129 = arith.constant 0 : i32
      %get3A_130 = arith.index_cast %get3A_129 : i32 to index
      %get3A_131 = arith.index_cast %scan3A_102 : i32 to index
      %get3A_132 = arith.constant 16 : index
      %get3A_133 = tpu.vector_load %arg12[%get3A_130, %get3A_131, %get3A_132] {strides = array<i32>} : memref<2x96x128xf32, #tpu.memory_space<vmem>>, vector<1x1x16xf32>,
      %get3A_134 = vector.shape_cast %get3A_133 : vector<1x1x16xf32> to vector<16xf32>
      %add3A_135 = arith.addf %get3A_128, %get3A_134 : vector<16xf32>
      %max3A_136 = arith.constant 0.000000e+00 : f32
      %max3A_137 = vector.broadcast %max3A_136 : f32 to vector<16xf32>
      %max3A_138 = arith.maximumf %add3A_135, %max3A_137 : vector<16xf32>
      %swap3A_139 = arith.constant 0 : i32
      %swap3A_140 = arith.index_cast %swap3A_139 : i32 to index
      %swap3A_141 = arith.index_cast %scan3A_102 : i32 to index
      %swap3A_142 = arith.constant 16 : index
      %swap3A_143 = tpu.vector_load %arg11[%swap3A_140, %swap3A_141, %swap3A_142] {strides = array<i32>} : memref<2x96x128xf32, #tpu.memory_space<vmem>>, vector<1x1x16xf32>,
      %swap3A_144 = vector.shape_cast %swap3A_143 : vector<1x1x16xf32> to vector<16xf32>
      %swap3A_145 = vector.shape_cast %max3A_138 : vector<16xf32> to vector<1x1x16xf32>
      tpu.vector_store %arg11[%swap3A_140, %swap3A_141, %swap3A_142], %swap3A_145 {strides = array<i32>} : memref<2x96x128xf32, #tpu.memory_space<vmem>>, vector<1x1x16xf32>,
      %get3A_146 = arith.constant 0 : i32
      %get3A_147 = arith.index_cast %get3A_146 : i32 to index
      %get3A_148 = arith.index_cast %scan3A_102 : i32 to index
      %get3A_149 = arith.constant 32 : index
      %get3A_150 = tpu.vector_load %arg11[%get3A_147, %get3A_148, %get3A_149] {strides = array<i32>} : memref<2x96x128xf32, #tpu.memory_space<vmem>>, vector<1x1x16xf32>,
      %get3A_151 = vector.shape_cast %get3A_150 : vector<1x1x16xf32> to vector<16xf32>
      %get3A_152 = arith.constant 0 : i32
      %get3A_153 = arith.index_cast %get3A_152 : i32 to index
      %get3A_154 = arith.index_cast %scan3A_102 : i32 to index
      %get3A_155 = arith.constant 32 : index
      %get3A_156 = tpu.vector_load %arg12[%get3A_153, %get3A_154, %get3A_155] {strides = array<i32>} : memref<2x96x128xf32, #tpu.memory_space<vmem>>, vector<1x1x16xf32>,
      %get3A_157 = vector.shape_cast %get3A_156 : vector<1x1x16xf32> to vector<16xf32>
      %add3A_158 = arith.addf %get3A_151, %get3A_157 : vector<16xf32>
      %max3A_159 = arith.constant 0.000000e+00 : f32
      %max3A_160 = vector.broadcast %max3A_159 : f32 to vector<16xf32>
      %max3A_161 = arith.maximumf %add3A_158, %max3A_160 : vector<16xf32>
      %swap3A_162 = arith.constant 0 : i32
      %swap3A_163 = arith.index_cast %swap3A_162 : i32 to index
      %swap3A_164 = arith.index_cast %scan3A_102 : i32 to index
      %swap3A_165 = arith.constant 32 : index
      %swap3A_166 = tpu.vector_load %arg11[%swap3A_163, %swap3A_164, %swap3A_165] {strides = array<i32>} : memref<2x96x128xf32, #tpu.memory_space<vmem>>, vector<1x1x16xf32>,
      %swap3A_167 = vector.shape_cast %swap3A_166 : vector<1x1x16xf32> to vector<16xf32>
      %swap3A_168 = vector.shape_cast %max3A_161 : vector<16xf32> to vector<1x1x16xf32>
      tpu.vector_store %arg11[%swap3A_163, %swap3A_164, %swap3A_165], %swap3A_168 {strides = array<i32>} : memref<2x96x128xf32, #tpu.memory_space<vmem>>, vector<1x1x16xf32>,
      %get3A_169 = arith.constant 0 : i32
      %get3A_170 = arith.index_cast %get3A_169 : i32 to index
      %get3A_171 = arith.index_cast %scan3A_102 : i32 to index
      %get3A_172 = arith.constant 48 : index
      %get3A_173 = tpu.vector_load %arg11[%get3A_170, %get3A_171, %get3A_172] {strides = array<i32>} : memref<2x96x128xf32, #tpu.memory_space<vmem>>, vector<1x1x16xf32>,
      %get3A_174 = vector.shape_cast %get3A_173 : vector<1x1x16xf32> to vector<16xf32>
      %get3A_175 = arith.constant 0 : i32
      %get3A_176 = arith.index_cast %get3A_175 : i32 to index
      %get3A_177 = arith.index_cast %scan3A_102 : i32 to index
      %get3A_178 = arith.constant 48 : index
      %get3A_179 = tpu.vector_load %arg12[%get3A_176, %get3A_177, %get3A_178] {strides = array<i32>} : memref<2x96x128xf32, #tpu.memory_space<vmem>>, vector<1x1x16xf32>,
      %get3A_180 = vector.shape_cast %get3A_179 : vector<1x1x16xf32> to vector<16xf32>
      %add3A_181 = arith.addf %get3A_174, %get3A_180 : vector<16xf32>
      %max3A_182 = arith.constant 0.000000e+00 : f32
      %max3A_183 = vector.broadcast %max3A_182 : f32 to vector<16xf32>
      %max3A_184 = arith.maximumf %add3A_181, %max3A_183 : vector<16xf32>
      %swap3A_185 = arith.constant 0 : i32
      %swap3A_186 = arith.index_cast %swap3A_185 : i32 to index
      %swap3A_187 = arith.index_cast %scan3A_102 : i32 to index
      %swap3A_188 = arith.constant 48 : index
      %swap3A_189 = tpu.vector_load %arg11[%swap3A_186, %swap3A_187, %swap3A_188] {strides = array<i32>} : memref<2x96x128xf32, #tpu.memory_space<vmem>>, vector<1x1x16xf32>,
      %swap3A_190 = vector.shape_cast %swap3A_189 : vector<1x1x16xf32> to vector<16xf32>
      %swap3A_191 = vector.shape_cast %max3A_184 : vector<16xf32> to vector<1x1x16xf32>
      tpu.vector_store %arg11[%swap3A_186, %swap3A_187, %swap3A_188], %swap3A_191 {strides = array<i32>} : memref<2x96x128xf32, #tpu.memory_space<vmem>>, vector<1x1x16xf32>,
      %get3A_192 = arith.constant 0 : i32
      %get3A_193 = arith.index_cast %get3A_192 : i32 to index
      %get3A_194 = arith.index_cast %scan3A_102 : i32 to index
      %get3A_195 = arith.constant 64 : index
      %get3A_196 = tpu.vector_load %arg11[%get3A_193, %get3A_194, %get3A_195] {strides = array<i32>} : memref<2x96x128xf32, #tpu.memory_space<vmem>>, vector<1x1x16xf32>,
      %get3A_197 = vector.shape_cast %get3A_196 : vector<1x1x16xf32> to vector<16xf32>
      %get3A_198 = arith.constant 0 : i32
      %get3A_199 = arith.index_cast %get3A_198 : i32 to index
      %get3A_200 = arith.index_cast %scan3A_102 : i32 to index
      %get3A_201 = arith.constant 64 : index
      %get3A_202 = tpu.vector_load %arg12[%get3A_199, %get3A_200, %get3A_201] {strides = array<i32>} : memref<2x96x128xf32, #tpu.memory_space<vmem>>, vector<1x1x16xf32>,
      %get3A_203 = vector.shape_cast %get3A_202 : vector<1x1x16xf32> to vector<16xf32>
      %add3A_204 = arith.addf %get3A_197, %get3A_203 : vector<16xf32>
      %max3A_205 = arith.constant 0.000000e+00 : f32
      %max3A_206 = vector.broadcast %max3A_205 : f32 to vector<16xf32>
      %max3A_207 = arith.maximumf %add3A_204, %max3A_206 : vector<16xf32>
      %swap3A_208 = arith.constant 0 : i32
      %swap3A_209 = arith.index_cast %swap3A_208 : i32 to index
      %swap3A_210 = arith.index_cast %scan3A_102 : i32 to index
      %swap3A_211 = arith.constant 64 : index
      %swap3A_212 = tpu.vector_load %arg11[%swap3A_209, %swap3A_210, %swap3A_211] {strides = array<i32>} : memref<2x96x128xf32, #tpu.memory_space<vmem>>, vector<1x1x16xf32>,
      %swap3A_213 = vector.shape_cast %swap3A_212 : vector<1x1x16xf32> to vector<16xf32>
      %swap3A_214 = vector.shape_cast %max3A_207 : vector<16xf32> to vector<1x1x16xf32>
      tpu.vector_store %arg11[%swap3A_209, %swap3A_210, %swap3A_211], %swap3A_214 {strides = array<i32>} : memref<2x96x128xf32, #tpu.memory_space<vmem>>, vector<1x1x16xf32>,
      %get3A_215 = arith.constant 0 : i32
      %get3A_216 = arith.index_cast %get3A_215 : i32 to index
      %get3A_217 = arith.index_cast %scan3A_102 : i32 to index
      %get3A_218 = arith.constant 80 : index
      %get3A_219 = tpu.vector_load %arg11[%get3A_216, %get3A_217, %get3A_218] {strides = array<i32>} : memref<2x96x128xf32, #tpu.memory_space<vmem>>, vector<1x1x16xf32>,
      %get3A_220 = vector.shape_cast %get3A_219 : vector<1x1x16xf32> to vector<16xf32>
      %get3A_221 = arith.constant 0 : i32
      %get3A_222 = arith.index_cast %get3A_221 : i32 to index
      %get3A_223 = arith.index_cast %scan3A_102 : i32 to index
      %get3A_224 = arith.constant 80 : index
      %get3A_225 = tpu.vector_load %arg12[%get3A_222, %get3A_223, %get3A_224] {strides = array<i32>} : memref<2x96x128xf32, #tpu.memory_space<vmem>>, vector<1x1x16xf32>,
      %get3A_226 = vector.shape_cast %get3A_225 : vector<1x1x16xf32> to vector<16xf32>
      %add3A_227 = arith.addf %get3A_220, %get3A_226 : vector<16xf32>
      %max3A_228 = arith.constant 0.000000e+00 : f32
      %max3A_229 = vector.broadcast %max3A_228 : f32 to vector<16xf32>
      %max3A_230 = arith.maximumf %add3A_227, %max3A_229 : vector<16xf32>
      %swap3A_231 = arith.constant 0 : i32
      %swap3A_232 = arith.index_cast %swap3A_231 : i32 to index
      %swap3A_233 = arith.index_cast %scan3A_102 : i32 to index
      %swap3A_234 = arith.constant 80 : index
      %swap3A_235 = tpu.vector_load %arg11[%swap3A_232, %swap3A_233, %swap3A_234] {strides = array<i32>} : memref<2x96x128xf32, #tpu.memory_space<vmem>>, vector<1x1x16xf32>,
      %swap3A_236 = vector.shape_cast %swap3A_235 : vector<1x1x16xf32> to vector<16xf32>
      %swap3A_237 = vector.shape_cast %max3A_230 : vector<16xf32> to vector<1x1x16xf32>
      tpu.vector_store %arg11[%swap3A_232, %swap3A_233, %swap3A_234], %swap3A_237 {strides = array<i32>} : memref<2x96x128xf32, #tpu.memory_space<vmem>>, vector<1x1x16xf32>,
      %get3A_238 = arith.constant 0 : i32
      %get3A_239 = arith.index_cast %get3A_238 : i32 to index
      %get3A_240 = arith.index_cast %scan3A_102 : i32 to index
      %get3A_241 = arith.constant 96 : index
      %get3A_242 = tpu.vector_load %arg11[%get3A_239, %get3A_240, %get3A_241] {strides = array<i32>} : memref<2x96x128xf32, #tpu.memory_space<vmem>>, vector<1x1x16xf32>,
      %get3A_243 = vector.shape_cast %get3A_242 : vector<1x1x16xf32> to vector<16xf32>
      %get3A_244 = arith.constant 0 : i32
      %get3A_245 = arith.index_cast %get3A_244 : i32 to index
      %get3A_246 = arith.index_cast %scan3A_102 : i32 to index
      %get3A_247 = arith.constant 96 : index
      %get3A_248 = tpu.vector_load %arg12[%get3A_245, %get3A_246, %get3A_247] {strides = array<i32>} : memref<2x96x128xf32, #tpu.memory_space<vmem>>, vector<1x1x16xf32>,
      %get3A_249 = vector.shape_cast %get3A_248 : vector<1x1x16xf32> to vector<16xf32>
      %add3A_250 = arith.addf %get3A_243, %get3A_249 : vector<16xf32>
      %max3A_251 = arith.constant 0.000000e+00 : f32
      %max3A_252 = vector.broadcast %max3A_251 : f32 to vector<16xf32>
      %max3A_253 = arith.maximumf %add3A_250, %max3A_252 : vector<16xf32>
      %swap3A_254 = arith.constant 0 : i32
      %swap3A_255 = arith.index_cast %swap3A_254 : i32 to index
      %swap3A_256 = arith.index_cast %scan3A_102 : i32 to index
      %swap3A_257 = arith.constant 96 : index
      %swap3A_258 = tpu.vector_load %arg11[%swap3A_255, %swap3A_256, %swap3A_257] {strides = array<i32>} : memref<2x96x128xf32, #tpu.memory_space<vmem>>, vector<1x1x16xf32>,
      %swap3A_259 = vector.shape_cast %swap3A_258 : vector<1x1x16xf32> to vector<16xf32>
      %swap3A_260 = vector.shape_cast %max3A_253 : vector<16xf32> to vector<1x1x16xf32>
      tpu.vector_store %arg11[%swap3A_255, %swap3A_256, %swap3A_257], %swap3A_260 {strides = array<i32>} : memref<2x96x128xf32, #tpu.memory_space<vmem>>, vector<1x1x16xf32>,
      %get3A_261 = arith.constant 0 : i32
      %get3A_262 = arith.index_cast %get3A_261 : i32 to index
      %get3A_263 = arith.index_cast %scan3A_102 : i32 to index
      %get3A_264 = arith.constant 112 : index
      %get3A_265 = tpu.vector_load %arg11[%get3A_262, %get3A_263, %get3A_264] {strides = array<i32>} : memref<2x96x128xf32, #tpu.memory_space<vmem>>, vector<1x1x16xf32>,
      %get3A_266 = vector.shape_cast %get3A_265 : vector<1x1x16xf32> to vector<16xf32>
      %get3A_267 = arith.constant 0 : i32
      %get3A_268 = arith.index_cast %get3A_267 : i32 to index
      %get3A_269 = arith.index_cast %scan3A_102 : i32 to index
      %get3A_270 = arith.constant 112 : index
      %get3A_271 = tpu.vector_load %arg12[%get3A_268, %get3A_269, %get3A_270] {strides = array<i32>} : memref<2x96x128xf32, #tpu.memory_space<vmem>>, vector<1x1x16xf32>,
      %get3A_272 = vector.shape_cast %get3A_271 : vector<1x1x16xf32> to vector<16xf32>
      %add3A_273 = arith.addf %get3A_266, %get3A_272 : vector<16xf32>
      %max3A_274 = arith.constant 0.000000e+00 : f32
      %max3A_275 = vector.broadcast %max3A_274 : f32 to vector<16xf32>
      %max3A_276 = arith.maximumf %add3A_273, %max3A_275 : vector<16xf32>
      %swap3A_277 = arith.constant 0 : i32
      %swap3A_278 = arith.index_cast %swap3A_277 : i32 to index
      %swap3A_279 = arith.index_cast %scan3A_102 : i32 to index
      %swap3A_280 = arith.constant 112 : index
      %swap3A_281 = tpu.vector_load %arg11[%swap3A_278, %swap3A_279, %swap3A_280] {strides = array<i32>} : memref<2x96x128xf32, #tpu.memory_space<vmem>>, vector<1x1x16xf32>,
      %swap3A_282 = vector.shape_cast %swap3A_281 : vector<1x1x16xf32> to vector<16xf32>
      %swap3A_283 = vector.shape_cast %max3A_276 : vector<16xf32> to vector<1x1x16xf32>
      tpu.vector_store %arg11[%swap3A_278, %swap3A_279, %swap3A_280], %swap3A_283 {strides = array<i32>} : memref<2x96x128xf32, #tpu.memory_space<vmem>>, vector<1x1x16xf32>,
    }
    %scan3A_88 = arith.constant 96 : i32
    %add3A_89 = arith.constant 106 : i32
    %add3A_90 = arith.addi %mul3A_2, %add3A_89 : i32
    %mul3A_91 = arith.constant 96 : i32
    %mul3A_92 = arith.muli %add3A_90, %mul3A_91 : i32
    %run_scoped3A_93 = arith.constant 0 : i32
    "tpu.region"() ({
      %run_scoped3A_102 = tpu.sem_alloc : memref<!tpu.dma_semaphore, #tpu.memory_space<semaphore_mem>>
      %dma_start3A_103 = arith.constant 0 : i32
      %dma_start3A_104 = tpu.memref_slice %arg10[%run_scoped3A_93, %dma_start3A_103] : memref<2x96xi32, #tpu.memory_space<vmem>> -> memref<1x96xi32, #tpu.memory_space<vmem>>
      %dma_start3A_105 = tpu.memref_squeeze %dma_start3A_104 : memref<1x96xi32, #tpu.memory_space<vmem>> -> memref<96xi32, #tpu.memory_space<vmem>>
      %dma_start3A_106 = tpu.memref_slice %arg5[%mul3A_92] : memref<328704xi32, #tpu.memory_space<hbm>> -> memref<96xi32, #tpu.memory_space<hbm>>
      %dma_start3A_107 = arith.constant 0 : i32
      %dma_start3A_108 = tpu.memref_slice %arg10[%run_scoped3A_93, %dma_start3A_107] : memref<2x96xi32, #tpu.memory_space<vmem>> -> memref<1x96xi32, #tpu.memory_space<vmem>>
      %dma_start3A_109 = tpu.memref_squeeze %dma_start3A_108 : memref<1x96xi32, #tpu.memory_space<vmem>> -> memref<96xi32, #tpu.memory_space<vmem>>
      %dma_start3A_110 = tpu.memref_slice %arg5[%mul3A_92] : memref<328704xi32, #tpu.memory_space<hbm>> -> memref<96xi32, #tpu.memory_space<hbm>>
      tpu.enqueue_dma source(%dma_start3A_110 : memref<96xi32, #tpu.memory_space<hbm>>) target(%dma_start3A_109 : memref<96xi32, #tpu.memory_space<vmem>>) target_semaphore(%run_scoped3A_102 : memref<!tpu.dma_semaphore, #tpu.memory_space<semaphore_mem>>)
      %dma_wait3A_111 = arith.constant 0 : i32
      %dma_wait3A_112 = tpu.memref_slice %arg10[%run_scoped3A_93, %dma_wait3A_111] : memref<2x96xi32, #tpu.memory_space<vmem>> -> memref<1x96xi32, #tpu.memory_space<vmem>>
      %dma_wait3A_113 = tpu.memref_squeeze %dma_wait3A_112 : memref<1x96xi32, #tpu.memory_space<vmem>> -> memref<96xi32, #tpu.memory_space<vmem>>
      %dma_wait3A_114 = tpu.memref_slice %arg5[%mul3A_92] : memref<328704xi32, #tpu.memory_space<hbm>> -> memref<96xi32, #tpu.memory_space<hbm>>
      %dma_wait3A_115 = arith.constant 0 : i32
      %dma_wait3A_116 = tpu.memref_slice %arg10[%run_scoped3A_93, %dma_wait3A_115] : memref<2x96xi32, #tpu.memory_space<vmem>> -> memref<1x96xi32, #tpu.memory_space<vmem>>
      %dma_wait3A_117 = tpu.memref_squeeze %dma_wait3A_116 : memref<1x96xi32, #tpu.memory_space<vmem>> -> memref<96xi32, #tpu.memory_space<vmem>>
      %dma_wait3A_118 = tpu.memref_slice %arg5[%mul3A_92] : memref<328704xi32, #tpu.memory_space<hbm>> -> memref<96xi32, #tpu.memory_space<hbm>>
      tpu.wait_dma2 semaphore(%run_scoped3A_102 : memref<!tpu.dma_semaphore, #tpu.memory_space<semaphore_mem>>) src(%dma_wait3A_118 : memref<96xi32, #tpu.memory_space<hbm>>) dst(%dma_wait3A_117 : memref<96xi32, #tpu.memory_space<vmem>>)
      tpu.yield
    }) : () -> ()
    %run_scoped3A_94 = arith.constant 0 : i32
    %run_scoped3A_95 = arith.constant 0 : i32
    "tpu.region"() ({
      %run_scoped3A_102 = tpu.sem_alloc : memref<!tpu.dma_semaphore, #tpu.memory_space<semaphore_mem>>
      %dma_start3A_103 = arith.constant 0 : i32
      %dma_start3A_104 = arith.constant 0 : i32
      %dma_start3A_105 = tpu.memref_slice %arg11[%run_scoped3A_94, %dma_start3A_103, %dma_start3A_104] : memref<2x96x128xf32, #tpu.memory_space<vmem>> -> memref<1x96x128xf32, #tpu.memory_space<vmem>>
      %dma_start3A_106 = tpu.memref_squeeze %dma_start3A_105 : memref<1x96x128xf32, #tpu.memory_space<vmem>> -> memref<96x128xf32, #tpu.memory_space<vmem>>
      %dma_start3A_107 = arith.constant 0 : i32
      %dma_start3A_108 = tpu.memref_slice %arg10[%run_scoped3A_95, %dma_start3A_107] : memref<2x96xi32, #tpu.memory_space<vmem>> -> memref<1x96xi32, #tpu.memory_space<vmem>>
      %dma_start3A_109 = tpu.memref_squeeze %dma_start3A_108 : memref<1x96xi32, #tpu.memory_space<vmem>> -> memref<96xi32, #tpu.memory_space<vmem>>
      %dma_start3A_110 = arith.constant 0 : i32
      %dma_start3A_111 = arith.constant 0 : i32
      %dma_start3A_112 = tpu.memref_slice %arg8[%dma_start3A_110, %dma_start3A_111] : memref<10000x128xf32, #tpu.memory_space<vmem_shared>> -> memref<10000x128xf32, #tpu.memory_space<vmem_shared>>
      tpu.enqueue_indirect_dma source(%dma_start3A_106 : memref<96x128xf32, #tpu.memory_space<vmem>>) target(%dma_start3A_112 : memref<10000x128xf32, #tpu.memory_space<vmem_shared>>) offsets(%dma_start3A_109 : memref<96xi32, #tpu.memory_space<vmem>>) semaphore(%run_scoped3A_102 : memref<!tpu.dma_semaphore, #tpu.memory_space<semaphore_mem>>) {add = true}
      %dma_wait3A_113 = arith.constant 0 : i32
      %dma_wait3A_114 = arith.constant 0 : i32
      %dma_wait3A_115 = tpu.memref_slice %arg11[%run_scoped3A_94, %dma_wait3A_113, %dma_wait3A_114] : memref<2x96x128xf32, #tpu.memory_space<vmem>> -> memref<1x96x128xf32, #tpu.memory_space<vmem>>
      %dma_wait3A_116 = tpu.memref_squeeze %dma_wait3A_115 : memref<1x96x128xf32, #tpu.memory_space<vmem>> -> memref<96x128xf32, #tpu.memory_space<vmem>>
      %dma_wait3A_117 = arith.constant 0 : i32
      %dma_wait3A_118 = tpu.memref_slice %arg10[%run_scoped3A_95, %dma_wait3A_117] : memref<2x96xi32, #tpu.memory_space<vmem>> -> memref<1x96xi32, #tpu.memory_space<vmem>>
      %dma_wait3A_119 = tpu.memref_squeeze %dma_wait3A_118 : memref<1x96xi32, #tpu.memory_space<vmem>> -> memref<96xi32, #tpu.memory_space<vmem>>
      %dma_wait3A_120 = arith.constant 0 : i32
      %dma_wait3A_121 = arith.constant 0 : i32
      %dma_wait3A_122 = tpu.memref_slice %arg8[%dma_wait3A_120, %dma_wait3A_121] : memref<10000x128xf32, #tpu.memory_space<vmem_shared>> -> memref<10000x128xf32, #tpu.memory_space<vmem_shared>>
      tpu.wait_indirect_dma semaphore(%run_scoped3A_102 : memref<!tpu.dma_semaphore, #tpu.memory_space<semaphore_mem>>) src(%dma_wait3A_116 : memref<96x128xf32, #tpu.memory_space<vmem>>) dst(%dma_wait3A_122 : memref<10000x128xf32, #tpu.memory_space<vmem_shared>>)
      tpu.yield
    }) : () -> ()
    %barrier3A_96 = arith.constant 0 : index
    tpu.barrier barrier_id(%barrier3A_96)
    "tpu.region"() ({
      %run_scoped3A_102 = tpu.sem_alloc : memref<!tpu.dma_semaphore, #tpu.memory_space<semaphore_mem>>
      %dma_start3A_103 = arith.constant 0 : i32
      %dma_start3A_104 = tpu.memref_slice %arg7[%arg0, %mul3A_4, %dma_start3A_103] : memref<2x10000x128xf32, #tpu.memory_space<hbm>> -> memref<1x624x128xf32, #tpu.memory_space<hbm>>
      %dma_start3A_105 = tpu.memref_squeeze %dma_start3A_104 : memref<1x624x128xf32, #tpu.memory_space<hbm>> -> memref<624x128xf32, #tpu.memory_space<hbm>>
      %dma_start3A_106 = arith.constant 0 : i32
      %dma_start3A_107 = tpu.memref_slice %arg8[%mul3A_4, %dma_start3A_106] : memref<10000x128xf32, #tpu.memory_space<vmem_shared>> -> memref<624x128xf32, #tpu.memory_space<vmem_shared>>
      tpu.enqueue_dma source(%dma_start3A_107 : memref<624x128xf32, #tpu.memory_space<vmem_shared>>) target(%dma_start3A_105 : memref<624x128xf32, #tpu.memory_space<hbm>>) target_semaphore(%run_scoped3A_102 : memref<!tpu.dma_semaphore, #tpu.memory_space<semaphore_mem>>)
      %dma_wait3A_108 = arith.constant 0 : i32
      %dma_wait3A_109 = tpu.memref_slice %arg7[%arg0, %mul3A_4, %dma_wait3A_108] : memref<2x10000x128xf32, #tpu.memory_space<hbm>> -> memref<1x624x128xf32, #tpu.memory_space<hbm>>
      %dma_wait3A_110 = tpu.memref_squeeze %dma_wait3A_109 : memref<1x624x128xf32, #tpu.memory_space<hbm>> -> memref<624x128xf32, #tpu.memory_space<hbm>>
      %dma_wait3A_111 = arith.constant 0 : i32
      %dma_wait3A_112 = tpu.memref_slice %arg8[%mul3A_4, %dma_wait3A_111] : memref<10000x128xf32, #tpu.memory_space<vmem_shared>> -> memref<624x128xf32, #tpu.memory_space<vmem_shared>>
      tpu.wait_dma2 semaphore(%run_scoped3A_102 : memref<!tpu.dma_semaphore, #tpu.memory_space<semaphore_mem>>) src(%dma_wait3A_112 : memref<624x128xf32, #tpu.memory_space<vmem_shared>>) dst(%dma_wait3A_110 : memref<624x128xf32, #tpu.memory_space<hbm>>)
      tpu.yield
    }) : () -> ()
    %eq3A_97 = arith.constant 15 : i32
    %eq3A_98 = arith.cmpi eq, %arg1, %eq3A_97 : i32
    %convert_element_type3A_99 = arith.extui %eq3A_98 : i1 to i32
    %cond3A_100 = arith.constant 0 : i32
    %cond3A_101 = arith.cmpi ne, %convert_element_type3A_99, %cond3A_100 : i32
    scf.if %cond3A_101 {
      "tpu.region"() ({
        %run_scoped3A_102 = tpu.sem_alloc : memref<!tpu.dma_semaphore, #tpu.memory_space<semaphore_mem>>
        %dma_start3A_103 = arith.constant 9984 : i32
        %dma_start3A_104 = arith.constant 0 : i32
        %dma_start3A_105 = tpu.memref_slice %arg7[%arg0, %dma_start3A_103, %dma_start3A_104] : memref<2x10000x128xf32, #tpu.memory_space<hbm>> -> memref<1x16x128xf32, #tpu.memory_space<hbm>>
        %dma_start3A_106 = tpu.memref_squeeze %dma_start3A_105 : memref<1x16x128xf32, #tpu.memory_space<hbm>> -> memref<16x128xf32, #tpu.memory_space<hbm>>
        %dma_start3A_107 = arith.constant 9984 : i32
        %dma_start3A_108 = arith.constant 0 : i32
        %dma_start3A_109 = tpu.memref_slice %arg8[%dma_start3A_107, %dma_start3A_108] : memref<10000x128xf32, #tpu.memory_space<vmem_shared>> -> memref<16x128xf32, #tpu.memory_space<vmem_shared>>
        tpu.enqueue_dma source(%dma_start3A_109 : memref<16x128xf32, #tpu.memory_space<vmem_shared>>) target(%dma_start3A_106 : memref<16x128xf32, #tpu.memory_space<hbm>>) target_semaphore(%run_scoped3A_102 : memref<!tpu.dma_semaphore, #tpu.memory_space<semaphore_mem>>)
        %dma_wait3A_110 = arith.constant 9984 : i32
        %dma_wait3A_111 = arith.constant 0 : i32
        %dma_wait3A_112 = tpu.memref_slice %arg7[%arg0, %dma_wait3A_110, %dma_wait3A_111] : memref<2x10000x128xf32, #tpu.memory_space<hbm>> -> memref<1x16x128xf32, #tpu.memory_space<hbm>>
        %dma_wait3A_113 = tpu.memref_squeeze %dma_wait3A_112 : memref<1x16x128xf32, #tpu.memory_space<hbm>> -> memref<16x128xf32, #tpu.memory_space<hbm>>
        %dma_wait3A_114 = arith.constant 9984 : i32
        %dma_wait3A_115 = arith.constant 0 : i32
        %dma_wait3A_116 = tpu.memref_slice %arg8[%dma_wait3A_114, %dma_wait3A_115] : memref<10000x128xf32, #tpu.memory_space<vmem_shared>> -> memref<16x128xf32, #tpu.memory_space<vmem_shared>>
        tpu.wait_dma2 semaphore(%run_scoped3A_102 : memref<!tpu.dma_semaphore, #tpu.memory_space<semaphore_mem>>) src(%dma_wait3A_116 : memref<16x128xf32, #tpu.memory_space<vmem_shared>>) dst(%dma_wait3A_113 : memref<16x128xf32, #tpu.memory_space<hbm>>)
        tpu.yield
      }) : () -> ()
    } else {
    }
    return
  }
}

#map = affine_map<(d0, d1) -> (0, 0)>
#map1 = affine_map<(d0, d1) -> (0)>
#map2 = affine_map<(d0, d1) -> (0, 0, 0)>
module attributes {stable_mosaic.version = 14 : i64} {
  func.func @sc_msg(%arg0: i32, %arg1: i32, %arg2: memref<10000x128xf32, #tpu.memory_space<hbm>>, %arg3: memref<328704x128xf32, #tpu.memory_space<hbm>>, %arg4: memref<328704xi32, #tpu.memory_space<hbm>>, %arg5: memref<328704xi32, #tpu.memory_space<hbm>>, %arg6: memref<10000x128xf32, #tpu.memory_space<hbm>>, %arg7: memref<2x10000x128xf32, #tpu.memory_space<hbm>>, %arg8: memref<10000x128xf32, #tpu.memory_space<vmem_shared>>, %arg9: memref<2x96xi32, #tpu.memory_space<vmem>>, %arg10: memref<2x96xi32, #tpu.memory_space<vmem>>, %arg11: memref<2x96x128xf32, #tpu.memory_space<vmem>>, %arg12: memref<2x96x128xf32, #tpu.memory_space<vmem>>, %arg13: memref<2x!tpu.dma_semaphore, #tpu.memory_space<semaphore_mem>>, %arg14: memref<2x!tpu.dma_semaphore, #tpu.memory_space<semaphore_mem>>) attributes {dimension_semantics = [#tpu.dimension_semantics<core_parallel>, #tpu.dimension_semantics<subcore_parallel>], iteration_bounds = array<i64: 2, 16>, scalar_prefetch = 0 : i64, scratch_operands = 7 : i64, tpu.core_type = #tpu.core_type<sc_vector_subcore>, window_params = [{transform_indices = #map}, {transform_indices = #map}, {transform_indices = #map1}, {transform_indices = #map1}, {transform_indices = #map}, {transform_indices = #map2}]} {
    %mul3A = arith.constant 2 : i32
    %mul3A_0 = arith.muli %arg1, %mul3A : i32
    %add3A = arith.addi %mul3A_0, %arg0 : i32
    %mul3A_1 = arith.constant 107 : i32
    %mul3A_2 = arith.muli %add3A, %mul3A_1 : i32
    %mul3A_3 = arith.constant 624 : i32
    %mul3A_4 = arith.muli %arg1, %mul3A_3 : i32
    "tpu.region"() ({
      %run_scoped3A_102 = tpu.sem_alloc : memref<!tpu.dma_semaphore, #tpu.memory_space<semaphore_mem>>
      %dma_start3A_103 = arith.constant 0 : i32
      %dma_start3A_104 = tpu.memref_slice %arg8[%mul3A_4, %dma_start3A_103] : memref<10000x128xf32, #tpu.memory_space<vmem_shared>> -> memref<624x128xf32, #tpu.memory_space<vmem_shared>>
      %dma_start3A_105 = arith.constant 0 : i32
      %dma_start3A_106 = tpu.memref_slice %arg6[%mul3A_4, %dma_start3A_105] : memref<10000x128xf32, #tpu.memory_space<hbm>> -> memref<624x128xf32, #tpu.memory_space<hbm>>
      tpu.enqueue_dma source(%dma_start3A_106 : memref<624x128xf32, #tpu.memory_space<hbm>>) target(%dma_start3A_104 : memref<624x128xf32, #tpu.memory_space<vmem_shared>>) target_semaphore(%run_scoped3A_102 : memref<!tpu.dma_semaphore, #tpu.memory_space<semaphore_mem>>)
      %dma_wait3A_107 = arith.constant 0 : i32
      %dma_wait3A_108 = tpu.memref_slice %arg8[%mul3A_4, %dma_wait3A_107] : memref<10000x128xf32, #tpu.memory_space<vmem_shared>> -> memref<624x128xf32, #tpu.memory_space<vmem_shared>>
      %dma_wait3A_109 = arith.constant 0 : i32
      %dma_wait3A_110 = tpu.memref_slice %arg6[%mul3A_4, %dma_wait3A_109] : memref<10000x128xf32, #tpu.memory_space<hbm>> -> memref<624x128xf32, #tpu.memory_space<hbm>>
      tpu.wait_dma2 semaphore(%run_scoped3A_102 : memref<!tpu.dma_semaphore, #tpu.memory_space<semaphore_mem>>) src(%dma_wait3A_110 : memref<624x128xf32, #tpu.memory_space<hbm>>) dst(%dma_wait3A_108 : memref<624x128xf32, #tpu.memory_space<vmem_shared>>)
      tpu.yield
    }) : () -> ()
    %eq3A = arith.constant 15 : i32
    %eq3A_5 = arith.cmpi eq, %arg1, %eq3A : i32
    %convert_element_type3A = arith.extui %eq3A_5 : i1 to i32
    %cond3A = arith.constant 0 : i32
    %cond3A_6 = arith.cmpi ne, %convert_element_type3A, %cond3A : i32
    scf.if %cond3A_6 {
      "tpu.region"() ({
        %run_scoped3A_102 = tpu.sem_alloc : memref<!tpu.dma_semaphore, #tpu.memory_space<semaphore_mem>>
        %dma_start3A_103 = arith.constant 9984 : i32
        %dma_start3A_104 = arith.constant 0 : i32
        %dma_start3A_105 = tpu.memref_slice %arg8[%dma_start3A_103, %dma_start3A_104] : memref<10000x128xf32, #tpu.memory_space<vmem_shared>> -> memref<16x128xf32, #tpu.memory_space<vmem_shared>>
        %dma_start3A_106 = arith.constant 9984 : i32
        %dma_start3A_107 = arith.constant 0 : i32
        %dma_start3A_108 = tpu.memref_slice %arg6[%dma_start3A_106, %dma_start3A_107] : memref<10000x128xf32, #tpu.memory_space<hbm>> -> memref<16x128xf32, #tpu.memory_space<hbm>>
        tpu.enqueue_dma source(%dma_start3A_108 : memref<16x128xf32, #tpu.memory_space<hbm>>) target(%dma_start3A_105 : memref<16x128xf32, #tpu.memory_space<vmem_shared>>) target_semaphore(%run_scoped3A_102 : memref<!tpu.dma_semaphore, #tpu.memory_space<semaphore_mem>>)
        %dma_wait3A_109 = arith.constant 9984 : i32
        %dma_wait3A_110 = arith.constant 0 : i32
        %dma_wait3A_111 = tpu.memref_slice %arg8[%dma_wait3A_109, %dma_wait3A_110] : memref<10000x128xf32, #tpu.memory_space<vmem_shared>> -> memref<16x128xf32, #tpu.memory_space<vmem_shared>>
        %dma_wait3A_112 = arith.constant 9984 : i32
        %dma_wait3A_113 = arith.constant 0 : i32
        %dma_wait3A_114 = tpu.memref_slice %arg6[%dma_wait3A_112, %dma_wait3A_113] : memref<10000x128xf32, #tpu.memory_space<hbm>> -> memref<16x128xf32, #tpu.memory_space<hbm>>
        tpu.wait_dma2 semaphore(%run_scoped3A_102 : memref<!tpu.dma_semaphore, #tpu.memory_space<semaphore_mem>>) src(%dma_wait3A_114 : memref<16x128xf32, #tpu.memory_space<hbm>>) dst(%dma_wait3A_111 : memref<16x128xf32, #tpu.memory_space<vmem_shared>>)
        tpu.yield
      }) : () -> ()
    } else {
    }
    %barrier3A = arith.constant 0 : index
    tpu.barrier barrier_id(%barrier3A)
    %add3A_7 = arith.constant 0 : i32
    %add3A_8 = arith.addi %mul3A_2, %add3A_7 : i32
    %mul3A_9 = arith.constant 96 : i32
    %mul3A_10 = arith.muli %add3A_8, %mul3A_9 : i32
    %run_scoped3A = arith.constant 0 : i32
    "tpu.region"() ({
      %run_scoped3A_102 = tpu.sem_alloc : memref<!tpu.dma_semaphore, #tpu.memory_space<semaphore_mem>>
      %dma_start3A_103 = arith.constant 0 : i32
      %dma_start3A_104 = tpu.memref_slice %arg9[%run_scoped3A, %dma_start3A_103] : memref<2x96xi32, #tpu.memory_space<vmem>> -> memref<1x96xi32, #tpu.memory_space<vmem>>
      %dma_start3A_105 = tpu.memref_squeeze %dma_start3A_104 : memref<1x96xi32, #tpu.memory_space<vmem>> -> memref<96xi32, #tpu.memory_space<vmem>>
      %dma_start3A_106 = tpu.memref_slice %arg4[%mul3A_10] : memref<328704xi32, #tpu.memory_space<hbm>> -> memref<96xi32, #tpu.memory_space<hbm>>
      %dma_start3A_107 = arith.constant 0 : i32
      %dma_start3A_108 = tpu.memref_slice %arg9[%run_scoped3A, %dma_start3A_107] : memref<2x96xi32, #tpu.memory_space<vmem>> -> memref<1x96xi32, #tpu.memory_space<vmem>>
      %dma_start3A_109 = tpu.memref_squeeze %dma_start3A_108 : memref<1x96xi32, #tpu.memory_space<vmem>> -> memref<96xi32, #tpu.memory_space<vmem>>
      %dma_start3A_110 = tpu.memref_slice %arg4[%mul3A_10] : memref<328704xi32, #tpu.memory_space<hbm>> -> memref<96xi32, #tpu.memory_space<hbm>>
      tpu.enqueue_dma source(%dma_start3A_110 : memref<96xi32, #tpu.memory_space<hbm>>) target(%dma_start3A_109 : memref<96xi32, #tpu.memory_space<vmem>>) target_semaphore(%run_scoped3A_102 : memref<!tpu.dma_semaphore, #tpu.memory_space<semaphore_mem>>)
      %dma_wait3A_111 = arith.constant 0 : i32
      %dma_wait3A_112 = tpu.memref_slice %arg9[%run_scoped3A, %dma_wait3A_111] : memref<2x96xi32, #tpu.memory_space<vmem>> -> memref<1x96xi32, #tpu.memory_space<vmem>>
      %dma_wait3A_113 = tpu.memref_squeeze %dma_wait3A_112 : memref<1x96xi32, #tpu.memory_space<vmem>> -> memref<96xi32, #tpu.memory_space<vmem>>
      %dma_wait3A_114 = tpu.memref_slice %arg4[%mul3A_10] : memref<328704xi32, #tpu.memory_space<hbm>> -> memref<96xi32, #tpu.memory_space<hbm>>
      %dma_wait3A_115 = arith.constant 0 : i32
      %dma_wait3A_116 = tpu.memref_slice %arg9[%run_scoped3A, %dma_wait3A_115] : memref<2x96xi32, #tpu.memory_space<vmem>> -> memref<1x96xi32, #tpu.memory_space<vmem>>
      %dma_wait3A_117 = tpu.memref_squeeze %dma_wait3A_116 : memref<1x96xi32, #tpu.memory_space<vmem>> -> memref<96xi32, #tpu.memory_space<vmem>>
      %dma_wait3A_118 = tpu.memref_slice %arg4[%mul3A_10] : memref<328704xi32, #tpu.memory_space<hbm>> -> memref<96xi32, #tpu.memory_space<hbm>>
      tpu.wait_dma2 semaphore(%run_scoped3A_102 : memref<!tpu.dma_semaphore, #tpu.memory_space<semaphore_mem>>) src(%dma_wait3A_118 : memref<96xi32, #tpu.memory_space<hbm>>) dst(%dma_wait3A_117 : memref<96xi32, #tpu.memory_space<vmem>>)
      tpu.yield
    }) : () -> ()
    %dma_start3A = arith.constant 0 : i32
    %dma_start3A_11 = arith.constant 0 : i32
    %dma_start3A_12 = arith.constant 0 : i32
    %dma_start3A_13 = arith.constant 0 : i32
    %dma_start3A_14 = arith.constant 0 : i32
    %dma_start3A_15 = tpu.memref_slice %arg11[%dma_start3A_11, %dma_start3A_13, %dma_start3A_14] : memref<2x96x128xf32, #tpu.memory_space<vmem>> -> memref<1x96x128xf32, #tpu.memory_space<vmem>>
    %dma_start3A_16 = tpu.memref_squeeze %dma_start3A_15 : memref<1x96x128xf32, #tpu.memory_space<vmem>> -> memref<96x128xf32, #tpu.memory_space<vmem>>
    %dma_start3A_17 = arith.constant 0 : i32
    %dma_start3A_18 = tpu.memref_slice %arg9[%dma_start3A, %dma_start3A_17] : memref<2x96xi32, #tpu.memory_space<vmem>> -> memref<1x96xi32, #tpu.memory_space<vmem>>
    %dma_start3A_19 = tpu.memref_squeeze %dma_start3A_18 : memref<1x96xi32, #tpu.memory_space<vmem>> -> memref<96xi32, #tpu.memory_space<vmem>>
    %dma_start3A_20 = arith.constant 0 : i32
    %dma_start3A_21 = arith.constant 0 : i32
    %dma_start3A_22 = tpu.memref_slice %arg2[%dma_start3A_20, %dma_start3A_21] : memref<10000x128xf32, #tpu.memory_space<hbm>> -> memref<10000x128xf32, #tpu.memory_space<hbm>>
    %dma_start3A_23 = tpu.memref_slice %arg13[%dma_start3A_12] : memref<2x!tpu.dma_semaphore, #tpu.memory_space<semaphore_mem>> -> memref<1x!tpu.dma_semaphore, #tpu.memory_space<semaphore_mem>>
    %dma_start3A_24 = tpu.memref_squeeze %dma_start3A_23 : memref<1x!tpu.dma_semaphore, #tpu.memory_space<semaphore_mem>> -> memref<!tpu.dma_semaphore, #tpu.memory_space<semaphore_mem>>
    tpu.enqueue_indirect_dma source(%dma_start3A_22 : memref<10000x128xf32, #tpu.memory_space<hbm>>) target(%dma_start3A_16 : memref<96x128xf32, #tpu.memory_space<vmem>>) offsets(%dma_start3A_19 : memref<96xi32, #tpu.memory_space<vmem>>) semaphore(%dma_start3A_24 : memref<!tpu.dma_semaphore, #tpu.memory_space<semaphore_mem>>)
    %add3A_25 = arith.constant 0 : i32
    %add3A_26 = arith.addi %mul3A_2, %add3A_25 : i32
    %mul3A_27 = arith.constant 96 : i32
    %mul3A_28 = arith.muli %add3A_26, %mul3A_27 : i32
    %dma_start3A_29 = arith.constant 0 : i32
    %dma_start3A_30 = arith.constant 0 : i32
    %dma_start3A_31 = arith.constant 0 : i32
    %dma_start3A_32 = arith.constant 0 : i32
    %dma_start3A_33 = tpu.memref_slice %arg12[%dma_start3A_29, %dma_start3A_31, %dma_start3A_32] : memref<2x96x128xf32, #tpu.memory_space<vmem>> -> memref<1x96x128xf32, #tpu.memory_space<vmem>>
    %dma_start3A_34 = tpu.memref_squeeze %dma_start3A_33 : memref<1x96x128xf32, #tpu.memory_space<vmem>> -> memref<96x128xf32, #tpu.memory_space<vmem>>
    %dma_start3A_35 = arith.constant 0 : i32
    %dma_start3A_36 = tpu.memref_slice %arg3[%mul3A_28, %dma_start3A_35] : memref<328704x128xf32, #tpu.memory_space<hbm>> -> memref<96x128xf32, #tpu.memory_space<hbm>>
    %dma_start3A_37 = tpu.memref_slice %arg14[%dma_start3A_30] : memref<2x!tpu.dma_semaphore, #tpu.memory_space<semaphore_mem>> -> memref<1x!tpu.dma_semaphore, #tpu.memory_space<semaphore_mem>>
    %dma_start3A_38 = tpu.memref_squeeze %dma_start3A_37 : memref<1x!tpu.dma_semaphore, #tpu.memory_space<semaphore_mem>> -> memref<!tpu.dma_semaphore, #tpu.memory_space<semaphore_mem>>
    %dma_start3A_39 = arith.constant 0 : i32
    %dma_start3A_40 = arith.constant 0 : i32
    %dma_start3A_41 = tpu.memref_slice %arg12[%dma_start3A_29, %dma_start3A_39, %dma_start3A_40] : memref<2x96x128xf32, #tpu.memory_space<vmem>> -> memref<1x96x128xf32, #tpu.memory_space<vmem>>
    %dma_start3A_42 = tpu.memref_squeeze %dma_start3A_41 : memref<1x96x128xf32, #tpu.memory_space<vmem>> -> memref<96x128xf32, #tpu.memory_space<vmem>>
    %dma_start3A_43 = arith.constant 0 : i32
    %dma_start3A_44 = tpu.memref_slice %arg3[%mul3A_28, %dma_start3A_43] : memref<328704x128xf32, #tpu.memory_space<hbm>> -> memref<96x128xf32, #tpu.memory_space<hbm>>
    tpu.enqueue_dma source(%dma_start3A_44 : memref<96x128xf32, #tpu.memory_space<hbm>>) target(%dma_start3A_42 : memref<96x128xf32, #tpu.memory_space<vmem>>) target_semaphore(%dma_start3A_38 : memref<!tpu.dma_semaphore, #tpu.memory_space<semaphore_mem>>)
    %scan3A = arith.constant 0 : i32
    %scan3A_45 = arith.constant 53 : i32
    %scan3A_46 = arith.addi %scan3A, %scan3A_45 : i32
    %scan3A_47 = arith.constant 1 : i32
    scf.for %scan3A_102 = %scan3A to %scan3A_46 step %scan3A_47  : i32 {
      %mul3A_103 = arith.constant 2 : i32
      %mul3A_104 = arith.muli %scan3A_102, %mul3A_103 : i32
      %add3A_105 = arith.constant 0 : i32
      %add3A_106 = arith.addi %add3A_105, %mul3A_104 : i32
      %add3A_107 = arith.constant 0 : i32
      %add3A_108 = arith.addi %add3A_106, %add3A_107 : i32
      %lt3A = arith.constant 106 : i32
      %lt3A_109 = arith.cmpi slt, %add3A_108, %lt3A : i32
      %convert_element_type3A_110 = arith.extui %lt3A_109 : i1 to i32
      %cond3A_111 = arith.constant 0 : i32
      %cond3A_112 = arith.cmpi ne, %convert_element_type3A_110, %cond3A_111 : i32
      scf.if %cond3A_112 {
        %add3A_212 = arith.constant 1 : i32
        %add3A_213 = arith.addi %add3A_108, %add3A_212 : i32
        %add3A_214 = arith.addi %mul3A_2, %add3A_213 : i32
        %mul3A_215 = arith.constant 96 : i32
        %mul3A_216 = arith.muli %add3A_214, %mul3A_215 : i32
        %run_scoped3A_217 = arith.constant 1 : i32
        "tpu.region"() ({
          %run_scoped3A_252 = tpu.sem_alloc : memref<!tpu.dma_semaphore, #tpu.memory_space<semaphore_mem>>
          %dma_start3A_253 = arith.constant 0 : i32
          %dma_start3A_254 = tpu.memref_slice %arg9[%run_scoped3A_217, %dma_start3A_253] : memref<2x96xi32, #tpu.memory_space<vmem>> -> memref<1x96xi32, #tpu.memory_space<vmem>>
          %dma_start3A_255 = tpu.memref_squeeze %dma_start3A_254 : memref<1x96xi32, #tpu.memory_space<vmem>> -> memref<96xi32, #tpu.memory_space<vmem>>
          %dma_start3A_256 = tpu.memref_slice %arg4[%mul3A_216] : memref<328704xi32, #tpu.memory_space<hbm>> -> memref<96xi32, #tpu.memory_space<hbm>>
          %dma_start3A_257 = arith.constant 0 : i32
          %dma_start3A_258 = tpu.memref_slice %arg9[%run_scoped3A_217, %dma_start3A_257] : memref<2x96xi32, #tpu.memory_space<vmem>> -> memref<1x96xi32, #tpu.memory_space<vmem>>
          %dma_start3A_259 = tpu.memref_squeeze %dma_start3A_258 : memref<1x96xi32, #tpu.memory_space<vmem>> -> memref<96xi32, #tpu.memory_space<vmem>>
          %dma_start3A_260 = tpu.memref_slice %arg4[%mul3A_216] : memref<328704xi32, #tpu.memory_space<hbm>> -> memref<96xi32, #tpu.memory_space<hbm>>
          tpu.enqueue_dma source(%dma_start3A_260 : memref<96xi32, #tpu.memory_space<hbm>>) target(%dma_start3A_259 : memref<96xi32, #tpu.memory_space<vmem>>) target_semaphore(%run_scoped3A_252 : memref<!tpu.dma_semaphore, #tpu.memory_space<semaphore_mem>>)
          %dma_wait3A_261 = arith.constant 0 : i32
          %dma_wait3A_262 = tpu.memref_slice %arg9[%run_scoped3A_217, %dma_wait3A_261] : memref<2x96xi32, #tpu.memory_space<vmem>> -> memref<1x96xi32, #tpu.memory_space<vmem>>
          %dma_wait3A_263 = tpu.memref_squeeze %dma_wait3A_262 : memref<1x96xi32, #tpu.memory_space<vmem>> -> memref<96xi32, #tpu.memory_space<vmem>>
          %dma_wait3A_264 = tpu.memref_slice %arg4[%mul3A_216] : memref<328704xi32, #tpu.memory_space<hbm>> -> memref<96xi32, #tpu.memory_space<hbm>>
          %dma_wait3A_265 = arith.constant 0 : i32
          %dma_wait3A_266 = tpu.memref_slice %arg9[%run_scoped3A_217, %dma_wait3A_265] : memref<2x96xi32, #tpu.memory_space<vmem>> -> memref<1x96xi32, #tpu.memory_space<vmem>>
          %dma_wait3A_267 = tpu.memref_squeeze %dma_wait3A_266 : memref<1x96xi32, #tpu.memory_space<vmem>> -> memref<96xi32, #tpu.memory_space<vmem>>
          %dma_wait3A_268 = tpu.memref_slice %arg4[%mul3A_216] : memref<328704xi32, #tpu.memory_space<hbm>> -> memref<96xi32, #tpu.memory_space<hbm>>
          tpu.wait_dma2 semaphore(%run_scoped3A_252 : memref<!tpu.dma_semaphore, #tpu.memory_space<semaphore_mem>>) src(%dma_wait3A_268 : memref<96xi32, #tpu.memory_space<hbm>>) dst(%dma_wait3A_267 : memref<96xi32, #tpu.memory_space<vmem>>)
          tpu.yield
        }) : () -> ()
        %dma_start3A_218 = arith.constant 1 : i32
        %dma_start3A_219 = arith.constant 1 : i32
        %dma_start3A_220 = arith.constant 1 : i32
        %dma_start3A_221 = arith.constant 0 : i32
        %dma_start3A_222 = arith.constant 0 : i32
        %dma_start3A_223 = tpu.memref_slice %arg11[%dma_start3A_219, %dma_start3A_221, %dma_start3A_222] : memref<2x96x128xf32, #tpu.memory_space<vmem>> -> memref<1x96x128xf32, #tpu.memory_space<vmem>>
        %dma_start3A_224 = tpu.memref_squeeze %dma_start3A_223 : memref<1x96x128xf32, #tpu.memory_space<vmem>> -> memref<96x128xf32, #tpu.memory_space<vmem>>
        %dma_start3A_225 = arith.constant 0 : i32
        %dma_start3A_226 = tpu.memref_slice %arg9[%dma_start3A_218, %dma_start3A_225] : memref<2x96xi32, #tpu.memory_space<vmem>> -> memref<1x96xi32, #tpu.memory_space<vmem>>
        %dma_start3A_227 = tpu.memref_squeeze %dma_start3A_226 : memref<1x96xi32, #tpu.memory_space<vmem>> -> memref<96xi32, #tpu.memory_space<vmem>>
        %dma_start3A_228 = arith.constant 0 : i32
        %dma_start3A_229 = arith.constant 0 : i32
        %dma_start3A_230 = tpu.memref_slice %arg2[%dma_start3A_228, %dma_start3A_229] : memref<10000x128xf32, #tpu.memory_space<hbm>> -> memref<10000x128xf32, #tpu.memory_space<hbm>>
        %dma_start3A_231 = tpu.memref_slice %arg13[%dma_start3A_220] : memref<2x!tpu.dma_semaphore, #tpu.memory_space<semaphore_mem>> -> memref<1x!tpu.dma_semaphore, #tpu.memory_space<semaphore_mem>>
        %dma_start3A_232 = tpu.memref_squeeze %dma_start3A_231 : memref<1x!tpu.dma_semaphore, #tpu.memory_space<semaphore_mem>> -> memref<!tpu.dma_semaphore, #tpu.memory_space<semaphore_mem>>
        tpu.enqueue_indirect_dma source(%dma_start3A_230 : memref<10000x128xf32, #tpu.memory_space<hbm>>) target(%dma_start3A_224 : memref<96x128xf32, #tpu.memory_space<vmem>>) offsets(%dma_start3A_227 : memref<96xi32, #tpu.memory_space<vmem>>) semaphore(%dma_start3A_232 : memref<!tpu.dma_semaphore, #tpu.memory_space<semaphore_mem>>)
        %add3A_233 = arith.addi %mul3A_2, %add3A_213 : i32
        %mul3A_234 = arith.constant 96 : i32
        %mul3A_235 = arith.muli %add3A_233, %mul3A_234 : i32
        %dma_start3A_236 = arith.constant 1 : i32
        %dma_start3A_237 = arith.constant 1 : i32
        %dma_start3A_238 = arith.constant 0 : i32
        %dma_start3A_239 = arith.constant 0 : i32
        %dma_start3A_240 = tpu.memref_slice %arg12[%dma_start3A_236, %dma_start3A_238, %dma_start3A_239] : memref<2x96x128xf32, #tpu.memory_space<vmem>> -> memref<1x96x128xf32, #tpu.memory_space<vmem>>
        %dma_start3A_241 = tpu.memref_squeeze %dma_start3A_240 : memref<1x96x128xf32, #tpu.memory_space<vmem>> -> memref<96x128xf32, #tpu.memory_space<vmem>>
        %dma_start3A_242 = arith.constant 0 : i32
        %dma_start3A_243 = tpu.memref_slice %arg3[%mul3A_235, %dma_start3A_242] : memref<328704x128xf32, #tpu.memory_space<hbm>> -> memref<96x128xf32, #tpu.memory_space<hbm>>
        %dma_start3A_244 = tpu.memref_slice %arg14[%dma_start3A_237] : memref<2x!tpu.dma_semaphore, #tpu.memory_space<semaphore_mem>> -> memref<1x!tpu.dma_semaphore, #tpu.memory_space<semaphore_mem>>
        %dma_start3A_245 = tpu.memref_squeeze %dma_start3A_244 : memref<1x!tpu.dma_semaphore, #tpu.memory_space<semaphore_mem>> -> memref<!tpu.dma_semaphore, #tpu.memory_space<semaphore_mem>>
        %dma_start3A_246 = arith.constant 0 : i32
        %dma_start3A_247 = arith.constant 0 : i32
        %dma_start3A_248 = tpu.memref_slice %arg12[%dma_start3A_236, %dma_start3A_246, %dma_start3A_247] : memref<2x96x128xf32, #tpu.memory_space<vmem>> -> memref<1x96x128xf32, #tpu.memory_space<vmem>>
        %dma_start3A_249 = tpu.memref_squeeze %dma_start3A_248 : memref<1x96x128xf32, #tpu.memory_space<vmem>> -> memref<96x128xf32, #tpu.memory_space<vmem>>
        %dma_start3A_250 = arith.constant 0 : i32
        %dma_start3A_251 = tpu.memref_slice %arg3[%mul3A_235, %dma_start3A_250] : memref<328704x128xf32, #tpu.memory_space<hbm>> -> memref<96x128xf32, #tpu.memory_space<hbm>>
        tpu.enqueue_dma source(%dma_start3A_251 : memref<96x128xf32, #tpu.memory_space<hbm>>) target(%dma_start3A_249 : memref<96x128xf32, #tpu.memory_space<vmem>>) target_semaphore(%dma_start3A_245 : memref<!tpu.dma_semaphore, #tpu.memory_space<semaphore_mem>>)
      } else {
      }
      %dma_wait3A_113 = arith.constant 0 : i32
      %dma_wait3A_114 = arith.constant 0 : i32
      %dma_wait3A_115 = arith.constant 0 : i32
      %dma_wait3A_116 = arith.constant 0 : i32
      %dma_wait3A_117 = arith.constant 0 : i32
      %dma_wait3A_118 = tpu.memref_slice %arg11[%dma_wait3A_114, %dma_wait3A_116, %dma_wait3A_117] : memref<2x96x128xf32, #tpu.memory_space<vmem>> -> memref<1x96x128xf32, #tpu.memory_space<vmem>>
      %dma_wait3A_119 = tpu.memref_squeeze %dma_wait3A_118 : memref<1x96x128xf32, #tpu.memory_space<vmem>> -> memref<96x128xf32, #tpu.memory_space<vmem>>
      %dma_wait3A_120 = arith.constant 0 : i32
      %dma_wait3A_121 = tpu.memref_slice %arg9[%dma_wait3A_113, %dma_wait3A_120] : memref<2x96xi32, #tpu.memory_space<vmem>> -> memref<1x96xi32, #tpu.memory_space<vmem>>
      %dma_wait3A_122 = tpu.memref_squeeze %dma_wait3A_121 : memref<1x96xi32, #tpu.memory_space<vmem>> -> memref<96xi32, #tpu.memory_space<vmem>>
      %dma_wait3A_123 = arith.constant 0 : i32
      %dma_wait3A_124 = arith.constant 0 : i32
      %dma_wait3A_125 = tpu.memref_slice %arg2[%dma_wait3A_123, %dma_wait3A_124] : memref<10000x128xf32, #tpu.memory_space<hbm>> -> memref<10000x128xf32, #tpu.memory_space<hbm>>
      %dma_wait3A_126 = tpu.memref_slice %arg13[%dma_wait3A_115] : memref<2x!tpu.dma_semaphore, #tpu.memory_space<semaphore_mem>> -> memref<1x!tpu.dma_semaphore, #tpu.memory_space<semaphore_mem>>
      %dma_wait3A_127 = tpu.memref_squeeze %dma_wait3A_126 : memref<1x!tpu.dma_semaphore, #tpu.memory_space<semaphore_mem>> -> memref<!tpu.dma_semaphore, #tpu.memory_space<semaphore_mem>>
      tpu.wait_indirect_dma semaphore(%dma_wait3A_127 : memref<!tpu.dma_semaphore, #tpu.memory_space<semaphore_mem>>) src(%dma_wait3A_125 : memref<10000x128xf32, #tpu.memory_space<hbm>>) dst(%dma_wait3A_119 : memref<96x128xf32, #tpu.memory_space<vmem>>)
      %add3A_128 = arith.addi %mul3A_2, %add3A_108 : i32
      %mul3A_129 = arith.constant 96 : i32
      %mul3A_130 = arith.muli %add3A_128, %mul3A_129 : i32
      %dma_wait3A_131 = arith.constant 0 : i32
      %dma_wait3A_132 = arith.constant 0 : i32
      %dma_wait3A_133 = arith.constant 0 : i32
      %dma_wait3A_134 = arith.constant 0 : i32
      %dma_wait3A_135 = tpu.memref_slice %arg12[%dma_wait3A_131, %dma_wait3A_133, %dma_wait3A_134] : memref<2x96x128xf32, #tpu.memory_space<vmem>> -> memref<1x96x128xf32, #tpu.memory_space<vmem>>
      %dma_wait3A_136 = tpu.memref_squeeze %dma_wait3A_135 : memref<1x96x128xf32, #tpu.memory_space<vmem>> -> memref<96x128xf32, #tpu.memory_space<vmem>>
      %dma_wait3A_137 = arith.constant 0 : i32
      %dma_wait3A_138 = tpu.memref_slice %arg3[%mul3A_130, %dma_wait3A_137] : memref<328704x128xf32, #tpu.memory_space<hbm>> -> memref<96x128xf32, #tpu.memory_space<hbm>>
      %dma_wait3A_139 = tpu.memref_slice %arg14[%dma_wait3A_132] : memref<2x!tpu.dma_semaphore, #tpu.memory_space<semaphore_mem>> -> memref<1x!tpu.dma_semaphore, #tpu.memory_space<semaphore_mem>>
      %dma_wait3A_140 = tpu.memref_squeeze %dma_wait3A_139 : memref<1x!tpu.dma_semaphore, #tpu.memory_space<semaphore_mem>> -> memref<!tpu.dma_semaphore, #tpu.memory_space<semaphore_mem>>
      %dma_wait3A_141 = arith.constant 0 : i32
      %dma_wait3A_142 = arith.constant 0 : i32
      %dma_wait3A_143 = tpu.memref_slice %arg12[%dma_wait3A_131, %dma_wait3A_141, %dma_wait3A_142] : memref<2x96x128xf32, #tpu.memory_space<vmem>> -> memref<1x96x128xf32, #tpu.memory_space<vmem>>
      %dma_wait3A_144 = tpu.memref_squeeze %dma_wait3A_143 : memref<1x96x128xf32, #tpu.memory_space<vmem>> -> memref<96x128xf32, #tpu.memory_space<vmem>>
      %dma_wait3A_145 = arith.constant 0 : i32
      %dma_wait3A_146 = tpu.memref_slice %arg3[%mul3A_130, %dma_wait3A_145] : memref<328704x128xf32, #tpu.memory_space<hbm>> -> memref<96x128xf32, #tpu.memory_space<hbm>>
      tpu.wait_dma2 semaphore(%dma_wait3A_140 : memref<!tpu.dma_semaphore, #tpu.memory_space<semaphore_mem>>) src(%dma_wait3A_146 : memref<96x128xf32, #tpu.memory_space<hbm>>) dst(%dma_wait3A_144 : memref<96x128xf32, #tpu.memory_space<vmem>>)
      %scan3A_147 = arith.constant 0 : i32
      %scan3A_148 = arith.constant 0 : i32
      %scan3A_149 = arith.constant 96 : i32
      %scan3A_150 = arith.addi %scan3A_148, %scan3A_149 : i32
      %scan3A_151 = arith.constant 1 : i32
      scf.for %scan3A_212 = %scan3A_148 to %scan3A_150 step %scan3A_151  : i32 {
        %get3A = arith.constant 0 : i32
        %get3A_213 = arith.index_cast %get3A : i32 to index
        %get3A_214 = arith.index_cast %scan3A_212 : i32 to index
        %get3A_215 = arith.constant 0 : index
        %get3A_216 = tpu.vector_load %arg11[%get3A_213, %get3A_214, %get3A_215] {strides = array<i32>} : memref<2x96x128xf32, #tpu.memory_space<vmem>>, vector<1x1x16xf32>,
        %get3A_217 = vector.shape_cast %get3A_216 : vector<1x1x16xf32> to vector<16xf32>
        %get3A_218 = arith.constant 0 : i32
        %get3A_219 = arith.index_cast %get3A_218 : i32 to index
        %get3A_220 = arith.index_cast %scan3A_212 : i32 to index
        %get3A_221 = arith.constant 0 : index
        %get3A_222 = tpu.vector_load %arg12[%get3A_219, %get3A_220, %get3A_221] {strides = array<i32>} : memref<2x96x128xf32, #tpu.memory_space<vmem>>, vector<1x1x16xf32>,
        %get3A_223 = vector.shape_cast %get3A_222 : vector<1x1x16xf32> to vector<16xf32>
        %add3A_224 = arith.addf %get3A_217, %get3A_223 : vector<16xf32>
        %max3A = arith.constant 0.000000e+00 : f32
        %max3A_225 = vector.broadcast %max3A : f32 to vector<16xf32>
        %max3A_226 = arith.maximumf %add3A_224, %max3A_225 : vector<16xf32>
        %swap3A = arith.constant 0 : i32
        %swap3A_227 = arith.index_cast %swap3A : i32 to index
        %swap3A_228 = arith.index_cast %scan3A_212 : i32 to index
        %swap3A_229 = arith.constant 0 : index
        %swap3A_230 = tpu.vector_load %arg11[%swap3A_227, %swap3A_228, %swap3A_229] {strides = array<i32>} : memref<2x96x128xf32, #tpu.memory_space<vmem>>, vector<1x1x16xf32>,
        %swap3A_231 = vector.shape_cast %swap3A_230 : vector<1x1x16xf32> to vector<16xf32>
        %swap3A_232 = vector.shape_cast %max3A_226 : vector<16xf32> to vector<1x1x16xf32>
        tpu.vector_store %arg11[%swap3A_227, %swap3A_228, %swap3A_229], %swap3A_232 {strides = array<i32>} : memref<2x96x128xf32, #tpu.memory_space<vmem>>, vector<1x1x16xf32>,
        %get3A_233 = arith.constant 0 : i32
        %get3A_234 = arith.index_cast %get3A_233 : i32 to index
        %get3A_235 = arith.index_cast %scan3A_212 : i32 to index
        %get3A_236 = arith.constant 16 : index
        %get3A_237 = tpu.vector_load %arg11[%get3A_234, %get3A_235, %get3A_236] {strides = array<i32>} : memref<2x96x128xf32, #tpu.memory_space<vmem>>, vector<1x1x16xf32>,
        %get3A_238 = vector.shape_cast %get3A_237 : vector<1x1x16xf32> to vector<16xf32>
        %get3A_239 = arith.constant 0 : i32
        %get3A_240 = arith.index_cast %get3A_239 : i32 to index
        %get3A_241 = arith.index_cast %scan3A_212 : i32 to index
        %get3A_242 = arith.constant 16 : index
        %get3A_243 = tpu.vector_load %arg12[%get3A_240, %get3A_241, %get3A_242] {strides = array<i32>} : memref<2x96x128xf32, #tpu.memory_space<vmem>>, vector<1x1x16xf32>,
        %get3A_244 = vector.shape_cast %get3A_243 : vector<1x1x16xf32> to vector<16xf32>
        %add3A_245 = arith.addf %get3A_238, %get3A_244 : vector<16xf32>
        %max3A_246 = arith.constant 0.000000e+00 : f32
        %max3A_247 = vector.broadcast %max3A_246 : f32 to vector<16xf32>
        %max3A_248 = arith.maximumf %add3A_245, %max3A_247 : vector<16xf32>
        %swap3A_249 = arith.constant 0 : i32
        %swap3A_250 = arith.index_cast %swap3A_249 : i32 to index
        %swap3A_251 = arith.index_cast %scan3A_212 : i32 to index
        %swap3A_252 = arith.constant 16 : index
        %swap3A_253 = tpu.vector_load %arg11[%swap3A_250, %swap3A_251, %swap3A_252] {strides = array<i32>} : memref<2x96x128xf32, #tpu.memory_space<vmem>>, vector<1x1x16xf32>,
        %swap3A_254 = vector.shape_cast %swap3A_253 : vector<1x1x16xf32> to vector<16xf32>
        %swap3A_255 = vector.shape_cast %max3A_248 : vector<16xf32> to vector<1x1x16xf32>
        tpu.vector_store %arg11[%swap3A_250, %swap3A_251, %swap3A_252], %swap3A_255 {strides = array<i32>} : memref<2x96x128xf32, #tpu.memory_space<vmem>>, vector<1x1x16xf32>,
        %get3A_256 = arith.constant 0 : i32
        %get3A_257 = arith.index_cast %get3A_256 : i32 to index
        %get3A_258 = arith.index_cast %scan3A_212 : i32 to index
        %get3A_259 = arith.constant 32 : index
        %get3A_260 = tpu.vector_load %arg11[%get3A_257, %get3A_258, %get3A_259] {strides = array<i32>} : memref<2x96x128xf32, #tpu.memory_space<vmem>>, vector<1x1x16xf32>,
        %get3A_261 = vector.shape_cast %get3A_260 : vector<1x1x16xf32> to vector<16xf32>
        %get3A_262 = arith.constant 0 : i32
        %get3A_263 = arith.index_cast %get3A_262 : i32 to index
        %get3A_264 = arith.index_cast %scan3A_212 : i32 to index
        %get3A_265 = arith.constant 32 : index
        %get3A_266 = tpu.vector_load %arg12[%get3A_263, %get3A_264, %get3A_265] {strides = array<i32>} : memref<2x96x128xf32, #tpu.memory_space<vmem>>, vector<1x1x16xf32>,
        %get3A_267 = vector.shape_cast %get3A_266 : vector<1x1x16xf32> to vector<16xf32>
        %add3A_268 = arith.addf %get3A_261, %get3A_267 : vector<16xf32>
        %max3A_269 = arith.constant 0.000000e+00 : f32
        %max3A_270 = vector.broadcast %max3A_269 : f32 to vector<16xf32>
        %max3A_271 = arith.maximumf %add3A_268, %max3A_270 : vector<16xf32>
        %swap3A_272 = arith.constant 0 : i32
        %swap3A_273 = arith.index_cast %swap3A_272 : i32 to index
        %swap3A_274 = arith.index_cast %scan3A_212 : i32 to index
        %swap3A_275 = arith.constant 32 : index
        %swap3A_276 = tpu.vector_load %arg11[%swap3A_273, %swap3A_274, %swap3A_275] {strides = array<i32>} : memref<2x96x128xf32, #tpu.memory_space<vmem>>, vector<1x1x16xf32>,
        %swap3A_277 = vector.shape_cast %swap3A_276 : vector<1x1x16xf32> to vector<16xf32>
        %swap3A_278 = vector.shape_cast %max3A_271 : vector<16xf32> to vector<1x1x16xf32>
        tpu.vector_store %arg11[%swap3A_273, %swap3A_274, %swap3A_275], %swap3A_278 {strides = array<i32>} : memref<2x96x128xf32, #tpu.memory_space<vmem>>, vector<1x1x16xf32>,
        %get3A_279 = arith.constant 0 : i32
        %get3A_280 = arith.index_cast %get3A_279 : i32 to index
        %get3A_281 = arith.index_cast %scan3A_212 : i32 to index
        %get3A_282 = arith.constant 48 : index
        %get3A_283 = tpu.vector_load %arg11[%get3A_280, %get3A_281, %get3A_282] {strides = array<i32>} : memref<2x96x128xf32, #tpu.memory_space<vmem>>, vector<1x1x16xf32>,
        %get3A_284 = vector.shape_cast %get3A_283 : vector<1x1x16xf32> to vector<16xf32>
        %get3A_285 = arith.constant 0 : i32
        %get3A_286 = arith.index_cast %get3A_285 : i32 to index
        %get3A_287 = arith.index_cast %scan3A_212 : i32 to index
        %get3A_288 = arith.constant 48 : index
        %get3A_289 = tpu.vector_load %arg12[%get3A_286, %get3A_287, %get3A_288] {strides = array<i32>} : memref<2x96x128xf32, #tpu.memory_space<vmem>>, vector<1x1x16xf32>,
        %get3A_290 = vector.shape_cast %get3A_289 : vector<1x1x16xf32> to vector<16xf32>
        %add3A_291 = arith.addf %get3A_284, %get3A_290 : vector<16xf32>
        %max3A_292 = arith.constant 0.000000e+00 : f32
        %max3A_293 = vector.broadcast %max3A_292 : f32 to vector<16xf32>
        %max3A_294 = arith.maximumf %add3A_291, %max3A_293 : vector<16xf32>
        %swap3A_295 = arith.constant 0 : i32
        %swap3A_296 = arith.index_cast %swap3A_295 : i32 to index
        %swap3A_297 = arith.index_cast %scan3A_212 : i32 to index
        %swap3A_298 = arith.constant 48 : index
        %swap3A_299 = tpu.vector_load %arg11[%swap3A_296, %swap3A_297, %swap3A_298] {strides = array<i32>} : memref<2x96x128xf32, #tpu.memory_space<vmem>>, vector<1x1x16xf32>,
        %swap3A_300 = vector.shape_cast %swap3A_299 : vector<1x1x16xf32> to vector<16xf32>
        %swap3A_301 = vector.shape_cast %max3A_294 : vector<16xf32> to vector<1x1x16xf32>
        tpu.vector_store %arg11[%swap3A_296, %swap3A_297, %swap3A_298], %swap3A_301 {strides = array<i32>} : memref<2x96x128xf32, #tpu.memory_space<vmem>>, vector<1x1x16xf32>,
        %get3A_302 = arith.constant 0 : i32
        %get3A_303 = arith.index_cast %get3A_302 : i32 to index
        %get3A_304 = arith.index_cast %scan3A_212 : i32 to index
        %get3A_305 = arith.constant 64 : index
        %get3A_306 = tpu.vector_load %arg11[%get3A_303, %get3A_304, %get3A_305] {strides = array<i32>} : memref<2x96x128xf32, #tpu.memory_space<vmem>>, vector<1x1x16xf32>,
        %get3A_307 = vector.shape_cast %get3A_306 : vector<1x1x16xf32> to vector<16xf32>
        %get3A_308 = arith.constant 0 : i32
        %get3A_309 = arith.index_cast %get3A_308 : i32 to index
        %get3A_310 = arith.index_cast %scan3A_212 : i32 to index
        %get3A_311 = arith.constant 64 : index
        %get3A_312 = tpu.vector_load %arg12[%get3A_309, %get3A_310, %get3A_311] {strides = array<i32>} : memref<2x96x128xf32, #tpu.memory_space<vmem>>, vector<1x1x16xf32>,
        %get3A_313 = vector.shape_cast %get3A_312 : vector<1x1x16xf32> to vector<16xf32>
        %add3A_314 = arith.addf %get3A_307, %get3A_313 : vector<16xf32>
        %max3A_315 = arith.constant 0.000000e+00 : f32
        %max3A_316 = vector.broadcast %max3A_315 : f32 to vector<16xf32>
        %max3A_317 = arith.maximumf %add3A_314, %max3A_316 : vector<16xf32>
        %swap3A_318 = arith.constant 0 : i32
        %swap3A_319 = arith.index_cast %swap3A_318 : i32 to index
        %swap3A_320 = arith.index_cast %scan3A_212 : i32 to index
        %swap3A_321 = arith.constant 64 : index
        %swap3A_322 = tpu.vector_load %arg11[%swap3A_319, %swap3A_320, %swap3A_321] {strides = array<i32>} : memref<2x96x128xf32, #tpu.memory_space<vmem>>, vector<1x1x16xf32>,
        %swap3A_323 = vector.shape_cast %swap3A_322 : vector<1x1x16xf32> to vector<16xf32>
        %swap3A_324 = vector.shape_cast %max3A_317 : vector<16xf32> to vector<1x1x16xf32>
        tpu.vector_store %arg11[%swap3A_319, %swap3A_320, %swap3A_321], %swap3A_324 {strides = array<i32>} : memref<2x96x128xf32, #tpu.memory_space<vmem>>, vector<1x1x16xf32>,
        %get3A_325 = arith.constant 0 : i32
        %get3A_326 = arith.index_cast %get3A_325 : i32 to index
        %get3A_327 = arith.index_cast %scan3A_212 : i32 to index
        %get3A_328 = arith.constant 80 : index
        %get3A_329 = tpu.vector_load %arg11[%get3A_326, %get3A_327, %get3A_328] {strides = array<i32>} : memref<2x96x128xf32, #tpu.memory_space<vmem>>, vector<1x1x16xf32>,
        %get3A_330 = vector.shape_cast %get3A_329 : vector<1x1x16xf32> to vector<16xf32>
        %get3A_331 = arith.constant 0 : i32
        %get3A_332 = arith.index_cast %get3A_331 : i32 to index
        %get3A_333 = arith.index_cast %scan3A_212 : i32 to index
        %get3A_334 = arith.constant 80 : index
        %get3A_335 = tpu.vector_load %arg12[%get3A_332, %get3A_333, %get3A_334] {strides = array<i32>} : memref<2x96x128xf32, #tpu.memory_space<vmem>>, vector<1x1x16xf32>,
        %get3A_336 = vector.shape_cast %get3A_335 : vector<1x1x16xf32> to vector<16xf32>
        %add3A_337 = arith.addf %get3A_330, %get3A_336 : vector<16xf32>
        %max3A_338 = arith.constant 0.000000e+00 : f32
        %max3A_339 = vector.broadcast %max3A_338 : f32 to vector<16xf32>
        %max3A_340 = arith.maximumf %add3A_337, %max3A_339 : vector<16xf32>
        %swap3A_341 = arith.constant 0 : i32
        %swap3A_342 = arith.index_cast %swap3A_341 : i32 to index
        %swap3A_343 = arith.index_cast %scan3A_212 : i32 to index
        %swap3A_344 = arith.constant 80 : index
        %swap3A_345 = tpu.vector_load %arg11[%swap3A_342, %swap3A_343, %swap3A_344] {strides = array<i32>} : memref<2x96x128xf32, #tpu.memory_space<vmem>>, vector<1x1x16xf32>,
        %swap3A_346 = vector.shape_cast %swap3A_345 : vector<1x1x16xf32> to vector<16xf32>
        %swap3A_347 = vector.shape_cast %max3A_340 : vector<16xf32> to vector<1x1x16xf32>
        tpu.vector_store %arg11[%swap3A_342, %swap3A_343, %swap3A_344], %swap3A_347 {strides = array<i32>} : memref<2x96x128xf32, #tpu.memory_space<vmem>>, vector<1x1x16xf32>,
        %get3A_348 = arith.constant 0 : i32
        %get3A_349 = arith.index_cast %get3A_348 : i32 to index
        %get3A_350 = arith.index_cast %scan3A_212 : i32 to index
        %get3A_351 = arith.constant 96 : index
        %get3A_352 = tpu.vector_load %arg11[%get3A_349, %get3A_350, %get3A_351] {strides = array<i32>} : memref<2x96x128xf32, #tpu.memory_space<vmem>>, vector<1x1x16xf32>,
        %get3A_353 = vector.shape_cast %get3A_352 : vector<1x1x16xf32> to vector<16xf32>
        %get3A_354 = arith.constant 0 : i32
        %get3A_355 = arith.index_cast %get3A_354 : i32 to index
        %get3A_356 = arith.index_cast %scan3A_212 : i32 to index
        %get3A_357 = arith.constant 96 : index
        %get3A_358 = tpu.vector_load %arg12[%get3A_355, %get3A_356, %get3A_357] {strides = array<i32>} : memref<2x96x128xf32, #tpu.memory_space<vmem>>, vector<1x1x16xf32>,
        %get3A_359 = vector.shape_cast %get3A_358 : vector<1x1x16xf32> to vector<16xf32>
        %add3A_360 = arith.addf %get3A_353, %get3A_359 : vector<16xf32>
        %max3A_361 = arith.constant 0.000000e+00 : f32
        %max3A_362 = vector.broadcast %max3A_361 : f32 to vector<16xf32>
        %max3A_363 = arith.maximumf %add3A_360, %max3A_362 : vector<16xf32>
        %swap3A_364 = arith.constant 0 : i32
        %swap3A_365 = arith.index_cast %swap3A_364 : i32 to index
        %swap3A_366 = arith.index_cast %scan3A_212 : i32 to index
        %swap3A_367 = arith.constant 96 : index
        %swap3A_368 = tpu.vector_load %arg11[%swap3A_365, %swap3A_366, %swap3A_367] {strides = array<i32>} : memref<2x96x128xf32, #tpu.memory_space<vmem>>, vector<1x1x16xf32>,
        %swap3A_369 = vector.shape_cast %swap3A_368 : vector<1x1x16xf32> to vector<16xf32>
        %swap3A_370 = vector.shape_cast %max3A_363 : vector<16xf32> to vector<1x1x16xf32>
        tpu.vector_store %arg11[%swap3A_365, %swap3A_366, %swap3A_367], %swap3A_370 {strides = array<i32>} : memref<2x96x128xf32, #tpu.memory_space<vmem>>, vector<1x1x16xf32>,
        %get3A_371 = arith.constant 0 : i32
        %get3A_372 = arith.index_cast %get3A_371 : i32 to index
        %get3A_373 = arith.index_cast %scan3A_212 : i32 to index
        %get3A_374 = arith.constant 112 : index
        %get3A_375 = tpu.vector_load %arg11[%get3A_372, %get3A_373, %get3A_374] {strides = array<i32>} : memref<2x96x128xf32, #tpu.memory_space<vmem>>, vector<1x1x16xf32>,
        %get3A_376 = vector.shape_cast %get3A_375 : vector<1x1x16xf32> to vector<16xf32>
        %get3A_377 = arith.constant 0 : i32
        %get3A_378 = arith.index_cast %get3A_377 : i32 to index
        %get3A_379 = arith.index_cast %scan3A_212 : i32 to index
        %get3A_380 = arith.constant 112 : index
        %get3A_381 = tpu.vector_load %arg12[%get3A_378, %get3A_379, %get3A_380] {strides = array<i32>} : memref<2x96x128xf32, #tpu.memory_space<vmem>>, vector<1x1x16xf32>,
        %get3A_382 = vector.shape_cast %get3A_381 : vector<1x1x16xf32> to vector<16xf32>
        %add3A_383 = arith.addf %get3A_376, %get3A_382 : vector<16xf32>
        %max3A_384 = arith.constant 0.000000e+00 : f32
        %max3A_385 = vector.broadcast %max3A_384 : f32 to vector<16xf32>
        %max3A_386 = arith.maximumf %add3A_383, %max3A_385 : vector<16xf32>
        %swap3A_387 = arith.constant 0 : i32
        %swap3A_388 = arith.index_cast %swap3A_387 : i32 to index
        %swap3A_389 = arith.index_cast %scan3A_212 : i32 to index
        %swap3A_390 = arith.constant 112 : index
        %swap3A_391 = tpu.vector_load %arg11[%swap3A_388, %swap3A_389, %swap3A_390] {strides = array<i32>} : memref<2x96x128xf32, #tpu.memory_space<vmem>>, vector<1x1x16xf32>,
        %swap3A_392 = vector.shape_cast %swap3A_391 : vector<1x1x16xf32> to vector<16xf32>
        %swap3A_393 = vector.shape_cast %max3A_386 : vector<16xf32> to vector<1x1x16xf32>
        tpu.vector_store %arg11[%swap3A_388, %swap3A_389, %swap3A_390], %swap3A_393 {strides = array<i32>} : memref<2x96x128xf32, #tpu.memory_space<vmem>>, vector<1x1x16xf32>,
      }
      %scan3A_152 = arith.constant 96 : i32
      %add3A_153 = arith.addi %mul3A_2, %add3A_108 : i32
      %mul3A_154 = arith.constant 96 : i32
      %mul3A_155 = arith.muli %add3A_153, %mul3A_154 : i32
      %run_scoped3A_156 = arith.constant 0 : i32
      "tpu.region"() ({
        %run_scoped3A_212 = tpu.sem_alloc : memref<!tpu.dma_semaphore, #tpu.memory_space<semaphore_mem>>
        %dma_start3A_213 = arith.constant 0 : i32
        %dma_start3A_214 = tpu.memref_slice %arg10[%run_scoped3A_156, %dma_start3A_213] : memref<2x96xi32, #tpu.memory_space<vmem>> -> memref<1x96xi32, #tpu.memory_space<vmem>>
        %dma_start3A_215 = tpu.memref_squeeze %dma_start3A_214 : memref<1x96xi32, #tpu.memory_space<vmem>> -> memref<96xi32, #tpu.memory_space<vmem>>
        %dma_start3A_216 = tpu.memref_slice %arg5[%mul3A_155] : memref<328704xi32, #tpu.memory_space<hbm>> -> memref<96xi32, #tpu.memory_space<hbm>>
        %dma_start3A_217 = arith.constant 0 : i32
        %dma_start3A_218 = tpu.memref_slice %arg10[%run_scoped3A_156, %dma_start3A_217] : memref<2x96xi32, #tpu.memory_space<vmem>> -> memref<1x96xi32, #tpu.memory_space<vmem>>
        %dma_start3A_219 = tpu.memref_squeeze %dma_start3A_218 : memref<1x96xi32, #tpu.memory_space<vmem>> -> memref<96xi32, #tpu.memory_space<vmem>>
        %dma_start3A_220 = tpu.memref_slice %arg5[%mul3A_155] : memref<328704xi32, #tpu.memory_space<hbm>> -> memref<96xi32, #tpu.memory_space<hbm>>
        tpu.enqueue_dma source(%dma_start3A_220 : memref<96xi32, #tpu.memory_space<hbm>>) target(%dma_start3A_219 : memref<96xi32, #tpu.memory_space<vmem>>) target_semaphore(%run_scoped3A_212 : memref<!tpu.dma_semaphore, #tpu.memory_space<semaphore_mem>>)
        %dma_wait3A_221 = arith.constant 0 : i32
        %dma_wait3A_222 = tpu.memref_slice %arg10[%run_scoped3A_156, %dma_wait3A_221] : memref<2x96xi32, #tpu.memory_space<vmem>> -> memref<1x96xi32, #tpu.memory_space<vmem>>
        %dma_wait3A_223 = tpu.memref_squeeze %dma_wait3A_222 : memref<1x96xi32, #tpu.memory_space<vmem>> -> memref<96xi32, #tpu.memory_space<vmem>>
        %dma_wait3A_224 = tpu.memref_slice %arg5[%mul3A_155] : memref<328704xi32, #tpu.memory_space<hbm>> -> memref<96xi32, #tpu.memory_space<hbm>>
        %dma_wait3A_225 = arith.constant 0 : i32
        %dma_wait3A_226 = tpu.memref_slice %arg10[%run_scoped3A_156, %dma_wait3A_225] : memref<2x96xi32, #tpu.memory_space<vmem>> -> memref<1x96xi32, #tpu.memory_space<vmem>>
        %dma_wait3A_227 = tpu.memref_squeeze %dma_wait3A_226 : memref<1x96xi32, #tpu.memory_space<vmem>> -> memref<96xi32, #tpu.memory_space<vmem>>
        %dma_wait3A_228 = tpu.memref_slice %arg5[%mul3A_155] : memref<328704xi32, #tpu.memory_space<hbm>> -> memref<96xi32, #tpu.memory_space<hbm>>
        tpu.wait_dma2 semaphore(%run_scoped3A_212 : memref<!tpu.dma_semaphore, #tpu.memory_space<semaphore_mem>>) src(%dma_wait3A_228 : memref<96xi32, #tpu.memory_space<hbm>>) dst(%dma_wait3A_227 : memref<96xi32, #tpu.memory_space<vmem>>)
        tpu.yield
      }) : () -> ()
      %run_scoped3A_157 = arith.constant 0 : i32
      %run_scoped3A_158 = arith.constant 0 : i32
      "tpu.region"() ({
        %run_scoped3A_212 = tpu.sem_alloc : memref<!tpu.dma_semaphore, #tpu.memory_space<semaphore_mem>>
        %dma_start3A_213 = arith.constant 0 : i32
        %dma_start3A_214 = arith.constant 0 : i32
        %dma_start3A_215 = tpu.memref_slice %arg11[%run_scoped3A_157, %dma_start3A_213, %dma_start3A_214] : memref<2x96x128xf32, #tpu.memory_space<vmem>> -> memref<1x96x128xf32, #tpu.memory_space<vmem>>
        %dma_start3A_216 = tpu.memref_squeeze %dma_start3A_215 : memref<1x96x128xf32, #tpu.memory_space<vmem>> -> memref<96x128xf32, #tpu.memory_space<vmem>>
        %dma_start3A_217 = arith.constant 0 : i32
        %dma_start3A_218 = tpu.memref_slice %arg10[%run_scoped3A_158, %dma_start3A_217] : memref<2x96xi32, #tpu.memory_space<vmem>> -> memref<1x96xi32, #tpu.memory_space<vmem>>
        %dma_start3A_219 = tpu.memref_squeeze %dma_start3A_218 : memref<1x96xi32, #tpu.memory_space<vmem>> -> memref<96xi32, #tpu.memory_space<vmem>>
        %dma_start3A_220 = arith.constant 0 : i32
        %dma_start3A_221 = arith.constant 0 : i32
        %dma_start3A_222 = tpu.memref_slice %arg8[%dma_start3A_220, %dma_start3A_221] : memref<10000x128xf32, #tpu.memory_space<vmem_shared>> -> memref<10000x128xf32, #tpu.memory_space<vmem_shared>>
        tpu.enqueue_indirect_dma source(%dma_start3A_216 : memref<96x128xf32, #tpu.memory_space<vmem>>) target(%dma_start3A_222 : memref<10000x128xf32, #tpu.memory_space<vmem_shared>>) offsets(%dma_start3A_219 : memref<96xi32, #tpu.memory_space<vmem>>) semaphore(%run_scoped3A_212 : memref<!tpu.dma_semaphore, #tpu.memory_space<semaphore_mem>>) {add = true}
        %dma_wait3A_223 = arith.constant 0 : i32
        %dma_wait3A_224 = arith.constant 0 : i32
        %dma_wait3A_225 = tpu.memref_slice %arg11[%run_scoped3A_157, %dma_wait3A_223, %dma_wait3A_224] : memref<2x96x128xf32, #tpu.memory_space<vmem>> -> memref<1x96x128xf32, #tpu.memory_space<vmem>>
        %dma_wait3A_226 = tpu.memref_squeeze %dma_wait3A_225 : memref<1x96x128xf32, #tpu.memory_space<vmem>> -> memref<96x128xf32, #tpu.memory_space<vmem>>
        %dma_wait3A_227 = arith.constant 0 : i32
        %dma_wait3A_228 = tpu.memref_slice %arg10[%run_scoped3A_158, %dma_wait3A_227] : memref<2x96xi32, #tpu.memory_space<vmem>> -> memref<1x96xi32, #tpu.memory_space<vmem>>
        %dma_wait3A_229 = tpu.memref_squeeze %dma_wait3A_228 : memref<1x96xi32, #tpu.memory_space<vmem>> -> memref<96xi32, #tpu.memory_space<vmem>>
        %dma_wait3A_230 = arith.constant 0 : i32
        %dma_wait3A_231 = arith.constant 0 : i32
        %dma_wait3A_232 = tpu.memref_slice %arg8[%dma_wait3A_230, %dma_wait3A_231] : memref<10000x128xf32, #tpu.memory_space<vmem_shared>> -> memref<10000x128xf32, #tpu.memory_space<vmem_shared>>
        tpu.wait_indirect_dma semaphore(%run_scoped3A_212 : memref<!tpu.dma_semaphore, #tpu.memory_space<semaphore_mem>>) src(%dma_wait3A_226 : memref<96x128xf32, #tpu.memory_space<vmem>>) dst(%dma_wait3A_232 : memref<10000x128xf32, #tpu.memory_space<vmem_shared>>)
        tpu.yield
      }) : () -> ()
      %add3A_159 = arith.constant 1 : i32
      %add3A_160 = arith.addi %add3A_106, %add3A_159 : i32
      %lt3A_161 = arith.constant 106 : i32
      %lt3A_162 = arith.cmpi slt, %add3A_160, %lt3A_161 : i32
      %convert_element_type3A_163 = arith.extui %lt3A_162 : i1 to i32
      %cond3A_164 = arith.constant 0 : i32
      %cond3A_165 = arith.cmpi ne, %convert_element_type3A_163, %cond3A_164 : i32
      scf.if %cond3A_165 {
        %add3A_212 = arith.constant 1 : i32
        %add3A_213 = arith.addi %add3A_160, %add3A_212 : i32
        %add3A_214 = arith.addi %mul3A_2, %add3A_213 : i32
        %mul3A_215 = arith.constant 96 : i32
        %mul3A_216 = arith.muli %add3A_214, %mul3A_215 : i32
        %run_scoped3A_217 = arith.constant 0 : i32
        "tpu.region"() ({
          %run_scoped3A_252 = tpu.sem_alloc : memref<!tpu.dma_semaphore, #tpu.memory_space<semaphore_mem>>
          %dma_start3A_253 = arith.constant 0 : i32
          %dma_start3A_254 = tpu.memref_slice %arg9[%run_scoped3A_217, %dma_start3A_253] : memref<2x96xi32, #tpu.memory_space<vmem>> -> memref<1x96xi32, #tpu.memory_space<vmem>>
          %dma_start3A_255 = tpu.memref_squeeze %dma_start3A_254 : memref<1x96xi32, #tpu.memory_space<vmem>> -> memref<96xi32, #tpu.memory_space<vmem>>
          %dma_start3A_256 = tpu.memref_slice %arg4[%mul3A_216] : memref<328704xi32, #tpu.memory_space<hbm>> -> memref<96xi32, #tpu.memory_space<hbm>>
          %dma_start3A_257 = arith.constant 0 : i32
          %dma_start3A_258 = tpu.memref_slice %arg9[%run_scoped3A_217, %dma_start3A_257] : memref<2x96xi32, #tpu.memory_space<vmem>> -> memref<1x96xi32, #tpu.memory_space<vmem>>
          %dma_start3A_259 = tpu.memref_squeeze %dma_start3A_258 : memref<1x96xi32, #tpu.memory_space<vmem>> -> memref<96xi32, #tpu.memory_space<vmem>>
          %dma_start3A_260 = tpu.memref_slice %arg4[%mul3A_216] : memref<328704xi32, #tpu.memory_space<hbm>> -> memref<96xi32, #tpu.memory_space<hbm>>
          tpu.enqueue_dma source(%dma_start3A_260 : memref<96xi32, #tpu.memory_space<hbm>>) target(%dma_start3A_259 : memref<96xi32, #tpu.memory_space<vmem>>) target_semaphore(%run_scoped3A_252 : memref<!tpu.dma_semaphore, #tpu.memory_space<semaphore_mem>>)
          %dma_wait3A_261 = arith.constant 0 : i32
          %dma_wait3A_262 = tpu.memref_slice %arg9[%run_scoped3A_217, %dma_wait3A_261] : memref<2x96xi32, #tpu.memory_space<vmem>> -> memref<1x96xi32, #tpu.memory_space<vmem>>
          %dma_wait3A_263 = tpu.memref_squeeze %dma_wait3A_262 : memref<1x96xi32, #tpu.memory_space<vmem>> -> memref<96xi32, #tpu.memory_space<vmem>>
          %dma_wait3A_264 = tpu.memref_slice %arg4[%mul3A_216] : memref<328704xi32, #tpu.memory_space<hbm>> -> memref<96xi32, #tpu.memory_space<hbm>>
          %dma_wait3A_265 = arith.constant 0 : i32
          %dma_wait3A_266 = tpu.memref_slice %arg9[%run_scoped3A_217, %dma_wait3A_265] : memref<2x96xi32, #tpu.memory_space<vmem>> -> memref<1x96xi32, #tpu.memory_space<vmem>>
          %dma_wait3A_267 = tpu.memref_squeeze %dma_wait3A_266 : memref<1x96xi32, #tpu.memory_space<vmem>> -> memref<96xi32, #tpu.memory_space<vmem>>
          %dma_wait3A_268 = tpu.memref_slice %arg4[%mul3A_216] : memref<328704xi32, #tpu.memory_space<hbm>> -> memref<96xi32, #tpu.memory_space<hbm>>
          tpu.wait_dma2 semaphore(%run_scoped3A_252 : memref<!tpu.dma_semaphore, #tpu.memory_space<semaphore_mem>>) src(%dma_wait3A_268 : memref<96xi32, #tpu.memory_space<hbm>>) dst(%dma_wait3A_267 : memref<96xi32, #tpu.memory_space<vmem>>)
          tpu.yield
        }) : () -> ()
        %dma_start3A_218 = arith.constant 0 : i32
        %dma_start3A_219 = arith.constant 0 : i32
        %dma_start3A_220 = arith.constant 0 : i32
        %dma_start3A_221 = arith.constant 0 : i32
        %dma_start3A_222 = arith.constant 0 : i32
        %dma_start3A_223 = tpu.memref_slice %arg11[%dma_start3A_219, %dma_start3A_221, %dma_start3A_222] : memref<2x96x128xf32, #tpu.memory_space<vmem>> -> memref<1x96x128xf32, #tpu.memory_space<vmem>>
        %dma_start3A_224 = tpu.memref_squeeze %dma_start3A_223 : memref<1x96x128xf32, #tpu.memory_space<vmem>> -> memref<96x128xf32, #tpu.memory_space<vmem>>
        %dma_start3A_225 = arith.constant 0 : i32
        %dma_start3A_226 = tpu.memref_slice %arg9[%dma_start3A_218, %dma_start3A_225] : memref<2x96xi32, #tpu.memory_space<vmem>> -> memref<1x96xi32, #tpu.memory_space<vmem>>
        %dma_start3A_227 = tpu.memref_squeeze %dma_start3A_226 : memref<1x96xi32, #tpu.memory_space<vmem>> -> memref<96xi32, #tpu.memory_space<vmem>>
        %dma_start3A_228 = arith.constant 0 : i32
        %dma_start3A_229 = arith.constant 0 : i32
        %dma_start3A_230 = tpu.memref_slice %arg2[%dma_start3A_228, %dma_start3A_229] : memref<10000x128xf32, #tpu.memory_space<hbm>> -> memref<10000x128xf32, #tpu.memory_space<hbm>>
        %dma_start3A_231 = tpu.memref_slice %arg13[%dma_start3A_220] : memref<2x!tpu.dma_semaphore, #tpu.memory_space<semaphore_mem>> -> memref<1x!tpu.dma_semaphore, #tpu.memory_space<semaphore_mem>>
        %dma_start3A_232 = tpu.memref_squeeze %dma_start3A_231 : memref<1x!tpu.dma_semaphore, #tpu.memory_space<semaphore_mem>> -> memref<!tpu.dma_semaphore, #tpu.memory_space<semaphore_mem>>
        tpu.enqueue_indirect_dma source(%dma_start3A_230 : memref<10000x128xf32, #tpu.memory_space<hbm>>) target(%dma_start3A_224 : memref<96x128xf32, #tpu.memory_space<vmem>>) offsets(%dma_start3A_227 : memref<96xi32, #tpu.memory_space<vmem>>) semaphore(%dma_start3A_232 : memref<!tpu.dma_semaphore, #tpu.memory_space<semaphore_mem>>)
        %add3A_233 = arith.addi %mul3A_2, %add3A_213 : i32
        %mul3A_234 = arith.constant 96 : i32
        %mul3A_235 = arith.muli %add3A_233, %mul3A_234 : i32
        %dma_start3A_236 = arith.constant 0 : i32
        %dma_start3A_237 = arith.constant 0 : i32
        %dma_start3A_238 = arith.constant 0 : i32
        %dma_start3A_239 = arith.constant 0 : i32
        %dma_start3A_240 = tpu.memref_slice %arg12[%dma_start3A_236, %dma_start3A_238, %dma_start3A_239] : memref<2x96x128xf32, #tpu.memory_space<vmem>> -> memref<1x96x128xf32, #tpu.memory_space<vmem>>
        %dma_start3A_241 = tpu.memref_squeeze %dma_start3A_240 : memref<1x96x128xf32, #tpu.memory_space<vmem>> -> memref<96x128xf32, #tpu.memory_space<vmem>>
        %dma_start3A_242 = arith.constant 0 : i32
        %dma_start3A_243 = tpu.memref_slice %arg3[%mul3A_235, %dma_start3A_242] : memref<328704x128xf32, #tpu.memory_space<hbm>> -> memref<96x128xf32, #tpu.memory_space<hbm>>
        %dma_start3A_244 = tpu.memref_slice %arg14[%dma_start3A_237] : memref<2x!tpu.dma_semaphore, #tpu.memory_space<semaphore_mem>> -> memref<1x!tpu.dma_semaphore, #tpu.memory_space<semaphore_mem>>
        %dma_start3A_245 = tpu.memref_squeeze %dma_start3A_244 : memref<1x!tpu.dma_semaphore, #tpu.memory_space<semaphore_mem>> -> memref<!tpu.dma_semaphore, #tpu.memory_space<semaphore_mem>>
        %dma_start3A_246 = arith.constant 0 : i32
        %dma_start3A_247 = arith.constant 0 : i32
        %dma_start3A_248 = tpu.memref_slice %arg12[%dma_start3A_236, %dma_start3A_246, %dma_start3A_247] : memref<2x96x128xf32, #tpu.memory_space<vmem>> -> memref<1x96x128xf32, #tpu.memory_space<vmem>>
        %dma_start3A_249 = tpu.memref_squeeze %dma_start3A_248 : memref<1x96x128xf32, #tpu.memory_space<vmem>> -> memref<96x128xf32, #tpu.memory_space<vmem>>
        %dma_start3A_250 = arith.constant 0 : i32
        %dma_start3A_251 = tpu.memref_slice %arg3[%mul3A_235, %dma_start3A_250] : memref<328704x128xf32, #tpu.memory_space<hbm>> -> memref<96x128xf32, #tpu.memory_space<hbm>>
        tpu.enqueue_dma source(%dma_start3A_251 : memref<96x128xf32, #tpu.memory_space<hbm>>) target(%dma_start3A_249 : memref<96x128xf32, #tpu.memory_space<vmem>>) target_semaphore(%dma_start3A_245 : memref<!tpu.dma_semaphore, #tpu.memory_space<semaphore_mem>>)
      } else {
      }
      %dma_wait3A_166 = arith.constant 1 : i32
      %dma_wait3A_167 = arith.constant 1 : i32
      %dma_wait3A_168 = arith.constant 1 : i32
      %dma_wait3A_169 = arith.constant 0 : i32
      %dma_wait3A_170 = arith.constant 0 : i32
      %dma_wait3A_171 = tpu.memref_slice %arg11[%dma_wait3A_167, %dma_wait3A_169, %dma_wait3A_170] : memref<2x96x128xf32, #tpu.memory_space<vmem>> -> memref<1x96x128xf32, #tpu.memory_space<vmem>>
      %dma_wait3A_172 = tpu.memref_squeeze %dma_wait3A_171 : memref<1x96x128xf32, #tpu.memory_space<vmem>> -> memref<96x128xf32, #tpu.memory_space<vmem>>
      %dma_wait3A_173 = arith.constant 0 : i32
      %dma_wait3A_174 = tpu.memref_slice %arg9[%dma_wait3A_166, %dma_wait3A_173] : memref<2x96xi32, #tpu.memory_space<vmem>> -> memref<1x96xi32, #tpu.memory_space<vmem>>
      %dma_wait3A_175 = tpu.memref_squeeze %dma_wait3A_174 : memref<1x96xi32, #tpu.memory_space<vmem>> -> memref<96xi32, #tpu.memory_space<vmem>>
      %dma_wait3A_176 = arith.constant 0 : i32
      %dma_wait3A_177 = arith.constant 0 : i32
      %dma_wait3A_178 = tpu.memref_slice %arg2[%dma_wait3A_176, %dma_wait3A_177] : memref<10000x128xf32, #tpu.memory_space<hbm>> -> memref<10000x128xf32, #tpu.memory_space<hbm>>
      %dma_wait3A_179 = tpu.memref_slice %arg13[%dma_wait3A_168] : memref<2x!tpu.dma_semaphore, #tpu.memory_space<semaphore_mem>> -> memref<1x!tpu.dma_semaphore, #tpu.memory_space<semaphore_mem>>
      %dma_wait3A_180 = tpu.memref_squeeze %dma_wait3A_179 : memref<1x!tpu.dma_semaphore, #tpu.memory_space<semaphore_mem>> -> memref<!tpu.dma_semaphore, #tpu.memory_space<semaphore_mem>>
      tpu.wait_indirect_dma semaphore(%dma_wait3A_180 : memref<!tpu.dma_semaphore, #tpu.memory_space<semaphore_mem>>) src(%dma_wait3A_178 : memref<10000x128xf32, #tpu.memory_space<hbm>>) dst(%dma_wait3A_172 : memref<96x128xf32, #tpu.memory_space<vmem>>)
      %add3A_181 = arith.addi %mul3A_2, %add3A_160 : i32
      %mul3A_182 = arith.constant 96 : i32
      %mul3A_183 = arith.muli %add3A_181, %mul3A_182 : i32
      %dma_wait3A_184 = arith.constant 1 : i32
      %dma_wait3A_185 = arith.constant 1 : i32
      %dma_wait3A_186 = arith.constant 0 : i32
      %dma_wait3A_187 = arith.constant 0 : i32
      %dma_wait3A_188 = tpu.memref_slice %arg12[%dma_wait3A_184, %dma_wait3A_186, %dma_wait3A_187] : memref<2x96x128xf32, #tpu.memory_space<vmem>> -> memref<1x96x128xf32, #tpu.memory_space<vmem>>
      %dma_wait3A_189 = tpu.memref_squeeze %dma_wait3A_188 : memref<1x96x128xf32, #tpu.memory_space<vmem>> -> memref<96x128xf32, #tpu.memory_space<vmem>>
      %dma_wait3A_190 = arith.constant 0 : i32
      %dma_wait3A_191 = tpu.memref_slice %arg3[%mul3A_183, %dma_wait3A_190] : memref<328704x128xf32, #tpu.memory_space<hbm>> -> memref<96x128xf32, #tpu.memory_space<hbm>>
      %dma_wait3A_192 = tpu.memref_slice %arg14[%dma_wait3A_185] : memref<2x!tpu.dma_semaphore, #tpu.memory_space<semaphore_mem>> -> memref<1x!tpu.dma_semaphore, #tpu.memory_space<semaphore_mem>>
      %dma_wait3A_193 = tpu.memref_squeeze %dma_wait3A_192 : memref<1x!tpu.dma_semaphore, #tpu.memory_space<semaphore_mem>> -> memref<!tpu.dma_semaphore, #tpu.memory_space<semaphore_mem>>
      %dma_wait3A_194 = arith.constant 0 : i32
      %dma_wait3A_195 = arith.constant 0 : i32
      %dma_wait3A_196 = tpu.memref_slice %arg12[%dma_wait3A_184, %dma_wait3A_194, %dma_wait3A_195] : memref<2x96x128xf32, #tpu.memory_space<vmem>> -> memref<1x96x128xf32, #tpu.memory_space<vmem>>
      %dma_wait3A_197 = tpu.memref_squeeze %dma_wait3A_196 : memref<1x96x128xf32, #tpu.memory_space<vmem>> -> memref<96x128xf32, #tpu.memory_space<vmem>>
      %dma_wait3A_198 = arith.constant 0 : i32
      %dma_wait3A_199 = tpu.memref_slice %arg3[%mul3A_183, %dma_wait3A_198] : memref<328704x128xf32, #tpu.memory_space<hbm>> -> memref<96x128xf32, #tpu.memory_space<hbm>>
      tpu.wait_dma2 semaphore(%dma_wait3A_193 : memref<!tpu.dma_semaphore, #tpu.memory_space<semaphore_mem>>) src(%dma_wait3A_199 : memref<96x128xf32, #tpu.memory_space<hbm>>) dst(%dma_wait3A_197 : memref<96x128xf32, #tpu.memory_space<vmem>>)
      %scan3A_200 = arith.constant 0 : i32
      %scan3A_201 = arith.constant 0 : i32
      %scan3A_202 = arith.constant 96 : i32
      %scan3A_203 = arith.addi %scan3A_201, %scan3A_202 : i32
      %scan3A_204 = arith.constant 1 : i32
      scf.for %scan3A_212 = %scan3A_201 to %scan3A_203 step %scan3A_204  : i32 {
        %get3A = arith.constant 1 : i32
        %get3A_213 = arith.index_cast %get3A : i32 to index
        %get3A_214 = arith.index_cast %scan3A_212 : i32 to index
        %get3A_215 = arith.constant 0 : index
        %get3A_216 = tpu.vector_load %arg11[%get3A_213, %get3A_214, %get3A_215] {strides = array<i32>} : memref<2x96x128xf32, #tpu.memory_space<vmem>>, vector<1x1x16xf32>,
        %get3A_217 = vector.shape_cast %get3A_216 : vector<1x1x16xf32> to vector<16xf32>
        %get3A_218 = arith.constant 1 : i32
        %get3A_219 = arith.index_cast %get3A_218 : i32 to index
        %get3A_220 = arith.index_cast %scan3A_212 : i32 to index
        %get3A_221 = arith.constant 0 : index
        %get3A_222 = tpu.vector_load %arg12[%get3A_219, %get3A_220, %get3A_221] {strides = array<i32>} : memref<2x96x128xf32, #tpu.memory_space<vmem>>, vector<1x1x16xf32>,
        %get3A_223 = vector.shape_cast %get3A_222 : vector<1x1x16xf32> to vector<16xf32>
        %add3A_224 = arith.addf %get3A_217, %get3A_223 : vector<16xf32>
        %max3A = arith.constant 0.000000e+00 : f32
        %max3A_225 = vector.broadcast %max3A : f32 to vector<16xf32>
        %max3A_226 = arith.maximumf %add3A_224, %max3A_225 : vector<16xf32>
        %swap3A = arith.constant 1 : i32
        %swap3A_227 = arith.index_cast %swap3A : i32 to index
        %swap3A_228 = arith.index_cast %scan3A_212 : i32 to index
        %swap3A_229 = arith.constant 0 : index
        %swap3A_230 = tpu.vector_load %arg11[%swap3A_227, %swap3A_228, %swap3A_229] {strides = array<i32>} : memref<2x96x128xf32, #tpu.memory_space<vmem>>, vector<1x1x16xf32>,
        %swap3A_231 = vector.shape_cast %swap3A_230 : vector<1x1x16xf32> to vector<16xf32>
        %swap3A_232 = vector.shape_cast %max3A_226 : vector<16xf32> to vector<1x1x16xf32>
        tpu.vector_store %arg11[%swap3A_227, %swap3A_228, %swap3A_229], %swap3A_232 {strides = array<i32>} : memref<2x96x128xf32, #tpu.memory_space<vmem>>, vector<1x1x16xf32>,
        %get3A_233 = arith.constant 1 : i32
        %get3A_234 = arith.index_cast %get3A_233 : i32 to index
        %get3A_235 = arith.index_cast %scan3A_212 : i32 to index
        %get3A_236 = arith.constant 16 : index
        %get3A_237 = tpu.vector_load %arg11[%get3A_234, %get3A_235, %get3A_236] {strides = array<i32>} : memref<2x96x128xf32, #tpu.memory_space<vmem>>, vector<1x1x16xf32>,
        %get3A_238 = vector.shape_cast %get3A_237 : vector<1x1x16xf32> to vector<16xf32>
        %get3A_239 = arith.constant 1 : i32
        %get3A_240 = arith.index_cast %get3A_239 : i32 to index
        %get3A_241 = arith.index_cast %scan3A_212 : i32 to index
        %get3A_242 = arith.constant 16 : index
        %get3A_243 = tpu.vector_load %arg12[%get3A_240, %get3A_241, %get3A_242] {strides = array<i32>} : memref<2x96x128xf32, #tpu.memory_space<vmem>>, vector<1x1x16xf32>,
        %get3A_244 = vector.shape_cast %get3A_243 : vector<1x1x16xf32> to vector<16xf32>
        %add3A_245 = arith.addf %get3A_238, %get3A_244 : vector<16xf32>
        %max3A_246 = arith.constant 0.000000e+00 : f32
        %max3A_247 = vector.broadcast %max3A_246 : f32 to vector<16xf32>
        %max3A_248 = arith.maximumf %add3A_245, %max3A_247 : vector<16xf32>
        %swap3A_249 = arith.constant 1 : i32
        %swap3A_250 = arith.index_cast %swap3A_249 : i32 to index
        %swap3A_251 = arith.index_cast %scan3A_212 : i32 to index
        %swap3A_252 = arith.constant 16 : index
        %swap3A_253 = tpu.vector_load %arg11[%swap3A_250, %swap3A_251, %swap3A_252] {strides = array<i32>} : memref<2x96x128xf32, #tpu.memory_space<vmem>>, vector<1x1x16xf32>,
        %swap3A_254 = vector.shape_cast %swap3A_253 : vector<1x1x16xf32> to vector<16xf32>
        %swap3A_255 = vector.shape_cast %max3A_248 : vector<16xf32> to vector<1x1x16xf32>
        tpu.vector_store %arg11[%swap3A_250, %swap3A_251, %swap3A_252], %swap3A_255 {strides = array<i32>} : memref<2x96x128xf32, #tpu.memory_space<vmem>>, vector<1x1x16xf32>,
        %get3A_256 = arith.constant 1 : i32
        %get3A_257 = arith.index_cast %get3A_256 : i32 to index
        %get3A_258 = arith.index_cast %scan3A_212 : i32 to index
        %get3A_259 = arith.constant 32 : index
        %get3A_260 = tpu.vector_load %arg11[%get3A_257, %get3A_258, %get3A_259] {strides = array<i32>} : memref<2x96x128xf32, #tpu.memory_space<vmem>>, vector<1x1x16xf32>,
        %get3A_261 = vector.shape_cast %get3A_260 : vector<1x1x16xf32> to vector<16xf32>
        %get3A_262 = arith.constant 1 : i32
        %get3A_263 = arith.index_cast %get3A_262 : i32 to index
        %get3A_264 = arith.index_cast %scan3A_212 : i32 to index
        %get3A_265 = arith.constant 32 : index
        %get3A_266 = tpu.vector_load %arg12[%get3A_263, %get3A_264, %get3A_265] {strides = array<i32>} : memref<2x96x128xf32, #tpu.memory_space<vmem>>, vector<1x1x16xf32>,
        %get3A_267 = vector.shape_cast %get3A_266 : vector<1x1x16xf32> to vector<16xf32>
        %add3A_268 = arith.addf %get3A_261, %get3A_267 : vector<16xf32>
        %max3A_269 = arith.constant 0.000000e+00 : f32
        %max3A_270 = vector.broadcast %max3A_269 : f32 to vector<16xf32>
        %max3A_271 = arith.maximumf %add3A_268, %max3A_270 : vector<16xf32>
        %swap3A_272 = arith.constant 1 : i32
        %swap3A_273 = arith.index_cast %swap3A_272 : i32 to index
        %swap3A_274 = arith.index_cast %scan3A_212 : i32 to index
        %swap3A_275 = arith.constant 32 : index
        %swap3A_276 = tpu.vector_load %arg11[%swap3A_273, %swap3A_274, %swap3A_275] {strides = array<i32>} : memref<2x96x128xf32, #tpu.memory_space<vmem>>, vector<1x1x16xf32>,
        %swap3A_277 = vector.shape_cast %swap3A_276 : vector<1x1x16xf32> to vector<16xf32>
        %swap3A_278 = vector.shape_cast %max3A_271 : vector<16xf32> to vector<1x1x16xf32>
        tpu.vector_store %arg11[%swap3A_273, %swap3A_274, %swap3A_275], %swap3A_278 {strides = array<i32>} : memref<2x96x128xf32, #tpu.memory_space<vmem>>, vector<1x1x16xf32>,
        %get3A_279 = arith.constant 1 : i32
        %get3A_280 = arith.index_cast %get3A_279 : i32 to index
        %get3A_281 = arith.index_cast %scan3A_212 : i32 to index
        %get3A_282 = arith.constant 48 : index
        %get3A_283 = tpu.vector_load %arg11[%get3A_280, %get3A_281, %get3A_282] {strides = array<i32>} : memref<2x96x128xf32, #tpu.memory_space<vmem>>, vector<1x1x16xf32>,
        %get3A_284 = vector.shape_cast %get3A_283 : vector<1x1x16xf32> to vector<16xf32>
        %get3A_285 = arith.constant 1 : i32
        %get3A_286 = arith.index_cast %get3A_285 : i32 to index
        %get3A_287 = arith.index_cast %scan3A_212 : i32 to index
        %get3A_288 = arith.constant 48 : index
        %get3A_289 = tpu.vector_load %arg12[%get3A_286, %get3A_287, %get3A_288] {strides = array<i32>} : memref<2x96x128xf32, #tpu.memory_space<vmem>>, vector<1x1x16xf32>,
        %get3A_290 = vector.shape_cast %get3A_289 : vector<1x1x16xf32> to vector<16xf32>
        %add3A_291 = arith.addf %get3A_284, %get3A_290 : vector<16xf32>
        %max3A_292 = arith.constant 0.000000e+00 : f32
        %max3A_293 = vector.broadcast %max3A_292 : f32 to vector<16xf32>
        %max3A_294 = arith.maximumf %add3A_291, %max3A_293 : vector<16xf32>
        %swap3A_295 = arith.constant 1 : i32
        %swap3A_296 = arith.index_cast %swap3A_295 : i32 to index
        %swap3A_297 = arith.index_cast %scan3A_212 : i32 to index
        %swap3A_298 = arith.constant 48 : index
        %swap3A_299 = tpu.vector_load %arg11[%swap3A_296, %swap3A_297, %swap3A_298] {strides = array<i32>} : memref<2x96x128xf32, #tpu.memory_space<vmem>>, vector<1x1x16xf32>,
        %swap3A_300 = vector.shape_cast %swap3A_299 : vector<1x1x16xf32> to vector<16xf32>
        %swap3A_301 = vector.shape_cast %max3A_294 : vector<16xf32> to vector<1x1x16xf32>
        tpu.vector_store %arg11[%swap3A_296, %swap3A_297, %swap3A_298], %swap3A_301 {strides = array<i32>} : memref<2x96x128xf32, #tpu.memory_space<vmem>>, vector<1x1x16xf32>,
        %get3A_302 = arith.constant 1 : i32
        %get3A_303 = arith.index_cast %get3A_302 : i32 to index
        %get3A_304 = arith.index_cast %scan3A_212 : i32 to index
        %get3A_305 = arith.constant 64 : index
        %get3A_306 = tpu.vector_load %arg11[%get3A_303, %get3A_304, %get3A_305] {strides = array<i32>} : memref<2x96x128xf32, #tpu.memory_space<vmem>>, vector<1x1x16xf32>,
        %get3A_307 = vector.shape_cast %get3A_306 : vector<1x1x16xf32> to vector<16xf32>
        %get3A_308 = arith.constant 1 : i32
        %get3A_309 = arith.index_cast %get3A_308 : i32 to index
        %get3A_310 = arith.index_cast %scan3A_212 : i32 to index
        %get3A_311 = arith.constant 64 : index
        %get3A_312 = tpu.vector_load %arg12[%get3A_309, %get3A_310, %get3A_311] {strides = array<i32>} : memref<2x96x128xf32, #tpu.memory_space<vmem>>, vector<1x1x16xf32>,
        %get3A_313 = vector.shape_cast %get3A_312 : vector<1x1x16xf32> to vector<16xf32>
        %add3A_314 = arith.addf %get3A_307, %get3A_313 : vector<16xf32>
        %max3A_315 = arith.constant 0.000000e+00 : f32
        %max3A_316 = vector.broadcast %max3A_315 : f32 to vector<16xf32>
        %max3A_317 = arith.maximumf %add3A_314, %max3A_316 : vector<16xf32>
        %swap3A_318 = arith.constant 1 : i32
        %swap3A_319 = arith.index_cast %swap3A_318 : i32 to index
        %swap3A_320 = arith.index_cast %scan3A_212 : i32 to index
        %swap3A_321 = arith.constant 64 : index
        %swap3A_322 = tpu.vector_load %arg11[%swap3A_319, %swap3A_320, %swap3A_321] {strides = array<i32>} : memref<2x96x128xf32, #tpu.memory_space<vmem>>, vector<1x1x16xf32>,
        %swap3A_323 = vector.shape_cast %swap3A_322 : vector<1x1x16xf32> to vector<16xf32>
        %swap3A_324 = vector.shape_cast %max3A_317 : vector<16xf32> to vector<1x1x16xf32>
        tpu.vector_store %arg11[%swap3A_319, %swap3A_320, %swap3A_321], %swap3A_324 {strides = array<i32>} : memref<2x96x128xf32, #tpu.memory_space<vmem>>, vector<1x1x16xf32>,
        %get3A_325 = arith.constant 1 : i32
        %get3A_326 = arith.index_cast %get3A_325 : i32 to index
        %get3A_327 = arith.index_cast %scan3A_212 : i32 to index
        %get3A_328 = arith.constant 80 : index
        %get3A_329 = tpu.vector_load %arg11[%get3A_326, %get3A_327, %get3A_328] {strides = array<i32>} : memref<2x96x128xf32, #tpu.memory_space<vmem>>, vector<1x1x16xf32>,
        %get3A_330 = vector.shape_cast %get3A_329 : vector<1x1x16xf32> to vector<16xf32>
        %get3A_331 = arith.constant 1 : i32
        %get3A_332 = arith.index_cast %get3A_331 : i32 to index
        %get3A_333 = arith.index_cast %scan3A_212 : i32 to index
        %get3A_334 = arith.constant 80 : index
        %get3A_335 = tpu.vector_load %arg12[%get3A_332, %get3A_333, %get3A_334] {strides = array<i32>} : memref<2x96x128xf32, #tpu.memory_space<vmem>>, vector<1x1x16xf32>,
        %get3A_336 = vector.shape_cast %get3A_335 : vector<1x1x16xf32> to vector<16xf32>
        %add3A_337 = arith.addf %get3A_330, %get3A_336 : vector<16xf32>
        %max3A_338 = arith.constant 0.000000e+00 : f32
        %max3A_339 = vector.broadcast %max3A_338 : f32 to vector<16xf32>
        %max3A_340 = arith.maximumf %add3A_337, %max3A_339 : vector<16xf32>
        %swap3A_341 = arith.constant 1 : i32
        %swap3A_342 = arith.index_cast %swap3A_341 : i32 to index
        %swap3A_343 = arith.index_cast %scan3A_212 : i32 to index
        %swap3A_344 = arith.constant 80 : index
        %swap3A_345 = tpu.vector_load %arg11[%swap3A_342, %swap3A_343, %swap3A_344] {strides = array<i32>} : memref<2x96x128xf32, #tpu.memory_space<vmem>>, vector<1x1x16xf32>,
        %swap3A_346 = vector.shape_cast %swap3A_345 : vector<1x1x16xf32> to vector<16xf32>
        %swap3A_347 = vector.shape_cast %max3A_340 : vector<16xf32> to vector<1x1x16xf32>
        tpu.vector_store %arg11[%swap3A_342, %swap3A_343, %swap3A_344], %swap3A_347 {strides = array<i32>} : memref<2x96x128xf32, #tpu.memory_space<vmem>>, vector<1x1x16xf32>,
        %get3A_348 = arith.constant 1 : i32
        %get3A_349 = arith.index_cast %get3A_348 : i32 to index
        %get3A_350 = arith.index_cast %scan3A_212 : i32 to index
        %get3A_351 = arith.constant 96 : index
        %get3A_352 = tpu.vector_load %arg11[%get3A_349, %get3A_350, %get3A_351] {strides = array<i32>} : memref<2x96x128xf32, #tpu.memory_space<vmem>>, vector<1x1x16xf32>,
        %get3A_353 = vector.shape_cast %get3A_352 : vector<1x1x16xf32> to vector<16xf32>
        %get3A_354 = arith.constant 1 : i32
        %get3A_355 = arith.index_cast %get3A_354 : i32 to index
        %get3A_356 = arith.index_cast %scan3A_212 : i32 to index
        %get3A_357 = arith.constant 96 : index
        %get3A_358 = tpu.vector_load %arg12[%get3A_355, %get3A_356, %get3A_357] {strides = array<i32>} : memref<2x96x128xf32, #tpu.memory_space<vmem>>, vector<1x1x16xf32>,
        %get3A_359 = vector.shape_cast %get3A_358 : vector<1x1x16xf32> to vector<16xf32>
        %add3A_360 = arith.addf %get3A_353, %get3A_359 : vector<16xf32>
        %max3A_361 = arith.constant 0.000000e+00 : f32
        %max3A_362 = vector.broadcast %max3A_361 : f32 to vector<16xf32>
        %max3A_363 = arith.maximumf %add3A_360, %max3A_362 : vector<16xf32>
        %swap3A_364 = arith.constant 1 : i32
        %swap3A_365 = arith.index_cast %swap3A_364 : i32 to index
        %swap3A_366 = arith.index_cast %scan3A_212 : i32 to index
        %swap3A_367 = arith.constant 96 : index
        %swap3A_368 = tpu.vector_load %arg11[%swap3A_365, %swap3A_366, %swap3A_367] {strides = array<i32>} : memref<2x96x128xf32, #tpu.memory_space<vmem>>, vector<1x1x16xf32>,
        %swap3A_369 = vector.shape_cast %swap3A_368 : vector<1x1x16xf32> to vector<16xf32>
        %swap3A_370 = vector.shape_cast %max3A_363 : vector<16xf32> to vector<1x1x16xf32>
        tpu.vector_store %arg11[%swap3A_365, %swap3A_366, %swap3A_367], %swap3A_370 {strides = array<i32>} : memref<2x96x128xf32, #tpu.memory_space<vmem>>, vector<1x1x16xf32>,
        %get3A_371 = arith.constant 1 : i32
        %get3A_372 = arith.index_cast %get3A_371 : i32 to index
        %get3A_373 = arith.index_cast %scan3A_212 : i32 to index
        %get3A_374 = arith.constant 112 : index
        %get3A_375 = tpu.vector_load %arg11[%get3A_372, %get3A_373, %get3A_374] {strides = array<i32>} : memref<2x96x128xf32, #tpu.memory_space<vmem>>, vector<1x1x16xf32>,
        %get3A_376 = vector.shape_cast %get3A_375 : vector<1x1x16xf32> to vector<16xf32>
        %get3A_377 = arith.constant 1 : i32
        %get3A_378 = arith.index_cast %get3A_377 : i32 to index
        %get3A_379 = arith.index_cast %scan3A_212 : i32 to index
        %get3A_380 = arith.constant 112 : index
        %get3A_381 = tpu.vector_load %arg12[%get3A_378, %get3A_379, %get3A_380] {strides = array<i32>} : memref<2x96x128xf32, #tpu.memory_space<vmem>>, vector<1x1x16xf32>,
        %get3A_382 = vector.shape_cast %get3A_381 : vector<1x1x16xf32> to vector<16xf32>
        %add3A_383 = arith.addf %get3A_376, %get3A_382 : vector<16xf32>
        %max3A_384 = arith.constant 0.000000e+00 : f32
        %max3A_385 = vector.broadcast %max3A_384 : f32 to vector<16xf32>
        %max3A_386 = arith.maximumf %add3A_383, %max3A_385 : vector<16xf32>
        %swap3A_387 = arith.constant 1 : i32
        %swap3A_388 = arith.index_cast %swap3A_387 : i32 to index
        %swap3A_389 = arith.index_cast %scan3A_212 : i32 to index
        %swap3A_390 = arith.constant 112 : index
        %swap3A_391 = tpu.vector_load %arg11[%swap3A_388, %swap3A_389, %swap3A_390] {strides = array<i32>} : memref<2x96x128xf32, #tpu.memory_space<vmem>>, vector<1x1x16xf32>,
        %swap3A_392 = vector.shape_cast %swap3A_391 : vector<1x1x16xf32> to vector<16xf32>
        %swap3A_393 = vector.shape_cast %max3A_386 : vector<16xf32> to vector<1x1x16xf32>
        tpu.vector_store %arg11[%swap3A_388, %swap3A_389, %swap3A_390], %swap3A_393 {strides = array<i32>} : memref<2x96x128xf32, #tpu.memory_space<vmem>>, vector<1x1x16xf32>,
      }
      %scan3A_205 = arith.constant 96 : i32
      %add3A_206 = arith.addi %mul3A_2, %add3A_160 : i32
      %mul3A_207 = arith.constant 96 : i32
      %mul3A_208 = arith.muli %add3A_206, %mul3A_207 : i32
      %run_scoped3A_209 = arith.constant 1 : i32
      "tpu.region"() ({
        %run_scoped3A_212 = tpu.sem_alloc : memref<!tpu.dma_semaphore, #tpu.memory_space<semaphore_mem>>
        %dma_start3A_213 = arith.constant 0 : i32
        %dma_start3A_214 = tpu.memref_slice %arg10[%run_scoped3A_209, %dma_start3A_213] : memref<2x96xi32, #tpu.memory_space<vmem>> -> memref<1x96xi32, #tpu.memory_space<vmem>>
        %dma_start3A_215 = tpu.memref_squeeze %dma_start3A_214 : memref<1x96xi32, #tpu.memory_space<vmem>> -> memref<96xi32, #tpu.memory_space<vmem>>
        %dma_start3A_216 = tpu.memref_slice %arg5[%mul3A_208] : memref<328704xi32, #tpu.memory_space<hbm>> -> memref<96xi32, #tpu.memory_space<hbm>>
        %dma_start3A_217 = arith.constant 0 : i32
        %dma_start3A_218 = tpu.memref_slice %arg10[%run_scoped3A_209, %dma_start3A_217] : memref<2x96xi32, #tpu.memory_space<vmem>> -> memref<1x96xi32, #tpu.memory_space<vmem>>
        %dma_start3A_219 = tpu.memref_squeeze %dma_start3A_218 : memref<1x96xi32, #tpu.memory_space<vmem>> -> memref<96xi32, #tpu.memory_space<vmem>>
        %dma_start3A_220 = tpu.memref_slice %arg5[%mul3A_208] : memref<328704xi32, #tpu.memory_space<hbm>> -> memref<96xi32, #tpu.memory_space<hbm>>
        tpu.enqueue_dma source(%dma_start3A_220 : memref<96xi32, #tpu.memory_space<hbm>>) target(%dma_start3A_219 : memref<96xi32, #tpu.memory_space<vmem>>) target_semaphore(%run_scoped3A_212 : memref<!tpu.dma_semaphore, #tpu.memory_space<semaphore_mem>>)
        %dma_wait3A_221 = arith.constant 0 : i32
        %dma_wait3A_222 = tpu.memref_slice %arg10[%run_scoped3A_209, %dma_wait3A_221] : memref<2x96xi32, #tpu.memory_space<vmem>> -> memref<1x96xi32, #tpu.memory_space<vmem>>
        %dma_wait3A_223 = tpu.memref_squeeze %dma_wait3A_222 : memref<1x96xi32, #tpu.memory_space<vmem>> -> memref<96xi32, #tpu.memory_space<vmem>>
        %dma_wait3A_224 = tpu.memref_slice %arg5[%mul3A_208] : memref<328704xi32, #tpu.memory_space<hbm>> -> memref<96xi32, #tpu.memory_space<hbm>>
        %dma_wait3A_225 = arith.constant 0 : i32
        %dma_wait3A_226 = tpu.memref_slice %arg10[%run_scoped3A_209, %dma_wait3A_225] : memref<2x96xi32, #tpu.memory_space<vmem>> -> memref<1x96xi32, #tpu.memory_space<vmem>>
        %dma_wait3A_227 = tpu.memref_squeeze %dma_wait3A_226 : memref<1x96xi32, #tpu.memory_space<vmem>> -> memref<96xi32, #tpu.memory_space<vmem>>
        %dma_wait3A_228 = tpu.memref_slice %arg5[%mul3A_208] : memref<328704xi32, #tpu.memory_space<hbm>> -> memref<96xi32, #tpu.memory_space<hbm>>
        tpu.wait_dma2 semaphore(%run_scoped3A_212 : memref<!tpu.dma_semaphore, #tpu.memory_space<semaphore_mem>>) src(%dma_wait3A_228 : memref<96xi32, #tpu.memory_space<hbm>>) dst(%dma_wait3A_227 : memref<96xi32, #tpu.memory_space<vmem>>)
        tpu.yield
      }) : () -> ()
      %run_scoped3A_210 = arith.constant 1 : i32
      %run_scoped3A_211 = arith.constant 1 : i32
      "tpu.region"() ({
        %run_scoped3A_212 = tpu.sem_alloc : memref<!tpu.dma_semaphore, #tpu.memory_space<semaphore_mem>>
        %dma_start3A_213 = arith.constant 0 : i32
        %dma_start3A_214 = arith.constant 0 : i32
        %dma_start3A_215 = tpu.memref_slice %arg11[%run_scoped3A_210, %dma_start3A_213, %dma_start3A_214] : memref<2x96x128xf32, #tpu.memory_space<vmem>> -> memref<1x96x128xf32, #tpu.memory_space<vmem>>
        %dma_start3A_216 = tpu.memref_squeeze %dma_start3A_215 : memref<1x96x128xf32, #tpu.memory_space<vmem>> -> memref<96x128xf32, #tpu.memory_space<vmem>>
        %dma_start3A_217 = arith.constant 0 : i32
        %dma_start3A_218 = tpu.memref_slice %arg10[%run_scoped3A_211, %dma_start3A_217] : memref<2x96xi32, #tpu.memory_space<vmem>> -> memref<1x96xi32, #tpu.memory_space<vmem>>
        %dma_start3A_219 = tpu.memref_squeeze %dma_start3A_218 : memref<1x96xi32, #tpu.memory_space<vmem>> -> memref<96xi32, #tpu.memory_space<vmem>>
        %dma_start3A_220 = arith.constant 0 : i32
        %dma_start3A_221 = arith.constant 0 : i32
        %dma_start3A_222 = tpu.memref_slice %arg8[%dma_start3A_220, %dma_start3A_221] : memref<10000x128xf32, #tpu.memory_space<vmem_shared>> -> memref<10000x128xf32, #tpu.memory_space<vmem_shared>>
        tpu.enqueue_indirect_dma source(%dma_start3A_216 : memref<96x128xf32, #tpu.memory_space<vmem>>) target(%dma_start3A_222 : memref<10000x128xf32, #tpu.memory_space<vmem_shared>>) offsets(%dma_start3A_219 : memref<96xi32, #tpu.memory_space<vmem>>) semaphore(%run_scoped3A_212 : memref<!tpu.dma_semaphore, #tpu.memory_space<semaphore_mem>>) {add = true}
        %dma_wait3A_223 = arith.constant 0 : i32
        %dma_wait3A_224 = arith.constant 0 : i32
        %dma_wait3A_225 = tpu.memref_slice %arg11[%run_scoped3A_210, %dma_wait3A_223, %dma_wait3A_224] : memref<2x96x128xf32, #tpu.memory_space<vmem>> -> memref<1x96x128xf32, #tpu.memory_space<vmem>>
        %dma_wait3A_226 = tpu.memref_squeeze %dma_wait3A_225 : memref<1x96x128xf32, #tpu.memory_space<vmem>> -> memref<96x128xf32, #tpu.memory_space<vmem>>
        %dma_wait3A_227 = arith.constant 0 : i32
        %dma_wait3A_228 = tpu.memref_slice %arg10[%run_scoped3A_211, %dma_wait3A_227] : memref<2x96xi32, #tpu.memory_space<vmem>> -> memref<1x96xi32, #tpu.memory_space<vmem>>
        %dma_wait3A_229 = tpu.memref_squeeze %dma_wait3A_228 : memref<1x96xi32, #tpu.memory_space<vmem>> -> memref<96xi32, #tpu.memory_space<vmem>>
        %dma_wait3A_230 = arith.constant 0 : i32
        %dma_wait3A_231 = arith.constant 0 : i32
        %dma_wait3A_232 = tpu.memref_slice %arg8[%dma_wait3A_230, %dma_wait3A_231] : memref<10000x128xf32, #tpu.memory_space<vmem_shared>> -> memref<10000x128xf32, #tpu.memory_space<vmem_shared>>
        tpu.wait_indirect_dma semaphore(%run_scoped3A_212 : memref<!tpu.dma_semaphore, #tpu.memory_space<semaphore_mem>>) src(%dma_wait3A_226 : memref<96x128xf32, #tpu.memory_space<vmem>>) dst(%dma_wait3A_232 : memref<10000x128xf32, #tpu.memory_space<vmem_shared>>)
        tpu.yield
      }) : () -> ()
    }
    %scan3A_48 = arith.constant 53 : i32
    %dma_wait3A = arith.constant 0 : i32
    %dma_wait3A_49 = arith.constant 0 : i32
    %dma_wait3A_50 = arith.constant 0 : i32
    %dma_wait3A_51 = arith.constant 0 : i32
    %dma_wait3A_52 = arith.constant 0 : i32
    %dma_wait3A_53 = tpu.memref_slice %arg11[%dma_wait3A_49, %dma_wait3A_51, %dma_wait3A_52] : memref<2x96x128xf32, #tpu.memory_space<vmem>> -> memref<1x96x128xf32, #tpu.memory_space<vmem>>
    %dma_wait3A_54 = tpu.memref_squeeze %dma_wait3A_53 : memref<1x96x128xf32, #tpu.memory_space<vmem>> -> memref<96x128xf32, #tpu.memory_space<vmem>>
    %dma_wait3A_55 = arith.constant 0 : i32
    %dma_wait3A_56 = tpu.memref_slice %arg9[%dma_wait3A, %dma_wait3A_55] : memref<2x96xi32, #tpu.memory_space<vmem>> -> memref<1x96xi32, #tpu.memory_space<vmem>>
    %dma_wait3A_57 = tpu.memref_squeeze %dma_wait3A_56 : memref<1x96xi32, #tpu.memory_space<vmem>> -> memref<96xi32, #tpu.memory_space<vmem>>
    %dma_wait3A_58 = arith.constant 0 : i32
    %dma_wait3A_59 = arith.constant 0 : i32
    %dma_wait3A_60 = tpu.memref_slice %arg2[%dma_wait3A_58, %dma_wait3A_59] : memref<10000x128xf32, #tpu.memory_space<hbm>> -> memref<10000x128xf32, #tpu.memory_space<hbm>>
    %dma_wait3A_61 = tpu.memref_slice %arg13[%dma_wait3A_50] : memref<2x!tpu.dma_semaphore, #tpu.memory_space<semaphore_mem>> -> memref<1x!tpu.dma_semaphore, #tpu.memory_space<semaphore_mem>>
    %dma_wait3A_62 = tpu.memref_squeeze %dma_wait3A_61 : memref<1x!tpu.dma_semaphore, #tpu.memory_space<semaphore_mem>> -> memref<!tpu.dma_semaphore, #tpu.memory_space<semaphore_mem>>
    tpu.wait_indirect_dma semaphore(%dma_wait3A_62 : memref<!tpu.dma_semaphore, #tpu.memory_space<semaphore_mem>>) src(%dma_wait3A_60 : memref<10000x128xf32, #tpu.memory_space<hbm>>) dst(%dma_wait3A_54 : memref<96x128xf32, #tpu.memory_space<vmem>>)
    %add3A_63 = arith.constant 106 : i32
    %add3A_64 = arith.addi %mul3A_2, %add3A_63 : i32
    %mul3A_65 = arith.constant 96 : i32
    %mul3A_66 = arith.muli %add3A_64, %mul3A_65 : i32
    %dma_wait3A_67 = arith.constant 0 : i32
    %dma_wait3A_68 = arith.constant 0 : i32
    %dma_wait3A_69 = arith.constant 0 : i32
    %dma_wait3A_70 = arith.constant 0 : i32
    %dma_wait3A_71 = tpu.memref_slice %arg12[%dma_wait3A_67, %dma_wait3A_69, %dma_wait3A_70] : memref<2x96x128xf32, #tpu.memory_space<vmem>> -> memref<1x96x128xf32, #tpu.memory_space<vmem>>
    %dma_wait3A_72 = tpu.memref_squeeze %dma_wait3A_71 : memref<1x96x128xf32, #tpu.memory_space<vmem>> -> memref<96x128xf32, #tpu.memory_space<vmem>>
    %dma_wait3A_73 = arith.constant 0 : i32
    %dma_wait3A_74 = tpu.memref_slice %arg3[%mul3A_66, %dma_wait3A_73] : memref<328704x128xf32, #tpu.memory_space<hbm>> -> memref<96x128xf32, #tpu.memory_space<hbm>>
    %dma_wait3A_75 = tpu.memref_slice %arg14[%dma_wait3A_68] : memref<2x!tpu.dma_semaphore, #tpu.memory_space<semaphore_mem>> -> memref<1x!tpu.dma_semaphore, #tpu.memory_space<semaphore_mem>>
    %dma_wait3A_76 = tpu.memref_squeeze %dma_wait3A_75 : memref<1x!tpu.dma_semaphore, #tpu.memory_space<semaphore_mem>> -> memref<!tpu.dma_semaphore, #tpu.memory_space<semaphore_mem>>
    %dma_wait3A_77 = arith.constant 0 : i32
    %dma_wait3A_78 = arith.constant 0 : i32
    %dma_wait3A_79 = tpu.memref_slice %arg12[%dma_wait3A_67, %dma_wait3A_77, %dma_wait3A_78] : memref<2x96x128xf32, #tpu.memory_space<vmem>> -> memref<1x96x128xf32, #tpu.memory_space<vmem>>
    %dma_wait3A_80 = tpu.memref_squeeze %dma_wait3A_79 : memref<1x96x128xf32, #tpu.memory_space<vmem>> -> memref<96x128xf32, #tpu.memory_space<vmem>>
    %dma_wait3A_81 = arith.constant 0 : i32
    %dma_wait3A_82 = tpu.memref_slice %arg3[%mul3A_66, %dma_wait3A_81] : memref<328704x128xf32, #tpu.memory_space<hbm>> -> memref<96x128xf32, #tpu.memory_space<hbm>>
    tpu.wait_dma2 semaphore(%dma_wait3A_76 : memref<!tpu.dma_semaphore, #tpu.memory_space<semaphore_mem>>) src(%dma_wait3A_82 : memref<96x128xf32, #tpu.memory_space<hbm>>) dst(%dma_wait3A_80 : memref<96x128xf32, #tpu.memory_space<vmem>>)
    %scan3A_83 = arith.constant 0 : i32
    %scan3A_84 = arith.constant 0 : i32
    %scan3A_85 = arith.constant 96 : i32
    %scan3A_86 = arith.addi %scan3A_84, %scan3A_85 : i32
    %scan3A_87 = arith.constant 1 : i32
    scf.for %scan3A_102 = %scan3A_84 to %scan3A_86 step %scan3A_87  : i32 {
      %get3A = arith.constant 0 : i32
      %get3A_103 = arith.index_cast %get3A : i32 to index
      %get3A_104 = arith.index_cast %scan3A_102 : i32 to index
      %get3A_105 = arith.constant 0 : index
      %get3A_106 = tpu.vector_load %arg11[%get3A_103, %get3A_104, %get3A_105] {strides = array<i32>} : memref<2x96x128xf32, #tpu.memory_space<vmem>>, vector<1x1x16xf32>,
      %get3A_107 = vector.shape_cast %get3A_106 : vector<1x1x16xf32> to vector<16xf32>
      %get3A_108 = arith.constant 0 : i32
      %get3A_109 = arith.index_cast %get3A_108 : i32 to index
      %get3A_110 = arith.index_cast %scan3A_102 : i32 to index
      %get3A_111 = arith.constant 0 : index
      %get3A_112 = tpu.vector_load %arg12[%get3A_109, %get3A_110, %get3A_111] {strides = array<i32>} : memref<2x96x128xf32, #tpu.memory_space<vmem>>, vector<1x1x16xf32>,
      %get3A_113 = vector.shape_cast %get3A_112 : vector<1x1x16xf32> to vector<16xf32>
      %add3A_114 = arith.addf %get3A_107, %get3A_113 : vector<16xf32>
      %max3A = arith.constant 0.000000e+00 : f32
      %max3A_115 = vector.broadcast %max3A : f32 to vector<16xf32>
      %max3A_116 = arith.maximumf %add3A_114, %max3A_115 : vector<16xf32>
      %swap3A = arith.constant 0 : i32
      %swap3A_117 = arith.index_cast %swap3A : i32 to index
      %swap3A_118 = arith.index_cast %scan3A_102 : i32 to index
      %swap3A_119 = arith.constant 0 : index
      %swap3A_120 = tpu.vector_load %arg11[%swap3A_117, %swap3A_118, %swap3A_119] {strides = array<i32>} : memref<2x96x128xf32, #tpu.memory_space<vmem>>, vector<1x1x16xf32>,
      %swap3A_121 = vector.shape_cast %swap3A_120 : vector<1x1x16xf32> to vector<16xf32>
      %swap3A_122 = vector.shape_cast %max3A_116 : vector<16xf32> to vector<1x1x16xf32>
      tpu.vector_store %arg11[%swap3A_117, %swap3A_118, %swap3A_119], %swap3A_122 {strides = array<i32>} : memref<2x96x128xf32, #tpu.memory_space<vmem>>, vector<1x1x16xf32>,
      %get3A_123 = arith.constant 0 : i32
      %get3A_124 = arith.index_cast %get3A_123 : i32 to index
      %get3A_125 = arith.index_cast %scan3A_102 : i32 to index
      %get3A_126 = arith.constant 16 : index
      %get3A_127 = tpu.vector_load %arg11[%get3A_124, %get3A_125, %get3A_126] {strides = array<i32>} : memref<2x96x128xf32, #tpu.memory_space<vmem>>, vector<1x1x16xf32>,
      %get3A_128 = vector.shape_cast %get3A_127 : vector<1x1x16xf32> to vector<16xf32>
      %get3A_129 = arith.constant 0 : i32
      %get3A_130 = arith.index_cast %get3A_129 : i32 to index
      %get3A_131 = arith.index_cast %scan3A_102 : i32 to index
      %get3A_132 = arith.constant 16 : index
      %get3A_133 = tpu.vector_load %arg12[%get3A_130, %get3A_131, %get3A_132] {strides = array<i32>} : memref<2x96x128xf32, #tpu.memory_space<vmem>>, vector<1x1x16xf32>,
      %get3A_134 = vector.shape_cast %get3A_133 : vector<1x1x16xf32> to vector<16xf32>
      %add3A_135 = arith.addf %get3A_128, %get3A_134 : vector<16xf32>
      %max3A_136 = arith.constant 0.000000e+00 : f32
      %max3A_137 = vector.broadcast %max3A_136 : f32 to vector<16xf32>
      %max3A_138 = arith.maximumf %add3A_135, %max3A_137 : vector<16xf32>
      %swap3A_139 = arith.constant 0 : i32
      %swap3A_140 = arith.index_cast %swap3A_139 : i32 to index
      %swap3A_141 = arith.index_cast %scan3A_102 : i32 to index
      %swap3A_142 = arith.constant 16 : index
      %swap3A_143 = tpu.vector_load %arg11[%swap3A_140, %swap3A_141, %swap3A_142] {strides = array<i32>} : memref<2x96x128xf32, #tpu.memory_space<vmem>>, vector<1x1x16xf32>,
      %swap3A_144 = vector.shape_cast %swap3A_143 : vector<1x1x16xf32> to vector<16xf32>
      %swap3A_145 = vector.shape_cast %max3A_138 : vector<16xf32> to vector<1x1x16xf32>
      tpu.vector_store %arg11[%swap3A_140, %swap3A_141, %swap3A_142], %swap3A_145 {strides = array<i32>} : memref<2x96x128xf32, #tpu.memory_space<vmem>>, vector<1x1x16xf32>,
      %get3A_146 = arith.constant 0 : i32
      %get3A_147 = arith.index_cast %get3A_146 : i32 to index
      %get3A_148 = arith.index_cast %scan3A_102 : i32 to index
      %get3A_149 = arith.constant 32 : index
      %get3A_150 = tpu.vector_load %arg11[%get3A_147, %get3A_148, %get3A_149] {strides = array<i32>} : memref<2x96x128xf32, #tpu.memory_space<vmem>>, vector<1x1x16xf32>,
      %get3A_151 = vector.shape_cast %get3A_150 : vector<1x1x16xf32> to vector<16xf32>
      %get3A_152 = arith.constant 0 : i32
      %get3A_153 = arith.index_cast %get3A_152 : i32 to index
      %get3A_154 = arith.index_cast %scan3A_102 : i32 to index
      %get3A_155 = arith.constant 32 : index
      %get3A_156 = tpu.vector_load %arg12[%get3A_153, %get3A_154, %get3A_155] {strides = array<i32>} : memref<2x96x128xf32, #tpu.memory_space<vmem>>, vector<1x1x16xf32>,
      %get3A_157 = vector.shape_cast %get3A_156 : vector<1x1x16xf32> to vector<16xf32>
      %add3A_158 = arith.addf %get3A_151, %get3A_157 : vector<16xf32>
      %max3A_159 = arith.constant 0.000000e+00 : f32
      %max3A_160 = vector.broadcast %max3A_159 : f32 to vector<16xf32>
      %max3A_161 = arith.maximumf %add3A_158, %max3A_160 : vector<16xf32>
      %swap3A_162 = arith.constant 0 : i32
      %swap3A_163 = arith.index_cast %swap3A_162 : i32 to index
      %swap3A_164 = arith.index_cast %scan3A_102 : i32 to index
      %swap3A_165 = arith.constant 32 : index
      %swap3A_166 = tpu.vector_load %arg11[%swap3A_163, %swap3A_164, %swap3A_165] {strides = array<i32>} : memref<2x96x128xf32, #tpu.memory_space<vmem>>, vector<1x1x16xf32>,
      %swap3A_167 = vector.shape_cast %swap3A_166 : vector<1x1x16xf32> to vector<16xf32>
      %swap3A_168 = vector.shape_cast %max3A_161 : vector<16xf32> to vector<1x1x16xf32>
      tpu.vector_store %arg11[%swap3A_163, %swap3A_164, %swap3A_165], %swap3A_168 {strides = array<i32>} : memref<2x96x128xf32, #tpu.memory_space<vmem>>, vector<1x1x16xf32>,
      %get3A_169 = arith.constant 0 : i32
      %get3A_170 = arith.index_cast %get3A_169 : i32 to index
      %get3A_171 = arith.index_cast %scan3A_102 : i32 to index
      %get3A_172 = arith.constant 48 : index
      %get3A_173 = tpu.vector_load %arg11[%get3A_170, %get3A_171, %get3A_172] {strides = array<i32>} : memref<2x96x128xf32, #tpu.memory_space<vmem>>, vector<1x1x16xf32>,
      %get3A_174 = vector.shape_cast %get3A_173 : vector<1x1x16xf32> to vector<16xf32>
      %get3A_175 = arith.constant 0 : i32
      %get3A_176 = arith.index_cast %get3A_175 : i32 to index
      %get3A_177 = arith.index_cast %scan3A_102 : i32 to index
      %get3A_178 = arith.constant 48 : index
      %get3A_179 = tpu.vector_load %arg12[%get3A_176, %get3A_177, %get3A_178] {strides = array<i32>} : memref<2x96x128xf32, #tpu.memory_space<vmem>>, vector<1x1x16xf32>,
      %get3A_180 = vector.shape_cast %get3A_179 : vector<1x1x16xf32> to vector<16xf32>
      %add3A_181 = arith.addf %get3A_174, %get3A_180 : vector<16xf32>
      %max3A_182 = arith.constant 0.000000e+00 : f32
      %max3A_183 = vector.broadcast %max3A_182 : f32 to vector<16xf32>
      %max3A_184 = arith.maximumf %add3A_181, %max3A_183 : vector<16xf32>
      %swap3A_185 = arith.constant 0 : i32
      %swap3A_186 = arith.index_cast %swap3A_185 : i32 to index
      %swap3A_187 = arith.index_cast %scan3A_102 : i32 to index
      %swap3A_188 = arith.constant 48 : index
      %swap3A_189 = tpu.vector_load %arg11[%swap3A_186, %swap3A_187, %swap3A_188] {strides = array<i32>} : memref<2x96x128xf32, #tpu.memory_space<vmem>>, vector<1x1x16xf32>,
      %swap3A_190 = vector.shape_cast %swap3A_189 : vector<1x1x16xf32> to vector<16xf32>
      %swap3A_191 = vector.shape_cast %max3A_184 : vector<16xf32> to vector<1x1x16xf32>
      tpu.vector_store %arg11[%swap3A_186, %swap3A_187, %swap3A_188], %swap3A_191 {strides = array<i32>} : memref<2x96x128xf32, #tpu.memory_space<vmem>>, vector<1x1x16xf32>,
      %get3A_192 = arith.constant 0 : i32
      %get3A_193 = arith.index_cast %get3A_192 : i32 to index
      %get3A_194 = arith.index_cast %scan3A_102 : i32 to index
      %get3A_195 = arith.constant 64 : index
      %get3A_196 = tpu.vector_load %arg11[%get3A_193, %get3A_194, %get3A_195] {strides = array<i32>} : memref<2x96x128xf32, #tpu.memory_space<vmem>>, vector<1x1x16xf32>,
      %get3A_197 = vector.shape_cast %get3A_196 : vector<1x1x16xf32> to vector<16xf32>
      %get3A_198 = arith.constant 0 : i32
      %get3A_199 = arith.index_cast %get3A_198 : i32 to index
      %get3A_200 = arith.index_cast %scan3A_102 : i32 to index
      %get3A_201 = arith.constant 64 : index
      %get3A_202 = tpu.vector_load %arg12[%get3A_199, %get3A_200, %get3A_201] {strides = array<i32>} : memref<2x96x128xf32, #tpu.memory_space<vmem>>, vector<1x1x16xf32>,
      %get3A_203 = vector.shape_cast %get3A_202 : vector<1x1x16xf32> to vector<16xf32>
      %add3A_204 = arith.addf %get3A_197, %get3A_203 : vector<16xf32>
      %max3A_205 = arith.constant 0.000000e+00 : f32
      %max3A_206 = vector.broadcast %max3A_205 : f32 to vector<16xf32>
      %max3A_207 = arith.maximumf %add3A_204, %max3A_206 : vector<16xf32>
      %swap3A_208 = arith.constant 0 : i32
      %swap3A_209 = arith.index_cast %swap3A_208 : i32 to index
      %swap3A_210 = arith.index_cast %scan3A_102 : i32 to index
      %swap3A_211 = arith.constant 64 : index
      %swap3A_212 = tpu.vector_load %arg11[%swap3A_209, %swap3A_210, %swap3A_211] {strides = array<i32>} : memref<2x96x128xf32, #tpu.memory_space<vmem>>, vector<1x1x16xf32>,
      %swap3A_213 = vector.shape_cast %swap3A_212 : vector<1x1x16xf32> to vector<16xf32>
      %swap3A_214 = vector.shape_cast %max3A_207 : vector<16xf32> to vector<1x1x16xf32>
      tpu.vector_store %arg11[%swap3A_209, %swap3A_210, %swap3A_211], %swap3A_214 {strides = array<i32>} : memref<2x96x128xf32, #tpu.memory_space<vmem>>, vector<1x1x16xf32>,
      %get3A_215 = arith.constant 0 : i32
      %get3A_216 = arith.index_cast %get3A_215 : i32 to index
      %get3A_217 = arith.index_cast %scan3A_102 : i32 to index
      %get3A_218 = arith.constant 80 : index
      %get3A_219 = tpu.vector_load %arg11[%get3A_216, %get3A_217, %get3A_218] {strides = array<i32>} : memref<2x96x128xf32, #tpu.memory_space<vmem>>, vector<1x1x16xf32>,
      %get3A_220 = vector.shape_cast %get3A_219 : vector<1x1x16xf32> to vector<16xf32>
      %get3A_221 = arith.constant 0 : i32
      %get3A_222 = arith.index_cast %get3A_221 : i32 to index
      %get3A_223 = arith.index_cast %scan3A_102 : i32 to index
      %get3A_224 = arith.constant 80 : index
      %get3A_225 = tpu.vector_load %arg12[%get3A_222, %get3A_223, %get3A_224] {strides = array<i32>} : memref<2x96x128xf32, #tpu.memory_space<vmem>>, vector<1x1x16xf32>,
      %get3A_226 = vector.shape_cast %get3A_225 : vector<1x1x16xf32> to vector<16xf32>
      %add3A_227 = arith.addf %get3A_220, %get3A_226 : vector<16xf32>
      %max3A_228 = arith.constant 0.000000e+00 : f32
      %max3A_229 = vector.broadcast %max3A_228 : f32 to vector<16xf32>
      %max3A_230 = arith.maximumf %add3A_227, %max3A_229 : vector<16xf32>
      %swap3A_231 = arith.constant 0 : i32
      %swap3A_232 = arith.index_cast %swap3A_231 : i32 to index
      %swap3A_233 = arith.index_cast %scan3A_102 : i32 to index
      %swap3A_234 = arith.constant 80 : index
      %swap3A_235 = tpu.vector_load %arg11[%swap3A_232, %swap3A_233, %swap3A_234] {strides = array<i32>} : memref<2x96x128xf32, #tpu.memory_space<vmem>>, vector<1x1x16xf32>,
      %swap3A_236 = vector.shape_cast %swap3A_235 : vector<1x1x16xf32> to vector<16xf32>
      %swap3A_237 = vector.shape_cast %max3A_230 : vector<16xf32> to vector<1x1x16xf32>
      tpu.vector_store %arg11[%swap3A_232, %swap3A_233, %swap3A_234], %swap3A_237 {strides = array<i32>} : memref<2x96x128xf32, #tpu.memory_space<vmem>>, vector<1x1x16xf32>,
      %get3A_238 = arith.constant 0 : i32
      %get3A_239 = arith.index_cast %get3A_238 : i32 to index
      %get3A_240 = arith.index_cast %scan3A_102 : i32 to index
      %get3A_241 = arith.constant 96 : index
      %get3A_242 = tpu.vector_load %arg11[%get3A_239, %get3A_240, %get3A_241] {strides = array<i32>} : memref<2x96x128xf32, #tpu.memory_space<vmem>>, vector<1x1x16xf32>,
      %get3A_243 = vector.shape_cast %get3A_242 : vector<1x1x16xf32> to vector<16xf32>
      %get3A_244 = arith.constant 0 : i32
      %get3A_245 = arith.index_cast %get3A_244 : i32 to index
      %get3A_246 = arith.index_cast %scan3A_102 : i32 to index
      %get3A_247 = arith.constant 96 : index
      %get3A_248 = tpu.vector_load %arg12[%get3A_245, %get3A_246, %get3A_247] {strides = array<i32>} : memref<2x96x128xf32, #tpu.memory_space<vmem>>, vector<1x1x16xf32>,
      %get3A_249 = vector.shape_cast %get3A_248 : vector<1x1x16xf32> to vector<16xf32>
      %add3A_250 = arith.addf %get3A_243, %get3A_249 : vector<16xf32>
      %max3A_251 = arith.constant 0.000000e+00 : f32
      %max3A_252 = vector.broadcast %max3A_251 : f32 to vector<16xf32>
      %max3A_253 = arith.maximumf %add3A_250, %max3A_252 : vector<16xf32>
      %swap3A_254 = arith.constant 0 : i32
      %swap3A_255 = arith.index_cast %swap3A_254 : i32 to index
      %swap3A_256 = arith.index_cast %scan3A_102 : i32 to index
      %swap3A_257 = arith.constant 96 : index
      %swap3A_258 = tpu.vector_load %arg11[%swap3A_255, %swap3A_256, %swap3A_257] {strides = array<i32>} : memref<2x96x128xf32, #tpu.memory_space<vmem>>, vector<1x1x16xf32>,
      %swap3A_259 = vector.shape_cast %swap3A_258 : vector<1x1x16xf32> to vector<16xf32>
      %swap3A_260 = vector.shape_cast %max3A_253 : vector<16xf32> to vector<1x1x16xf32>
      tpu.vector_store %arg11[%swap3A_255, %swap3A_256, %swap3A_257], %swap3A_260 {strides = array<i32>} : memref<2x96x128xf32, #tpu.memory_space<vmem>>, vector<1x1x16xf32>,
      %get3A_261 = arith.constant 0 : i32
      %get3A_262 = arith.index_cast %get3A_261 : i32 to index
      %get3A_263 = arith.index_cast %scan3A_102 : i32 to index
      %get3A_264 = arith.constant 112 : index
      %get3A_265 = tpu.vector_load %arg11[%get3A_262, %get3A_263, %get3A_264] {strides = array<i32>} : memref<2x96x128xf32, #tpu.memory_space<vmem>>, vector<1x1x16xf32>,
      %get3A_266 = vector.shape_cast %get3A_265 : vector<1x1x16xf32> to vector<16xf32>
      %get3A_267 = arith.constant 0 : i32
      %get3A_268 = arith.index_cast %get3A_267 : i32 to index
      %get3A_269 = arith.index_cast %scan3A_102 : i32 to index
      %get3A_270 = arith.constant 112 : index
      %get3A_271 = tpu.vector_load %arg12[%get3A_268, %get3A_269, %get3A_270] {strides = array<i32>} : memref<2x96x128xf32, #tpu.memory_space<vmem>>, vector<1x1x16xf32>,
      %get3A_272 = vector.shape_cast %get3A_271 : vector<1x1x16xf32> to vector<16xf32>
      %add3A_273 = arith.addf %get3A_266, %get3A_272 : vector<16xf32>
      %max3A_274 = arith.constant 0.000000e+00 : f32
      %max3A_275 = vector.broadcast %max3A_274 : f32 to vector<16xf32>
      %max3A_276 = arith.maximumf %add3A_273, %max3A_275 : vector<16xf32>
      %swap3A_277 = arith.constant 0 : i32
      %swap3A_278 = arith.index_cast %swap3A_277 : i32 to index
      %swap3A_279 = arith.index_cast %scan3A_102 : i32 to index
      %swap3A_280 = arith.constant 112 : index
      %swap3A_281 = tpu.vector_load %arg11[%swap3A_278, %swap3A_279, %swap3A_280] {strides = array<i32>} : memref<2x96x128xf32, #tpu.memory_space<vmem>>, vector<1x1x16xf32>,
      %swap3A_282 = vector.shape_cast %swap3A_281 : vector<1x1x16xf32> to vector<16xf32>
      %swap3A_283 = vector.shape_cast %max3A_276 : vector<16xf32> to vector<1x1x16xf32>
      tpu.vector_store %arg11[%swap3A_278, %swap3A_279, %swap3A_280], %swap3A_283 {strides = array<i32>} : memref<2x96x128xf32, #tpu.memory_space<vmem>>, vector<1x1x16xf32>,
    }
    %scan3A_88 = arith.constant 96 : i32
    %add3A_89 = arith.constant 106 : i32
    %add3A_90 = arith.addi %mul3A_2, %add3A_89 : i32
    %mul3A_91 = arith.constant 96 : i32
    %mul3A_92 = arith.muli %add3A_90, %mul3A_91 : i32
    %run_scoped3A_93 = arith.constant 0 : i32
    "tpu.region"() ({
      %run_scoped3A_102 = tpu.sem_alloc : memref<!tpu.dma_semaphore, #tpu.memory_space<semaphore_mem>>
      %dma_start3A_103 = arith.constant 0 : i32
      %dma_start3A_104 = tpu.memref_slice %arg10[%run_scoped3A_93, %dma_start3A_103] : memref<2x96xi32, #tpu.memory_space<vmem>> -> memref<1x96xi32, #tpu.memory_space<vmem>>
      %dma_start3A_105 = tpu.memref_squeeze %dma_start3A_104 : memref<1x96xi32, #tpu.memory_space<vmem>> -> memref<96xi32, #tpu.memory_space<vmem>>
      %dma_start3A_106 = tpu.memref_slice %arg5[%mul3A_92] : memref<328704xi32, #tpu.memory_space<hbm>> -> memref<96xi32, #tpu.memory_space<hbm>>
      %dma_start3A_107 = arith.constant 0 : i32
      %dma_start3A_108 = tpu.memref_slice %arg10[%run_scoped3A_93, %dma_start3A_107] : memref<2x96xi32, #tpu.memory_space<vmem>> -> memref<1x96xi32, #tpu.memory_space<vmem>>
      %dma_start3A_109 = tpu.memref_squeeze %dma_start3A_108 : memref<1x96xi32, #tpu.memory_space<vmem>> -> memref<96xi32, #tpu.memory_space<vmem>>
      %dma_start3A_110 = tpu.memref_slice %arg5[%mul3A_92] : memref<328704xi32, #tpu.memory_space<hbm>> -> memref<96xi32, #tpu.memory_space<hbm>>
      tpu.enqueue_dma source(%dma_start3A_110 : memref<96xi32, #tpu.memory_space<hbm>>) target(%dma_start3A_109 : memref<96xi32, #tpu.memory_space<vmem>>) target_semaphore(%run_scoped3A_102 : memref<!tpu.dma_semaphore, #tpu.memory_space<semaphore_mem>>)
      %dma_wait3A_111 = arith.constant 0 : i32
      %dma_wait3A_112 = tpu.memref_slice %arg10[%run_scoped3A_93, %dma_wait3A_111] : memref<2x96xi32, #tpu.memory_space<vmem>> -> memref<1x96xi32, #tpu.memory_space<vmem>>
      %dma_wait3A_113 = tpu.memref_squeeze %dma_wait3A_112 : memref<1x96xi32, #tpu.memory_space<vmem>> -> memref<96xi32, #tpu.memory_space<vmem>>
      %dma_wait3A_114 = tpu.memref_slice %arg5[%mul3A_92] : memref<328704xi32, #tpu.memory_space<hbm>> -> memref<96xi32, #tpu.memory_space<hbm>>
      %dma_wait3A_115 = arith.constant 0 : i32
      %dma_wait3A_116 = tpu.memref_slice %arg10[%run_scoped3A_93, %dma_wait3A_115] : memref<2x96xi32, #tpu.memory_space<vmem>> -> memref<1x96xi32, #tpu.memory_space<vmem>>
      %dma_wait3A_117 = tpu.memref_squeeze %dma_wait3A_116 : memref<1x96xi32, #tpu.memory_space<vmem>> -> memref<96xi32, #tpu.memory_space<vmem>>
      %dma_wait3A_118 = tpu.memref_slice %arg5[%mul3A_92] : memref<328704xi32, #tpu.memory_space<hbm>> -> memref<96xi32, #tpu.memory_space<hbm>>
      tpu.wait_dma2 semaphore(%run_scoped3A_102 : memref<!tpu.dma_semaphore, #tpu.memory_space<semaphore_mem>>) src(%dma_wait3A_118 : memref<96xi32, #tpu.memory_space<hbm>>) dst(%dma_wait3A_117 : memref<96xi32, #tpu.memory_space<vmem>>)
      tpu.yield
    }) : () -> ()
    %run_scoped3A_94 = arith.constant 0 : i32
    %run_scoped3A_95 = arith.constant 0 : i32
    "tpu.region"() ({
      %run_scoped3A_102 = tpu.sem_alloc : memref<!tpu.dma_semaphore, #tpu.memory_space<semaphore_mem>>
      %dma_start3A_103 = arith.constant 0 : i32
      %dma_start3A_104 = arith.constant 0 : i32
      %dma_start3A_105 = tpu.memref_slice %arg11[%run_scoped3A_94, %dma_start3A_103, %dma_start3A_104] : memref<2x96x128xf32, #tpu.memory_space<vmem>> -> memref<1x96x128xf32, #tpu.memory_space<vmem>>
      %dma_start3A_106 = tpu.memref_squeeze %dma_start3A_105 : memref<1x96x128xf32, #tpu.memory_space<vmem>> -> memref<96x128xf32, #tpu.memory_space<vmem>>
      %dma_start3A_107 = arith.constant 0 : i32
      %dma_start3A_108 = tpu.memref_slice %arg10[%run_scoped3A_95, %dma_start3A_107] : memref<2x96xi32, #tpu.memory_space<vmem>> -> memref<1x96xi32, #tpu.memory_space<vmem>>
      %dma_start3A_109 = tpu.memref_squeeze %dma_start3A_108 : memref<1x96xi32, #tpu.memory_space<vmem>> -> memref<96xi32, #tpu.memory_space<vmem>>
      %dma_start3A_110 = arith.constant 0 : i32
      %dma_start3A_111 = arith.constant 0 : i32
      %dma_start3A_112 = tpu.memref_slice %arg8[%dma_start3A_110, %dma_start3A_111] : memref<10000x128xf32, #tpu.memory_space<vmem_shared>> -> memref<10000x128xf32, #tpu.memory_space<vmem_shared>>
      tpu.enqueue_indirect_dma source(%dma_start3A_106 : memref<96x128xf32, #tpu.memory_space<vmem>>) target(%dma_start3A_112 : memref<10000x128xf32, #tpu.memory_space<vmem_shared>>) offsets(%dma_start3A_109 : memref<96xi32, #tpu.memory_space<vmem>>) semaphore(%run_scoped3A_102 : memref<!tpu.dma_semaphore, #tpu.memory_space<semaphore_mem>>) {add = true}
      %dma_wait3A_113 = arith.constant 0 : i32
      %dma_wait3A_114 = arith.constant 0 : i32
      %dma_wait3A_115 = tpu.memref_slice %arg11[%run_scoped3A_94, %dma_wait3A_113, %dma_wait3A_114] : memref<2x96x128xf32, #tpu.memory_space<vmem>> -> memref<1x96x128xf32, #tpu.memory_space<vmem>>
      %dma_wait3A_116 = tpu.memref_squeeze %dma_wait3A_115 : memref<1x96x128xf32, #tpu.memory_space<vmem>> -> memref<96x128xf32, #tpu.memory_space<vmem>>
      %dma_wait3A_117 = arith.constant 0 : i32
      %dma_wait3A_118 = tpu.memref_slice %arg10[%run_scoped3A_95, %dma_wait3A_117] : memref<2x96xi32, #tpu.memory_space<vmem>> -> memref<1x96xi32, #tpu.memory_space<vmem>>
      %dma_wait3A_119 = tpu.memref_squeeze %dma_wait3A_118 : memref<1x96xi32, #tpu.memory_space<vmem>> -> memref<96xi32, #tpu.memory_space<vmem>>
      %dma_wait3A_120 = arith.constant 0 : i32
      %dma_wait3A_121 = arith.constant 0 : i32
      %dma_wait3A_122 = tpu.memref_slice %arg8[%dma_wait3A_120, %dma_wait3A_121] : memref<10000x128xf32, #tpu.memory_space<vmem_shared>> -> memref<10000x128xf32, #tpu.memory_space<vmem_shared>>
      tpu.wait_indirect_dma semaphore(%run_scoped3A_102 : memref<!tpu.dma_semaphore, #tpu.memory_space<semaphore_mem>>) src(%dma_wait3A_116 : memref<96x128xf32, #tpu.memory_space<vmem>>) dst(%dma_wait3A_122 : memref<10000x128xf32, #tpu.memory_space<vmem_shared>>)
      tpu.yield
    }) : () -> ()
    %barrier3A_96 = arith.constant 0 : index
    tpu.barrier barrier_id(%barrier3A_96)
    "tpu.region"() ({
      %run_scoped3A_102 = tpu.sem_alloc : memref<!tpu.dma_semaphore, #tpu.memory_space<semaphore_mem>>
      %dma_start3A_103 = arith.constant 0 : i32
      %dma_start3A_104 = tpu.memref_slice %arg7[%arg0, %mul3A_4, %dma_start3A_103] : memref<2x10000x128xf32, #tpu.memory_space<hbm>> -> memref<1x624x128xf32, #tpu.memory_space<hbm>>
      %dma_start3A_105 = tpu.memref_squeeze %dma_start3A_104 : memref<1x624x128xf32, #tpu.memory_space<hbm>> -> memref<624x128xf32, #tpu.memory_space<hbm>>
      %dma_start3A_106 = arith.constant 0 : i32
      %dma_start3A_107 = tpu.memref_slice %arg8[%mul3A_4, %dma_start3A_106] : memref<10000x128xf32, #tpu.memory_space<vmem_shared>> -> memref<624x128xf32, #tpu.memory_space<vmem_shared>>
      tpu.enqueue_dma source(%dma_start3A_107 : memref<624x128xf32, #tpu.memory_space<vmem_shared>>) target(%dma_start3A_105 : memref<624x128xf32, #tpu.memory_space<hbm>>) target_semaphore(%run_scoped3A_102 : memref<!tpu.dma_semaphore, #tpu.memory_space<semaphore_mem>>)
      %dma_wait3A_108 = arith.constant 0 : i32
      %dma_wait3A_109 = tpu.memref_slice %arg7[%arg0, %mul3A_4, %dma_wait3A_108] : memref<2x10000x128xf32, #tpu.memory_space<hbm>> -> memref<1x624x128xf32, #tpu.memory_space<hbm>>
      %dma_wait3A_110 = tpu.memref_squeeze %dma_wait3A_109 : memref<1x624x128xf32, #tpu.memory_space<hbm>> -> memref<624x128xf32, #tpu.memory_space<hbm>>
      %dma_wait3A_111 = arith.constant 0 : i32
      %dma_wait3A_112 = tpu.memref_slice %arg8[%mul3A_4, %dma_wait3A_111] : memref<10000x128xf32, #tpu.memory_space<vmem_shared>> -> memref<624x128xf32, #tpu.memory_space<vmem_shared>>
      tpu.wait_dma2 semaphore(%run_scoped3A_102 : memref<!tpu.dma_semaphore, #tpu.memory_space<semaphore_mem>>) src(%dma_wait3A_112 : memref<624x128xf32, #tpu.memory_space<vmem_shared>>) dst(%dma_wait3A_110 : memref<624x128xf32, #tpu.memory_space<hbm>>)
      tpu.yield
    }) : () -> ()
    %eq3A_97 = arith.constant 15 : i32
    %eq3A_98 = arith.cmpi eq, %arg1, %eq3A_97 : i32
    %convert_element_type3A_99 = arith.extui %eq3A_98 : i1 to i32
    %cond3A_100 = arith.constant 0 : i32
    %cond3A_101 = arith.cmpi ne, %convert_element_type3A_99, %cond3A_100 : i32
    scf.if %cond3A_101 {
      "tpu.region"() ({
        %run_scoped3A_102 = tpu.sem_alloc : memref<!tpu.dma_semaphore, #tpu.memory_space<semaphore_mem>>
        %dma_start3A_103 = arith.constant 9984 : i32
        %dma_start3A_104 = arith.constant 0 : i32
        %dma_start3A_105 = tpu.memref_slice %arg7[%arg0, %dma_start3A_103, %dma_start3A_104] : memref<2x10000x128xf32, #tpu.memory_space<hbm>> -> memref<1x16x128xf32, #tpu.memory_space<hbm>>
        %dma_start3A_106 = tpu.memref_squeeze %dma_start3A_105 : memref<1x16x128xf32, #tpu.memory_space<hbm>> -> memref<16x128xf32, #tpu.memory_space<hbm>>
        %dma_start3A_107 = arith.constant 9984 : i32
        %dma_start3A_108 = arith.constant 0 : i32
        %dma_start3A_109 = tpu.memref_slice %arg8[%dma_start3A_107, %dma_start3A_108] : memref<10000x128xf32, #tpu.memory_space<vmem_shared>> -> memref<16x128xf32, #tpu.memory_space<vmem_shared>>
        tpu.enqueue_dma source(%dma_start3A_109 : memref<16x128xf32, #tpu.memory_space<vmem_shared>>) target(%dma_start3A_106 : memref<16x128xf32, #tpu.memory_space<hbm>>) target_semaphore(%run_scoped3A_102 : memref<!tpu.dma_semaphore, #tpu.memory_space<semaphore_mem>>)
        %dma_wait3A_110 = arith.constant 9984 : i32
        %dma_wait3A_111 = arith.constant 0 : i32
        %dma_wait3A_112 = tpu.memref_slice %arg7[%arg0, %dma_wait3A_110, %dma_wait3A_111] : memref<2x10000x128xf32, #tpu.memory_space<hbm>> -> memref<1x16x128xf32, #tpu.memory_space<hbm>>
        %dma_wait3A_113 = tpu.memref_squeeze %dma_wait3A_112 : memref<1x16x128xf32, #tpu.memory_space<hbm>> -> memref<16x128xf32, #tpu.memory_space<hbm>>
        %dma_wait3A_114 = arith.constant 9984 : i32
        %dma_wait3A_115 = arith.constant 0 : i32
        %dma_wait3A_116 = tpu.memref_slice %arg8[%dma_wait3A_114, %dma_wait3A_115] : memref<10000x128xf32, #tpu.memory_space<vmem_shared>> -> memref<16x128xf32, #tpu.memory_space<vmem_shared>>
        tpu.wait_dma2 semaphore(%run_scoped3A_102 : memref<!tpu.dma_semaphore, #tpu.memory_space<semaphore_mem>>) src(%dma_wait3A_116 : memref<16x128xf32, #tpu.memory_space<vmem_shared>>) dst(%dma_wait3A_113 : memref<16x128xf32, #tpu.memory_space<hbm>>)
        tpu.yield
      }) : () -> ()
    } else {
    }
    return
  }
}

#map = affine_map<(d0, d1) -> (0, 0)>
#map1 = affine_map<(d0, d1) -> (0)>
#map2 = affine_map<(d0, d1) -> (0, 0, 0)>
module attributes {stable_mosaic.version = 14 : i64} {
  func.func @sc_msg(%arg0: i32, %arg1: i32, %arg2: memref<10000x128xf32, #tpu.memory_space<hbm>>, %arg3: memref<328704x128xf32, #tpu.memory_space<hbm>>, %arg4: memref<328704xi32, #tpu.memory_space<hbm>>, %arg5: memref<328704xi32, #tpu.memory_space<hbm>>, %arg6: memref<10000x128xf32, #tpu.memory_space<hbm>>, %arg7: memref<2x10000x128xf32, #tpu.memory_space<hbm>>, %arg8: memref<10000x128xf32, #tpu.memory_space<vmem_shared>>, %arg9: memref<2x96xi32, #tpu.memory_space<vmem>>, %arg10: memref<2x96xi32, #tpu.memory_space<vmem>>, %arg11: memref<2x96x128xf32, #tpu.memory_space<vmem>>, %arg12: memref<2x96x128xf32, #tpu.memory_space<vmem>>, %arg13: memref<2x!tpu.dma_semaphore, #tpu.memory_space<semaphore_mem>>, %arg14: memref<2x!tpu.dma_semaphore, #tpu.memory_space<semaphore_mem>>) attributes {dimension_semantics = [#tpu.dimension_semantics<core_parallel>, #tpu.dimension_semantics<subcore_parallel>], iteration_bounds = array<i64: 2, 16>, scalar_prefetch = 0 : i64, scratch_operands = 7 : i64, tpu.core_type = #tpu.core_type<sc_vector_subcore>, window_params = [{transform_indices = #map}, {transform_indices = #map}, {transform_indices = #map1}, {transform_indices = #map1}, {transform_indices = #map}, {transform_indices = #map2}]} {
    %mul3A = arith.constant 2 : i32
    %mul3A_0 = arith.muli %arg1, %mul3A : i32
    %add3A = arith.addi %mul3A_0, %arg0 : i32
    %mul3A_1 = arith.constant 107 : i32
    %mul3A_2 = arith.muli %add3A, %mul3A_1 : i32
    %mul3A_3 = arith.constant 624 : i32
    %mul3A_4 = arith.muli %arg1, %mul3A_3 : i32
    "tpu.region"() ({
      %run_scoped3A_102 = tpu.sem_alloc : memref<!tpu.dma_semaphore, #tpu.memory_space<semaphore_mem>>
      %dma_start3A_103 = arith.constant 0 : i32
      %dma_start3A_104 = tpu.memref_slice %arg8[%mul3A_4, %dma_start3A_103] : memref<10000x128xf32, #tpu.memory_space<vmem_shared>> -> memref<624x128xf32, #tpu.memory_space<vmem_shared>>
      %dma_start3A_105 = arith.constant 0 : i32
      %dma_start3A_106 = tpu.memref_slice %arg6[%mul3A_4, %dma_start3A_105] : memref<10000x128xf32, #tpu.memory_space<hbm>> -> memref<624x128xf32, #tpu.memory_space<hbm>>
      tpu.enqueue_dma source(%dma_start3A_106 : memref<624x128xf32, #tpu.memory_space<hbm>>) target(%dma_start3A_104 : memref<624x128xf32, #tpu.memory_space<vmem_shared>>) target_semaphore(%run_scoped3A_102 : memref<!tpu.dma_semaphore, #tpu.memory_space<semaphore_mem>>)
      %dma_wait3A_107 = arith.constant 0 : i32
      %dma_wait3A_108 = tpu.memref_slice %arg8[%mul3A_4, %dma_wait3A_107] : memref<10000x128xf32, #tpu.memory_space<vmem_shared>> -> memref<624x128xf32, #tpu.memory_space<vmem_shared>>
      %dma_wait3A_109 = arith.constant 0 : i32
      %dma_wait3A_110 = tpu.memref_slice %arg6[%mul3A_4, %dma_wait3A_109] : memref<10000x128xf32, #tpu.memory_space<hbm>> -> memref<624x128xf32, #tpu.memory_space<hbm>>
      tpu.wait_dma2 semaphore(%run_scoped3A_102 : memref<!tpu.dma_semaphore, #tpu.memory_space<semaphore_mem>>) src(%dma_wait3A_110 : memref<624x128xf32, #tpu.memory_space<hbm>>) dst(%dma_wait3A_108 : memref<624x128xf32, #tpu.memory_space<vmem_shared>>)
      tpu.yield
    }) : () -> ()
    %eq3A = arith.constant 15 : i32
    %eq3A_5 = arith.cmpi eq, %arg1, %eq3A : i32
    %convert_element_type3A = arith.extui %eq3A_5 : i1 to i32
    %cond3A = arith.constant 0 : i32
    %cond3A_6 = arith.cmpi ne, %convert_element_type3A, %cond3A : i32
    scf.if %cond3A_6 {
      "tpu.region"() ({
        %run_scoped3A_102 = tpu.sem_alloc : memref<!tpu.dma_semaphore, #tpu.memory_space<semaphore_mem>>
        %dma_start3A_103 = arith.constant 9984 : i32
        %dma_start3A_104 = arith.constant 0 : i32
        %dma_start3A_105 = tpu.memref_slice %arg8[%dma_start3A_103, %dma_start3A_104] : memref<10000x128xf32, #tpu.memory_space<vmem_shared>> -> memref<16x128xf32, #tpu.memory_space<vmem_shared>>
        %dma_start3A_106 = arith.constant 9984 : i32
        %dma_start3A_107 = arith.constant 0 : i32
        %dma_start3A_108 = tpu.memref_slice %arg6[%dma_start3A_106, %dma_start3A_107] : memref<10000x128xf32, #tpu.memory_space<hbm>> -> memref<16x128xf32, #tpu.memory_space<hbm>>
        tpu.enqueue_dma source(%dma_start3A_108 : memref<16x128xf32, #tpu.memory_space<hbm>>) target(%dma_start3A_105 : memref<16x128xf32, #tpu.memory_space<vmem_shared>>) target_semaphore(%run_scoped3A_102 : memref<!tpu.dma_semaphore, #tpu.memory_space<semaphore_mem>>)
        %dma_wait3A_109 = arith.constant 9984 : i32
        %dma_wait3A_110 = arith.constant 0 : i32
        %dma_wait3A_111 = tpu.memref_slice %arg8[%dma_wait3A_109, %dma_wait3A_110] : memref<10000x128xf32, #tpu.memory_space<vmem_shared>> -> memref<16x128xf32, #tpu.memory_space<vmem_shared>>
        %dma_wait3A_112 = arith.constant 9984 : i32
        %dma_wait3A_113 = arith.constant 0 : i32
        %dma_wait3A_114 = tpu.memref_slice %arg6[%dma_wait3A_112, %dma_wait3A_113] : memref<10000x128xf32, #tpu.memory_space<hbm>> -> memref<16x128xf32, #tpu.memory_space<hbm>>
        tpu.wait_dma2 semaphore(%run_scoped3A_102 : memref<!tpu.dma_semaphore, #tpu.memory_space<semaphore_mem>>) src(%dma_wait3A_114 : memref<16x128xf32, #tpu.memory_space<hbm>>) dst(%dma_wait3A_111 : memref<16x128xf32, #tpu.memory_space<vmem_shared>>)
        tpu.yield
      }) : () -> ()
    } else {
    }
    %barrier3A = arith.constant 0 : index
    tpu.barrier barrier_id(%barrier3A)
    %add3A_7 = arith.constant 0 : i32
    %add3A_8 = arith.addi %mul3A_2, %add3A_7 : i32
    %mul3A_9 = arith.constant 96 : i32
    %mul3A_10 = arith.muli %add3A_8, %mul3A_9 : i32
    %run_scoped3A = arith.constant 0 : i32
    "tpu.region"() ({
      %run_scoped3A_102 = tpu.sem_alloc : memref<!tpu.dma_semaphore, #tpu.memory_space<semaphore_mem>>
      %dma_start3A_103 = arith.constant 0 : i32
      %dma_start3A_104 = tpu.memref_slice %arg9[%run_scoped3A, %dma_start3A_103] : memref<2x96xi32, #tpu.memory_space<vmem>> -> memref<1x96xi32, #tpu.memory_space<vmem>>
      %dma_start3A_105 = tpu.memref_squeeze %dma_start3A_104 : memref<1x96xi32, #tpu.memory_space<vmem>> -> memref<96xi32, #tpu.memory_space<vmem>>
      %dma_start3A_106 = tpu.memref_slice %arg4[%mul3A_10] : memref<328704xi32, #tpu.memory_space<hbm>> -> memref<96xi32, #tpu.memory_space<hbm>>
      %dma_start3A_107 = arith.constant 0 : i32
      %dma_start3A_108 = tpu.memref_slice %arg9[%run_scoped3A, %dma_start3A_107] : memref<2x96xi32, #tpu.memory_space<vmem>> -> memref<1x96xi32, #tpu.memory_space<vmem>>
      %dma_start3A_109 = tpu.memref_squeeze %dma_start3A_108 : memref<1x96xi32, #tpu.memory_space<vmem>> -> memref<96xi32, #tpu.memory_space<vmem>>
      %dma_start3A_110 = tpu.memref_slice %arg4[%mul3A_10] : memref<328704xi32, #tpu.memory_space<hbm>> -> memref<96xi32, #tpu.memory_space<hbm>>
      tpu.enqueue_dma source(%dma_start3A_110 : memref<96xi32, #tpu.memory_space<hbm>>) target(%dma_start3A_109 : memref<96xi32, #tpu.memory_space<vmem>>) target_semaphore(%run_scoped3A_102 : memref<!tpu.dma_semaphore, #tpu.memory_space<semaphore_mem>>)
      %dma_wait3A_111 = arith.constant 0 : i32
      %dma_wait3A_112 = tpu.memref_slice %arg9[%run_scoped3A, %dma_wait3A_111] : memref<2x96xi32, #tpu.memory_space<vmem>> -> memref<1x96xi32, #tpu.memory_space<vmem>>
      %dma_wait3A_113 = tpu.memref_squeeze %dma_wait3A_112 : memref<1x96xi32, #tpu.memory_space<vmem>> -> memref<96xi32, #tpu.memory_space<vmem>>
      %dma_wait3A_114 = tpu.memref_slice %arg4[%mul3A_10] : memref<328704xi32, #tpu.memory_space<hbm>> -> memref<96xi32, #tpu.memory_space<hbm>>
      %dma_wait3A_115 = arith.constant 0 : i32
      %dma_wait3A_116 = tpu.memref_slice %arg9[%run_scoped3A, %dma_wait3A_115] : memref<2x96xi32, #tpu.memory_space<vmem>> -> memref<1x96xi32, #tpu.memory_space<vmem>>
      %dma_wait3A_117 = tpu.memref_squeeze %dma_wait3A_116 : memref<1x96xi32, #tpu.memory_space<vmem>> -> memref<96xi32, #tpu.memory_space<vmem>>
      %dma_wait3A_118 = tpu.memref_slice %arg4[%mul3A_10] : memref<328704xi32, #tpu.memory_space<hbm>> -> memref<96xi32, #tpu.memory_space<hbm>>
      tpu.wait_dma2 semaphore(%run_scoped3A_102 : memref<!tpu.dma_semaphore, #tpu.memory_space<semaphore_mem>>) src(%dma_wait3A_118 : memref<96xi32, #tpu.memory_space<hbm>>) dst(%dma_wait3A_117 : memref<96xi32, #tpu.memory_space<vmem>>)
      tpu.yield
    }) : () -> ()
    %dma_start3A = arith.constant 0 : i32
    %dma_start3A_11 = arith.constant 0 : i32
    %dma_start3A_12 = arith.constant 0 : i32
    %dma_start3A_13 = arith.constant 0 : i32
    %dma_start3A_14 = arith.constant 0 : i32
    %dma_start3A_15 = tpu.memref_slice %arg11[%dma_start3A_11, %dma_start3A_13, %dma_start3A_14] : memref<2x96x128xf32, #tpu.memory_space<vmem>> -> memref<1x96x128xf32, #tpu.memory_space<vmem>>
    %dma_start3A_16 = tpu.memref_squeeze %dma_start3A_15 : memref<1x96x128xf32, #tpu.memory_space<vmem>> -> memref<96x128xf32, #tpu.memory_space<vmem>>
    %dma_start3A_17 = arith.constant 0 : i32
    %dma_start3A_18 = tpu.memref_slice %arg9[%dma_start3A, %dma_start3A_17] : memref<2x96xi32, #tpu.memory_space<vmem>> -> memref<1x96xi32, #tpu.memory_space<vmem>>
    %dma_start3A_19 = tpu.memref_squeeze %dma_start3A_18 : memref<1x96xi32, #tpu.memory_space<vmem>> -> memref<96xi32, #tpu.memory_space<vmem>>
    %dma_start3A_20 = arith.constant 0 : i32
    %dma_start3A_21 = arith.constant 0 : i32
    %dma_start3A_22 = tpu.memref_slice %arg2[%dma_start3A_20, %dma_start3A_21] : memref<10000x128xf32, #tpu.memory_space<hbm>> -> memref<10000x128xf32, #tpu.memory_space<hbm>>
    %dma_start3A_23 = tpu.memref_slice %arg13[%dma_start3A_12] : memref<2x!tpu.dma_semaphore, #tpu.memory_space<semaphore_mem>> -> memref<1x!tpu.dma_semaphore, #tpu.memory_space<semaphore_mem>>
    %dma_start3A_24 = tpu.memref_squeeze %dma_start3A_23 : memref<1x!tpu.dma_semaphore, #tpu.memory_space<semaphore_mem>> -> memref<!tpu.dma_semaphore, #tpu.memory_space<semaphore_mem>>
    tpu.enqueue_indirect_dma source(%dma_start3A_22 : memref<10000x128xf32, #tpu.memory_space<hbm>>) target(%dma_start3A_16 : memref<96x128xf32, #tpu.memory_space<vmem>>) offsets(%dma_start3A_19 : memref<96xi32, #tpu.memory_space<vmem>>) semaphore(%dma_start3A_24 : memref<!tpu.dma_semaphore, #tpu.memory_space<semaphore_mem>>)
    %add3A_25 = arith.constant 0 : i32
    %add3A_26 = arith.addi %mul3A_2, %add3A_25 : i32
    %mul3A_27 = arith.constant 96 : i32
    %mul3A_28 = arith.muli %add3A_26, %mul3A_27 : i32
    %dma_start3A_29 = arith.constant 0 : i32
    %dma_start3A_30 = arith.constant 0 : i32
    %dma_start3A_31 = arith.constant 0 : i32
    %dma_start3A_32 = arith.constant 0 : i32
    %dma_start3A_33 = tpu.memref_slice %arg12[%dma_start3A_29, %dma_start3A_31, %dma_start3A_32] : memref<2x96x128xf32, #tpu.memory_space<vmem>> -> memref<1x96x128xf32, #tpu.memory_space<vmem>>
    %dma_start3A_34 = tpu.memref_squeeze %dma_start3A_33 : memref<1x96x128xf32, #tpu.memory_space<vmem>> -> memref<96x128xf32, #tpu.memory_space<vmem>>
    %dma_start3A_35 = arith.constant 0 : i32
    %dma_start3A_36 = tpu.memref_slice %arg3[%mul3A_28, %dma_start3A_35] : memref<328704x128xf32, #tpu.memory_space<hbm>> -> memref<96x128xf32, #tpu.memory_space<hbm>>
    %dma_start3A_37 = tpu.memref_slice %arg14[%dma_start3A_30] : memref<2x!tpu.dma_semaphore, #tpu.memory_space<semaphore_mem>> -> memref<1x!tpu.dma_semaphore, #tpu.memory_space<semaphore_mem>>
    %dma_start3A_38 = tpu.memref_squeeze %dma_start3A_37 : memref<1x!tpu.dma_semaphore, #tpu.memory_space<semaphore_mem>> -> memref<!tpu.dma_semaphore, #tpu.memory_space<semaphore_mem>>
    %dma_start3A_39 = arith.constant 0 : i32
    %dma_start3A_40 = arith.constant 0 : i32
    %dma_start3A_41 = tpu.memref_slice %arg12[%dma_start3A_29, %dma_start3A_39, %dma_start3A_40] : memref<2x96x128xf32, #tpu.memory_space<vmem>> -> memref<1x96x128xf32, #tpu.memory_space<vmem>>
    %dma_start3A_42 = tpu.memref_squeeze %dma_start3A_41 : memref<1x96x128xf32, #tpu.memory_space<vmem>> -> memref<96x128xf32, #tpu.memory_space<vmem>>
    %dma_start3A_43 = arith.constant 0 : i32
    %dma_start3A_44 = tpu.memref_slice %arg3[%mul3A_28, %dma_start3A_43] : memref<328704x128xf32, #tpu.memory_space<hbm>> -> memref<96x128xf32, #tpu.memory_space<hbm>>
    tpu.enqueue_dma source(%dma_start3A_44 : memref<96x128xf32, #tpu.memory_space<hbm>>) target(%dma_start3A_42 : memref<96x128xf32, #tpu.memory_space<vmem>>) target_semaphore(%dma_start3A_38 : memref<!tpu.dma_semaphore, #tpu.memory_space<semaphore_mem>>)
    %scan3A = arith.constant 0 : i32
    %scan3A_45 = arith.constant 53 : i32
    %scan3A_46 = arith.addi %scan3A, %scan3A_45 : i32
    %scan3A_47 = arith.constant 1 : i32
    scf.for %scan3A_102 = %scan3A to %scan3A_46 step %scan3A_47  : i32 {
      %mul3A_103 = arith.constant 2 : i32
      %mul3A_104 = arith.muli %scan3A_102, %mul3A_103 : i32
      %add3A_105 = arith.constant 0 : i32
      %add3A_106 = arith.addi %add3A_105, %mul3A_104 : i32
      %add3A_107 = arith.constant 0 : i32
      %add3A_108 = arith.addi %add3A_106, %add3A_107 : i32
      %lt3A = arith.constant 106 : i32
      %lt3A_109 = arith.cmpi slt, %add3A_108, %lt3A : i32
      %convert_element_type3A_110 = arith.extui %lt3A_109 : i1 to i32
      %cond3A_111 = arith.constant 0 : i32
      %cond3A_112 = arith.cmpi ne, %convert_element_type3A_110, %cond3A_111 : i32
      scf.if %cond3A_112 {
        %add3A_212 = arith.constant 1 : i32
        %add3A_213 = arith.addi %add3A_108, %add3A_212 : i32
        %add3A_214 = arith.addi %mul3A_2, %add3A_213 : i32
        %mul3A_215 = arith.constant 96 : i32
        %mul3A_216 = arith.muli %add3A_214, %mul3A_215 : i32
        %run_scoped3A_217 = arith.constant 1 : i32
        "tpu.region"() ({
          %run_scoped3A_252 = tpu.sem_alloc : memref<!tpu.dma_semaphore, #tpu.memory_space<semaphore_mem>>
          %dma_start3A_253 = arith.constant 0 : i32
          %dma_start3A_254 = tpu.memref_slice %arg9[%run_scoped3A_217, %dma_start3A_253] : memref<2x96xi32, #tpu.memory_space<vmem>> -> memref<1x96xi32, #tpu.memory_space<vmem>>
          %dma_start3A_255 = tpu.memref_squeeze %dma_start3A_254 : memref<1x96xi32, #tpu.memory_space<vmem>> -> memref<96xi32, #tpu.memory_space<vmem>>
          %dma_start3A_256 = tpu.memref_slice %arg4[%mul3A_216] : memref<328704xi32, #tpu.memory_space<hbm>> -> memref<96xi32, #tpu.memory_space<hbm>>
          %dma_start3A_257 = arith.constant 0 : i32
          %dma_start3A_258 = tpu.memref_slice %arg9[%run_scoped3A_217, %dma_start3A_257] : memref<2x96xi32, #tpu.memory_space<vmem>> -> memref<1x96xi32, #tpu.memory_space<vmem>>
          %dma_start3A_259 = tpu.memref_squeeze %dma_start3A_258 : memref<1x96xi32, #tpu.memory_space<vmem>> -> memref<96xi32, #tpu.memory_space<vmem>>
          %dma_start3A_260 = tpu.memref_slice %arg4[%mul3A_216] : memref<328704xi32, #tpu.memory_space<hbm>> -> memref<96xi32, #tpu.memory_space<hbm>>
          tpu.enqueue_dma source(%dma_start3A_260 : memref<96xi32, #tpu.memory_space<hbm>>) target(%dma_start3A_259 : memref<96xi32, #tpu.memory_space<vmem>>) target_semaphore(%run_scoped3A_252 : memref<!tpu.dma_semaphore, #tpu.memory_space<semaphore_mem>>)
          %dma_wait3A_261 = arith.constant 0 : i32
          %dma_wait3A_262 = tpu.memref_slice %arg9[%run_scoped3A_217, %dma_wait3A_261] : memref<2x96xi32, #tpu.memory_space<vmem>> -> memref<1x96xi32, #tpu.memory_space<vmem>>
          %dma_wait3A_263 = tpu.memref_squeeze %dma_wait3A_262 : memref<1x96xi32, #tpu.memory_space<vmem>> -> memref<96xi32, #tpu.memory_space<vmem>>
          %dma_wait3A_264 = tpu.memref_slice %arg4[%mul3A_216] : memref<328704xi32, #tpu.memory_space<hbm>> -> memref<96xi32, #tpu.memory_space<hbm>>
          %dma_wait3A_265 = arith.constant 0 : i32
          %dma_wait3A_266 = tpu.memref_slice %arg9[%run_scoped3A_217, %dma_wait3A_265] : memref<2x96xi32, #tpu.memory_space<vmem>> -> memref<1x96xi32, #tpu.memory_space<vmem>>
          %dma_wait3A_267 = tpu.memref_squeeze %dma_wait3A_266 : memref<1x96xi32, #tpu.memory_space<vmem>> -> memref<96xi32, #tpu.memory_space<vmem>>
          %dma_wait3A_268 = tpu.memref_slice %arg4[%mul3A_216] : memref<328704xi32, #tpu.memory_space<hbm>> -> memref<96xi32, #tpu.memory_space<hbm>>
          tpu.wait_dma2 semaphore(%run_scoped3A_252 : memref<!tpu.dma_semaphore, #tpu.memory_space<semaphore_mem>>) src(%dma_wait3A_268 : memref<96xi32, #tpu.memory_space<hbm>>) dst(%dma_wait3A_267 : memref<96xi32, #tpu.memory_space<vmem>>)
          tpu.yield
        }) : () -> ()
        %dma_start3A_218 = arith.constant 1 : i32
        %dma_start3A_219 = arith.constant 1 : i32
        %dma_start3A_220 = arith.constant 1 : i32
        %dma_start3A_221 = arith.constant 0 : i32
        %dma_start3A_222 = arith.constant 0 : i32
        %dma_start3A_223 = tpu.memref_slice %arg11[%dma_start3A_219, %dma_start3A_221, %dma_start3A_222] : memref<2x96x128xf32, #tpu.memory_space<vmem>> -> memref<1x96x128xf32, #tpu.memory_space<vmem>>
        %dma_start3A_224 = tpu.memref_squeeze %dma_start3A_223 : memref<1x96x128xf32, #tpu.memory_space<vmem>> -> memref<96x128xf32, #tpu.memory_space<vmem>>
        %dma_start3A_225 = arith.constant 0 : i32
        %dma_start3A_226 = tpu.memref_slice %arg9[%dma_start3A_218, %dma_start3A_225] : memref<2x96xi32, #tpu.memory_space<vmem>> -> memref<1x96xi32, #tpu.memory_space<vmem>>
        %dma_start3A_227 = tpu.memref_squeeze %dma_start3A_226 : memref<1x96xi32, #tpu.memory_space<vmem>> -> memref<96xi32, #tpu.memory_space<vmem>>
        %dma_start3A_228 = arith.constant 0 : i32
        %dma_start3A_229 = arith.constant 0 : i32
        %dma_start3A_230 = tpu.memref_slice %arg2[%dma_start3A_228, %dma_start3A_229] : memref<10000x128xf32, #tpu.memory_space<hbm>> -> memref<10000x128xf32, #tpu.memory_space<hbm>>
        %dma_start3A_231 = tpu.memref_slice %arg13[%dma_start3A_220] : memref<2x!tpu.dma_semaphore, #tpu.memory_space<semaphore_mem>> -> memref<1x!tpu.dma_semaphore, #tpu.memory_space<semaphore_mem>>
        %dma_start3A_232 = tpu.memref_squeeze %dma_start3A_231 : memref<1x!tpu.dma_semaphore, #tpu.memory_space<semaphore_mem>> -> memref<!tpu.dma_semaphore, #tpu.memory_space<semaphore_mem>>
        tpu.enqueue_indirect_dma source(%dma_start3A_230 : memref<10000x128xf32, #tpu.memory_space<hbm>>) target(%dma_start3A_224 : memref<96x128xf32, #tpu.memory_space<vmem>>) offsets(%dma_start3A_227 : memref<96xi32, #tpu.memory_space<vmem>>) semaphore(%dma_start3A_232 : memref<!tpu.dma_semaphore, #tpu.memory_space<semaphore_mem>>)
        %add3A_233 = arith.addi %mul3A_2, %add3A_213 : i32
        %mul3A_234 = arith.constant 96 : i32
        %mul3A_235 = arith.muli %add3A_233, %mul3A_234 : i32
        %dma_start3A_236 = arith.constant 1 : i32
        %dma_start3A_237 = arith.constant 1 : i32
        %dma_start3A_238 = arith.constant 0 : i32
        %dma_start3A_239 = arith.constant 0 : i32
        %dma_start3A_240 = tpu.memref_slice %arg12[%dma_start3A_236, %dma_start3A_238, %dma_start3A_239] : memref<2x96x128xf32, #tpu.memory_space<vmem>> -> memref<1x96x128xf32, #tpu.memory_space<vmem>>
        %dma_start3A_241 = tpu.memref_squeeze %dma_start3A_240 : memref<1x96x128xf32, #tpu.memory_space<vmem>> -> memref<96x128xf32, #tpu.memory_space<vmem>>
        %dma_start3A_242 = arith.constant 0 : i32
        %dma_start3A_243 = tpu.memref_slice %arg3[%mul3A_235, %dma_start3A_242] : memref<328704x128xf32, #tpu.memory_space<hbm>> -> memref<96x128xf32, #tpu.memory_space<hbm>>
        %dma_start3A_244 = tpu.memref_slice %arg14[%dma_start3A_237] : memref<2x!tpu.dma_semaphore, #tpu.memory_space<semaphore_mem>> -> memref<1x!tpu.dma_semaphore, #tpu.memory_space<semaphore_mem>>
        %dma_start3A_245 = tpu.memref_squeeze %dma_start3A_244 : memref<1x!tpu.dma_semaphore, #tpu.memory_space<semaphore_mem>> -> memref<!tpu.dma_semaphore, #tpu.memory_space<semaphore_mem>>
        %dma_start3A_246 = arith.constant 0 : i32
        %dma_start3A_247 = arith.constant 0 : i32
        %dma_start3A_248 = tpu.memref_slice %arg12[%dma_start3A_236, %dma_start3A_246, %dma_start3A_247] : memref<2x96x128xf32, #tpu.memory_space<vmem>> -> memref<1x96x128xf32, #tpu.memory_space<vmem>>
        %dma_start3A_249 = tpu.memref_squeeze %dma_start3A_248 : memref<1x96x128xf32, #tpu.memory_space<vmem>> -> memref<96x128xf32, #tpu.memory_space<vmem>>
        %dma_start3A_250 = arith.constant 0 : i32
        %dma_start3A_251 = tpu.memref_slice %arg3[%mul3A_235, %dma_start3A_250] : memref<328704x128xf32, #tpu.memory_space<hbm>> -> memref<96x128xf32, #tpu.memory_space<hbm>>
        tpu.enqueue_dma source(%dma_start3A_251 : memref<96x128xf32, #tpu.memory_space<hbm>>) target(%dma_start3A_249 : memref<96x128xf32, #tpu.memory_space<vmem>>) target_semaphore(%dma_start3A_245 : memref<!tpu.dma_semaphore, #tpu.memory_space<semaphore_mem>>)
      } else {
      }
      %dma_wait3A_113 = arith.constant 0 : i32
      %dma_wait3A_114 = arith.constant 0 : i32
      %dma_wait3A_115 = arith.constant 0 : i32
      %dma_wait3A_116 = arith.constant 0 : i32
      %dma_wait3A_117 = arith.constant 0 : i32
      %dma_wait3A_118 = tpu.memref_slice %arg11[%dma_wait3A_114, %dma_wait3A_116, %dma_wait3A_117] : memref<2x96x128xf32, #tpu.memory_space<vmem>> -> memref<1x96x128xf32, #tpu.memory_space<vmem>>
      %dma_wait3A_119 = tpu.memref_squeeze %dma_wait3A_118 : memref<1x96x128xf32, #tpu.memory_space<vmem>> -> memref<96x128xf32, #tpu.memory_space<vmem>>
      %dma_wait3A_120 = arith.constant 0 : i32
      %dma_wait3A_121 = tpu.memref_slice %arg9[%dma_wait3A_113, %dma_wait3A_120] : memref<2x96xi32, #tpu.memory_space<vmem>> -> memref<1x96xi32, #tpu.memory_space<vmem>>
      %dma_wait3A_122 = tpu.memref_squeeze %dma_wait3A_121 : memref<1x96xi32, #tpu.memory_space<vmem>> -> memref<96xi32, #tpu.memory_space<vmem>>
      %dma_wait3A_123 = arith.constant 0 : i32
      %dma_wait3A_124 = arith.constant 0 : i32
      %dma_wait3A_125 = tpu.memref_slice %arg2[%dma_wait3A_123, %dma_wait3A_124] : memref<10000x128xf32, #tpu.memory_space<hbm>> -> memref<10000x128xf32, #tpu.memory_space<hbm>>
      %dma_wait3A_126 = tpu.memref_slice %arg13[%dma_wait3A_115] : memref<2x!tpu.dma_semaphore, #tpu.memory_space<semaphore_mem>> -> memref<1x!tpu.dma_semaphore, #tpu.memory_space<semaphore_mem>>
      %dma_wait3A_127 = tpu.memref_squeeze %dma_wait3A_126 : memref<1x!tpu.dma_semaphore, #tpu.memory_space<semaphore_mem>> -> memref<!tpu.dma_semaphore, #tpu.memory_space<semaphore_mem>>
      tpu.wait_indirect_dma semaphore(%dma_wait3A_127 : memref<!tpu.dma_semaphore, #tpu.memory_space<semaphore_mem>>) src(%dma_wait3A_125 : memref<10000x128xf32, #tpu.memory_space<hbm>>) dst(%dma_wait3A_119 : memref<96x128xf32, #tpu.memory_space<vmem>>)
      %add3A_128 = arith.addi %mul3A_2, %add3A_108 : i32
      %mul3A_129 = arith.constant 96 : i32
      %mul3A_130 = arith.muli %add3A_128, %mul3A_129 : i32
      %dma_wait3A_131 = arith.constant 0 : i32
      %dma_wait3A_132 = arith.constant 0 : i32
      %dma_wait3A_133 = arith.constant 0 : i32
      %dma_wait3A_134 = arith.constant 0 : i32
      %dma_wait3A_135 = tpu.memref_slice %arg12[%dma_wait3A_131, %dma_wait3A_133, %dma_wait3A_134] : memref<2x96x128xf32, #tpu.memory_space<vmem>> -> memref<1x96x128xf32, #tpu.memory_space<vmem>>
      %dma_wait3A_136 = tpu.memref_squeeze %dma_wait3A_135 : memref<1x96x128xf32, #tpu.memory_space<vmem>> -> memref<96x128xf32, #tpu.memory_space<vmem>>
      %dma_wait3A_137 = arith.constant 0 : i32
      %dma_wait3A_138 = tpu.memref_slice %arg3[%mul3A_130, %dma_wait3A_137] : memref<328704x128xf32, #tpu.memory_space<hbm>> -> memref<96x128xf32, #tpu.memory_space<hbm>>
      %dma_wait3A_139 = tpu.memref_slice %arg14[%dma_wait3A_132] : memref<2x!tpu.dma_semaphore, #tpu.memory_space<semaphore_mem>> -> memref<1x!tpu.dma_semaphore, #tpu.memory_space<semaphore_mem>>
      %dma_wait3A_140 = tpu.memref_squeeze %dma_wait3A_139 : memref<1x!tpu.dma_semaphore, #tpu.memory_space<semaphore_mem>> -> memref<!tpu.dma_semaphore, #tpu.memory_space<semaphore_mem>>
      %dma_wait3A_141 = arith.constant 0 : i32
      %dma_wait3A_142 = arith.constant 0 : i32
      %dma_wait3A_143 = tpu.memref_slice %arg12[%dma_wait3A_131, %dma_wait3A_141, %dma_wait3A_142] : memref<2x96x128xf32, #tpu.memory_space<vmem>> -> memref<1x96x128xf32, #tpu.memory_space<vmem>>
      %dma_wait3A_144 = tpu.memref_squeeze %dma_wait3A_143 : memref<1x96x128xf32, #tpu.memory_space<vmem>> -> memref<96x128xf32, #tpu.memory_space<vmem>>
      %dma_wait3A_145 = arith.constant 0 : i32
      %dma_wait3A_146 = tpu.memref_slice %arg3[%mul3A_130, %dma_wait3A_145] : memref<328704x128xf32, #tpu.memory_space<hbm>> -> memref<96x128xf32, #tpu.memory_space<hbm>>
      tpu.wait_dma2 semaphore(%dma_wait3A_140 : memref<!tpu.dma_semaphore, #tpu.memory_space<semaphore_mem>>) src(%dma_wait3A_146 : memref<96x128xf32, #tpu.memory_space<hbm>>) dst(%dma_wait3A_144 : memref<96x128xf32, #tpu.memory_space<vmem>>)
      %scan3A_147 = arith.constant 0 : i32
      %scan3A_148 = arith.constant 0 : i32
      %scan3A_149 = arith.constant 96 : i32
      %scan3A_150 = arith.addi %scan3A_148, %scan3A_149 : i32
      %scan3A_151 = arith.constant 1 : i32
      scf.for %scan3A_212 = %scan3A_148 to %scan3A_150 step %scan3A_151  : i32 {
        %get3A = arith.constant 0 : i32
        %get3A_213 = arith.index_cast %get3A : i32 to index
        %get3A_214 = arith.index_cast %scan3A_212 : i32 to index
        %get3A_215 = arith.constant 0 : index
        %get3A_216 = tpu.vector_load %arg11[%get3A_213, %get3A_214, %get3A_215] {strides = array<i32>} : memref<2x96x128xf32, #tpu.memory_space<vmem>>, vector<1x1x16xf32>,
        %get3A_217 = vector.shape_cast %get3A_216 : vector<1x1x16xf32> to vector<16xf32>
        %get3A_218 = arith.constant 0 : i32
        %get3A_219 = arith.index_cast %get3A_218 : i32 to index
        %get3A_220 = arith.index_cast %scan3A_212 : i32 to index
        %get3A_221 = arith.constant 0 : index
        %get3A_222 = tpu.vector_load %arg12[%get3A_219, %get3A_220, %get3A_221] {strides = array<i32>} : memref<2x96x128xf32, #tpu.memory_space<vmem>>, vector<1x1x16xf32>,
        %get3A_223 = vector.shape_cast %get3A_222 : vector<1x1x16xf32> to vector<16xf32>
        %add3A_224 = arith.addf %get3A_217, %get3A_223 : vector<16xf32>
        %max3A = arith.constant 0.000000e+00 : f32
        %max3A_225 = vector.broadcast %max3A : f32 to vector<16xf32>
        %max3A_226 = arith.maximumf %add3A_224, %max3A_225 : vector<16xf32>
        %swap3A = arith.constant 0 : i32
        %swap3A_227 = arith.index_cast %swap3A : i32 to index
        %swap3A_228 = arith.index_cast %scan3A_212 : i32 to index
        %swap3A_229 = arith.constant 0 : index
        %swap3A_230 = tpu.vector_load %arg11[%swap3A_227, %swap3A_228, %swap3A_229] {strides = array<i32>} : memref<2x96x128xf32, #tpu.memory_space<vmem>>, vector<1x1x16xf32>,
        %swap3A_231 = vector.shape_cast %swap3A_230 : vector<1x1x16xf32> to vector<16xf32>
        %swap3A_232 = vector.shape_cast %max3A_226 : vector<16xf32> to vector<1x1x16xf32>
        tpu.vector_store %arg11[%swap3A_227, %swap3A_228, %swap3A_229], %swap3A_232 {strides = array<i32>} : memref<2x96x128xf32, #tpu.memory_space<vmem>>, vector<1x1x16xf32>,
        %get3A_233 = arith.constant 0 : i32
        %get3A_234 = arith.index_cast %get3A_233 : i32 to index
        %get3A_235 = arith.index_cast %scan3A_212 : i32 to index
        %get3A_236 = arith.constant 16 : index
        %get3A_237 = tpu.vector_load %arg11[%get3A_234, %get3A_235, %get3A_236] {strides = array<i32>} : memref<2x96x128xf32, #tpu.memory_space<vmem>>, vector<1x1x16xf32>,
        %get3A_238 = vector.shape_cast %get3A_237 : vector<1x1x16xf32> to vector<16xf32>
        %get3A_239 = arith.constant 0 : i32
        %get3A_240 = arith.index_cast %get3A_239 : i32 to index
        %get3A_241 = arith.index_cast %scan3A_212 : i32 to index
        %get3A_242 = arith.constant 16 : index
        %get3A_243 = tpu.vector_load %arg12[%get3A_240, %get3A_241, %get3A_242] {strides = array<i32>} : memref<2x96x128xf32, #tpu.memory_space<vmem>>, vector<1x1x16xf32>,
        %get3A_244 = vector.shape_cast %get3A_243 : vector<1x1x16xf32> to vector<16xf32>
        %add3A_245 = arith.addf %get3A_238, %get3A_244 : vector<16xf32>
        %max3A_246 = arith.constant 0.000000e+00 : f32
        %max3A_247 = vector.broadcast %max3A_246 : f32 to vector<16xf32>
        %max3A_248 = arith.maximumf %add3A_245, %max3A_247 : vector<16xf32>
        %swap3A_249 = arith.constant 0 : i32
        %swap3A_250 = arith.index_cast %swap3A_249 : i32 to index
        %swap3A_251 = arith.index_cast %scan3A_212 : i32 to index
        %swap3A_252 = arith.constant 16 : index
        %swap3A_253 = tpu.vector_load %arg11[%swap3A_250, %swap3A_251, %swap3A_252] {strides = array<i32>} : memref<2x96x128xf32, #tpu.memory_space<vmem>>, vector<1x1x16xf32>,
        %swap3A_254 = vector.shape_cast %swap3A_253 : vector<1x1x16xf32> to vector<16xf32>
        %swap3A_255 = vector.shape_cast %max3A_248 : vector<16xf32> to vector<1x1x16xf32>
        tpu.vector_store %arg11[%swap3A_250, %swap3A_251, %swap3A_252], %swap3A_255 {strides = array<i32>} : memref<2x96x128xf32, #tpu.memory_space<vmem>>, vector<1x1x16xf32>,
        %get3A_256 = arith.constant 0 : i32
        %get3A_257 = arith.index_cast %get3A_256 : i32 to index
        %get3A_258 = arith.index_cast %scan3A_212 : i32 to index
        %get3A_259 = arith.constant 32 : index
        %get3A_260 = tpu.vector_load %arg11[%get3A_257, %get3A_258, %get3A_259] {strides = array<i32>} : memref<2x96x128xf32, #tpu.memory_space<vmem>>, vector<1x1x16xf32>,
        %get3A_261 = vector.shape_cast %get3A_260 : vector<1x1x16xf32> to vector<16xf32>
        %get3A_262 = arith.constant 0 : i32
        %get3A_263 = arith.index_cast %get3A_262 : i32 to index
        %get3A_264 = arith.index_cast %scan3A_212 : i32 to index
        %get3A_265 = arith.constant 32 : index
        %get3A_266 = tpu.vector_load %arg12[%get3A_263, %get3A_264, %get3A_265] {strides = array<i32>} : memref<2x96x128xf32, #tpu.memory_space<vmem>>, vector<1x1x16xf32>,
        %get3A_267 = vector.shape_cast %get3A_266 : vector<1x1x16xf32> to vector<16xf32>
        %add3A_268 = arith.addf %get3A_261, %get3A_267 : vector<16xf32>
        %max3A_269 = arith.constant 0.000000e+00 : f32
        %max3A_270 = vector.broadcast %max3A_269 : f32 to vector<16xf32>
        %max3A_271 = arith.maximumf %add3A_268, %max3A_270 : vector<16xf32>
        %swap3A_272 = arith.constant 0 : i32
        %swap3A_273 = arith.index_cast %swap3A_272 : i32 to index
        %swap3A_274 = arith.index_cast %scan3A_212 : i32 to index
        %swap3A_275 = arith.constant 32 : index
        %swap3A_276 = tpu.vector_load %arg11[%swap3A_273, %swap3A_274, %swap3A_275] {strides = array<i32>} : memref<2x96x128xf32, #tpu.memory_space<vmem>>, vector<1x1x16xf32>,
        %swap3A_277 = vector.shape_cast %swap3A_276 : vector<1x1x16xf32> to vector<16xf32>
        %swap3A_278 = vector.shape_cast %max3A_271 : vector<16xf32> to vector<1x1x16xf32>
        tpu.vector_store %arg11[%swap3A_273, %swap3A_274, %swap3A_275], %swap3A_278 {strides = array<i32>} : memref<2x96x128xf32, #tpu.memory_space<vmem>>, vector<1x1x16xf32>,
        %get3A_279 = arith.constant 0 : i32
        %get3A_280 = arith.index_cast %get3A_279 : i32 to index
        %get3A_281 = arith.index_cast %scan3A_212 : i32 to index
        %get3A_282 = arith.constant 48 : index
        %get3A_283 = tpu.vector_load %arg11[%get3A_280, %get3A_281, %get3A_282] {strides = array<i32>} : memref<2x96x128xf32, #tpu.memory_space<vmem>>, vector<1x1x16xf32>,
        %get3A_284 = vector.shape_cast %get3A_283 : vector<1x1x16xf32> to vector<16xf32>
        %get3A_285 = arith.constant 0 : i32
        %get3A_286 = arith.index_cast %get3A_285 : i32 to index
        %get3A_287 = arith.index_cast %scan3A_212 : i32 to index
        %get3A_288 = arith.constant 48 : index
        %get3A_289 = tpu.vector_load %arg12[%get3A_286, %get3A_287, %get3A_288] {strides = array<i32>} : memref<2x96x128xf32, #tpu.memory_space<vmem>>, vector<1x1x16xf32>,
        %get3A_290 = vector.shape_cast %get3A_289 : vector<1x1x16xf32> to vector<16xf32>
        %add3A_291 = arith.addf %get3A_284, %get3A_290 : vector<16xf32>
        %max3A_292 = arith.constant 0.000000e+00 : f32
        %max3A_293 = vector.broadcast %max3A_292 : f32 to vector<16xf32>
        %max3A_294 = arith.maximumf %add3A_291, %max3A_293 : vector<16xf32>
        %swap3A_295 = arith.constant 0 : i32
        %swap3A_296 = arith.index_cast %swap3A_295 : i32 to index
        %swap3A_297 = arith.index_cast %scan3A_212 : i32 to index
        %swap3A_298 = arith.constant 48 : index
        %swap3A_299 = tpu.vector_load %arg11[%swap3A_296, %swap3A_297, %swap3A_298] {strides = array<i32>} : memref<2x96x128xf32, #tpu.memory_space<vmem>>, vector<1x1x16xf32>,
        %swap3A_300 = vector.shape_cast %swap3A_299 : vector<1x1x16xf32> to vector<16xf32>
        %swap3A_301 = vector.shape_cast %max3A_294 : vector<16xf32> to vector<1x1x16xf32>
        tpu.vector_store %arg11[%swap3A_296, %swap3A_297, %swap3A_298], %swap3A_301 {strides = array<i32>} : memref<2x96x128xf32, #tpu.memory_space<vmem>>, vector<1x1x16xf32>,
        %get3A_302 = arith.constant 0 : i32
        %get3A_303 = arith.index_cast %get3A_302 : i32 to index
        %get3A_304 = arith.index_cast %scan3A_212 : i32 to index
        %get3A_305 = arith.constant 64 : index
        %get3A_306 = tpu.vector_load %arg11[%get3A_303, %get3A_304, %get3A_305] {strides = array<i32>} : memref<2x96x128xf32, #tpu.memory_space<vmem>>, vector<1x1x16xf32>,
        %get3A_307 = vector.shape_cast %get3A_306 : vector<1x1x16xf32> to vector<16xf32>
        %get3A_308 = arith.constant 0 : i32
        %get3A_309 = arith.index_cast %get3A_308 : i32 to index
        %get3A_310 = arith.index_cast %scan3A_212 : i32 to index
        %get3A_311 = arith.constant 64 : index
        %get3A_312 = tpu.vector_load %arg12[%get3A_309, %get3A_310, %get3A_311] {strides = array<i32>} : memref<2x96x128xf32, #tpu.memory_space<vmem>>, vector<1x1x16xf32>,
        %get3A_313 = vector.shape_cast %get3A_312 : vector<1x1x16xf32> to vector<16xf32>
        %add3A_314 = arith.addf %get3A_307, %get3A_313 : vector<16xf32>
        %max3A_315 = arith.constant 0.000000e+00 : f32
        %max3A_316 = vector.broadcast %max3A_315 : f32 to vector<16xf32>
        %max3A_317 = arith.maximumf %add3A_314, %max3A_316 : vector<16xf32>
        %swap3A_318 = arith.constant 0 : i32
        %swap3A_319 = arith.index_cast %swap3A_318 : i32 to index
        %swap3A_320 = arith.index_cast %scan3A_212 : i32 to index
        %swap3A_321 = arith.constant 64 : index
        %swap3A_322 = tpu.vector_load %arg11[%swap3A_319, %swap3A_320, %swap3A_321] {strides = array<i32>} : memref<2x96x128xf32, #tpu.memory_space<vmem>>, vector<1x1x16xf32>,
        %swap3A_323 = vector.shape_cast %swap3A_322 : vector<1x1x16xf32> to vector<16xf32>
        %swap3A_324 = vector.shape_cast %max3A_317 : vector<16xf32> to vector<1x1x16xf32>
        tpu.vector_store %arg11[%swap3A_319, %swap3A_320, %swap3A_321], %swap3A_324 {strides = array<i32>} : memref<2x96x128xf32, #tpu.memory_space<vmem>>, vector<1x1x16xf32>,
        %get3A_325 = arith.constant 0 : i32
        %get3A_326 = arith.index_cast %get3A_325 : i32 to index
        %get3A_327 = arith.index_cast %scan3A_212 : i32 to index
        %get3A_328 = arith.constant 80 : index
        %get3A_329 = tpu.vector_load %arg11[%get3A_326, %get3A_327, %get3A_328] {strides = array<i32>} : memref<2x96x128xf32, #tpu.memory_space<vmem>>, vector<1x1x16xf32>,
        %get3A_330 = vector.shape_cast %get3A_329 : vector<1x1x16xf32> to vector<16xf32>
        %get3A_331 = arith.constant 0 : i32
        %get3A_332 = arith.index_cast %get3A_331 : i32 to index
        %get3A_333 = arith.index_cast %scan3A_212 : i32 to index
        %get3A_334 = arith.constant 80 : index
        %get3A_335 = tpu.vector_load %arg12[%get3A_332, %get3A_333, %get3A_334] {strides = array<i32>} : memref<2x96x128xf32, #tpu.memory_space<vmem>>, vector<1x1x16xf32>,
        %get3A_336 = vector.shape_cast %get3A_335 : vector<1x1x16xf32> to vector<16xf32>
        %add3A_337 = arith.addf %get3A_330, %get3A_336 : vector<16xf32>
        %max3A_338 = arith.constant 0.000000e+00 : f32
        %max3A_339 = vector.broadcast %max3A_338 : f32 to vector<16xf32>
        %max3A_340 = arith.maximumf %add3A_337, %max3A_339 : vector<16xf32>
        %swap3A_341 = arith.constant 0 : i32
        %swap3A_342 = arith.index_cast %swap3A_341 : i32 to index
        %swap3A_343 = arith.index_cast %scan3A_212 : i32 to index
        %swap3A_344 = arith.constant 80 : index
        %swap3A_345 = tpu.vector_load %arg11[%swap3A_342, %swap3A_343, %swap3A_344] {strides = array<i32>} : memref<2x96x128xf32, #tpu.memory_space<vmem>>, vector<1x1x16xf32>,
        %swap3A_346 = vector.shape_cast %swap3A_345 : vector<1x1x16xf32> to vector<16xf32>
        %swap3A_347 = vector.shape_cast %max3A_340 : vector<16xf32> to vector<1x1x16xf32>
        tpu.vector_store %arg11[%swap3A_342, %swap3A_343, %swap3A_344], %swap3A_347 {strides = array<i32>} : memref<2x96x128xf32, #tpu.memory_space<vmem>>, vector<1x1x16xf32>,
        %get3A_348 = arith.constant 0 : i32
        %get3A_349 = arith.index_cast %get3A_348 : i32 to index
        %get3A_350 = arith.index_cast %scan3A_212 : i32 to index
        %get3A_351 = arith.constant 96 : index
        %get3A_352 = tpu.vector_load %arg11[%get3A_349, %get3A_350, %get3A_351] {strides = array<i32>} : memref<2x96x128xf32, #tpu.memory_space<vmem>>, vector<1x1x16xf32>,
        %get3A_353 = vector.shape_cast %get3A_352 : vector<1x1x16xf32> to vector<16xf32>
        %get3A_354 = arith.constant 0 : i32
        %get3A_355 = arith.index_cast %get3A_354 : i32 to index
        %get3A_356 = arith.index_cast %scan3A_212 : i32 to index
        %get3A_357 = arith.constant 96 : index
        %get3A_358 = tpu.vector_load %arg12[%get3A_355, %get3A_356, %get3A_357] {strides = array<i32>} : memref<2x96x128xf32, #tpu.memory_space<vmem>>, vector<1x1x16xf32>,
        %get3A_359 = vector.shape_cast %get3A_358 : vector<1x1x16xf32> to vector<16xf32>
        %add3A_360 = arith.addf %get3A_353, %get3A_359 : vector<16xf32>
        %max3A_361 = arith.constant 0.000000e+00 : f32
        %max3A_362 = vector.broadcast %max3A_361 : f32 to vector<16xf32>
        %max3A_363 = arith.maximumf %add3A_360, %max3A_362 : vector<16xf32>
        %swap3A_364 = arith.constant 0 : i32
        %swap3A_365 = arith.index_cast %swap3A_364 : i32 to index
        %swap3A_366 = arith.index_cast %scan3A_212 : i32 to index
        %swap3A_367 = arith.constant 96 : index
        %swap3A_368 = tpu.vector_load %arg11[%swap3A_365, %swap3A_366, %swap3A_367] {strides = array<i32>} : memref<2x96x128xf32, #tpu.memory_space<vmem>>, vector<1x1x16xf32>,
        %swap3A_369 = vector.shape_cast %swap3A_368 : vector<1x1x16xf32> to vector<16xf32>
        %swap3A_370 = vector.shape_cast %max3A_363 : vector<16xf32> to vector<1x1x16xf32>
        tpu.vector_store %arg11[%swap3A_365, %swap3A_366, %swap3A_367], %swap3A_370 {strides = array<i32>} : memref<2x96x128xf32, #tpu.memory_space<vmem>>, vector<1x1x16xf32>,
        %get3A_371 = arith.constant 0 : i32
        %get3A_372 = arith.index_cast %get3A_371 : i32 to index
        %get3A_373 = arith.index_cast %scan3A_212 : i32 to index
        %get3A_374 = arith.constant 112 : index
        %get3A_375 = tpu.vector_load %arg11[%get3A_372, %get3A_373, %get3A_374] {strides = array<i32>} : memref<2x96x128xf32, #tpu.memory_space<vmem>>, vector<1x1x16xf32>,
        %get3A_376 = vector.shape_cast %get3A_375 : vector<1x1x16xf32> to vector<16xf32>
        %get3A_377 = arith.constant 0 : i32
        %get3A_378 = arith.index_cast %get3A_377 : i32 to index
        %get3A_379 = arith.index_cast %scan3A_212 : i32 to index
        %get3A_380 = arith.constant 112 : index
        %get3A_381 = tpu.vector_load %arg12[%get3A_378, %get3A_379, %get3A_380] {strides = array<i32>} : memref<2x96x128xf32, #tpu.memory_space<vmem>>, vector<1x1x16xf32>,
        %get3A_382 = vector.shape_cast %get3A_381 : vector<1x1x16xf32> to vector<16xf32>
        %add3A_383 = arith.addf %get3A_376, %get3A_382 : vector<16xf32>
        %max3A_384 = arith.constant 0.000000e+00 : f32
        %max3A_385 = vector.broadcast %max3A_384 : f32 to vector<16xf32>
        %max3A_386 = arith.maximumf %add3A_383, %max3A_385 : vector<16xf32>
        %swap3A_387 = arith.constant 0 : i32
        %swap3A_388 = arith.index_cast %swap3A_387 : i32 to index
        %swap3A_389 = arith.index_cast %scan3A_212 : i32 to index
        %swap3A_390 = arith.constant 112 : index
        %swap3A_391 = tpu.vector_load %arg11[%swap3A_388, %swap3A_389, %swap3A_390] {strides = array<i32>} : memref<2x96x128xf32, #tpu.memory_space<vmem>>, vector<1x1x16xf32>,
        %swap3A_392 = vector.shape_cast %swap3A_391 : vector<1x1x16xf32> to vector<16xf32>
        %swap3A_393 = vector.shape_cast %max3A_386 : vector<16xf32> to vector<1x1x16xf32>
        tpu.vector_store %arg11[%swap3A_388, %swap3A_389, %swap3A_390], %swap3A_393 {strides = array<i32>} : memref<2x96x128xf32, #tpu.memory_space<vmem>>, vector<1x1x16xf32>,
      }
      %scan3A_152 = arith.constant 96 : i32
      %add3A_153 = arith.addi %mul3A_2, %add3A_108 : i32
      %mul3A_154 = arith.constant 96 : i32
      %mul3A_155 = arith.muli %add3A_153, %mul3A_154 : i32
      %run_scoped3A_156 = arith.constant 0 : i32
      "tpu.region"() ({
        %run_scoped3A_212 = tpu.sem_alloc : memref<!tpu.dma_semaphore, #tpu.memory_space<semaphore_mem>>
        %dma_start3A_213 = arith.constant 0 : i32
        %dma_start3A_214 = tpu.memref_slice %arg10[%run_scoped3A_156, %dma_start3A_213] : memref<2x96xi32, #tpu.memory_space<vmem>> -> memref<1x96xi32, #tpu.memory_space<vmem>>
        %dma_start3A_215 = tpu.memref_squeeze %dma_start3A_214 : memref<1x96xi32, #tpu.memory_space<vmem>> -> memref<96xi32, #tpu.memory_space<vmem>>
        %dma_start3A_216 = tpu.memref_slice %arg5[%mul3A_155] : memref<328704xi32, #tpu.memory_space<hbm>> -> memref<96xi32, #tpu.memory_space<hbm>>
        %dma_start3A_217 = arith.constant 0 : i32
        %dma_start3A_218 = tpu.memref_slice %arg10[%run_scoped3A_156, %dma_start3A_217] : memref<2x96xi32, #tpu.memory_space<vmem>> -> memref<1x96xi32, #tpu.memory_space<vmem>>
        %dma_start3A_219 = tpu.memref_squeeze %dma_start3A_218 : memref<1x96xi32, #tpu.memory_space<vmem>> -> memref<96xi32, #tpu.memory_space<vmem>>
        %dma_start3A_220 = tpu.memref_slice %arg5[%mul3A_155] : memref<328704xi32, #tpu.memory_space<hbm>> -> memref<96xi32, #tpu.memory_space<hbm>>
        tpu.enqueue_dma source(%dma_start3A_220 : memref<96xi32, #tpu.memory_space<hbm>>) target(%dma_start3A_219 : memref<96xi32, #tpu.memory_space<vmem>>) target_semaphore(%run_scoped3A_212 : memref<!tpu.dma_semaphore, #tpu.memory_space<semaphore_mem>>)
        %dma_wait3A_221 = arith.constant 0 : i32
        %dma_wait3A_222 = tpu.memref_slice %arg10[%run_scoped3A_156, %dma_wait3A_221] : memref<2x96xi32, #tpu.memory_space<vmem>> -> memref<1x96xi32, #tpu.memory_space<vmem>>
        %dma_wait3A_223 = tpu.memref_squeeze %dma_wait3A_222 : memref<1x96xi32, #tpu.memory_space<vmem>> -> memref<96xi32, #tpu.memory_space<vmem>>
        %dma_wait3A_224 = tpu.memref_slice %arg5[%mul3A_155] : memref<328704xi32, #tpu.memory_space<hbm>> -> memref<96xi32, #tpu.memory_space<hbm>>
        %dma_wait3A_225 = arith.constant 0 : i32
        %dma_wait3A_226 = tpu.memref_slice %arg10[%run_scoped3A_156, %dma_wait3A_225] : memref<2x96xi32, #tpu.memory_space<vmem>> -> memref<1x96xi32, #tpu.memory_space<vmem>>
        %dma_wait3A_227 = tpu.memref_squeeze %dma_wait3A_226 : memref<1x96xi32, #tpu.memory_space<vmem>> -> memref<96xi32, #tpu.memory_space<vmem>>
        %dma_wait3A_228 = tpu.memref_slice %arg5[%mul3A_155] : memref<328704xi32, #tpu.memory_space<hbm>> -> memref<96xi32, #tpu.memory_space<hbm>>
        tpu.wait_dma2 semaphore(%run_scoped3A_212 : memref<!tpu.dma_semaphore, #tpu.memory_space<semaphore_mem>>) src(%dma_wait3A_228 : memref<96xi32, #tpu.memory_space<hbm>>) dst(%dma_wait3A_227 : memref<96xi32, #tpu.memory_space<vmem>>)
        tpu.yield
      }) : () -> ()
      %run_scoped3A_157 = arith.constant 0 : i32
      %run_scoped3A_158 = arith.constant 0 : i32
      "tpu.region"() ({
        %run_scoped3A_212 = tpu.sem_alloc : memref<!tpu.dma_semaphore, #tpu.memory_space<semaphore_mem>>
        %dma_start3A_213 = arith.constant 0 : i32
        %dma_start3A_214 = arith.constant 0 : i32
        %dma_start3A_215 = tpu.memref_slice %arg11[%run_scoped3A_157, %dma_start3A_213, %dma_start3A_214] : memref<2x96x128xf32, #tpu.memory_space<vmem>> -> memref<1x96x128xf32, #tpu.memory_space<vmem>>
        %dma_start3A_216 = tpu.memref_squeeze %dma_start3A_215 : memref<1x96x128xf32, #tpu.memory_space<vmem>> -> memref<96x128xf32, #tpu.memory_space<vmem>>
        %dma_start3A_217 = arith.constant 0 : i32
        %dma_start3A_218 = tpu.memref_slice %arg10[%run_scoped3A_158, %dma_start3A_217] : memref<2x96xi32, #tpu.memory_space<vmem>> -> memref<1x96xi32, #tpu.memory_space<vmem>>
        %dma_start3A_219 = tpu.memref_squeeze %dma_start3A_218 : memref<1x96xi32, #tpu.memory_space<vmem>> -> memref<96xi32, #tpu.memory_space<vmem>>
        %dma_start3A_220 = arith.constant 0 : i32
        %dma_start3A_221 = arith.constant 0 : i32
        %dma_start3A_222 = tpu.memref_slice %arg8[%dma_start3A_220, %dma_start3A_221] : memref<10000x128xf32, #tpu.memory_space<vmem_shared>> -> memref<10000x128xf32, #tpu.memory_space<vmem_shared>>
        tpu.enqueue_indirect_dma source(%dma_start3A_216 : memref<96x128xf32, #tpu.memory_space<vmem>>) target(%dma_start3A_222 : memref<10000x128xf32, #tpu.memory_space<vmem_shared>>) offsets(%dma_start3A_219 : memref<96xi32, #tpu.memory_space<vmem>>) semaphore(%run_scoped3A_212 : memref<!tpu.dma_semaphore, #tpu.memory_space<semaphore_mem>>) {add = true}
        %dma_wait3A_223 = arith.constant 0 : i32
        %dma_wait3A_224 = arith.constant 0 : i32
        %dma_wait3A_225 = tpu.memref_slice %arg11[%run_scoped3A_157, %dma_wait3A_223, %dma_wait3A_224] : memref<2x96x128xf32, #tpu.memory_space<vmem>> -> memref<1x96x128xf32, #tpu.memory_space<vmem>>
        %dma_wait3A_226 = tpu.memref_squeeze %dma_wait3A_225 : memref<1x96x128xf32, #tpu.memory_space<vmem>> -> memref<96x128xf32, #tpu.memory_space<vmem>>
        %dma_wait3A_227 = arith.constant 0 : i32
        %dma_wait3A_228 = tpu.memref_slice %arg10[%run_scoped3A_158, %dma_wait3A_227] : memref<2x96xi32, #tpu.memory_space<vmem>> -> memref<1x96xi32, #tpu.memory_space<vmem>>
        %dma_wait3A_229 = tpu.memref_squeeze %dma_wait3A_228 : memref<1x96xi32, #tpu.memory_space<vmem>> -> memref<96xi32, #tpu.memory_space<vmem>>
        %dma_wait3A_230 = arith.constant 0 : i32
        %dma_wait3A_231 = arith.constant 0 : i32
        %dma_wait3A_232 = tpu.memref_slice %arg8[%dma_wait3A_230, %dma_wait3A_231] : memref<10000x128xf32, #tpu.memory_space<vmem_shared>> -> memref<10000x128xf32, #tpu.memory_space<vmem_shared>>
        tpu.wait_indirect_dma semaphore(%run_scoped3A_212 : memref<!tpu.dma_semaphore, #tpu.memory_space<semaphore_mem>>) src(%dma_wait3A_226 : memref<96x128xf32, #tpu.memory_space<vmem>>) dst(%dma_wait3A_232 : memref<10000x128xf32, #tpu.memory_space<vmem_shared>>)
        tpu.yield
      }) : () -> ()
      %add3A_159 = arith.constant 1 : i32
      %add3A_160 = arith.addi %add3A_106, %add3A_159 : i32
      %lt3A_161 = arith.constant 106 : i32
      %lt3A_162 = arith.cmpi slt, %add3A_160, %lt3A_161 : i32
      %convert_element_type3A_163 = arith.extui %lt3A_162 : i1 to i32
      %cond3A_164 = arith.constant 0 : i32
      %cond3A_165 = arith.cmpi ne, %convert_element_type3A_163, %cond3A_164 : i32
      scf.if %cond3A_165 {
        %add3A_212 = arith.constant 1 : i32
        %add3A_213 = arith.addi %add3A_160, %add3A_212 : i32
        %add3A_214 = arith.addi %mul3A_2, %add3A_213 : i32
        %mul3A_215 = arith.constant 96 : i32
        %mul3A_216 = arith.muli %add3A_214, %mul3A_215 : i32
        %run_scoped3A_217 = arith.constant 0 : i32
        "tpu.region"() ({
          %run_scoped3A_252 = tpu.sem_alloc : memref<!tpu.dma_semaphore, #tpu.memory_space<semaphore_mem>>
          %dma_start3A_253 = arith.constant 0 : i32
          %dma_start3A_254 = tpu.memref_slice %arg9[%run_scoped3A_217, %dma_start3A_253] : memref<2x96xi32, #tpu.memory_space<vmem>> -> memref<1x96xi32, #tpu.memory_space<vmem>>
          %dma_start3A_255 = tpu.memref_squeeze %dma_start3A_254 : memref<1x96xi32, #tpu.memory_space<vmem>> -> memref<96xi32, #tpu.memory_space<vmem>>
          %dma_start3A_256 = tpu.memref_slice %arg4[%mul3A_216] : memref<328704xi32, #tpu.memory_space<hbm>> -> memref<96xi32, #tpu.memory_space<hbm>>
          %dma_start3A_257 = arith.constant 0 : i32
          %dma_start3A_258 = tpu.memref_slice %arg9[%run_scoped3A_217, %dma_start3A_257] : memref<2x96xi32, #tpu.memory_space<vmem>> -> memref<1x96xi32, #tpu.memory_space<vmem>>
          %dma_start3A_259 = tpu.memref_squeeze %dma_start3A_258 : memref<1x96xi32, #tpu.memory_space<vmem>> -> memref<96xi32, #tpu.memory_space<vmem>>
          %dma_start3A_260 = tpu.memref_slice %arg4[%mul3A_216] : memref<328704xi32, #tpu.memory_space<hbm>> -> memref<96xi32, #tpu.memory_space<hbm>>
          tpu.enqueue_dma source(%dma_start3A_260 : memref<96xi32, #tpu.memory_space<hbm>>) target(%dma_start3A_259 : memref<96xi32, #tpu.memory_space<vmem>>) target_semaphore(%run_scoped3A_252 : memref<!tpu.dma_semaphore, #tpu.memory_space<semaphore_mem>>)
          %dma_wait3A_261 = arith.constant 0 : i32
          %dma_wait3A_262 = tpu.memref_slice %arg9[%run_scoped3A_217, %dma_wait3A_261] : memref<2x96xi32, #tpu.memory_space<vmem>> -> memref<1x96xi32, #tpu.memory_space<vmem>>
          %dma_wait3A_263 = tpu.memref_squeeze %dma_wait3A_262 : memref<1x96xi32, #tpu.memory_space<vmem>> -> memref<96xi32, #tpu.memory_space<vmem>>
          %dma_wait3A_264 = tpu.memref_slice %arg4[%mul3A_216] : memref<328704xi32, #tpu.memory_space<hbm>> -> memref<96xi32, #tpu.memory_space<hbm>>
          %dma_wait3A_265 = arith.constant 0 : i32
          %dma_wait3A_266 = tpu.memref_slice %arg9[%run_scoped3A_217, %dma_wait3A_265] : memref<2x96xi32, #tpu.memory_space<vmem>> -> memref<1x96xi32, #tpu.memory_space<vmem>>
          %dma_wait3A_267 = tpu.memref_squeeze %dma_wait3A_266 : memref<1x96xi32, #tpu.memory_space<vmem>> -> memref<96xi32, #tpu.memory_space<vmem>>
          %dma_wait3A_268 = tpu.memref_slice %arg4[%mul3A_216] : memref<328704xi32, #tpu.memory_space<hbm>> -> memref<96xi32, #tpu.memory_space<hbm>>
          tpu.wait_dma2 semaphore(%run_scoped3A_252 : memref<!tpu.dma_semaphore, #tpu.memory_space<semaphore_mem>>) src(%dma_wait3A_268 : memref<96xi32, #tpu.memory_space<hbm>>) dst(%dma_wait3A_267 : memref<96xi32, #tpu.memory_space<vmem>>)
          tpu.yield
        }) : () -> ()
        %dma_start3A_218 = arith.constant 0 : i32
        %dma_start3A_219 = arith.constant 0 : i32
        %dma_start3A_220 = arith.constant 0 : i32
        %dma_start3A_221 = arith.constant 0 : i32
        %dma_start3A_222 = arith.constant 0 : i32
        %dma_start3A_223 = tpu.memref_slice %arg11[%dma_start3A_219, %dma_start3A_221, %dma_start3A_222] : memref<2x96x128xf32, #tpu.memory_space<vmem>> -> memref<1x96x128xf32, #tpu.memory_space<vmem>>
        %dma_start3A_224 = tpu.memref_squeeze %dma_start3A_223 : memref<1x96x128xf32, #tpu.memory_space<vmem>> -> memref<96x128xf32, #tpu.memory_space<vmem>>
        %dma_start3A_225 = arith.constant 0 : i32
        %dma_start3A_226 = tpu.memref_slice %arg9[%dma_start3A_218, %dma_start3A_225] : memref<2x96xi32, #tpu.memory_space<vmem>> -> memref<1x96xi32, #tpu.memory_space<vmem>>
        %dma_start3A_227 = tpu.memref_squeeze %dma_start3A_226 : memref<1x96xi32, #tpu.memory_space<vmem>> -> memref<96xi32, #tpu.memory_space<vmem>>
        %dma_start3A_228 = arith.constant 0 : i32
        %dma_start3A_229 = arith.constant 0 : i32
        %dma_start3A_230 = tpu.memref_slice %arg2[%dma_start3A_228, %dma_start3A_229] : memref<10000x128xf32, #tpu.memory_space<hbm>> -> memref<10000x128xf32, #tpu.memory_space<hbm>>
        %dma_start3A_231 = tpu.memref_slice %arg13[%dma_start3A_220] : memref<2x!tpu.dma_semaphore, #tpu.memory_space<semaphore_mem>> -> memref<1x!tpu.dma_semaphore, #tpu.memory_space<semaphore_mem>>
        %dma_start3A_232 = tpu.memref_squeeze %dma_start3A_231 : memref<1x!tpu.dma_semaphore, #tpu.memory_space<semaphore_mem>> -> memref<!tpu.dma_semaphore, #tpu.memory_space<semaphore_mem>>
        tpu.enqueue_indirect_dma source(%dma_start3A_230 : memref<10000x128xf32, #tpu.memory_space<hbm>>) target(%dma_start3A_224 : memref<96x128xf32, #tpu.memory_space<vmem>>) offsets(%dma_start3A_227 : memref<96xi32, #tpu.memory_space<vmem>>) semaphore(%dma_start3A_232 : memref<!tpu.dma_semaphore, #tpu.memory_space<semaphore_mem>>)
        %add3A_233 = arith.addi %mul3A_2, %add3A_213 : i32
        %mul3A_234 = arith.constant 96 : i32
        %mul3A_235 = arith.muli %add3A_233, %mul3A_234 : i32
        %dma_start3A_236 = arith.constant 0 : i32
        %dma_start3A_237 = arith.constant 0 : i32
        %dma_start3A_238 = arith.constant 0 : i32
        %dma_start3A_239 = arith.constant 0 : i32
        %dma_start3A_240 = tpu.memref_slice %arg12[%dma_start3A_236, %dma_start3A_238, %dma_start3A_239] : memref<2x96x128xf32, #tpu.memory_space<vmem>> -> memref<1x96x128xf32, #tpu.memory_space<vmem>>
        %dma_start3A_241 = tpu.memref_squeeze %dma_start3A_240 : memref<1x96x128xf32, #tpu.memory_space<vmem>> -> memref<96x128xf32, #tpu.memory_space<vmem>>
        %dma_start3A_242 = arith.constant 0 : i32
        %dma_start3A_243 = tpu.memref_slice %arg3[%mul3A_235, %dma_start3A_242] : memref<328704x128xf32, #tpu.memory_space<hbm>> -> memref<96x128xf32, #tpu.memory_space<hbm>>
        %dma_start3A_244 = tpu.memref_slice %arg14[%dma_start3A_237] : memref<2x!tpu.dma_semaphore, #tpu.memory_space<semaphore_mem>> -> memref<1x!tpu.dma_semaphore, #tpu.memory_space<semaphore_mem>>
        %dma_start3A_245 = tpu.memref_squeeze %dma_start3A_244 : memref<1x!tpu.dma_semaphore, #tpu.memory_space<semaphore_mem>> -> memref<!tpu.dma_semaphore, #tpu.memory_space<semaphore_mem>>
        %dma_start3A_246 = arith.constant 0 : i32
        %dma_start3A_247 = arith.constant 0 : i32
        %dma_start3A_248 = tpu.memref_slice %arg12[%dma_start3A_236, %dma_start3A_246, %dma_start3A_247] : memref<2x96x128xf32, #tpu.memory_space<vmem>> -> memref<1x96x128xf32, #tpu.memory_space<vmem>>
        %dma_start3A_249 = tpu.memref_squeeze %dma_start3A_248 : memref<1x96x128xf32, #tpu.memory_space<vmem>> -> memref<96x128xf32, #tpu.memory_space<vmem>>
        %dma_start3A_250 = arith.constant 0 : i32
        %dma_start3A_251 = tpu.memref_slice %arg3[%mul3A_235, %dma_start3A_250] : memref<328704x128xf32, #tpu.memory_space<hbm>> -> memref<96x128xf32, #tpu.memory_space<hbm>>
        tpu.enqueue_dma source(%dma_start3A_251 : memref<96x128xf32, #tpu.memory_space<hbm>>) target(%dma_start3A_249 : memref<96x128xf32, #tpu.memory_space<vmem>>) target_semaphore(%dma_start3A_245 : memref<!tpu.dma_semaphore, #tpu.memory_space<semaphore_mem>>)
      } else {
      }
      %dma_wait3A_166 = arith.constant 1 : i32
      %dma_wait3A_167 = arith.constant 1 : i32
      %dma_wait3A_168 = arith.constant 1 : i32
      %dma_wait3A_169 = arith.constant 0 : i32
      %dma_wait3A_170 = arith.constant 0 : i32
      %dma_wait3A_171 = tpu.memref_slice %arg11[%dma_wait3A_167, %dma_wait3A_169, %dma_wait3A_170] : memref<2x96x128xf32, #tpu.memory_space<vmem>> -> memref<1x96x128xf32, #tpu.memory_space<vmem>>
      %dma_wait3A_172 = tpu.memref_squeeze %dma_wait3A_171 : memref<1x96x128xf32, #tpu.memory_space<vmem>> -> memref<96x128xf32, #tpu.memory_space<vmem>>
      %dma_wait3A_173 = arith.constant 0 : i32
      %dma_wait3A_174 = tpu.memref_slice %arg9[%dma_wait3A_166, %dma_wait3A_173] : memref<2x96xi32, #tpu.memory_space<vmem>> -> memref<1x96xi32, #tpu.memory_space<vmem>>
      %dma_wait3A_175 = tpu.memref_squeeze %dma_wait3A_174 : memref<1x96xi32, #tpu.memory_space<vmem>> -> memref<96xi32, #tpu.memory_space<vmem>>
      %dma_wait3A_176 = arith.constant 0 : i32
      %dma_wait3A_177 = arith.constant 0 : i32
      %dma_wait3A_178 = tpu.memref_slice %arg2[%dma_wait3A_176, %dma_wait3A_177] : memref<10000x128xf32, #tpu.memory_space<hbm>> -> memref<10000x128xf32, #tpu.memory_space<hbm>>
      %dma_wait3A_179 = tpu.memref_slice %arg13[%dma_wait3A_168] : memref<2x!tpu.dma_semaphore, #tpu.memory_space<semaphore_mem>> -> memref<1x!tpu.dma_semaphore, #tpu.memory_space<semaphore_mem>>
      %dma_wait3A_180 = tpu.memref_squeeze %dma_wait3A_179 : memref<1x!tpu.dma_semaphore, #tpu.memory_space<semaphore_mem>> -> memref<!tpu.dma_semaphore, #tpu.memory_space<semaphore_mem>>
      tpu.wait_indirect_dma semaphore(%dma_wait3A_180 : memref<!tpu.dma_semaphore, #tpu.memory_space<semaphore_mem>>) src(%dma_wait3A_178 : memref<10000x128xf32, #tpu.memory_space<hbm>>) dst(%dma_wait3A_172 : memref<96x128xf32, #tpu.memory_space<vmem>>)
      %add3A_181 = arith.addi %mul3A_2, %add3A_160 : i32
      %mul3A_182 = arith.constant 96 : i32
      %mul3A_183 = arith.muli %add3A_181, %mul3A_182 : i32
      %dma_wait3A_184 = arith.constant 1 : i32
      %dma_wait3A_185 = arith.constant 1 : i32
      %dma_wait3A_186 = arith.constant 0 : i32
      %dma_wait3A_187 = arith.constant 0 : i32
      %dma_wait3A_188 = tpu.memref_slice %arg12[%dma_wait3A_184, %dma_wait3A_186, %dma_wait3A_187] : memref<2x96x128xf32, #tpu.memory_space<vmem>> -> memref<1x96x128xf32, #tpu.memory_space<vmem>>
      %dma_wait3A_189 = tpu.memref_squeeze %dma_wait3A_188 : memref<1x96x128xf32, #tpu.memory_space<vmem>> -> memref<96x128xf32, #tpu.memory_space<vmem>>
      %dma_wait3A_190 = arith.constant 0 : i32
      %dma_wait3A_191 = tpu.memref_slice %arg3[%mul3A_183, %dma_wait3A_190] : memref<328704x128xf32, #tpu.memory_space<hbm>> -> memref<96x128xf32, #tpu.memory_space<hbm>>
      %dma_wait3A_192 = tpu.memref_slice %arg14[%dma_wait3A_185] : memref<2x!tpu.dma_semaphore, #tpu.memory_space<semaphore_mem>> -> memref<1x!tpu.dma_semaphore, #tpu.memory_space<semaphore_mem>>
      %dma_wait3A_193 = tpu.memref_squeeze %dma_wait3A_192 : memref<1x!tpu.dma_semaphore, #tpu.memory_space<semaphore_mem>> -> memref<!tpu.dma_semaphore, #tpu.memory_space<semaphore_mem>>
      %dma_wait3A_194 = arith.constant 0 : i32
      %dma_wait3A_195 = arith.constant 0 : i32
      %dma_wait3A_196 = tpu.memref_slice %arg12[%dma_wait3A_184, %dma_wait3A_194, %dma_wait3A_195] : memref<2x96x128xf32, #tpu.memory_space<vmem>> -> memref<1x96x128xf32, #tpu.memory_space<vmem>>
      %dma_wait3A_197 = tpu.memref_squeeze %dma_wait3A_196 : memref<1x96x128xf32, #tpu.memory_space<vmem>> -> memref<96x128xf32, #tpu.memory_space<vmem>>
      %dma_wait3A_198 = arith.constant 0 : i32
      %dma_wait3A_199 = tpu.memref_slice %arg3[%mul3A_183, %dma_wait3A_198] : memref<328704x128xf32, #tpu.memory_space<hbm>> -> memref<96x128xf32, #tpu.memory_space<hbm>>
      tpu.wait_dma2 semaphore(%dma_wait3A_193 : memref<!tpu.dma_semaphore, #tpu.memory_space<semaphore_mem>>) src(%dma_wait3A_199 : memref<96x128xf32, #tpu.memory_space<hbm>>) dst(%dma_wait3A_197 : memref<96x128xf32, #tpu.memory_space<vmem>>)
      %scan3A_200 = arith.constant 0 : i32
      %scan3A_201 = arith.constant 0 : i32
      %scan3A_202 = arith.constant 96 : i32
      %scan3A_203 = arith.addi %scan3A_201, %scan3A_202 : i32
      %scan3A_204 = arith.constant 1 : i32
      scf.for %scan3A_212 = %scan3A_201 to %scan3A_203 step %scan3A_204  : i32 {
        %get3A = arith.constant 1 : i32
        %get3A_213 = arith.index_cast %get3A : i32 to index
        %get3A_214 = arith.index_cast %scan3A_212 : i32 to index
        %get3A_215 = arith.constant 0 : index
        %get3A_216 = tpu.vector_load %arg11[%get3A_213, %get3A_214, %get3A_215] {strides = array<i32>} : memref<2x96x128xf32, #tpu.memory_space<vmem>>, vector<1x1x16xf32>,
        %get3A_217 = vector.shape_cast %get3A_216 : vector<1x1x16xf32> to vector<16xf32>
        %get3A_218 = arith.constant 1 : i32
        %get3A_219 = arith.index_cast %get3A_218 : i32 to index
        %get3A_220 = arith.index_cast %scan3A_212 : i32 to index
        %get3A_221 = arith.constant 0 : index
        %get3A_222 = tpu.vector_load %arg12[%get3A_219, %get3A_220, %get3A_221] {strides = array<i32>} : memref<2x96x128xf32, #tpu.memory_space<vmem>>, vector<1x1x16xf32>,
        %get3A_223 = vector.shape_cast %get3A_222 : vector<1x1x16xf32> to vector<16xf32>
        %add3A_224 = arith.addf %get3A_217, %get3A_223 : vector<16xf32>
        %max3A = arith.constant 0.000000e+00 : f32
        %max3A_225 = vector.broadcast %max3A : f32 to vector<16xf32>
        %max3A_226 = arith.maximumf %add3A_224, %max3A_225 : vector<16xf32>
        %swap3A = arith.constant 1 : i32
        %swap3A_227 = arith.index_cast %swap3A : i32 to index
        %swap3A_228 = arith.index_cast %scan3A_212 : i32 to index
        %swap3A_229 = arith.constant 0 : index
        %swap3A_230 = tpu.vector_load %arg11[%swap3A_227, %swap3A_228, %swap3A_229] {strides = array<i32>} : memref<2x96x128xf32, #tpu.memory_space<vmem>>, vector<1x1x16xf32>,
        %swap3A_231 = vector.shape_cast %swap3A_230 : vector<1x1x16xf32> to vector<16xf32>
        %swap3A_232 = vector.shape_cast %max3A_226 : vector<16xf32> to vector<1x1x16xf32>
        tpu.vector_store %arg11[%swap3A_227, %swap3A_228, %swap3A_229], %swap3A_232 {strides = array<i32>} : memref<2x96x128xf32, #tpu.memory_space<vmem>>, vector<1x1x16xf32>,
        %get3A_233 = arith.constant 1 : i32
        %get3A_234 = arith.index_cast %get3A_233 : i32 to index
        %get3A_235 = arith.index_cast %scan3A_212 : i32 to index
        %get3A_236 = arith.constant 16 : index
        %get3A_237 = tpu.vector_load %arg11[%get3A_234, %get3A_235, %get3A_236] {strides = array<i32>} : memref<2x96x128xf32, #tpu.memory_space<vmem>>, vector<1x1x16xf32>,
        %get3A_238 = vector.shape_cast %get3A_237 : vector<1x1x16xf32> to vector<16xf32>
        %get3A_239 = arith.constant 1 : i32
        %get3A_240 = arith.index_cast %get3A_239 : i32 to index
        %get3A_241 = arith.index_cast %scan3A_212 : i32 to index
        %get3A_242 = arith.constant 16 : index
        %get3A_243 = tpu.vector_load %arg12[%get3A_240, %get3A_241, %get3A_242] {strides = array<i32>} : memref<2x96x128xf32, #tpu.memory_space<vmem>>, vector<1x1x16xf32>,
        %get3A_244 = vector.shape_cast %get3A_243 : vector<1x1x16xf32> to vector<16xf32>
        %add3A_245 = arith.addf %get3A_238, %get3A_244 : vector<16xf32>
        %max3A_246 = arith.constant 0.000000e+00 : f32
        %max3A_247 = vector.broadcast %max3A_246 : f32 to vector<16xf32>
        %max3A_248 = arith.maximumf %add3A_245, %max3A_247 : vector<16xf32>
        %swap3A_249 = arith.constant 1 : i32
        %swap3A_250 = arith.index_cast %swap3A_249 : i32 to index
        %swap3A_251 = arith.index_cast %scan3A_212 : i32 to index
        %swap3A_252 = arith.constant 16 : index
        %swap3A_253 = tpu.vector_load %arg11[%swap3A_250, %swap3A_251, %swap3A_252] {strides = array<i32>} : memref<2x96x128xf32, #tpu.memory_space<vmem>>, vector<1x1x16xf32>,
        %swap3A_254 = vector.shape_cast %swap3A_253 : vector<1x1x16xf32> to vector<16xf32>
        %swap3A_255 = vector.shape_cast %max3A_248 : vector<16xf32> to vector<1x1x16xf32>
        tpu.vector_store %arg11[%swap3A_250, %swap3A_251, %swap3A_252], %swap3A_255 {strides = array<i32>} : memref<2x96x128xf32, #tpu.memory_space<vmem>>, vector<1x1x16xf32>,
        %get3A_256 = arith.constant 1 : i32
        %get3A_257 = arith.index_cast %get3A_256 : i32 to index
        %get3A_258 = arith.index_cast %scan3A_212 : i32 to index
        %get3A_259 = arith.constant 32 : index
        %get3A_260 = tpu.vector_load %arg11[%get3A_257, %get3A_258, %get3A_259] {strides = array<i32>} : memref<2x96x128xf32, #tpu.memory_space<vmem>>, vector<1x1x16xf32>,
        %get3A_261 = vector.shape_cast %get3A_260 : vector<1x1x16xf32> to vector<16xf32>
        %get3A_262 = arith.constant 1 : i32
        %get3A_263 = arith.index_cast %get3A_262 : i32 to index
        %get3A_264 = arith.index_cast %scan3A_212 : i32 to index
        %get3A_265 = arith.constant 32 : index
        %get3A_266 = tpu.vector_load %arg12[%get3A_263, %get3A_264, %get3A_265] {strides = array<i32>} : memref<2x96x128xf32, #tpu.memory_space<vmem>>, vector<1x1x16xf32>,
        %get3A_267 = vector.shape_cast %get3A_266 : vector<1x1x16xf32> to vector<16xf32>
        %add3A_268 = arith.addf %get3A_261, %get3A_267 : vector<16xf32>
        %max3A_269 = arith.constant 0.000000e+00 : f32
        %max3A_270 = vector.broadcast %max3A_269 : f32 to vector<16xf32>
        %max3A_271 = arith.maximumf %add3A_268, %max3A_270 : vector<16xf32>
        %swap3A_272 = arith.constant 1 : i32
        %swap3A_273 = arith.index_cast %swap3A_272 : i32 to index
        %swap3A_274 = arith.index_cast %scan3A_212 : i32 to index
        %swap3A_275 = arith.constant 32 : index
        %swap3A_276 = tpu.vector_load %arg11[%swap3A_273, %swap3A_274, %swap3A_275] {strides = array<i32>} : memref<2x96x128xf32, #tpu.memory_space<vmem>>, vector<1x1x16xf32>,
        %swap3A_277 = vector.shape_cast %swap3A_276 : vector<1x1x16xf32> to vector<16xf32>
        %swap3A_278 = vector.shape_cast %max3A_271 : vector<16xf32> to vector<1x1x16xf32>
        tpu.vector_store %arg11[%swap3A_273, %swap3A_274, %swap3A_275], %swap3A_278 {strides = array<i32>} : memref<2x96x128xf32, #tpu.memory_space<vmem>>, vector<1x1x16xf32>,
        %get3A_279 = arith.constant 1 : i32
        %get3A_280 = arith.index_cast %get3A_279 : i32 to index
        %get3A_281 = arith.index_cast %scan3A_212 : i32 to index
        %get3A_282 = arith.constant 48 : index
        %get3A_283 = tpu.vector_load %arg11[%get3A_280, %get3A_281, %get3A_282] {strides = array<i32>} : memref<2x96x128xf32, #tpu.memory_space<vmem>>, vector<1x1x16xf32>,
        %get3A_284 = vector.shape_cast %get3A_283 : vector<1x1x16xf32> to vector<16xf32>
        %get3A_285 = arith.constant 1 : i32
        %get3A_286 = arith.index_cast %get3A_285 : i32 to index
        %get3A_287 = arith.index_cast %scan3A_212 : i32 to index
        %get3A_288 = arith.constant 48 : index
        %get3A_289 = tpu.vector_load %arg12[%get3A_286, %get3A_287, %get3A_288] {strides = array<i32>} : memref<2x96x128xf32, #tpu.memory_space<vmem>>, vector<1x1x16xf32>,
        %get3A_290 = vector.shape_cast %get3A_289 : vector<1x1x16xf32> to vector<16xf32>
        %add3A_291 = arith.addf %get3A_284, %get3A_290 : vector<16xf32>
        %max3A_292 = arith.constant 0.000000e+00 : f32
        %max3A_293 = vector.broadcast %max3A_292 : f32 to vector<16xf32>
        %max3A_294 = arith.maximumf %add3A_291, %max3A_293 : vector<16xf32>
        %swap3A_295 = arith.constant 1 : i32
        %swap3A_296 = arith.index_cast %swap3A_295 : i32 to index
        %swap3A_297 = arith.index_cast %scan3A_212 : i32 to index
        %swap3A_298 = arith.constant 48 : index
        %swap3A_299 = tpu.vector_load %arg11[%swap3A_296, %swap3A_297, %swap3A_298] {strides = array<i32>} : memref<2x96x128xf32, #tpu.memory_space<vmem>>, vector<1x1x16xf32>,
        %swap3A_300 = vector.shape_cast %swap3A_299 : vector<1x1x16xf32> to vector<16xf32>
        %swap3A_301 = vector.shape_cast %max3A_294 : vector<16xf32> to vector<1x1x16xf32>
        tpu.vector_store %arg11[%swap3A_296, %swap3A_297, %swap3A_298], %swap3A_301 {strides = array<i32>} : memref<2x96x128xf32, #tpu.memory_space<vmem>>, vector<1x1x16xf32>,
        %get3A_302 = arith.constant 1 : i32
        %get3A_303 = arith.index_cast %get3A_302 : i32 to index
        %get3A_304 = arith.index_cast %scan3A_212 : i32 to index
        %get3A_305 = arith.constant 64 : index
        %get3A_306 = tpu.vector_load %arg11[%get3A_303, %get3A_304, %get3A_305] {strides = array<i32>} : memref<2x96x128xf32, #tpu.memory_space<vmem>>, vector<1x1x16xf32>,
        %get3A_307 = vector.shape_cast %get3A_306 : vector<1x1x16xf32> to vector<16xf32>
        %get3A_308 = arith.constant 1 : i32
        %get3A_309 = arith.index_cast %get3A_308 : i32 to index
        %get3A_310 = arith.index_cast %scan3A_212 : i32 to index
        %get3A_311 = arith.constant 64 : index
        %get3A_312 = tpu.vector_load %arg12[%get3A_309, %get3A_310, %get3A_311] {strides = array<i32>} : memref<2x96x128xf32, #tpu.memory_space<vmem>>, vector<1x1x16xf32>,
        %get3A_313 = vector.shape_cast %get3A_312 : vector<1x1x16xf32> to vector<16xf32>
        %add3A_314 = arith.addf %get3A_307, %get3A_313 : vector<16xf32>
        %max3A_315 = arith.constant 0.000000e+00 : f32
        %max3A_316 = vector.broadcast %max3A_315 : f32 to vector<16xf32>
        %max3A_317 = arith.maximumf %add3A_314, %max3A_316 : vector<16xf32>
        %swap3A_318 = arith.constant 1 : i32
        %swap3A_319 = arith.index_cast %swap3A_318 : i32 to index
        %swap3A_320 = arith.index_cast %scan3A_212 : i32 to index
        %swap3A_321 = arith.constant 64 : index
        %swap3A_322 = tpu.vector_load %arg11[%swap3A_319, %swap3A_320, %swap3A_321] {strides = array<i32>} : memref<2x96x128xf32, #tpu.memory_space<vmem>>, vector<1x1x16xf32>,
        %swap3A_323 = vector.shape_cast %swap3A_322 : vector<1x1x16xf32> to vector<16xf32>
        %swap3A_324 = vector.shape_cast %max3A_317 : vector<16xf32> to vector<1x1x16xf32>
        tpu.vector_store %arg11[%swap3A_319, %swap3A_320, %swap3A_321], %swap3A_324 {strides = array<i32>} : memref<2x96x128xf32, #tpu.memory_space<vmem>>, vector<1x1x16xf32>,
        %get3A_325 = arith.constant 1 : i32
        %get3A_326 = arith.index_cast %get3A_325 : i32 to index
        %get3A_327 = arith.index_cast %scan3A_212 : i32 to index
        %get3A_328 = arith.constant 80 : index
        %get3A_329 = tpu.vector_load %arg11[%get3A_326, %get3A_327, %get3A_328] {strides = array<i32>} : memref<2x96x128xf32, #tpu.memory_space<vmem>>, vector<1x1x16xf32>,
        %get3A_330 = vector.shape_cast %get3A_329 : vector<1x1x16xf32> to vector<16xf32>
        %get3A_331 = arith.constant 1 : i32
        %get3A_332 = arith.index_cast %get3A_331 : i32 to index
        %get3A_333 = arith.index_cast %scan3A_212 : i32 to index
        %get3A_334 = arith.constant 80 : index
        %get3A_335 = tpu.vector_load %arg12[%get3A_332, %get3A_333, %get3A_334] {strides = array<i32>} : memref<2x96x128xf32, #tpu.memory_space<vmem>>, vector<1x1x16xf32>,
        %get3A_336 = vector.shape_cast %get3A_335 : vector<1x1x16xf32> to vector<16xf32>
        %add3A_337 = arith.addf %get3A_330, %get3A_336 : vector<16xf32>
        %max3A_338 = arith.constant 0.000000e+00 : f32
        %max3A_339 = vector.broadcast %max3A_338 : f32 to vector<16xf32>
        %max3A_340 = arith.maximumf %add3A_337, %max3A_339 : vector<16xf32>
        %swap3A_341 = arith.constant 1 : i32
        %swap3A_342 = arith.index_cast %swap3A_341 : i32 to index
        %swap3A_343 = arith.index_cast %scan3A_212 : i32 to index
        %swap3A_344 = arith.constant 80 : index
        %swap3A_345 = tpu.vector_load %arg11[%swap3A_342, %swap3A_343, %swap3A_344] {strides = array<i32>} : memref<2x96x128xf32, #tpu.memory_space<vmem>>, vector<1x1x16xf32>,
        %swap3A_346 = vector.shape_cast %swap3A_345 : vector<1x1x16xf32> to vector<16xf32>
        %swap3A_347 = vector.shape_cast %max3A_340 : vector<16xf32> to vector<1x1x16xf32>
        tpu.vector_store %arg11[%swap3A_342, %swap3A_343, %swap3A_344], %swap3A_347 {strides = array<i32>} : memref<2x96x128xf32, #tpu.memory_space<vmem>>, vector<1x1x16xf32>,
        %get3A_348 = arith.constant 1 : i32
        %get3A_349 = arith.index_cast %get3A_348 : i32 to index
        %get3A_350 = arith.index_cast %scan3A_212 : i32 to index
        %get3A_351 = arith.constant 96 : index
        %get3A_352 = tpu.vector_load %arg11[%get3A_349, %get3A_350, %get3A_351] {strides = array<i32>} : memref<2x96x128xf32, #tpu.memory_space<vmem>>, vector<1x1x16xf32>,
        %get3A_353 = vector.shape_cast %get3A_352 : vector<1x1x16xf32> to vector<16xf32>
        %get3A_354 = arith.constant 1 : i32
        %get3A_355 = arith.index_cast %get3A_354 : i32 to index
        %get3A_356 = arith.index_cast %scan3A_212 : i32 to index
        %get3A_357 = arith.constant 96 : index
        %get3A_358 = tpu.vector_load %arg12[%get3A_355, %get3A_356, %get3A_357] {strides = array<i32>} : memref<2x96x128xf32, #tpu.memory_space<vmem>>, vector<1x1x16xf32>,
        %get3A_359 = vector.shape_cast %get3A_358 : vector<1x1x16xf32> to vector<16xf32>
        %add3A_360 = arith.addf %get3A_353, %get3A_359 : vector<16xf32>
        %max3A_361 = arith.constant 0.000000e+00 : f32
        %max3A_362 = vector.broadcast %max3A_361 : f32 to vector<16xf32>
        %max3A_363 = arith.maximumf %add3A_360, %max3A_362 : vector<16xf32>
        %swap3A_364 = arith.constant 1 : i32
        %swap3A_365 = arith.index_cast %swap3A_364 : i32 to index
        %swap3A_366 = arith.index_cast %scan3A_212 : i32 to index
        %swap3A_367 = arith.constant 96 : index
        %swap3A_368 = tpu.vector_load %arg11[%swap3A_365, %swap3A_366, %swap3A_367] {strides = array<i32>} : memref<2x96x128xf32, #tpu.memory_space<vmem>>, vector<1x1x16xf32>,
        %swap3A_369 = vector.shape_cast %swap3A_368 : vector<1x1x16xf32> to vector<16xf32>
        %swap3A_370 = vector.shape_cast %max3A_363 : vector<16xf32> to vector<1x1x16xf32>
        tpu.vector_store %arg11[%swap3A_365, %swap3A_366, %swap3A_367], %swap3A_370 {strides = array<i32>} : memref<2x96x128xf32, #tpu.memory_space<vmem>>, vector<1x1x16xf32>,
        %get3A_371 = arith.constant 1 : i32
        %get3A_372 = arith.index_cast %get3A_371 : i32 to index
        %get3A_373 = arith.index_cast %scan3A_212 : i32 to index
        %get3A_374 = arith.constant 112 : index
        %get3A_375 = tpu.vector_load %arg11[%get3A_372, %get3A_373, %get3A_374] {strides = array<i32>} : memref<2x96x128xf32, #tpu.memory_space<vmem>>, vector<1x1x16xf32>,
        %get3A_376 = vector.shape_cast %get3A_375 : vector<1x1x16xf32> to vector<16xf32>
        %get3A_377 = arith.constant 1 : i32
        %get3A_378 = arith.index_cast %get3A_377 : i32 to index
        %get3A_379 = arith.index_cast %scan3A_212 : i32 to index
        %get3A_380 = arith.constant 112 : index
        %get3A_381 = tpu.vector_load %arg12[%get3A_378, %get3A_379, %get3A_380] {strides = array<i32>} : memref<2x96x128xf32, #tpu.memory_space<vmem>>, vector<1x1x16xf32>,
        %get3A_382 = vector.shape_cast %get3A_381 : vector<1x1x16xf32> to vector<16xf32>
        %add3A_383 = arith.addf %get3A_376, %get3A_382 : vector<16xf32>
        %max3A_384 = arith.constant 0.000000e+00 : f32
        %max3A_385 = vector.broadcast %max3A_384 : f32 to vector<16xf32>
        %max3A_386 = arith.maximumf %add3A_383, %max3A_385 : vector<16xf32>
        %swap3A_387 = arith.constant 1 : i32
        %swap3A_388 = arith.index_cast %swap3A_387 : i32 to index
        %swap3A_389 = arith.index_cast %scan3A_212 : i32 to index
        %swap3A_390 = arith.constant 112 : index
        %swap3A_391 = tpu.vector_load %arg11[%swap3A_388, %swap3A_389, %swap3A_390] {strides = array<i32>} : memref<2x96x128xf32, #tpu.memory_space<vmem>>, vector<1x1x16xf32>,
        %swap3A_392 = vector.shape_cast %swap3A_391 : vector<1x1x16xf32> to vector<16xf32>
        %swap3A_393 = vector.shape_cast %max3A_386 : vector<16xf32> to vector<1x1x16xf32>
        tpu.vector_store %arg11[%swap3A_388, %swap3A_389, %swap3A_390], %swap3A_393 {strides = array<i32>} : memref<2x96x128xf32, #tpu.memory_space<vmem>>, vector<1x1x16xf32>,
      }
      %scan3A_205 = arith.constant 96 : i32
      %add3A_206 = arith.addi %mul3A_2, %add3A_160 : i32
      %mul3A_207 = arith.constant 96 : i32
      %mul3A_208 = arith.muli %add3A_206, %mul3A_207 : i32
      %run_scoped3A_209 = arith.constant 1 : i32
      "tpu.region"() ({
        %run_scoped3A_212 = tpu.sem_alloc : memref<!tpu.dma_semaphore, #tpu.memory_space<semaphore_mem>>
        %dma_start3A_213 = arith.constant 0 : i32
        %dma_start3A_214 = tpu.memref_slice %arg10[%run_scoped3A_209, %dma_start3A_213] : memref<2x96xi32, #tpu.memory_space<vmem>> -> memref<1x96xi32, #tpu.memory_space<vmem>>
        %dma_start3A_215 = tpu.memref_squeeze %dma_start3A_214 : memref<1x96xi32, #tpu.memory_space<vmem>> -> memref<96xi32, #tpu.memory_space<vmem>>
        %dma_start3A_216 = tpu.memref_slice %arg5[%mul3A_208] : memref<328704xi32, #tpu.memory_space<hbm>> -> memref<96xi32, #tpu.memory_space<hbm>>
        %dma_start3A_217 = arith.constant 0 : i32
        %dma_start3A_218 = tpu.memref_slice %arg10[%run_scoped3A_209, %dma_start3A_217] : memref<2x96xi32, #tpu.memory_space<vmem>> -> memref<1x96xi32, #tpu.memory_space<vmem>>
        %dma_start3A_219 = tpu.memref_squeeze %dma_start3A_218 : memref<1x96xi32, #tpu.memory_space<vmem>> -> memref<96xi32, #tpu.memory_space<vmem>>
        %dma_start3A_220 = tpu.memref_slice %arg5[%mul3A_208] : memref<328704xi32, #tpu.memory_space<hbm>> -> memref<96xi32, #tpu.memory_space<hbm>>
        tpu.enqueue_dma source(%dma_start3A_220 : memref<96xi32, #tpu.memory_space<hbm>>) target(%dma_start3A_219 : memref<96xi32, #tpu.memory_space<vmem>>) target_semaphore(%run_scoped3A_212 : memref<!tpu.dma_semaphore, #tpu.memory_space<semaphore_mem>>)
        %dma_wait3A_221 = arith.constant 0 : i32
        %dma_wait3A_222 = tpu.memref_slice %arg10[%run_scoped3A_209, %dma_wait3A_221] : memref<2x96xi32, #tpu.memory_space<vmem>> -> memref<1x96xi32, #tpu.memory_space<vmem>>
        %dma_wait3A_223 = tpu.memref_squeeze %dma_wait3A_222 : memref<1x96xi32, #tpu.memory_space<vmem>> -> memref<96xi32, #tpu.memory_space<vmem>>
        %dma_wait3A_224 = tpu.memref_slice %arg5[%mul3A_208] : memref<328704xi32, #tpu.memory_space<hbm>> -> memref<96xi32, #tpu.memory_space<hbm>>
        %dma_wait3A_225 = arith.constant 0 : i32
        %dma_wait3A_226 = tpu.memref_slice %arg10[%run_scoped3A_209, %dma_wait3A_225] : memref<2x96xi32, #tpu.memory_space<vmem>> -> memref<1x96xi32, #tpu.memory_space<vmem>>
        %dma_wait3A_227 = tpu.memref_squeeze %dma_wait3A_226 : memref<1x96xi32, #tpu.memory_space<vmem>> -> memref<96xi32, #tpu.memory_space<vmem>>
        %dma_wait3A_228 = tpu.memref_slice %arg5[%mul3A_208] : memref<328704xi32, #tpu.memory_space<hbm>> -> memref<96xi32, #tpu.memory_space<hbm>>
        tpu.wait_dma2 semaphore(%run_scoped3A_212 : memref<!tpu.dma_semaphore, #tpu.memory_space<semaphore_mem>>) src(%dma_wait3A_228 : memref<96xi32, #tpu.memory_space<hbm>>) dst(%dma_wait3A_227 : memref<96xi32, #tpu.memory_space<vmem>>)
        tpu.yield
      }) : () -> ()
      %run_scoped3A_210 = arith.constant 1 : i32
      %run_scoped3A_211 = arith.constant 1 : i32
      "tpu.region"() ({
        %run_scoped3A_212 = tpu.sem_alloc : memref<!tpu.dma_semaphore, #tpu.memory_space<semaphore_mem>>
        %dma_start3A_213 = arith.constant 0 : i32
        %dma_start3A_214 = arith.constant 0 : i32
        %dma_start3A_215 = tpu.memref_slice %arg11[%run_scoped3A_210, %dma_start3A_213, %dma_start3A_214] : memref<2x96x128xf32, #tpu.memory_space<vmem>> -> memref<1x96x128xf32, #tpu.memory_space<vmem>>
        %dma_start3A_216 = tpu.memref_squeeze %dma_start3A_215 : memref<1x96x128xf32, #tpu.memory_space<vmem>> -> memref<96x128xf32, #tpu.memory_space<vmem>>
        %dma_start3A_217 = arith.constant 0 : i32
        %dma_start3A_218 = tpu.memref_slice %arg10[%run_scoped3A_211, %dma_start3A_217] : memref<2x96xi32, #tpu.memory_space<vmem>> -> memref<1x96xi32, #tpu.memory_space<vmem>>
        %dma_start3A_219 = tpu.memref_squeeze %dma_start3A_218 : memref<1x96xi32, #tpu.memory_space<vmem>> -> memref<96xi32, #tpu.memory_space<vmem>>
        %dma_start3A_220 = arith.constant 0 : i32
        %dma_start3A_221 = arith.constant 0 : i32
        %dma_start3A_222 = tpu.memref_slice %arg8[%dma_start3A_220, %dma_start3A_221] : memref<10000x128xf32, #tpu.memory_space<vmem_shared>> -> memref<10000x128xf32, #tpu.memory_space<vmem_shared>>
        tpu.enqueue_indirect_dma source(%dma_start3A_216 : memref<96x128xf32, #tpu.memory_space<vmem>>) target(%dma_start3A_222 : memref<10000x128xf32, #tpu.memory_space<vmem_shared>>) offsets(%dma_start3A_219 : memref<96xi32, #tpu.memory_space<vmem>>) semaphore(%run_scoped3A_212 : memref<!tpu.dma_semaphore, #tpu.memory_space<semaphore_mem>>) {add = true}
        %dma_wait3A_223 = arith.constant 0 : i32
        %dma_wait3A_224 = arith.constant 0 : i32
        %dma_wait3A_225 = tpu.memref_slice %arg11[%run_scoped3A_210, %dma_wait3A_223, %dma_wait3A_224] : memref<2x96x128xf32, #tpu.memory_space<vmem>> -> memref<1x96x128xf32, #tpu.memory_space<vmem>>
        %dma_wait3A_226 = tpu.memref_squeeze %dma_wait3A_225 : memref<1x96x128xf32, #tpu.memory_space<vmem>> -> memref<96x128xf32, #tpu.memory_space<vmem>>
        %dma_wait3A_227 = arith.constant 0 : i32
        %dma_wait3A_228 = tpu.memref_slice %arg10[%run_scoped3A_211, %dma_wait3A_227] : memref<2x96xi32, #tpu.memory_space<vmem>> -> memref<1x96xi32, #tpu.memory_space<vmem>>
        %dma_wait3A_229 = tpu.memref_squeeze %dma_wait3A_228 : memref<1x96xi32, #tpu.memory_space<vmem>> -> memref<96xi32, #tpu.memory_space<vmem>>
        %dma_wait3A_230 = arith.constant 0 : i32
        %dma_wait3A_231 = arith.constant 0 : i32
        %dma_wait3A_232 = tpu.memref_slice %arg8[%dma_wait3A_230, %dma_wait3A_231] : memref<10000x128xf32, #tpu.memory_space<vmem_shared>> -> memref<10000x128xf32, #tpu.memory_space<vmem_shared>>
        tpu.wait_indirect_dma semaphore(%run_scoped3A_212 : memref<!tpu.dma_semaphore, #tpu.memory_space<semaphore_mem>>) src(%dma_wait3A_226 : memref<96x128xf32, #tpu.memory_space<vmem>>) dst(%dma_wait3A_232 : memref<10000x128xf32, #tpu.memory_space<vmem_shared>>)
        tpu.yield
      }) : () -> ()
    }
    %scan3A_48 = arith.constant 53 : i32
    %dma_wait3A = arith.constant 0 : i32
    %dma_wait3A_49 = arith.constant 0 : i32
    %dma_wait3A_50 = arith.constant 0 : i32
    %dma_wait3A_51 = arith.constant 0 : i32
    %dma_wait3A_52 = arith.constant 0 : i32
    %dma_wait3A_53 = tpu.memref_slice %arg11[%dma_wait3A_49, %dma_wait3A_51, %dma_wait3A_52] : memref<2x96x128xf32, #tpu.memory_space<vmem>> -> memref<1x96x128xf32, #tpu.memory_space<vmem>>
    %dma_wait3A_54 = tpu.memref_squeeze %dma_wait3A_53 : memref<1x96x128xf32, #tpu.memory_space<vmem>> -> memref<96x128xf32, #tpu.memory_space<vmem>>
    %dma_wait3A_55 = arith.constant 0 : i32
    %dma_wait3A_56 = tpu.memref_slice %arg9[%dma_wait3A, %dma_wait3A_55] : memref<2x96xi32, #tpu.memory_space<vmem>> -> memref<1x96xi32, #tpu.memory_space<vmem>>
    %dma_wait3A_57 = tpu.memref_squeeze %dma_wait3A_56 : memref<1x96xi32, #tpu.memory_space<vmem>> -> memref<96xi32, #tpu.memory_space<vmem>>
    %dma_wait3A_58 = arith.constant 0 : i32
    %dma_wait3A_59 = arith.constant 0 : i32
    %dma_wait3A_60 = tpu.memref_slice %arg2[%dma_wait3A_58, %dma_wait3A_59] : memref<10000x128xf32, #tpu.memory_space<hbm>> -> memref<10000x128xf32, #tpu.memory_space<hbm>>
    %dma_wait3A_61 = tpu.memref_slice %arg13[%dma_wait3A_50] : memref<2x!tpu.dma_semaphore, #tpu.memory_space<semaphore_mem>> -> memref<1x!tpu.dma_semaphore, #tpu.memory_space<semaphore_mem>>
    %dma_wait3A_62 = tpu.memref_squeeze %dma_wait3A_61 : memref<1x!tpu.dma_semaphore, #tpu.memory_space<semaphore_mem>> -> memref<!tpu.dma_semaphore, #tpu.memory_space<semaphore_mem>>
    tpu.wait_indirect_dma semaphore(%dma_wait3A_62 : memref<!tpu.dma_semaphore, #tpu.memory_space<semaphore_mem>>) src(%dma_wait3A_60 : memref<10000x128xf32, #tpu.memory_space<hbm>>) dst(%dma_wait3A_54 : memref<96x128xf32, #tpu.memory_space<vmem>>)
    %add3A_63 = arith.constant 106 : i32
    %add3A_64 = arith.addi %mul3A_2, %add3A_63 : i32
    %mul3A_65 = arith.constant 96 : i32
    %mul3A_66 = arith.muli %add3A_64, %mul3A_65 : i32
    %dma_wait3A_67 = arith.constant 0 : i32
    %dma_wait3A_68 = arith.constant 0 : i32
    %dma_wait3A_69 = arith.constant 0 : i32
    %dma_wait3A_70 = arith.constant 0 : i32
    %dma_wait3A_71 = tpu.memref_slice %arg12[%dma_wait3A_67, %dma_wait3A_69, %dma_wait3A_70] : memref<2x96x128xf32, #tpu.memory_space<vmem>> -> memref<1x96x128xf32, #tpu.memory_space<vmem>>
    %dma_wait3A_72 = tpu.memref_squeeze %dma_wait3A_71 : memref<1x96x128xf32, #tpu.memory_space<vmem>> -> memref<96x128xf32, #tpu.memory_space<vmem>>
    %dma_wait3A_73 = arith.constant 0 : i32
    %dma_wait3A_74 = tpu.memref_slice %arg3[%mul3A_66, %dma_wait3A_73] : memref<328704x128xf32, #tpu.memory_space<hbm>> -> memref<96x128xf32, #tpu.memory_space<hbm>>
    %dma_wait3A_75 = tpu.memref_slice %arg14[%dma_wait3A_68] : memref<2x!tpu.dma_semaphore, #tpu.memory_space<semaphore_mem>> -> memref<1x!tpu.dma_semaphore, #tpu.memory_space<semaphore_mem>>
    %dma_wait3A_76 = tpu.memref_squeeze %dma_wait3A_75 : memref<1x!tpu.dma_semaphore, #tpu.memory_space<semaphore_mem>> -> memref<!tpu.dma_semaphore, #tpu.memory_space<semaphore_mem>>
    %dma_wait3A_77 = arith.constant 0 : i32
    %dma_wait3A_78 = arith.constant 0 : i32
    %dma_wait3A_79 = tpu.memref_slice %arg12[%dma_wait3A_67, %dma_wait3A_77, %dma_wait3A_78] : memref<2x96x128xf32, #tpu.memory_space<vmem>> -> memref<1x96x128xf32, #tpu.memory_space<vmem>>
    %dma_wait3A_80 = tpu.memref_squeeze %dma_wait3A_79 : memref<1x96x128xf32, #tpu.memory_space<vmem>> -> memref<96x128xf32, #tpu.memory_space<vmem>>
    %dma_wait3A_81 = arith.constant 0 : i32
    %dma_wait3A_82 = tpu.memref_slice %arg3[%mul3A_66, %dma_wait3A_81] : memref<328704x128xf32, #tpu.memory_space<hbm>> -> memref<96x128xf32, #tpu.memory_space<hbm>>
    tpu.wait_dma2 semaphore(%dma_wait3A_76 : memref<!tpu.dma_semaphore, #tpu.memory_space<semaphore_mem>>) src(%dma_wait3A_82 : memref<96x128xf32, #tpu.memory_space<hbm>>) dst(%dma_wait3A_80 : memref<96x128xf32, #tpu.memory_space<vmem>>)
    %scan3A_83 = arith.constant 0 : i32
    %scan3A_84 = arith.constant 0 : i32
    %scan3A_85 = arith.constant 96 : i32
    %scan3A_86 = arith.addi %scan3A_84, %scan3A_85 : i32
    %scan3A_87 = arith.constant 1 : i32
    scf.for %scan3A_102 = %scan3A_84 to %scan3A_86 step %scan3A_87  : i32 {
      %get3A = arith.constant 0 : i32
      %get3A_103 = arith.index_cast %get3A : i32 to index
      %get3A_104 = arith.index_cast %scan3A_102 : i32 to index
      %get3A_105 = arith.constant 0 : index
      %get3A_106 = tpu.vector_load %arg11[%get3A_103, %get3A_104, %get3A_105] {strides = array<i32>} : memref<2x96x128xf32, #tpu.memory_space<vmem>>, vector<1x1x16xf32>,
      %get3A_107 = vector.shape_cast %get3A_106 : vector<1x1x16xf32> to vector<16xf32>
      %get3A_108 = arith.constant 0 : i32
      %get3A_109 = arith.index_cast %get3A_108 : i32 to index
      %get3A_110 = arith.index_cast %scan3A_102 : i32 to index
      %get3A_111 = arith.constant 0 : index
      %get3A_112 = tpu.vector_load %arg12[%get3A_109, %get3A_110, %get3A_111] {strides = array<i32>} : memref<2x96x128xf32, #tpu.memory_space<vmem>>, vector<1x1x16xf32>,
      %get3A_113 = vector.shape_cast %get3A_112 : vector<1x1x16xf32> to vector<16xf32>
      %add3A_114 = arith.addf %get3A_107, %get3A_113 : vector<16xf32>
      %max3A = arith.constant 0.000000e+00 : f32
      %max3A_115 = vector.broadcast %max3A : f32 to vector<16xf32>
      %max3A_116 = arith.maximumf %add3A_114, %max3A_115 : vector<16xf32>
      %swap3A = arith.constant 0 : i32
      %swap3A_117 = arith.index_cast %swap3A : i32 to index
      %swap3A_118 = arith.index_cast %scan3A_102 : i32 to index
      %swap3A_119 = arith.constant 0 : index
      %swap3A_120 = tpu.vector_load %arg11[%swap3A_117, %swap3A_118, %swap3A_119] {strides = array<i32>} : memref<2x96x128xf32, #tpu.memory_space<vmem>>, vector<1x1x16xf32>,
      %swap3A_121 = vector.shape_cast %swap3A_120 : vector<1x1x16xf32> to vector<16xf32>
      %swap3A_122 = vector.shape_cast %max3A_116 : vector<16xf32> to vector<1x1x16xf32>
      tpu.vector_store %arg11[%swap3A_117, %swap3A_118, %swap3A_119], %swap3A_122 {strides = array<i32>} : memref<2x96x128xf32, #tpu.memory_space<vmem>>, vector<1x1x16xf32>,
      %get3A_123 = arith.constant 0 : i32
      %get3A_124 = arith.index_cast %get3A_123 : i32 to index
      %get3A_125 = arith.index_cast %scan3A_102 : i32 to index
      %get3A_126 = arith.constant 16 : index
      %get3A_127 = tpu.vector_load %arg11[%get3A_124, %get3A_125, %get3A_126] {strides = array<i32>} : memref<2x96x128xf32, #tpu.memory_space<vmem>>, vector<1x1x16xf32>,
      %get3A_128 = vector.shape_cast %get3A_127 : vector<1x1x16xf32> to vector<16xf32>
      %get3A_129 = arith.constant 0 : i32
      %get3A_130 = arith.index_cast %get3A_129 : i32 to index
      %get3A_131 = arith.index_cast %scan3A_102 : i32 to index
      %get3A_132 = arith.constant 16 : index
      %get3A_133 = tpu.vector_load %arg12[%get3A_130, %get3A_131, %get3A_132] {strides = array<i32>} : memref<2x96x128xf32, #tpu.memory_space<vmem>>, vector<1x1x16xf32>,
      %get3A_134 = vector.shape_cast %get3A_133 : vector<1x1x16xf32> to vector<16xf32>
      %add3A_135 = arith.addf %get3A_128, %get3A_134 : vector<16xf32>
      %max3A_136 = arith.constant 0.000000e+00 : f32
      %max3A_137 = vector.broadcast %max3A_136 : f32 to vector<16xf32>
      %max3A_138 = arith.maximumf %add3A_135, %max3A_137 : vector<16xf32>
      %swap3A_139 = arith.constant 0 : i32
      %swap3A_140 = arith.index_cast %swap3A_139 : i32 to index
      %swap3A_141 = arith.index_cast %scan3A_102 : i32 to index
      %swap3A_142 = arith.constant 16 : index
      %swap3A_143 = tpu.vector_load %arg11[%swap3A_140, %swap3A_141, %swap3A_142] {strides = array<i32>} : memref<2x96x128xf32, #tpu.memory_space<vmem>>, vector<1x1x16xf32>,
      %swap3A_144 = vector.shape_cast %swap3A_143 : vector<1x1x16xf32> to vector<16xf32>
      %swap3A_145 = vector.shape_cast %max3A_138 : vector<16xf32> to vector<1x1x16xf32>
      tpu.vector_store %arg11[%swap3A_140, %swap3A_141, %swap3A_142], %swap3A_145 {strides = array<i32>} : memref<2x96x128xf32, #tpu.memory_space<vmem>>, vector<1x1x16xf32>,
      %get3A_146 = arith.constant 0 : i32
      %get3A_147 = arith.index_cast %get3A_146 : i32 to index
      %get3A_148 = arith.index_cast %scan3A_102 : i32 to index
      %get3A_149 = arith.constant 32 : index
      %get3A_150 = tpu.vector_load %arg11[%get3A_147, %get3A_148, %get3A_149] {strides = array<i32>} : memref<2x96x128xf32, #tpu.memory_space<vmem>>, vector<1x1x16xf32>,
      %get3A_151 = vector.shape_cast %get3A_150 : vector<1x1x16xf32> to vector<16xf32>
      %get3A_152 = arith.constant 0 : i32
      %get3A_153 = arith.index_cast %get3A_152 : i32 to index
      %get3A_154 = arith.index_cast %scan3A_102 : i32 to index
      %get3A_155 = arith.constant 32 : index
      %get3A_156 = tpu.vector_load %arg12[%get3A_153, %get3A_154, %get3A_155] {strides = array<i32>} : memref<2x96x128xf32, #tpu.memory_space<vmem>>, vector<1x1x16xf32>,
      %get3A_157 = vector.shape_cast %get3A_156 : vector<1x1x16xf32> to vector<16xf32>
      %add3A_158 = arith.addf %get3A_151, %get3A_157 : vector<16xf32>
      %max3A_159 = arith.constant 0.000000e+00 : f32
      %max3A_160 = vector.broadcast %max3A_159 : f32 to vector<16xf32>
      %max3A_161 = arith.maximumf %add3A_158, %max3A_160 : vector<16xf32>
      %swap3A_162 = arith.constant 0 : i32
      %swap3A_163 = arith.index_cast %swap3A_162 : i32 to index
      %swap3A_164 = arith.index_cast %scan3A_102 : i32 to index
      %swap3A_165 = arith.constant 32 : index
      %swap3A_166 = tpu.vector_load %arg11[%swap3A_163, %swap3A_164, %swap3A_165] {strides = array<i32>} : memref<2x96x128xf32, #tpu.memory_space<vmem>>, vector<1x1x16xf32>,
      %swap3A_167 = vector.shape_cast %swap3A_166 : vector<1x1x16xf32> to vector<16xf32>
      %swap3A_168 = vector.shape_cast %max3A_161 : vector<16xf32> to vector<1x1x16xf32>
      tpu.vector_store %arg11[%swap3A_163, %swap3A_164, %swap3A_165], %swap3A_168 {strides = array<i32>} : memref<2x96x128xf32, #tpu.memory_space<vmem>>, vector<1x1x16xf32>,
      %get3A_169 = arith.constant 0 : i32
      %get3A_170 = arith.index_cast %get3A_169 : i32 to index
      %get3A_171 = arith.index_cast %scan3A_102 : i32 to index
      %get3A_172 = arith.constant 48 : index
      %get3A_173 = tpu.vector_load %arg11[%get3A_170, %get3A_171, %get3A_172] {strides = array<i32>} : memref<2x96x128xf32, #tpu.memory_space<vmem>>, vector<1x1x16xf32>,
      %get3A_174 = vector.shape_cast %get3A_173 : vector<1x1x16xf32> to vector<16xf32>
      %get3A_175 = arith.constant 0 : i32
      %get3A_176 = arith.index_cast %get3A_175 : i32 to index
      %get3A_177 = arith.index_cast %scan3A_102 : i32 to index
      %get3A_178 = arith.constant 48 : index
      %get3A_179 = tpu.vector_load %arg12[%get3A_176, %get3A_177, %get3A_178] {strides = array<i32>} : memref<2x96x128xf32, #tpu.memory_space<vmem>>, vector<1x1x16xf32>,
      %get3A_180 = vector.shape_cast %get3A_179 : vector<1x1x16xf32> to vector<16xf32>
      %add3A_181 = arith.addf %get3A_174, %get3A_180 : vector<16xf32>
      %max3A_182 = arith.constant 0.000000e+00 : f32
      %max3A_183 = vector.broadcast %max3A_182 : f32 to vector<16xf32>
      %max3A_184 = arith.maximumf %add3A_181, %max3A_183 : vector<16xf32>
      %swap3A_185 = arith.constant 0 : i32
      %swap3A_186 = arith.index_cast %swap3A_185 : i32 to index
      %swap3A_187 = arith.index_cast %scan3A_102 : i32 to index
      %swap3A_188 = arith.constant 48 : index
      %swap3A_189 = tpu.vector_load %arg11[%swap3A_186, %swap3A_187, %swap3A_188] {strides = array<i32>} : memref<2x96x128xf32, #tpu.memory_space<vmem>>, vector<1x1x16xf32>,
      %swap3A_190 = vector.shape_cast %swap3A_189 : vector<1x1x16xf32> to vector<16xf32>
      %swap3A_191 = vector.shape_cast %max3A_184 : vector<16xf32> to vector<1x1x16xf32>
      tpu.vector_store %arg11[%swap3A_186, %swap3A_187, %swap3A_188], %swap3A_191 {strides = array<i32>} : memref<2x96x128xf32, #tpu.memory_space<vmem>>, vector<1x1x16xf32>,
      %get3A_192 = arith.constant 0 : i32
      %get3A_193 = arith.index_cast %get3A_192 : i32 to index
      %get3A_194 = arith.index_cast %scan3A_102 : i32 to index
      %get3A_195 = arith.constant 64 : index
      %get3A_196 = tpu.vector_load %arg11[%get3A_193, %get3A_194, %get3A_195] {strides = array<i32>} : memref<2x96x128xf32, #tpu.memory_space<vmem>>, vector<1x1x16xf32>,
      %get3A_197 = vector.shape_cast %get3A_196 : vector<1x1x16xf32> to vector<16xf32>
      %get3A_198 = arith.constant 0 : i32
      %get3A_199 = arith.index_cast %get3A_198 : i32 to index
      %get3A_200 = arith.index_cast %scan3A_102 : i32 to index
      %get3A_201 = arith.constant 64 : index
      %get3A_202 = tpu.vector_load %arg12[%get3A_199, %get3A_200, %get3A_201] {strides = array<i32>} : memref<2x96x128xf32, #tpu.memory_space<vmem>>, vector<1x1x16xf32>,
      %get3A_203 = vector.shape_cast %get3A_202 : vector<1x1x16xf32> to vector<16xf32>
      %add3A_204 = arith.addf %get3A_197, %get3A_203 : vector<16xf32>
      %max3A_205 = arith.constant 0.000000e+00 : f32
      %max3A_206 = vector.broadcast %max3A_205 : f32 to vector<16xf32>
      %max3A_207 = arith.maximumf %add3A_204, %max3A_206 : vector<16xf32>
      %swap3A_208 = arith.constant 0 : i32
      %swap3A_209 = arith.index_cast %swap3A_208 : i32 to index
      %swap3A_210 = arith.index_cast %scan3A_102 : i32 to index
      %swap3A_211 = arith.constant 64 : index
      %swap3A_212 = tpu.vector_load %arg11[%swap3A_209, %swap3A_210, %swap3A_211] {strides = array<i32>} : memref<2x96x128xf32, #tpu.memory_space<vmem>>, vector<1x1x16xf32>,
      %swap3A_213 = vector.shape_cast %swap3A_212 : vector<1x1x16xf32> to vector<16xf32>
      %swap3A_214 = vector.shape_cast %max3A_207 : vector<16xf32> to vector<1x1x16xf32>
      tpu.vector_store %arg11[%swap3A_209, %swap3A_210, %swap3A_211], %swap3A_214 {strides = array<i32>} : memref<2x96x128xf32, #tpu.memory_space<vmem>>, vector<1x1x16xf32>,
      %get3A_215 = arith.constant 0 : i32
      %get3A_216 = arith.index_cast %get3A_215 : i32 to index
      %get3A_217 = arith.index_cast %scan3A_102 : i32 to index
      %get3A_218 = arith.constant 80 : index
      %get3A_219 = tpu.vector_load %arg11[%get3A_216, %get3A_217, %get3A_218] {strides = array<i32>} : memref<2x96x128xf32, #tpu.memory_space<vmem>>, vector<1x1x16xf32>,
      %get3A_220 = vector.shape_cast %get3A_219 : vector<1x1x16xf32> to vector<16xf32>
      %get3A_221 = arith.constant 0 : i32
      %get3A_222 = arith.index_cast %get3A_221 : i32 to index
      %get3A_223 = arith.index_cast %scan3A_102 : i32 to index
      %get3A_224 = arith.constant 80 : index
      %get3A_225 = tpu.vector_load %arg12[%get3A_222, %get3A_223, %get3A_224] {strides = array<i32>} : memref<2x96x128xf32, #tpu.memory_space<vmem>>, vector<1x1x16xf32>,
      %get3A_226 = vector.shape_cast %get3A_225 : vector<1x1x16xf32> to vector<16xf32>
      %add3A_227 = arith.addf %get3A_220, %get3A_226 : vector<16xf32>
      %max3A_228 = arith.constant 0.000000e+00 : f32
      %max3A_229 = vector.broadcast %max3A_228 : f32 to vector<16xf32>
      %max3A_230 = arith.maximumf %add3A_227, %max3A_229 : vector<16xf32>
      %swap3A_231 = arith.constant 0 : i32
      %swap3A_232 = arith.index_cast %swap3A_231 : i32 to index
      %swap3A_233 = arith.index_cast %scan3A_102 : i32 to index
      %swap3A_234 = arith.constant 80 : index
      %swap3A_235 = tpu.vector_load %arg11[%swap3A_232, %swap3A_233, %swap3A_234] {strides = array<i32>} : memref<2x96x128xf32, #tpu.memory_space<vmem>>, vector<1x1x16xf32>,
      %swap3A_236 = vector.shape_cast %swap3A_235 : vector<1x1x16xf32> to vector<16xf32>
      %swap3A_237 = vector.shape_cast %max3A_230 : vector<16xf32> to vector<1x1x16xf32>
      tpu.vector_store %arg11[%swap3A_232, %swap3A_233, %swap3A_234], %swap3A_237 {strides = array<i32>} : memref<2x96x128xf32, #tpu.memory_space<vmem>>, vector<1x1x16xf32>,
      %get3A_238 = arith.constant 0 : i32
      %get3A_239 = arith.index_cast %get3A_238 : i32 to index
      %get3A_240 = arith.index_cast %scan3A_102 : i32 to index
      %get3A_241 = arith.constant 96 : index
      %get3A_242 = tpu.vector_load %arg11[%get3A_239, %get3A_240, %get3A_241] {strides = array<i32>} : memref<2x96x128xf32, #tpu.memory_space<vmem>>, vector<1x1x16xf32>,
      %get3A_243 = vector.shape_cast %get3A_242 : vector<1x1x16xf32> to vector<16xf32>
      %get3A_244 = arith.constant 0 : i32
      %get3A_245 = arith.index_cast %get3A_244 : i32 to index
      %get3A_246 = arith.index_cast %scan3A_102 : i32 to index
      %get3A_247 = arith.constant 96 : index
      %get3A_248 = tpu.vector_load %arg12[%get3A_245, %get3A_246, %get3A_247] {strides = array<i32>} : memref<2x96x128xf32, #tpu.memory_space<vmem>>, vector<1x1x16xf32>,
      %get3A_249 = vector.shape_cast %get3A_248 : vector<1x1x16xf32> to vector<16xf32>
      %add3A_250 = arith.addf %get3A_243, %get3A_249 : vector<16xf32>
      %max3A_251 = arith.constant 0.000000e+00 : f32
      %max3A_252 = vector.broadcast %max3A_251 : f32 to vector<16xf32>
      %max3A_253 = arith.maximumf %add3A_250, %max3A_252 : vector<16xf32>
      %swap3A_254 = arith.constant 0 : i32
      %swap3A_255 = arith.index_cast %swap3A_254 : i32 to index
      %swap3A_256 = arith.index_cast %scan3A_102 : i32 to index
      %swap3A_257 = arith.constant 96 : index
      %swap3A_258 = tpu.vector_load %arg11[%swap3A_255, %swap3A_256, %swap3A_257] {strides = array<i32>} : memref<2x96x128xf32, #tpu.memory_space<vmem>>, vector<1x1x16xf32>,
      %swap3A_259 = vector.shape_cast %swap3A_258 : vector<1x1x16xf32> to vector<16xf32>
      %swap3A_260 = vector.shape_cast %max3A_253 : vector<16xf32> to vector<1x1x16xf32>
      tpu.vector_store %arg11[%swap3A_255, %swap3A_256, %swap3A_257], %swap3A_260 {strides = array<i32>} : memref<2x96x128xf32, #tpu.memory_space<vmem>>, vector<1x1x16xf32>,
      %get3A_261 = arith.constant 0 : i32
      %get3A_262 = arith.index_cast %get3A_261 : i32 to index
      %get3A_263 = arith.index_cast %scan3A_102 : i32 to index
      %get3A_264 = arith.constant 112 : index
      %get3A_265 = tpu.vector_load %arg11[%get3A_262, %get3A_263, %get3A_264] {strides = array<i32>} : memref<2x96x128xf32, #tpu.memory_space<vmem>>, vector<1x1x16xf32>,
      %get3A_266 = vector.shape_cast %get3A_265 : vector<1x1x16xf32> to vector<16xf32>
      %get3A_267 = arith.constant 0 : i32
      %get3A_268 = arith.index_cast %get3A_267 : i32 to index
      %get3A_269 = arith.index_cast %scan3A_102 : i32 to index
      %get3A_270 = arith.constant 112 : index
      %get3A_271 = tpu.vector_load %arg12[%get3A_268, %get3A_269, %get3A_270] {strides = array<i32>} : memref<2x96x128xf32, #tpu.memory_space<vmem>>, vector<1x1x16xf32>,
      %get3A_272 = vector.shape_cast %get3A_271 : vector<1x1x16xf32> to vector<16xf32>
      %add3A_273 = arith.addf %get3A_266, %get3A_272 : vector<16xf32>
      %max3A_274 = arith.constant 0.000000e+00 : f32
      %max3A_275 = vector.broadcast %max3A_274 : f32 to vector<16xf32>
      %max3A_276 = arith.maximumf %add3A_273, %max3A_275 : vector<16xf32>
      %swap3A_277 = arith.constant 0 : i32
      %swap3A_278 = arith.index_cast %swap3A_277 : i32 to index
      %swap3A_279 = arith.index_cast %scan3A_102 : i32 to index
      %swap3A_280 = arith.constant 112 : index
      %swap3A_281 = tpu.vector_load %arg11[%swap3A_278, %swap3A_279, %swap3A_280] {strides = array<i32>} : memref<2x96x128xf32, #tpu.memory_space<vmem>>, vector<1x1x16xf32>,
      %swap3A_282 = vector.shape_cast %swap3A_281 : vector<1x1x16xf32> to vector<16xf32>
      %swap3A_283 = vector.shape_cast %max3A_276 : vector<16xf32> to vector<1x1x16xf32>
      tpu.vector_store %arg11[%swap3A_278, %swap3A_279, %swap3A_280], %swap3A_283 {strides = array<i32>} : memref<2x96x128xf32, #tpu.memory_space<vmem>>, vector<1x1x16xf32>,
    }
    %scan3A_88 = arith.constant 96 : i32
    %add3A_89 = arith.constant 106 : i32
    %add3A_90 = arith.addi %mul3A_2, %add3A_89 : i32
    %mul3A_91 = arith.constant 96 : i32
    %mul3A_92 = arith.muli %add3A_90, %mul3A_91 : i32
    %run_scoped3A_93 = arith.constant 0 : i32
    "tpu.region"() ({
      %run_scoped3A_102 = tpu.sem_alloc : memref<!tpu.dma_semaphore, #tpu.memory_space<semaphore_mem>>
      %dma_start3A_103 = arith.constant 0 : i32
      %dma_start3A_104 = tpu.memref_slice %arg10[%run_scoped3A_93, %dma_start3A_103] : memref<2x96xi32, #tpu.memory_space<vmem>> -> memref<1x96xi32, #tpu.memory_space<vmem>>
      %dma_start3A_105 = tpu.memref_squeeze %dma_start3A_104 : memref<1x96xi32, #tpu.memory_space<vmem>> -> memref<96xi32, #tpu.memory_space<vmem>>
      %dma_start3A_106 = tpu.memref_slice %arg5[%mul3A_92] : memref<328704xi32, #tpu.memory_space<hbm>> -> memref<96xi32, #tpu.memory_space<hbm>>
      %dma_start3A_107 = arith.constant 0 : i32
      %dma_start3A_108 = tpu.memref_slice %arg10[%run_scoped3A_93, %dma_start3A_107] : memref<2x96xi32, #tpu.memory_space<vmem>> -> memref<1x96xi32, #tpu.memory_space<vmem>>
      %dma_start3A_109 = tpu.memref_squeeze %dma_start3A_108 : memref<1x96xi32, #tpu.memory_space<vmem>> -> memref<96xi32, #tpu.memory_space<vmem>>
      %dma_start3A_110 = tpu.memref_slice %arg5[%mul3A_92] : memref<328704xi32, #tpu.memory_space<hbm>> -> memref<96xi32, #tpu.memory_space<hbm>>
      tpu.enqueue_dma source(%dma_start3A_110 : memref<96xi32, #tpu.memory_space<hbm>>) target(%dma_start3A_109 : memref<96xi32, #tpu.memory_space<vmem>>) target_semaphore(%run_scoped3A_102 : memref<!tpu.dma_semaphore, #tpu.memory_space<semaphore_mem>>)
      %dma_wait3A_111 = arith.constant 0 : i32
      %dma_wait3A_112 = tpu.memref_slice %arg10[%run_scoped3A_93, %dma_wait3A_111] : memref<2x96xi32, #tpu.memory_space<vmem>> -> memref<1x96xi32, #tpu.memory_space<vmem>>
      %dma_wait3A_113 = tpu.memref_squeeze %dma_wait3A_112 : memref<1x96xi32, #tpu.memory_space<vmem>> -> memref<96xi32, #tpu.memory_space<vmem>>
      %dma_wait3A_114 = tpu.memref_slice %arg5[%mul3A_92] : memref<328704xi32, #tpu.memory_space<hbm>> -> memref<96xi32, #tpu.memory_space<hbm>>
      %dma_wait3A_115 = arith.constant 0 : i32
      %dma_wait3A_116 = tpu.memref_slice %arg10[%run_scoped3A_93, %dma_wait3A_115] : memref<2x96xi32, #tpu.memory_space<vmem>> -> memref<1x96xi32, #tpu.memory_space<vmem>>
      %dma_wait3A_117 = tpu.memref_squeeze %dma_wait3A_116 : memref<1x96xi32, #tpu.memory_space<vmem>> -> memref<96xi32, #tpu.memory_space<vmem>>
      %dma_wait3A_118 = tpu.memref_slice %arg5[%mul3A_92] : memref<328704xi32, #tpu.memory_space<hbm>> -> memref<96xi32, #tpu.memory_space<hbm>>
      tpu.wait_dma2 semaphore(%run_scoped3A_102 : memref<!tpu.dma_semaphore, #tpu.memory_space<semaphore_mem>>) src(%dma_wait3A_118 : memref<96xi32, #tpu.memory_space<hbm>>) dst(%dma_wait3A_117 : memref<96xi32, #tpu.memory_space<vmem>>)
      tpu.yield
    }) : () -> ()
    %run_scoped3A_94 = arith.constant 0 : i32
    %run_scoped3A_95 = arith.constant 0 : i32
    "tpu.region"() ({
      %run_scoped3A_102 = tpu.sem_alloc : memref<!tpu.dma_semaphore, #tpu.memory_space<semaphore_mem>>
      %dma_start3A_103 = arith.constant 0 : i32
      %dma_start3A_104 = arith.constant 0 : i32
      %dma_start3A_105 = tpu.memref_slice %arg11[%run_scoped3A_94, %dma_start3A_103, %dma_start3A_104] : memref<2x96x128xf32, #tpu.memory_space<vmem>> -> memref<1x96x128xf32, #tpu.memory_space<vmem>>
      %dma_start3A_106 = tpu.memref_squeeze %dma_start3A_105 : memref<1x96x128xf32, #tpu.memory_space<vmem>> -> memref<96x128xf32, #tpu.memory_space<vmem>>
      %dma_start3A_107 = arith.constant 0 : i32
      %dma_start3A_108 = tpu.memref_slice %arg10[%run_scoped3A_95, %dma_start3A_107] : memref<2x96xi32, #tpu.memory_space<vmem>> -> memref<1x96xi32, #tpu.memory_space<vmem>>
      %dma_start3A_109 = tpu.memref_squeeze %dma_start3A_108 : memref<1x96xi32, #tpu.memory_space<vmem>> -> memref<96xi32, #tpu.memory_space<vmem>>
      %dma_start3A_110 = arith.constant 0 : i32
      %dma_start3A_111 = arith.constant 0 : i32
      %dma_start3A_112 = tpu.memref_slice %arg8[%dma_start3A_110, %dma_start3A_111] : memref<10000x128xf32, #tpu.memory_space<vmem_shared>> -> memref<10000x128xf32, #tpu.memory_space<vmem_shared>>
      tpu.enqueue_indirect_dma source(%dma_start3A_106 : memref<96x128xf32, #tpu.memory_space<vmem>>) target(%dma_start3A_112 : memref<10000x128xf32, #tpu.memory_space<vmem_shared>>) offsets(%dma_start3A_109 : memref<96xi32, #tpu.memory_space<vmem>>) semaphore(%run_scoped3A_102 : memref<!tpu.dma_semaphore, #tpu.memory_space<semaphore_mem>>) {add = true}
      %dma_wait3A_113 = arith.constant 0 : i32
      %dma_wait3A_114 = arith.constant 0 : i32
      %dma_wait3A_115 = tpu.memref_slice %arg11[%run_scoped3A_94, %dma_wait3A_113, %dma_wait3A_114] : memref<2x96x128xf32, #tpu.memory_space<vmem>> -> memref<1x96x128xf32, #tpu.memory_space<vmem>>
      %dma_wait3A_116 = tpu.memref_squeeze %dma_wait3A_115 : memref<1x96x128xf32, #tpu.memory_space<vmem>> -> memref<96x128xf32, #tpu.memory_space<vmem>>
      %dma_wait3A_117 = arith.constant 0 : i32
      %dma_wait3A_118 = tpu.memref_slice %arg10[%run_scoped3A_95, %dma_wait3A_117] : memref<2x96xi32, #tpu.memory_space<vmem>> -> memref<1x96xi32, #tpu.memory_space<vmem>>
      %dma_wait3A_119 = tpu.memref_squeeze %dma_wait3A_118 : memref<1x96xi32, #tpu.memory_space<vmem>> -> memref<96xi32, #tpu.memory_space<vmem>>
      %dma_wait3A_120 = arith.constant 0 : i32
      %dma_wait3A_121 = arith.constant 0 : i32
      %dma_wait3A_122 = tpu.memref_slice %arg8[%dma_wait3A_120, %dma_wait3A_121] : memref<10000x128xf32, #tpu.memory_space<vmem_shared>> -> memref<10000x128xf32, #tpu.memory_space<vmem_shared>>
      tpu.wait_indirect_dma semaphore(%run_scoped3A_102 : memref<!tpu.dma_semaphore, #tpu.memory_space<semaphore_mem>>) src(%dma_wait3A_116 : memref<96x128xf32, #tpu.memory_space<vmem>>) dst(%dma_wait3A_122 : memref<10000x128xf32, #tpu.memory_space<vmem_shared>>)
      tpu.yield
    }) : () -> ()
    %barrier3A_96 = arith.constant 0 : index
    tpu.barrier barrier_id(%barrier3A_96)
    "tpu.region"() ({
      %run_scoped3A_102 = tpu.sem_alloc : memref<!tpu.dma_semaphore, #tpu.memory_space<semaphore_mem>>
      %dma_start3A_103 = arith.constant 0 : i32
      %dma_start3A_104 = tpu.memref_slice %arg7[%arg0, %mul3A_4, %dma_start3A_103] : memref<2x10000x128xf32, #tpu.memory_space<hbm>> -> memref<1x624x128xf32, #tpu.memory_space<hbm>>
      %dma_start3A_105 = tpu.memref_squeeze %dma_start3A_104 : memref<1x624x128xf32, #tpu.memory_space<hbm>> -> memref<624x128xf32, #tpu.memory_space<hbm>>
      %dma_start3A_106 = arith.constant 0 : i32
      %dma_start3A_107 = tpu.memref_slice %arg8[%mul3A_4, %dma_start3A_106] : memref<10000x128xf32, #tpu.memory_space<vmem_shared>> -> memref<624x128xf32, #tpu.memory_space<vmem_shared>>
      tpu.enqueue_dma source(%dma_start3A_107 : memref<624x128xf32, #tpu.memory_space<vmem_shared>>) target(%dma_start3A_105 : memref<624x128xf32, #tpu.memory_space<hbm>>) target_semaphore(%run_scoped3A_102 : memref<!tpu.dma_semaphore, #tpu.memory_space<semaphore_mem>>)
      %dma_wait3A_108 = arith.constant 0 : i32
      %dma_wait3A_109 = tpu.memref_slice %arg7[%arg0, %mul3A_4, %dma_wait3A_108] : memref<2x10000x128xf32, #tpu.memory_space<hbm>> -> memref<1x624x128xf32, #tpu.memory_space<hbm>>
      %dma_wait3A_110 = tpu.memref_squeeze %dma_wait3A_109 : memref<1x624x128xf32, #tpu.memory_space<hbm>> -> memref<624x128xf32, #tpu.memory_space<hbm>>
      %dma_wait3A_111 = arith.constant 0 : i32
      %dma_wait3A_112 = tpu.memref_slice %arg8[%mul3A_4, %dma_wait3A_111] : memref<10000x128xf32, #tpu.memory_space<vmem_shared>> -> memref<624x128xf32, #tpu.memory_space<vmem_shared>>
      tpu.wait_dma2 semaphore(%run_scoped3A_102 : memref<!tpu.dma_semaphore, #tpu.memory_space<semaphore_mem>>) src(%dma_wait3A_112 : memref<624x128xf32, #tpu.memory_space<vmem_shared>>) dst(%dma_wait3A_110 : memref<624x128xf32, #tpu.memory_space<hbm>>)
      tpu.yield
    }) : () -> ()
    %eq3A_97 = arith.constant 15 : i32
    %eq3A_98 = arith.cmpi eq, %arg1, %eq3A_97 : i32
    %convert_element_type3A_99 = arith.extui %eq3A_98 : i1 to i32
    %cond3A_100 = arith.constant 0 : i32
    %cond3A_101 = arith.cmpi ne, %convert_element_type3A_99, %cond3A_100 : i32
    scf.if %cond3A_101 {
      "tpu.region"() ({
        %run_scoped3A_102 = tpu.sem_alloc : memref<!tpu.dma_semaphore, #tpu.memory_space<semaphore_mem>>
        %dma_start3A_103 = arith.constant 9984 : i32
        %dma_start3A_104 = arith.constant 0 : i32
        %dma_start3A_105 = tpu.memref_slice %arg7[%arg0, %dma_start3A_103, %dma_start3A_104] : memref<2x10000x128xf32, #tpu.memory_space<hbm>> -> memref<1x16x128xf32, #tpu.memory_space<hbm>>
        %dma_start3A_106 = tpu.memref_squeeze %dma_start3A_105 : memref<1x16x128xf32, #tpu.memory_space<hbm>> -> memref<16x128xf32, #tpu.memory_space<hbm>>
        %dma_start3A_107 = arith.constant 9984 : i32
        %dma_start3A_108 = arith.constant 0 : i32
        %dma_start3A_109 = tpu.memref_slice %arg8[%dma_start3A_107, %dma_start3A_108] : memref<10000x128xf32, #tpu.memory_space<vmem_shared>> -> memref<16x128xf32, #tpu.memory_space<vmem_shared>>
        tpu.enqueue_dma source(%dma_start3A_109 : memref<16x128xf32, #tpu.memory_space<vmem_shared>>) target(%dma_start3A_106 : memref<16x128xf32, #tpu.memory_space<hbm>>) target_semaphore(%run_scoped3A_102 : memref<!tpu.dma_semaphore, #tpu.memory_space<semaphore_mem>>)
        %dma_wait3A_110 = arith.constant 9984 : i32
        %dma_wait3A_111 = arith.constant 0 : i32
        %dma_wait3A_112 = tpu.memref_slice %arg7[%arg0, %dma_wait3A_110, %dma_wait3A_111] : memref<2x10000x128xf32, #tpu.memory_space<hbm>> -> memref<1x16x128xf32, #tpu.memory_space<hbm>>
        %dma_wait3A_113 = tpu.memref_squeeze %dma_wait3A_112 : memref<1x16x128xf32, #tpu.memory_space<hbm>> -> memref<16x128xf32, #tpu.memory_space<hbm>>
        %dma_wait3A_114 = arith.constant 9984 : i32
        %dma_wait3A_115 = arith.constant 0 : i32
        %dma_wait3A_116 = tpu.memref_slice %arg8[%dma_wait3A_114, %dma_wait3A_115] : memref<10000x128xf32, #tpu.memory_space<vmem_shared>> -> memref<16x128xf32, #tpu.memory_space<vmem_shared>>
        tpu.wait_dma2 semaphore(%run_scoped3A_102 : memref<!tpu.dma_semaphore, #tpu.memory_space<semaphore_mem>>) src(%dma_wait3A_116 : memref<16x128xf32, #tpu.memory_space<vmem_shared>>) dst(%dma_wait3A_113 : memref<16x128xf32, #tpu.memory_space<hbm>>)
        tpu.yield
      }) : () -> ()
    } else {
    }
    return
  }
}

module attributes {stable_mosaic.version = 14 : i64} {
  func.func @_eemb_body(%arg0: i32, %arg1: memref<512x16xf32, #tpu.memory_space<vmem>>, %arg2: memref<16x128xf32, #tpu.memory_space<vmem>>, %arg3: memref<512x128xf32, #tpu.memory_space<vmem>>) attributes {dimension_semantics = [#tpu.dimension_semantics<arbitrary>], iteration_bounds = array<i64: 642>, scalar_prefetch = 0 : i64, scratch_operands = 0 : i64, tpu.core_type = #tpu.core_type<tc>, window_params = [{transform_indices = @transform_0, window_bounds = array<i64: 512, 16>}, {pipeline_mode = #tpu.pipeline_mode<synchronous>, transform_indices = @transform_1, window_bounds = array<i64: 16, 128>}, {transform_indices = @transform_2, window_bounds = array<i64: 512, 128>}]} {
    %get3A = arith.constant 0 : index
    %get3A_0 = arith.constant 0 : index
    %get3A_1 = vector.load %arg1[%get3A, %get3A_0] : memref<512x16xf32, #tpu.memory_space<vmem>>, vector<512x16xf32>
    %get3A_2 = arith.constant 0 : index
    %get3A_3 = arith.constant 0 : index
    %get3A_4 = vector.load %arg2[%get3A_2, %get3A_3] : memref<16x128xf32, #tpu.memory_space<vmem>>, vector<16x128xf32>
    %dot_general3A = arith.constant dense<0.000000e+00> : vector<512x128xf32>
    %dot_general3A_5 = tpu.matmul %get3A_1, %get3A_4, %dot_general3A {dimension_numbers = #tpu.dot_dimension_numbers<[1], [0], [0], [1], [0, 0, 1, 1], [], []>, transpose_lhs_hint = false} : vector<512x16xf32>, vector<16x128xf32>, vector<512x128xf32> -> vector<512x128xf32>
    %iota3A = tpu.iota {dimensions = array<i32: 0>} : vector<512x128xi32>
    %mul3A = arith.constant 512 : i32
    %mul3A_6 = arith.muli %arg0, %mul3A : i32
    %add3A = vector.broadcast %mul3A_6 : i32 to vector<512x128xi32>
    %add3A_7 = arith.addi %iota3A, %add3A : vector<512x128xi32>
    %lt3A = arith.constant 320000 : i32
    %lt3A_8 = vector.broadcast %lt3A : i32 to vector<512x128xi32>
    %lt3A_9 = arith.cmpi slt, %add3A_7, %lt3A_8 : vector<512x128xi32>
    %jit3A = arith.constant -1.000000e+30 : f32
    %broadcast_in_dim3A = vector.broadcast %jit3A : f32 to vector<512x128xf32>
    %select_n3A = arith.select %lt3A_9, %dot_general3A_5, %broadcast_in_dim3A : vector<512x128xi1>, vector<512x128xf32>
    %swap3A = arith.constant 0 : index
    %swap3A_10 = arith.constant 0 : index
    %swap3A_11 = vector.load %arg3[%swap3A, %swap3A_10] : memref<512x128xf32, #tpu.memory_space<vmem>>, vector<512x128xf32>
    tpu.vector_store %arg3[%swap3A, %swap3A_10], %select_n3A {strides = array<i32>} : memref<512x128xf32, #tpu.memory_space<vmem>>, vector<512x128xf32>,
    return
  }
  func.func @transform_0(%arg0: i32) -> (i32, i32) {
    %min3A = arith.constant 624 : i32
    %min3A_0 = arith.minsi %arg0, %min3A : i32
    %c0_i32 = arith.constant 0 : i32
    %c0_i32_1 = arith.constant 0 : i32
    return %min3A_0, %c0_i32 : i32, i32
  }
  func.func @transform_1(%arg0: i32) -> (i32, i32) {
    %c0_i32 = arith.constant 0 : i32
    %c0_i32_0 = arith.constant 0 : i32
    %c0_i32_1 = arith.constant 0 : i32
    return %c0_i32, %c0_i32_0 : i32, i32
  }
  func.func @transform_2(%arg0: i32) -> (i32, i32) {
    %c0_i32 = arith.constant 0 : i32
    %c0_i32_0 = arith.constant 0 : i32
    return %arg0, %c0_i32 : i32, i32
  }
}

module attributes {stable_mosaic.version = 14 : i64} {
  func.func @_mlp_body(%arg0: i32, %arg1: memref<2x1000x128xf32, #tpu.memory_space<vmem>>, %arg2: memref<1000x128xf32, #tpu.memory_space<vmem>>, %arg3: memref<128x128xf32, #tpu.memory_space<vmem>>, %arg4: memref<1x128xf32, #tpu.memory_space<vmem>>, %arg5: memref<128x128xf32, #tpu.memory_space<vmem>>, %arg6: memref<1x128xf32, #tpu.memory_space<vmem>>, %arg7: memref<1x1xf32, #tpu.memory_space<vmem>>, %arg8: memref<1000x128xf32, #tpu.memory_space<vmem>>) attributes {dimension_semantics = [#tpu.dimension_semantics<arbitrary>], iteration_bounds = array<i64: 10>, scalar_prefetch = 0 : i64, scratch_operands = 0 : i64, tpu.core_type = #tpu.core_type<tc>, window_params = [{transform_indices = @transform_0, window_bounds = array<i64: 2, 1000, 128>}, {transform_indices = @transform_1, window_bounds = array<i64: 1000, 128>}, {pipeline_mode = #tpu.pipeline_mode<synchronous>, transform_indices = @transform_2, window_bounds = array<i64: 128, 128>}, {pipeline_mode = #tpu.pipeline_mode<synchronous>, transform_indices = @transform_3, window_bounds = array<i64: 1, 128>}, {pipeline_mode = #tpu.pipeline_mode<synchronous>, transform_indices = @transform_4, window_bounds = array<i64: 128, 128>}, {pipeline_mode = #tpu.pipeline_mode<synchronous>, transform_indices = @transform_5, window_bounds = array<i64: 1, 128>}, {pipeline_mode = #tpu.pipeline_mode<synchronous>, transform_indices = @transform_6, window_bounds = array<i64: 1, 1>}, {transform_indices = @transform_7, window_bounds = array<i64: 1000, 128>}]} {
    %get3A = arith.constant 0 : index
    %get3A_0 = arith.constant 0 : index
    %get3A_1 = arith.constant 0 : index
    %get3A_2 = vector.load %arg1[%get3A, %get3A_0, %get3A_1] : memref<2x1000x128xf32, #tpu.memory_space<vmem>>, vector<1x1000x128xf32>
    %get3A_3 = vector.shape_cast %get3A_2 : vector<1x1000x128xf32> to vector<1000x128xf32>
    %get3A_4 = arith.constant 1 : index
    %get3A_5 = arith.constant 0 : index
    %get3A_6 = arith.constant 0 : index
    %get3A_7 = vector.load %arg1[%get3A_4, %get3A_5, %get3A_6] : memref<2x1000x128xf32, #tpu.memory_space<vmem>>, vector<1x1000x128xf32>
    %get3A_8 = vector.shape_cast %get3A_7 : vector<1x1000x128xf32> to vector<1000x128xf32>
    %add3A = arith.addf %get3A_3, %get3A_8 : vector<1000x128xf32>
    %get3A_9 = arith.constant 0 : index
    %get3A_10 = arith.constant 0 : index
    %get3A_11 = vector.load %arg7[%get3A_9, %get3A_10] : memref<1x1xf32, #tpu.memory_space<vmem>>, vector<1x1xf32>
    %get3A_12 = vector.extract %get3A_11[0, 0] : f32 from vector<1x1xf32>
    %get3A_13 = arith.constant 0 : index
    %get3A_14 = arith.constant 0 : index
    %get3A_15 = vector.load %arg2[%get3A_13, %get3A_14] : memref<1000x128xf32, #tpu.memory_space<vmem>>, vector<1000x128xf32>
    %mul3A = vector.broadcast %get3A_12 : f32 to vector<1000x128xf32>
    %mul3A_16 = arith.mulf %mul3A, %get3A_15 : vector<1000x128xf32>
    %add3A_17 = arith.addf %add3A, %mul3A_16 : vector<1000x128xf32>
    %get3A_18 = arith.constant 0 : index
    %get3A_19 = arith.constant 0 : index
    %get3A_20 = vector.load %arg3[%get3A_18, %get3A_19] : memref<128x128xf32, #tpu.memory_space<vmem>>, vector<128x128xf32>
    %dot_general3A = arith.constant dense<0.000000e+00> : vector<1000x128xf32>
    %dot_general3A_21 = tpu.matmul %add3A_17, %get3A_20, %dot_general3A {dimension_numbers = #tpu.dot_dimension_numbers<[1], [0], [0], [1], [0, 0, 1, 1], [], []>, transpose_lhs_hint = false} : vector<1000x128xf32>, vector<128x128xf32>, vector<1000x128xf32> -> vector<1000x128xf32>
    %get3A_22 = arith.constant 0 : index
    %get3A_23 = arith.constant 0 : index
    %get3A_24 = vector.load %arg4[%get3A_22, %get3A_23] : memref<1x128xf32, #tpu.memory_space<vmem>>, vector<1x128xf32>
    %add3A_25 = vector.broadcast %get3A_24 : vector<1x128xf32> to vector<1000x128xf32>
    %add3A_26 = arith.addf %dot_general3A_21, %add3A_25 : vector<1000x128xf32>
    %max3A = arith.constant 0.000000e+00 : f32
    %max3A_27 = vector.broadcast %max3A : f32 to vector<1000x128xf32>
    %max3A_28 = arith.maximumf %add3A_26, %max3A_27 : vector<1000x128xf32>
    %get3A_29 = arith.constant 0 : index
    %get3A_30 = arith.constant 0 : index
    %get3A_31 = vector.load %arg5[%get3A_29, %get3A_30] : memref<128x128xf32, #tpu.memory_space<vmem>>, vector<128x128xf32>
    %dot_general3A_32 = arith.constant dense<0.000000e+00> : vector<1000x128xf32>
    %dot_general3A_33 = tpu.matmul %max3A_28, %get3A_31, %dot_general3A_32 {dimension_numbers = #tpu.dot_dimension_numbers<[1], [0], [0], [1], [0, 0, 1, 1], [], []>, transpose_lhs_hint = false} : vector<1000x128xf32>, vector<128x128xf32>, vector<1000x128xf32> -> vector<1000x128xf32>
    %get3A_34 = arith.constant 0 : index
    %get3A_35 = arith.constant 0 : index
    %get3A_36 = vector.load %arg6[%get3A_34, %get3A_35] : memref<1x128xf32, #tpu.memory_space<vmem>>, vector<1x128xf32>
    %add3A_37 = vector.broadcast %get3A_36 : vector<1x128xf32> to vector<1000x128xf32>
    %add3A_38 = arith.addf %dot_general3A_33, %add3A_37 : vector<1000x128xf32>
    %max3A_39 = arith.constant 0.000000e+00 : f32
    %max3A_40 = vector.broadcast %max3A_39 : f32 to vector<1000x128xf32>
    %max3A_41 = arith.maximumf %add3A_38, %max3A_40 : vector<1000x128xf32>
    %swap3A = arith.constant 0 : index
    %swap3A_42 = arith.constant 0 : index
    %swap3A_43 = vector.load %arg8[%swap3A, %swap3A_42] : memref<1000x128xf32, #tpu.memory_space<vmem>>, vector<1000x128xf32>
    tpu.vector_store %arg8[%swap3A, %swap3A_42], %max3A_41 {strides = array<i32>} : memref<1000x128xf32, #tpu.memory_space<vmem>>, vector<1000x128xf32>,
    return
  }
  func.func @transform_0(%arg0: i32) -> (i32, i32, i32) {
    %c0_i32 = arith.constant 0 : i32
    %c0_i32_0 = arith.constant 0 : i32
    %c0_i32_1 = arith.constant 0 : i32
    return %c0_i32, %arg0, %c0_i32_0 : i32, i32, i32
  }
  func.func @transform_1(%arg0: i32) -> (i32, i32) {
    %c0_i32 = arith.constant 0 : i32
    %c0_i32_0 = arith.constant 0 : i32
    return %arg0, %c0_i32 : i32, i32
  }
  func.func @transform_2(%arg0: i32) -> (i32, i32) {
    %c0_i32 = arith.constant 0 : i32
    %c0_i32_0 = arith.constant 0 : i32
    %c0_i32_1 = arith.constant 0 : i32
    return %c0_i32, %c0_i32_0 : i32, i32
  }
  func.func @transform_3(%arg0: i32) -> (i32, i32) {
    %c0_i32 = arith.constant 0 : i32
    %c0_i32_0 = arith.constant 0 : i32
    %c0_i32_1 = arith.constant 0 : i32
    return %c0_i32, %c0_i32_0 : i32, i32
  }
  func.func @transform_4(%arg0: i32) -> (i32, i32) {
    %c0_i32 = arith.constant 0 : i32
    %c0_i32_0 = arith.constant 0 : i32
    %c0_i32_1 = arith.constant 0 : i32
    return %c0_i32, %c0_i32_0 : i32, i32
  }
  func.func @transform_5(%arg0: i32) -> (i32, i32) {
    %c0_i32 = arith.constant 0 : i32
    %c0_i32_0 = arith.constant 0 : i32
    %c0_i32_1 = arith.constant 0 : i32
    return %c0_i32, %c0_i32_0 : i32, i32
  }
  func.func @transform_6(%arg0: i32) -> (i32, i32) {
    %c0_i32 = arith.constant 0 : i32
    %c0_i32_0 = arith.constant 0 : i32
    %c0_i32_1 = arith.constant 0 : i32
    return %c0_i32, %c0_i32_0 : i32, i32
  }
  func.func @transform_7(%arg0: i32) -> (i32, i32) {
    %c0_i32 = arith.constant 0 : i32
    %c0_i32_0 = arith.constant 0 : i32
    return %arg0, %c0_i32 : i32, i32
  }
}

module attributes {stable_mosaic.version = 14 : i64} {
  func.func @_mlp_body(%arg0: i32, %arg1: memref<2x1000x128xf32, #tpu.memory_space<vmem>>, %arg2: memref<1000x128xf32, #tpu.memory_space<vmem>>, %arg3: memref<128x128xf32, #tpu.memory_space<vmem>>, %arg4: memref<1x128xf32, #tpu.memory_space<vmem>>, %arg5: memref<128x128xf32, #tpu.memory_space<vmem>>, %arg6: memref<1x128xf32, #tpu.memory_space<vmem>>, %arg7: memref<1x1xf32, #tpu.memory_space<vmem>>, %arg8: memref<1000x128xf32, #tpu.memory_space<vmem>>) attributes {dimension_semantics = [#tpu.dimension_semantics<arbitrary>], iteration_bounds = array<i64: 10>, scalar_prefetch = 0 : i64, scratch_operands = 0 : i64, tpu.core_type = #tpu.core_type<tc>, window_params = [{transform_indices = @transform_0, window_bounds = array<i64: 2, 1000, 128>}, {transform_indices = @transform_1, window_bounds = array<i64: 1000, 128>}, {pipeline_mode = #tpu.pipeline_mode<synchronous>, transform_indices = @transform_2, window_bounds = array<i64: 128, 128>}, {pipeline_mode = #tpu.pipeline_mode<synchronous>, transform_indices = @transform_3, window_bounds = array<i64: 1, 128>}, {pipeline_mode = #tpu.pipeline_mode<synchronous>, transform_indices = @transform_4, window_bounds = array<i64: 128, 128>}, {pipeline_mode = #tpu.pipeline_mode<synchronous>, transform_indices = @transform_5, window_bounds = array<i64: 1, 128>}, {pipeline_mode = #tpu.pipeline_mode<synchronous>, transform_indices = @transform_6, window_bounds = array<i64: 1, 1>}, {transform_indices = @transform_7, window_bounds = array<i64: 1000, 128>}]} {
    %get3A = arith.constant 0 : index
    %get3A_0 = arith.constant 0 : index
    %get3A_1 = arith.constant 0 : index
    %get3A_2 = vector.load %arg1[%get3A, %get3A_0, %get3A_1] : memref<2x1000x128xf32, #tpu.memory_space<vmem>>, vector<1x1000x128xf32>
    %get3A_3 = vector.shape_cast %get3A_2 : vector<1x1000x128xf32> to vector<1000x128xf32>
    %get3A_4 = arith.constant 1 : index
    %get3A_5 = arith.constant 0 : index
    %get3A_6 = arith.constant 0 : index
    %get3A_7 = vector.load %arg1[%get3A_4, %get3A_5, %get3A_6] : memref<2x1000x128xf32, #tpu.memory_space<vmem>>, vector<1x1000x128xf32>
    %get3A_8 = vector.shape_cast %get3A_7 : vector<1x1000x128xf32> to vector<1000x128xf32>
    %add3A = arith.addf %get3A_3, %get3A_8 : vector<1000x128xf32>
    %get3A_9 = arith.constant 0 : index
    %get3A_10 = arith.constant 0 : index
    %get3A_11 = vector.load %arg7[%get3A_9, %get3A_10] : memref<1x1xf32, #tpu.memory_space<vmem>>, vector<1x1xf32>
    %get3A_12 = vector.extract %get3A_11[0, 0] : f32 from vector<1x1xf32>
    %get3A_13 = arith.constant 0 : index
    %get3A_14 = arith.constant 0 : index
    %get3A_15 = vector.load %arg2[%get3A_13, %get3A_14] : memref<1000x128xf32, #tpu.memory_space<vmem>>, vector<1000x128xf32>
    %mul3A = vector.broadcast %get3A_12 : f32 to vector<1000x128xf32>
    %mul3A_16 = arith.mulf %mul3A, %get3A_15 : vector<1000x128xf32>
    %add3A_17 = arith.addf %add3A, %mul3A_16 : vector<1000x128xf32>
    %get3A_18 = arith.constant 0 : index
    %get3A_19 = arith.constant 0 : index
    %get3A_20 = vector.load %arg3[%get3A_18, %get3A_19] : memref<128x128xf32, #tpu.memory_space<vmem>>, vector<128x128xf32>
    %dot_general3A = arith.constant dense<0.000000e+00> : vector<1000x128xf32>
    %dot_general3A_21 = tpu.matmul %add3A_17, %get3A_20, %dot_general3A {dimension_numbers = #tpu.dot_dimension_numbers<[1], [0], [0], [1], [0, 0, 1, 1], [], []>, transpose_lhs_hint = false} : vector<1000x128xf32>, vector<128x128xf32>, vector<1000x128xf32> -> vector<1000x128xf32>
    %get3A_22 = arith.constant 0 : index
    %get3A_23 = arith.constant 0 : index
    %get3A_24 = vector.load %arg4[%get3A_22, %get3A_23] : memref<1x128xf32, #tpu.memory_space<vmem>>, vector<1x128xf32>
    %add3A_25 = vector.broadcast %get3A_24 : vector<1x128xf32> to vector<1000x128xf32>
    %add3A_26 = arith.addf %dot_general3A_21, %add3A_25 : vector<1000x128xf32>
    %max3A = arith.constant 0.000000e+00 : f32
    %max3A_27 = vector.broadcast %max3A : f32 to vector<1000x128xf32>
    %max3A_28 = arith.maximumf %add3A_26, %max3A_27 : vector<1000x128xf32>
    %get3A_29 = arith.constant 0 : index
    %get3A_30 = arith.constant 0 : index
    %get3A_31 = vector.load %arg5[%get3A_29, %get3A_30] : memref<128x128xf32, #tpu.memory_space<vmem>>, vector<128x128xf32>
    %dot_general3A_32 = arith.constant dense<0.000000e+00> : vector<1000x128xf32>
    %dot_general3A_33 = tpu.matmul %max3A_28, %get3A_31, %dot_general3A_32 {dimension_numbers = #tpu.dot_dimension_numbers<[1], [0], [0], [1], [0, 0, 1, 1], [], []>, transpose_lhs_hint = false} : vector<1000x128xf32>, vector<128x128xf32>, vector<1000x128xf32> -> vector<1000x128xf32>
    %get3A_34 = arith.constant 0 : index
    %get3A_35 = arith.constant 0 : index
    %get3A_36 = vector.load %arg6[%get3A_34, %get3A_35] : memref<1x128xf32, #tpu.memory_space<vmem>>, vector<1x128xf32>
    %add3A_37 = vector.broadcast %get3A_36 : vector<1x128xf32> to vector<1000x128xf32>
    %add3A_38 = arith.addf %dot_general3A_33, %add3A_37 : vector<1000x128xf32>
    %swap3A = arith.constant 0 : index
    %swap3A_39 = arith.constant 0 : index
    %swap3A_40 = vector.load %arg8[%swap3A, %swap3A_39] : memref<1000x128xf32, #tpu.memory_space<vmem>>, vector<1000x128xf32>
    tpu.vector_store %arg8[%swap3A, %swap3A_39], %add3A_38 {strides = array<i32>} : memref<1000x128xf32, #tpu.memory_space<vmem>>, vector<1000x128xf32>,
    return
  }
  func.func @transform_0(%arg0: i32) -> (i32, i32, i32) {
    %c0_i32 = arith.constant 0 : i32
    %c0_i32_0 = arith.constant 0 : i32
    %c0_i32_1 = arith.constant 0 : i32
    return %c0_i32, %arg0, %c0_i32_0 : i32, i32, i32
  }
  func.func @transform_1(%arg0: i32) -> (i32, i32) {
    %c0_i32 = arith.constant 0 : i32
    %c0_i32_0 = arith.constant 0 : i32
    return %arg0, %c0_i32 : i32, i32
  }
  func.func @transform_2(%arg0: i32) -> (i32, i32) {
    %c0_i32 = arith.constant 0 : i32
    %c0_i32_0 = arith.constant 0 : i32
    %c0_i32_1 = arith.constant 0 : i32
    return %c0_i32, %c0_i32_0 : i32, i32
  }
  func.func @transform_3(%arg0: i32) -> (i32, i32) {
    %c0_i32 = arith.constant 0 : i32
    %c0_i32_0 = arith.constant 0 : i32
    %c0_i32_1 = arith.constant 0 : i32
    return %c0_i32, %c0_i32_0 : i32, i32
  }
  func.func @transform_4(%arg0: i32) -> (i32, i32) {
    %c0_i32 = arith.constant 0 : i32
    %c0_i32_0 = arith.constant 0 : i32
    %c0_i32_1 = arith.constant 0 : i32
    return %c0_i32, %c0_i32_0 : i32, i32
  }
  func.func @transform_5(%arg0: i32) -> (i32, i32) {
    %c0_i32 = arith.constant 0 : i32
    %c0_i32_0 = arith.constant 0 : i32
    %c0_i32_1 = arith.constant 0 : i32
    return %c0_i32, %c0_i32_0 : i32, i32
  }
  func.func @transform_6(%arg0: i32) -> (i32, i32) {
    %c0_i32 = arith.constant 0 : i32
    %c0_i32_0 = arith.constant 0 : i32
    %c0_i32_1 = arith.constant 0 : i32
    return %c0_i32, %c0_i32_0 : i32, i32
  }
  func.func @transform_7(%arg0: i32) -> (i32, i32) {
    %c0_i32 = arith.constant 0 : i32
    %c0_i32_0 = arith.constant 0 : i32
    return %arg0, %c0_i32 : i32, i32
  }
}

module attributes {stable_mosaic.version = 14 : i64} {
  func.func @_pool_body(%arg0: i32, %arg1: memref<1x1x1000xi32, #tpu.memory_space<vmem>>, %arg2: memref<1000x128xf32, #tpu.memory_space<vmem>>, %arg3: memref<512x128xf32, #tpu.memory_space<vmem>>, %arg4: memref<512x128xf32, #tpu.memory_space<vmem>>, %arg5: memref<512x128xf32, #tpu.memory_space<vmem>>) attributes {dimension_semantics = [#tpu.dimension_semantics<arbitrary>], iteration_bounds = array<i64: 10>, scalar_prefetch = 0 : i64, scratch_operands = 2 : i64, tpu.core_type = #tpu.core_type<tc>, window_params = [{transform_indices = @transform_0, window_bounds = array<i64: 1, 1, 1000>}, {transform_indices = @transform_1, window_bounds = array<i64: 1000, 128>}, {pipeline_mode = #tpu.pipeline_mode<synchronous>, transform_indices = @transform_2, window_bounds = array<i64: 512, 128>}]} {
    %get3A = arith.constant 0 : index
    %get3A_0 = arith.constant 0 : index
    %get3A_1 = arith.constant 0 : index
    %get3A_2 = vector.load %arg1[%get3A, %get3A_0, %get3A_1] : memref<1x1x1000xi32, #tpu.memory_space<vmem>>, vector<1x1x1000xi32>
    %get3A_3 = vector.shape_cast %get3A_2 : vector<1x1x1000xi32> to vector<1000xi32>
    %iota3A = tpu.iota {dimensions = array<i32: 0>} : vector<512x1000xi32>
    %broadcast_in_dim3A = vector.shape_cast %get3A_3 : vector<1000xi32> to vector<1x1000xi32>
    %eq3A = vector.broadcast %broadcast_in_dim3A : vector<1x1000xi32> to vector<512x1000xi32>
    %eq3A_4 = arith.cmpi eq, %eq3A, %iota3A : vector<512x1000xi32>
    %convert_element_type3A = arith.extui %eq3A_4 : vector<512x1000xi1> to vector<512x1000xi32>
    %convert_element_type3A_5 = arith.sitofp %convert_element_type3A : vector<512x1000xi32> to vector<512x1000xf32>
    %get3A_6 = arith.constant 0 : index
    %get3A_7 = arith.constant 0 : index
    %get3A_8 = vector.load %arg2[%get3A_6, %get3A_7] : memref<1000x128xf32, #tpu.memory_space<vmem>>, vector<1000x128xf32>
    %dot_general3A = arith.constant dense<0.000000e+00> : vector<512x128xf32>
    %dot_general3A_9 = tpu.matmul %convert_element_type3A_5, %get3A_8, %dot_general3A {dimension_numbers = #tpu.dot_dimension_numbers<[1], [0], [0], [1], [0, 0, 1, 1], [], []>, transpose_lhs_hint = false} : vector<512x1000xf32>, vector<1000x128xf32>, vector<512x128xf32> -> vector<512x128xf32>
    %reduce_sum3A = arith.constant dense<0.000000e+00> : vector<512xf32>
    %reduce_sum3A_10 = vector.multi_reduction <add>, %convert_element_type3A_5, %reduce_sum3A [1] : vector<512x1000xf32> to vector<512xf32>
    %broadcast_in_dim3A_11 = vector.shape_cast %reduce_sum3A_10 : vector<512xf32> to vector<512x1xf32>
    %broadcast_in_dim3A_12 = vector.shape_cast %broadcast_in_dim3A_11 : vector<512x1xf32> to vector<512x1xf32>
    %broadcast_in_dim3A_13 = vector.broadcast %broadcast_in_dim3A_12 : vector<512x1xf32> to vector<512x128xf32>
    %eq3A_14 = arith.constant 0 : i32
    %eq3A_15 = arith.cmpi eq, %arg0, %eq3A_14 : i32
    %convert_element_type3A_16 = arith.extui %eq3A_15 : i1 to i32
    %cond3A = arith.constant 0 : i32
    %cond3A_17 = arith.cmpi ne, %convert_element_type3A_16, %cond3A : i32
    scf.if %cond3A_17 {
      %swap3A = arith.constant 0 : index
      %swap3A_27 = arith.constant 0 : index
      %swap3A_28 = vector.load %arg4[%swap3A, %swap3A_27] : memref<512x128xf32, #tpu.memory_space<vmem>>, vector<512x128xf32>
      tpu.vector_store %arg4[%swap3A, %swap3A_27], %dot_general3A_9 {strides = array<i32>} : memref<512x128xf32, #tpu.memory_space<vmem>>, vector<512x128xf32>,
      %swap3A_29 = arith.constant 0 : index
      %swap3A_30 = arith.constant 0 : index
      %swap3A_31 = vector.load %arg5[%swap3A_29, %swap3A_30] : memref<512x128xf32, #tpu.memory_space<vmem>>, vector<512x128xf32>
      tpu.vector_store %arg5[%swap3A_29, %swap3A_30], %broadcast_in_dim3A_13 {strides = array<i32>} : memref<512x128xf32, #tpu.memory_space<vmem>>, vector<512x128xf32>,
    } else {
    }
    %gt3A = arith.constant 0 : i32
    %gt3A_18 = arith.cmpi sgt, %arg0, %gt3A : i32
    %convert_element_type3A_19 = arith.extui %gt3A_18 : i1 to i32
    %cond3A_20 = arith.constant 0 : i32
    %cond3A_21 = arith.cmpi ne, %convert_element_type3A_19, %cond3A_20 : i32
    scf.if %cond3A_21 {
      %get3A_27 = arith.constant 0 : index
      %get3A_28 = arith.constant 0 : index
      %get3A_29 = vector.load %arg4[%get3A_27, %get3A_28] : memref<512x128xf32, #tpu.memory_space<vmem>>, vector<512x128xf32>
      %add3A = arith.addf %get3A_29, %dot_general3A_9 : vector<512x128xf32>
      %swap3A = arith.constant 0 : index
      %swap3A_30 = arith.constant 0 : index
      %swap3A_31 = vector.load %arg4[%swap3A, %swap3A_30] : memref<512x128xf32, #tpu.memory_space<vmem>>, vector<512x128xf32>
      tpu.vector_store %arg4[%swap3A, %swap3A_30], %add3A {strides = array<i32>} : memref<512x128xf32, #tpu.memory_space<vmem>>, vector<512x128xf32>,
      %get3A_32 = arith.constant 0 : index
      %get3A_33 = arith.constant 0 : index
      %get3A_34 = vector.load %arg5[%get3A_32, %get3A_33] : memref<512x128xf32, #tpu.memory_space<vmem>>, vector<512x128xf32>
      %add3A_35 = arith.addf %get3A_34, %broadcast_in_dim3A_13 : vector<512x128xf32>
      %swap3A_36 = arith.constant 0 : index
      %swap3A_37 = arith.constant 0 : index
      %swap3A_38 = vector.load %arg5[%swap3A_36, %swap3A_37] : memref<512x128xf32, #tpu.memory_space<vmem>>, vector<512x128xf32>
      tpu.vector_store %arg5[%swap3A_36, %swap3A_37], %add3A_35 {strides = array<i32>} : memref<512x128xf32, #tpu.memory_space<vmem>>, vector<512x128xf32>,
    } else {
    }
    %eq3A_22 = arith.constant 9 : i32
    %eq3A_23 = arith.cmpi eq, %arg0, %eq3A_22 : i32
    %convert_element_type3A_24 = arith.extui %eq3A_23 : i1 to i32
    %cond3A_25 = arith.constant 0 : i32
    %cond3A_26 = arith.cmpi ne, %convert_element_type3A_24, %cond3A_25 : i32
    scf.if %cond3A_26 {
      %get3A_27 = arith.constant 0 : index
      %get3A_28 = arith.constant 0 : index
      %get3A_29 = vector.load %arg4[%get3A_27, %get3A_28] : memref<512x128xf32, #tpu.memory_space<vmem>>, vector<512x128xf32>
      %get3A_30 = arith.constant 0 : index
      %get3A_31 = arith.constant 0 : index
      %get3A_32 = vector.load %arg5[%get3A_30, %get3A_31] : memref<512x128xf32, #tpu.memory_space<vmem>>, vector<512x128xf32>
      %max3A = arith.constant 1.000000e+00 : f32
      %max3A_33 = vector.broadcast %max3A : f32 to vector<512x128xf32>
      %max3A_34 = arith.maximumf %get3A_32, %max3A_33 : vector<512x128xf32>
      %div3A = arith.divf %get3A_29, %max3A_34 : vector<512x128xf32>
      %swap3A = arith.constant 0 : index
      %swap3A_35 = arith.constant 0 : index
      %swap3A_36 = vector.load %arg3[%swap3A, %swap3A_35] : memref<512x128xf32, #tpu.memory_space<vmem>>, vector<512x128xf32>
      tpu.vector_store %arg3[%swap3A, %swap3A_35], %div3A {strides = array<i32>} : memref<512x128xf32, #tpu.memory_space<vmem>>, vector<512x128xf32>,
    } else {
    }
    return
  }
  func.func @transform_0(%arg0: i32) -> (i32, i32, i32) {
    %c0_i32 = arith.constant 0 : i32
    %c0_i32_0 = arith.constant 0 : i32
    %c0_i32_1 = arith.constant 0 : i32
    return %arg0, %c0_i32, %c0_i32_0 : i32, i32, i32
  }
  func.func @transform_1(%arg0: i32) -> (i32, i32) {
    %c0_i32 = arith.constant 0 : i32
    %c0_i32_0 = arith.constant 0 : i32
    return %arg0, %c0_i32 : i32, i32
  }
  func.func @transform_2(%arg0: i32) -> (i32, i32) {
    %c0_i32 = arith.constant 0 : i32
    %c0_i32_0 = arith.constant 0 : i32
    %c0_i32_1 = arith.constant 0 : i32
    return %c0_i32, %c0_i32_0 : i32, i32
  }
}

</mosaic_0001>

<sc_bundles>
// kernel: kernel.12.cloned.1.call-start
scs
__scs_entry_jumppad:
0x0: {  	(pc) =	sbr.rel $0x88, $3  }
0x1: {  	(tag) =	ssettag $0x0;
	lr =	simm.s32 $0x1  }
0x2: {  	[smem:$0x3F97] =	sst lr;
	_ =	strace $0xD0000000  }
0x3: {  	_ = 	snop  }
0x4: {  	_ = 	snop  }
0x5: {  	_ = 	snop  }
0x6: {  	_ = 	snop  }
0x7: {  	_ = 	snop  }
__scs_overlays_trampoline_lowered:
0x8: {  	[smem:$0x3FA6] =	sst s0  }
0x9: {  	[smem:$0x3FA7] =	sst s1  }
0xa: {  	[smem:$0x3FA8] =	sst s2  }
0xb: {  	[smem:$0x3FA9] =	sst s3  }
0xc: {  	[smem:$0x3FAA] =	sst s4  }
0xd: {  	[smem:$0x3FAB] =	sst s5  }
0xe: {  	[smem:$0x3FAC] =	sst s6  }
0xf: {  	[smem:$0x3FAD] =	sst s7  }
0x10: {  	[smem:$0x3FAE] =	sst s8  }
0x11: {  	[smem:$0x3FAF] =	sst s9;
	s0 =	simm.s32 @!p0 $0x0  }
0x12: {  	s1 =	sld [smem:$0x3F95];
	s0 =	simm.s32 @p0 $0x1  }
0x13: {  	[smem:$0x3FB0] =	sst s0;
	s0 =	simm.s32 @!p1 $0x0  }
0x14: {  	s2 =	sld [smem:$0x3F94];
	s0 =	simm.s32 @p1 $0x1  }
0x15: {  	[smem:$0x3FB1] =	sst s0;
	s0 =	simm.s32 @!p2 $0x0  }
0x16: {  	s3 =	sld [smem:$0x3FDB];
	s0 =	simm.s32 @p2 $0x1  }
0x17: {  	s4 =	simm.s32 $0x1BF5;
	[smem:$0x3FB3] =	sst s0  }
0x18: {  	s0 =	sld [smem:$0x3F96];
	_ =	swait.ge [sflag:s4], $0x0  }
0x19: {  	s7 =	sld [smem:$0x3F97]  }
0x1a: {  	s8 =	sadd.s32 $0xFFFFE003, lr  }
0x1b: {  	s9 =	sadd.s32 $0xFFFFFEF7, lr;
	s5 =	simm.s32 $0xFFFFFFFF;
	p2 =	slt.u32 s8, $0xFFFFF086  }
0x1c: {  	p1 =	slt.u32 s9, $0xF7A;
	s5 =	simm.s32 @!p2 $0x0  }
0x1d: {  	s5 =	simm.s32 @p1 $0x1;
	p0 =	seq.s32 s7, s2  }
0x1e: {  	s7 =	smul.u32 @!p0 $0xF7A, s2;
	p2 =	seq.s32 @!p0 s5, $0x0  }
0x1f: {  	s9 =	smul.u32 $0xF7A, s1;
	s8 =	simm.s32 @!p0 $0x1BF5;
	p2 =	por !p2, p0  }
0x20: {  	[sflag:s8] =	ssyncset.s32 @!p0 $0xFFFFF086;
	s6 =	sadd.s32 @!p0 s3, s7;
	s7 =	simm.s32 @!p0 $0x108  }
0x21: {  	s3 =	sadd.s32 s3, s9;
	s6 =	sadd.s32 @!p0 $0x88, s6;
	s7 =	simm.s32 @p2 $0x1082  }
0x22: {  	[simem:s7], [sflag:s8] =	dma.local @!p0 [hbm:s6], $0xF7A  }
0x23: {  	s9 =	sor.u32 $0xD0000000, s2;
	s6 =	simm.s32 $0x108;
	_ =	swait.ge @!p0 [sflag:s8], $0x0  }
0x24: {  	s3 =	sadd.s32 $0x88, s3;
	s6 =	simm.s32 @!p1 $0x1082;
	[sflag:s4] =	ssyncset.s32 $0xFFFFF086  }
0x25: {  	[simem:s6], [sflag:s4] =	dma.local [hbm:s3], $0xF7A  }
0x26: {  	[smem:$0x3F97] =	sst s1;
	(tag) =	ssettag s2;
	_ =	strace s9  }
0x27: {  	s1 =	sld [smem:$0x3FA7]  }
0x28: {  	s2 =	sld [smem:$0x3FA8]  }
0x29: {  	s4 =	sld [smem:$0x3FAA]  }
0x2a: {  	p0 =	seq.s32 s5, $0x0;
	s5 =	sld [smem:$0x3FAB]  }
0x2b: {  	s6 =	sld [smem:$0x3FAC]  }
0x2c: {  	s7 =	sld [smem:$0x3FAD]  }
0x2d: {  	s3 =	simm.s32 $0x108;
	s8 =	sld [smem:$0x3FAE]  }
0x2e: {  	s3 =	simm.s32 @!p0 $0x1082;
	s9 =	sld [smem:$0x3FAF]  }
0x2f: {  	lr =	sadd.s32 s0, s3;
	s0 =	sld [smem:$0x3FA6]  }
0x30: {  	s3 =	sld [smem:$0x3FA9]  }
0x31: {  	[smem:$0x3FB2] =	sst s10  }
0x32: {  	s10 =	sld [smem:$0x3FB0];
	_ =	sdelay $0x3  }
0x33: {  	p0 =	seq.s32 s10, $0x1;
	s10 =	sld [smem:$0x3FB2];
	_ =	sdelay $0x3  }
0x34: {  	[smem:$0x3FB2] =	sst s10  }
0x35: {  	s10 =	sld [smem:$0x3FB1];
	_ =	sdelay $0x3  }
0x36: {  	p1 =	seq.s32 s10, $0x1;
	s10 =	sld [smem:$0x3FB2];
	_ =	sdelay $0x3  }
0x37: {  	[smem:$0x3FB2] =	sst s10  }
0x38: {  	s10 =	sld [smem:$0x3FB3]  }
0x39: {  	_ = 	snop;
	(pc) =	sbr.ind lr, $3  }
0x3a: {  	_ = 	snop  }
0x3b: {  	_ = 	snop  }
0x3c: {  	p2 =	seq.s32 s10, $0x1;
	s10 =	sld [smem:$0x3FB2]  }
0x3d: {  	_ =	shalt  }
0x3e: {  	_ =	shalt  }
0x3f: {  	_ =	shalt  }
0x40: {  	_ =	shalt  }
0x41: {  	_ =	shalt  }
0x42: {  	_ =	shalt  }
0x43: {  	_ =	shalt  }
0x44: {  	_ =	shalt  }
0x45: {  	_ =	shalt  }
0x46: {  	_ =	shalt  }
0x47: {  	_ =	shalt  }
0x48: {  	_ =	shalt  }
0x49: {  	_ =	shalt  }
0x4a: {  	_ =	shalt  }
0x4b: {  	_ =	shalt  }
0x4c: {  	_ =	shalt  }
0x4d: {  	_ =	shalt  }
0x4e: {  	_ =	shalt  }
0x4f: {  	_ =	shalt  }
0x50: {  	_ =	shalt  }
0x51: {  	_ =	shalt  }
0x52: {  	_ =	shalt  }
0x53: {  	_ =	shalt  }
0x54: {  	_ =	shalt  }
0x55: {  	_ =	shalt  }
0x56: {  	_ =	shalt  }
0x57: {  	_ =	shalt  }
0x58: {  	_ =	shalt  }
0x59: {  	_ =	shalt  }
0x5a: {  	_ =	shalt  }
0x5b: {  	_ =	shalt  }
0x5c: {  	_ =	shalt  }
0x5d: {  	_ =	shalt  }
0x5e: {  	_ =	shalt  }
0x5f: {  	_ =	shalt  }
0x60: {  	_ =	shalt  }
0x61: {  	_ =	shalt  }
0x62: {  	_ =	shalt  }
0x63: {  	_ =	shalt  }
0x64: {  	_ =	shalt  }
0x65: {  	_ =	shalt  }
0x66: {  	_ =	shalt  }
0x67: {  	_ =	shalt  }
0x68: {  	_ =	shalt  }
0x69: {  	_ =	shalt  }
0x6a: {  	_ =	shalt  }
0x6b: {  	_ =	shalt  }
0x6c: {  	_ =	shalt  }
0x6d: {  	_ =	shalt  }
0x6e: {  	_ =	shalt  }
0x6f: {  	_ =	shalt  }
0x70: {  	_ =	shalt  }
0x71: {  	_ =	shalt  }
0x72: {  	_ =	shalt  }
0x73: {  	_ =	shalt  }
0x74: {  	_ =	shalt  }
0x75: {  	_ =	shalt  }
0x76: {  	_ =	shalt  }
0x77: {  	_ =	shalt  }
0x78: {  	_ =	shalt  }
0x79: {  	_ =	shalt  }
0x7a: {  	_ =	shalt  }
0x7b: {  	_ =	shalt  }
0x7c: {  	_ =	shalt  }
0x7d: {  	_ =	shalt  }
0x7e: {  	_ =	shalt  }
0x7f: {  	_ =	shalt  }
0x80: {  	_ =	shalt  }
0x81: {  	_ =	shalt  }
0x82: {  	_ =	shalt  }
0x83: {  	_ =	shalt  }
0x84: {  	_ =	shalt  }
0x85: {  	_ =	shalt  }
0x86: {  	_ =	shalt  }
0x87: {  	_ =	shalt  }
.Lfunc_end0:
.L_simem_size_0:
called_computation_lowered:
.L_overlay_start_0:
0x88: {  	s2 =	sld [smem:$0x3FD9]  }
0x89: {  	s3 =	sld [smem:$0x3FFE];
	_ =	sdelay $0x1  }
0x8a: {  	s1 =	srdreg.scid  }
0x8b: {  	s0 =	sand.u32 $0x1, s1  }
0x8c: {  	s17 =	sshll.u32 s0, $0xA;
	s2 =	sadd.s32 s3, s2  }
0x8d: {  	s2 =	sadd.s32 s2, s17  }
0x8e: {  	[smem:$0x3FBE] =	sst s2  }
0x8f: {  	_ = 	snop  }
0x90: {  	s2 =	sld [smem:$0x3FC9];
	(tm) =	ssettm $0x1  }
0x91: {  	s18 =	sld [smem:$0x3FFB];
	_ =	sdelay $0x3  }
0x92: {  	_ =	strace s18  }
0x93: {  	s3 =	sld [smem:$0x3FFC];
	_ =	sdelay $0x3  }
0x94: {  	_ =	strace s3  }
0x95: {  	s3 =	sld [smem:$0x3FFD];
	_ =	sdelay $0x3  }
0x96: {  	_ =	strace s3  }
0x97: {  	_ =	strace $0x8FFFFFFF  }
0x98: {  	s19 =	sld [smem:$0x3FDB];
	_ =	sdelay $0x1  }
0x99: {  	s4 =	simm.s32 $_scs_section_size  }
0x9a: {  	s5 =	simm.s32 $_size__tile_overlayer_lowered;
	s6 =	simm.s32 $_tile_overlayer_lowered  }
0x9b: {  	s22 =	simm.s32 $0x1BFF;
	s21 =	sshll.u32 s6, $0x1;
	s3 =	sadd.s32 s4, s19  }
0x9c: {  	s7 =	simm.s32 $0x0;
	s20 =	sshll.u32 s5, $0x1;
	s5 =	sadd.s32 s21, s3  }
0x9d: {  	[timem:s7], [sflag:s22] =	dma.local [hbm:s5], s20  }
0x9e: {  	_ =	swait.ge [sflag:s22], s20  }
0x9f: {  	s4 =	ssub.s32 $0x0, s20;
	[sflag:s22] =	ssyncset.done $0x0  }
0xa0: {  	[sflag:s22] =	ssyncadd.s32 s4;
	_ =	sdelay $0x1  }
0xa1: {  	s23 =	simm.s32 $0x1B8B  }
0xa2: {  	_ =	swait.ge [sflag:s23], $0x1  }
0xa3: {  	[sflag:s23] =	ssyncset.done $0x0  }
0xa4: {  	s25 =	simm.s32 $0x1B8E;
	s24 =	sld [smem:$0x3FFE];
	[sflag:s23] =	ssyncadd.s32 $0xFFFFFFFF  }
0xa5: {  	s26 =	simm.s32 $execute0_lowered;
	[smem:$0x3FD2] =	sst s25  }
0xa6: {  	s5 =	sshll.u32 s26, $0x1;
	_ =	strace $0x80000046;
	[dreg:$0x1] =	wrdreg $0xFFFFFFFF  }
0xa7: {  	s28 =	simm.s32 $_size_execute0_lowered;
	s3 =	sadd.s32 s3, s5;
	[dreg:$0x0] =	wrdreg $0x0  }
0xa8: {  	s5 =	sshll.u32 s28, $0x1;
	[dreg:$0x2] =	wrdreg s3  }
0xa9: {  	[dreg:$0x3] =	wrdreg s5  }
0xaa: {  	[dreg:$0x4] =	wrdreg $0xC0  }
0xab: {  	_ =	task [dreg:s7], $0x5FFFF  }
0xac: {  	[dreg:$0x1] =	wrdreg $0xFFFFFFFF  }
0xad: {  	[dreg:$0x0] =	wrdreg $0x60  }
0xae: {  	[dreg:$0x2] =	wrdreg s2  }
0xaf: {  	[dreg:$0x3] =	wrdreg s24  }
0xb0: {  	[dreg:$0x4] =	wrdreg $0x0  }
0xb1: {  	[dreg:$0x5] =	wrdreg $0x9  }
0xb2: {  	_ =	task.clear_ibuf [dreg:s7], $0x6FFFF;
	_ =	strace $0x90000046  }
0xb3: {  	s29 =	simm.s32 $0x9;
	_ =	strace $0x80000048  }
0xb4: {  	_ =	swait.ge [sflag:s29], $0x1  }
0xb5: {  	[sflag:s29] =	ssyncadd.s32 $0xFFFFFFFF  }
0xb6: {  	_ =	strace $0x90000048  }
0xb7: {  	_ =	sfence  }
0xb8: {  	s30 =	sld [smem:$0x0];
	_ =	sdelay $0x2  }
0xb9: {  	s31 =	sshll.u32 s1, $0xD;
	s1 =	sshrl.u32 s1, $0x2  }
0xba: {  	s3 =	sand.u32 $0x4000, s31;
	s1 =	sadd.s32 s1, s30  }
0xbb: {  	s0 =	sor.u32 s3, s0;
	s1 =	sshll.u32 s1, $0x11  }
0xbc: {  	s0 =	sor.u32 s1, s0  }
0xbd: {  	s0 =	sadd.s32 $0x8F2B, s0  }
0xbe: {  	[sflag:s0] =	ssyncadd.remote.s32 $0x1  }
0xbf: {  	_ =	sfence.sel $0xFFFF  }
0xc0: {  	[dreg:$0x0] =	wrdreg $0xFFFFFFFF;
	(pc) =	sbr.abs _section_cstart, $3  }
0xc1: {  	[dreg:$0x1] =	wrdreg $0xFFFFFFFF  }
0xc2: {  	_ =	task.clear_ibuf [dreg:s7], $0x2FFFF;
	_ =	strace $0x9FFFFFFF  }
0xc3: {  	(tm) =	ssettm $0x7FFFFFFF  }
tec
execute0_lowered:
.L_overlay_start_1:
0x0: {  	(tag) =	ssettag $0x1  }
0x1: {  	s1 =	rddreg [dreg:$0x0]  }
0x2: {  	s0 =	rddreg [dreg:$0x1]  }
0x3: {  	s3 =	rddreg [dreg:$0x2];
	s4 =	simm.s32 $0x0;
	s19 =	stileid.u32  }
0x4: {  	s17 =	srdreg.scid;
	s28 =	simm.s32 $0x16A80;
	s29 =	simm.s32 $0x1CA80  }
0x5: {  	s30 =	simm.s32 $0x1;
	[smem:$0x7FF] =	sst s4;
	s2 =	smul.u32 $0x13800, s19  }
0x6: {  	s31 =	simm.s32 $0x3;
	s5 =	sadd.s32 $0x4FA600, s0;
	s6 =	sadd.s32 $0x4E6200, s0  }
0x7: {  	s7 =	sadd.s32 $0x4F0400, s0;
	s11 =	sand.u32 $0x1, s17;
	s18 =	sshll.u32 s19, $0x1  }
0x8: {  	s10 =	smul.u32 $0x4E000, s19;
	s12 =	sadd.s32 $0xA25800, s0;
	s21 =	sshll.u32 s19, $0x6  }
0x9: {  	p0 =	sne.s32 s19, $0xF;
	s14 =	sor.u32 s11, s18;
	s23 =	smul.u32 $0x138800, s11  }
0xa: {  	_ =	strace $0x80000047;
	s13 =	ssub.s32 $0x2, s11;
	s16 =	smul.u32 $0x504, s14  }
0xb: {  	s8 =	sshrl.u32 s2, $0x3;
	s15 =	sshrl.u32 s13, $0x1;
	s17 =	smul.u32 $0x28200, s14  }
0xc: {  	s10 =	sshrl.u32 s10, $0x2;
	s18 =	smul.u32 $0x2820, s14;
	s9 =	sadd.s32 s8, s0  }
0xd: {  	s8 =	smul.u32 $0x6B, s14;
	s13 =	ssub.s32 s13, s15;
	s20 =	sadd.s32 s10, s3  }
0xe: {  	s10 =	sor.u32 $0x1C05, s21;
	s0 =	sadd.s32 $0xA25600, s0;
	s2 =	sadd.s32 s2, s23  }
0xf: {  	s9 =	sadd.s32 $0x9FE600, s9;
	[dreg:$0x5] =	wrdreg s0;
	s22 =	sadd.s32 s6, s16  }
0x10: {  	s24 =	sadd.s32 s5, s17;
	s25 =	sshrl.u32 s18, $0x3;
	s0 =	sshrl.u32 s23, $0x3  }
0x11: {  	s2 =	sshrl.u32 s2, $0x3;
	s26 =	smax.u32 s13, $0x1;
	[dreg:$0x4] =	wrdreg s9  }
0x12: {  	s16 =	sshrl.u32 s20, $0x3;
	s20 =	simm.s32 $0x5;
	[dreg:$0x6] =	wrdreg s22  }
0x13: {  	s23 =	simm.s32 $0x60;
	s9 =	sadd.s32 $0x138000, s3;
	[dreg:$0x7] =	wrdreg s24  }
0x14: {  	s14 =	sadd.s32 $0x2, s8;
	s11 =	sadd.s32 s7, s25;
	s0 =	sadd.s32 s12, s0  }
0x15: {  	s2 =	sadd.s32 s12, s2;
	[dreg:$0xb] =	wrdreg s26;
	s22 =	simm.s32 $0x13880  }
0x16: {  	s24 =	simm.s32 $0x13A80;
	s25 =	simm.s32 $0x19A80;
	s26 =	simm.s32 $0x13900  }
0x17: {  	s12 =	simm.s32 $0x0;
	s11 =	sadd.s32 $0x4F8, s11;
	[dreg:$0x9] =	wrdreg s2  }
0x18: {  	s0 =	sadd.s32 $0x27000, s0;
	s17 =	sshrl.u32 @!p0 s9, $0x3;
	[dreg:$0x8] =	wrdreg s11  }
0x19: {  	s2 =	simm.s32 $0x2;
	s9 =	simm.s32 $0x4;
	[dreg:$0xa] =	wrdreg s0  }
0x1a: {  	s0 =	simm.s32 $0x13980;
	s11 =	simm.s32 $0x13A00;
	[dreg:$0xc] =	wrdreg s17  }
.LBB2_1:
0x1b: {  	s13 =	rddreg [dreg:$0x4]  }
0x1c: {  	[spmem:s16], [sflag:s10] =	dma.local [hbm:s13], $0x2700  }
0x1d: {  	_ =	swait.ge [sflag:s20], $0x2700  }
0x1e: {  	[sflag:s20] =	ssyncset.done $0x0  }
0x1f: {  	s13 =	rddreg [dreg:$0x5];
	[sflag:s20] =	ssyncadd.s32 $0xFFFFD900  }
0x20: {  	[spmem:s17], [sflag:s10] =	dma.local @!p0 [hbm:s13], $0x100  }
0x21: {  	s13 =	simm.s32 @!p0 $0x5  }
0x22: {  	_ =	swait.ge @!p0 [sflag:s13], $0x100  }
0x23: {  	[sflag:s13] =	ssyncset.done @!p0 $0x0  }
0x24: {  	[sflag:s13] =	ssyncadd.s32 @!p0 $0xFFFFFF00  }
0x25: {  	[bflag:$0x0] =	sbarrier.arrive $0xFFFF  }
0x26: {  	s18 =	rddreg [dreg:$0x6]  }
0x27: {  	[tilespmem:s22], [sflag:$0x5] =	stream.linear.gather [hbm4b:s18+s4], $0x60, $0x38;
	[tilespmem:$0x1FA80] =	vst v63  }
0x28: {  	_ =	swait.ge [sflag:s20], $0x60  }
0x29: {  	[sflag:s20] =	ssyncset.done $0x0  }
0x2a: {  	[sflag:s20] =	ssyncadd.s32 $0xFFFFFFA0  }
0x2b: {  	[tilespmem:s24], [sflag:$0x1] =	stream.indirect.gather [hbm4b:s1+s23], $0x80, s22, s23, $0xb8;
	[tilespmem:$0x1FA80] =	vst v63  }
0x2c: {  	s21 =	smov.u32 s16;
	s13 =	simm.s32 $0x0;
	s19 =	rddreg [dreg:$0x7]  }
0x2d: {  	[tilespmem:s25], [sflag:$0x3] =	stream.linear.gather [hbm4b:s19+s4], $0x3000, $0x38;
	[tilespmem:$0x1FA80] =	vst v63  }
.LBB2_2:
0x2e: {  	s16 =	sshll.u32 s13, $0x1  }
0x2f: {  	s15 =	sadd.s32 s16, s8  }
0x30: {  	s17 =	sadd.s32 $0x1, s15  }
0x31: {  	s15 =	smul.u32 $0xC, s17;
	_ =	sdelay $0x1  }
0x32: {  	s19 =	simm.s32 $0x0;
	s18 =	sadd.s32 s6, s15  }
0x33: {  	[tilespmem:s26], [sflag:$0x5] =	stream.linear.gather [hbm4b:s18+s19], $0x60, $0x38;
	[tilespmem:$0x1FA80] =	vst v63  }
0x34: {  	_ =	swait.ge [sflag:s20], $0x60  }
0x35: {  	[sflag:s20] =	ssyncset.done $0x0  }
0x36: {  	s17 =	smul.u32 $0x600, s17;
	[sflag:s20] =	ssyncadd.s32 $0xFFFFFFA0  }
0x37: {  	[tilespmem:s28], [sflag:$0x2] =	stream.indirect.gather [hbm4b:s1+s23], $0x80, s26, s23, $0xb8;
	[tilespmem:$0x1FA80] =	vst v63  }
0x38: {  	s17 =	sadd.s32 s5, s17  }
0x39: {  	[tilespmem:s29], [sflag:$0x4] =	stream.linear.gather [hbm4b:s17+s19], $0x3000, $0x38;
	[tilespmem:$0x1FA80] =	vst v63  }
0x3a: {  	_ =	swait.ge [sflag:s30], $0x3000  }
0x3b: {  	[sflag:s30] =	ssyncset.done $0x0  }
0x3c: {  	[sflag:s30] =	ssyncadd.s32 $0xFFFFD000  }
0x3d: {  	_ =	swait.ge [sflag:s31], $0x3000  }
0x3e: {  	[sflag:s31] =	ssyncset.done $0x0  }
0x3f: {  	s17 =	simm.s32 $0x0;
	[sflag:s31] =	ssyncadd.s32 $0xFFFFD000  }
0x40: {  	v6 =	vld [tilespmem:s17+$0x19A80]  }
0x41: {  	v11 =	vld [tilespmem:s17+$0x19A90]  }
0x42: {  	v5 =	vld [tilespmem:s17+$0x19AA0]  }
0x43: {  	v4 =	vld [tilespmem:s17+$0x19AB0]  }
0x44: {  	v3 =	vld [tilespmem:s17+$0x19AC0]  }
0x45: {  	v2 =	vld [tilespmem:s17+$0x19AD0]  }
0x46: {  	v1 =	vld [tilespmem:s17+$0x19AE0]  }
0x47: {  	v0 =	vld [tilespmem:s17+$0x19AF0]  }
0x48: {  	v12 =	vld [tilespmem:s17+$0x13A80]  }
0x49: {  	v13 =	vld [tilespmem:s17+$0x13A90]  }
0x4a: {  	v10 =	vld [tilespmem:s17+$0x13AA0]  }
0x4b: {  	v9 =	vld [tilespmem:s17+$0x13AB0]  }
0x4c: {  	v8 =	vld [tilespmem:s17+$0x13AC0]  }
0x4d: {  	v7 =	vld [tilespmem:s17+$0x13AD0];
	v12 =	vadd.f32 v6, v12  }
0x4e: {  	s18 =	simm.s32 $0x200;
	v11 =	vadd.f32 v11, v13;
	v6 =	vld [tilespmem:s17+$0x13AE0]  }
.LBB2_3:
0x4f: {  	s19 =	sshra.s32 s18, $0x2;
	p1 =	sne.s32 s18, $0xBE00;
	v12 =	vmax.f32 v12, $0.0e+00;
	v5 =	vadd.f32 v5, v10;
	v10 =	vld [tilespmem:s17+$0x13AF0]  }
0x50: {  	v13 =	vld [tilespmem:s19+$0x19A80];
	[tilespmem:s17+$0x13A80] =	vst v12;
	v11 =	vmax.f32 v11, $0.0e+00;
	v4 =	vadd.f32 v4, v9  }
0x51: {  	v14 =	vld [tilespmem:s19+$0x19A90];
	[tilespmem:s17+$0x13A90] =	vst v11;
	v9 =	vmax.f32 v5, $0.0e+00;
	v3 =	vadd.f32 v3, v8  }
0x52: {  	v5 =	vld [tilespmem:s19+$0x19AA0];
	[tilespmem:s17+$0x13AA0] =	vst v9;
	v8 =	vmax.f32 v4, $0.0e+00;
	v2 =	vadd.f32 v2, v7  }
0x53: {  	v4 =	vld [tilespmem:s19+$0x19AB0];
	[tilespmem:s17+$0x13AB0] =	vst v8;
	v7 =	vmax.f32 v3, $0.0e+00;
	v1 =	vadd.f32 v1, v6  }
0x54: {  	v3 =	vld [tilespmem:s19+$0x19AC0];
	[tilespmem:s17+$0x13AC0] =	vst v7;
	v6 =	vmax.f32 v2, $0.0e+00;
	v0 =	vadd.f32 v0, v10  }
0x55: {  	v2 =	vld [tilespmem:s19+$0x19AD0];
	[tilespmem:s17+$0x13AD0] =	vst v6;
	v6 =	vmax.f32 v1, $0.0e+00  }
0x56: {  	v1 =	vld [tilespmem:s19+$0x19AE0];
	[tilespmem:s17+$0x13AE0] =	vst v6;
	v6 =	vmax.f32 v0, $0.0e+00  }
0x57: {  	v0 =	vld [tilespmem:s19+$0x19AF0];
	[tilespmem:s17+$0x13AF0] =	vst v6;
	s17 =	smov.u32 s19  }
0x58: {  	v6 =	vld [tilespmem:s17+$0x13A80]  }
0x59: {  	v11 =	vld [tilespmem:s17+$0x13A90]  }
.Ltmp0:
0x5a: {  	v10 =	vld [tilespmem:s17+$0x13AA0];
	(pc) =	sbr.rel @p1 .LBB2_3-.Ltmp0, $4  }
0x5b: {  	v9 =	vld [tilespmem:s17+$0x13AB0]  }
0x5c: {  	v8 =	vld [tilespmem:s17+$0x13AC0]  }
0x5d: {  	v12 =	vadd.f32 v13, v6;
	v7 =	vld [tilespmem:s17+$0x13AD0]  }
0x5e: {  	s18 =	sadd.s32 $0x200, s18;
	v11 =	vadd.f32 v14, v11;
	v6 =	vld [tilespmem:s17+$0x13AE0]  }
0x5f: {  	v12 =	vmax.f32 v12, $0.0e+00;
	v5 =	vadd.f32 v5, v10;
	v10 =	vld [tilespmem:s17+$0x13AF0]  }
0x60: {  	[tilespmem:s17+$0x13A80] =	vst v12;
	v11 =	vmax.f32 v11, $0.0e+00;
	v4 =	vadd.f32 v4, v9  }
0x61: {  	[tilespmem:s17+$0x13A90] =	vst v11;
	v5 =	vmax.f32 v5, $0.0e+00;
	v3 =	vadd.f32 v3, v8  }
0x62: {  	[tilespmem:s17+$0x13AA0] =	vst v5;
	v4 =	vmax.f32 v4, $0.0e+00;
	v2 =	vadd.f32 v2, v7  }
0x63: {  	[tilespmem:s17+$0x13AB0] =	vst v4;
	v3 =	vmax.f32 v3, $0.0e+00;
	v1 =	vadd.f32 v1, v6  }
0x64: {  	s18 =	sadd.s32 s8, s16;
	[tilespmem:s17+$0x13AC0] =	vst v3;
	v2 =	vmax.f32 v2, $0.0e+00;
	v0 =	vadd.f32 v0, v10  }
0x65: {  	s18 =	smul.u32 $0xC, s18;
	[tilespmem:s17+$0x13AD0] =	vst v2;
	v1 =	vmax.f32 v1, $0.0e+00  }
0x66: {  	[tilespmem:s17+$0x13AE0] =	vst v1;
	v0 =	vmax.f32 v0, $0.0e+00  }
0x67: {  	s19 =	sadd.s32 s7, s18;
	s18 =	simm.s32 $0x0;
	[tilespmem:s17+$0x13AF0] =	vst v0  }
0x68: {  	[tilespmem:s0], [sflag:$0x5] =	stream.linear.gather [hbm4b:s19+s18], $0x60, $0x38;
	[tilespmem:$0x1FA80] =	vst v63  }
0x69: {  	_ =	swait.ge [sflag:s20], $0x60  }
0x6a: {  	[sflag:s20] =	ssyncset.done $0x0  }
0x6b: {  	s16 =	sadd.s32 s16, s14;
	[sflag:s20] =	ssyncadd.s32 $0xFFFFFFA0  }
0x6c: {  	[spmem:s3] =	stream.indirect.scatter.add.f32 [tilespmem:s24], [sflag:$0x5], $0x80, s0, s23, $0xb8;
	[tilespmem:$0x1FA80] =	vst v63  }
0x6d: {  	s19 =	smul.u32 $0xC, s16;
	_ =	swait.ge [sflag:s20], $0x3000  }
0x6e: {  	[sflag:s20] =	ssyncset.done $0x0  }
0x6f: {  	s17 =	sadd.s32 s6, s19;
	[sflag:s20] =	ssyncadd.s32 $0xFFFFD000  }
0x70: {  	[tilespmem:s22], [sflag:$0x5] =	stream.linear.gather [hbm4b:s17+s18], $0x60, $0x38;
	[tilespmem:$0x1FA80] =	vst v63  }
0x71: {  	_ =	swait.ge [sflag:s20], $0x60  }
0x72: {  	[sflag:s20] =	ssyncset.done $0x0  }
0x73: {  	s16 =	smul.u32 $0x600, s16;
	[sflag:s20] =	ssyncadd.s32 $0xFFFFFFA0  }
0x74: {  	[tilespmem:s24], [sflag:$0x1] =	stream.indirect.gather [hbm4b:s1+s23], $0x80, s22, s23, $0xb8;
	[tilespmem:$0x1FA80] =	vst v63  }
0x75: {  	s16 =	sadd.s32 s5, s16  }
0x76: {  	[tilespmem:s25], [sflag:$0x3] =	stream.linear.gather [hbm4b:s16+s18], $0x3000, $0x38;
	[tilespmem:$0x1FA80] =	vst v63  }
0x77: {  	_ =	swait.ge [sflag:s2], $0x3000  }
0x78: {  	[sflag:s2] =	ssyncset.done $0x0  }
0x79: {  	[sflag:s2] =	ssyncadd.s32 $0xFFFFD000  }
0x7a: {  	_ =	swait.ge [sflag:s9], $0x3000  }
0x7b: {  	[sflag:s9] =	ssyncset.done $0x0  }
0x7c: {  	s16 =	simm.s32 $0x0;
	[sflag:s9] =	ssyncadd.s32 $0xFFFFD000  }
0x7d: {  	v6 =	vld [tilespmem:s16+$0x1CA80]  }
0x7e: {  	v11 =	vld [tilespmem:s16+$0x1CA90]  }
0x7f: {  	v5 =	vld [tilespmem:s16+$0x1CAA0]  }
0x80: {  	v4 =	vld [tilespmem:s16+$0x1CAB0]  }
0x81: {  	v3 =	vld [tilespmem:s16+$0x1CAC0]  }
0x82: {  	v2 =	vld [tilespmem:s16+$0x1CAD0]  }
0x83: {  	v1 =	vld [tilespmem:s16+$0x1CAE0]  }
0x84: {  	v0 =	vld [tilespmem:s16+$0x1CAF0]  }
0x85: {  	v12 =	vld [tilespmem:s16+$0x16A80]  }
0x86: {  	v13 =	vld [tilespmem:s16+$0x16A90]  }
0x87: {  	v10 =	vld [tilespmem:s16+$0x16AA0]  }
0x88: {  	v9 =	vld [tilespmem:s16+$0x16AB0]  }
0x89: {  	v8 =	vld [tilespmem:s16+$0x16AC0]  }
0x8a: {  	v7 =	vld [tilespmem:s16+$0x16AD0];
	v12 =	vadd.f32 v6, v12  }
0x8b: {  	s17 =	simm.s32 $0x200;
	v11 =	vadd.f32 v11, v13;
	v6 =	vld [tilespmem:s16+$0x16AE0]  }
.LBB2_5:
0x8c: {  	s18 =	sshra.s32 s17, $0x2;
	p1 =	sne.s32 s17, $0xBE00;
	v12 =	vmax.f32 v12, $0.0e+00;
	v5 =	vadd.f32 v5, v10;
	v10 =	vld [tilespmem:s16+$0x16AF0]  }
0x8d: {  	v13 =	vld [tilespmem:s18+$0x1CA80];
	[tilespmem:s16+$0x16A80] =	vst v12;
	v11 =	vmax.f32 v11, $0.0e+00;
	v4 =	vadd.f32 v4, v9  }
0x8e: {  	v14 =	vld [tilespmem:s18+$0x1CA90];
	[tilespmem:s16+$0x16A90] =	vst v11;
	v9 =	vmax.f32 v5, $0.0e+00;
	v3 =	vadd.f32 v3, v8  }
0x8f: {  	v5 =	vld [tilespmem:s18+$0x1CAA0];
	[tilespmem:s16+$0x16AA0] =	vst v9;
	v8 =	vmax.f32 v4, $0.0e+00;
	v2 =	vadd.f32 v2, v7  }
0x90: {  	v4 =	vld [tilespmem:s18+$0x1CAB0];
	[tilespmem:s16+$0x16AB0] =	vst v8;
	v7 =	vmax.f32 v3, $0.0e+00;
	v1 =	vadd.f32 v1, v6  }
0x91: {  	v3 =	vld [tilespmem:s18+$0x1CAC0];
	[tilespmem:s16+$0x16AC0] =	vst v7;
	v6 =	vmax.f32 v2, $0.0e+00;
	v0 =	vadd.f32 v0, v10  }
0x92: {  	v2 =	vld [tilespmem:s18+$0x1CAD0];
	[tilespmem:s16+$0x16AD0] =	vst v6;
	v6 =	vmax.f32 v1, $0.0e+00  }
0x93: {  	v1 =	vld [tilespmem:s18+$0x1CAE0];
	[tilespmem:s16+$0x16AE0] =	vst v6;
	v6 =	vmax.f32 v0, $0.0e+00  }
0x94: {  	v0 =	vld [tilespmem:s18+$0x1CAF0];
	[tilespmem:s16+$0x16AF0] =	vst v6;
	s16 =	smov.u32 s18  }
0x95: {  	v6 =	vld [tilespmem:s16+$0x16A80]  }
0x96: {  	v11 =	vld [tilespmem:s16+$0x16A90]  }
.Ltmp1:
0x97: {  	v10 =	vld [tilespmem:s16+$0x16AA0];
	(pc) =	sbr.rel @p1 .LBB2_5-.Ltmp1, $4  }
0x98: {  	v9 =	vld [tilespmem:s16+$0x16AB0]  }
0x99: {  	v8 =	vld [tilespmem:s16+$0x16AC0]  }
0x9a: {  	v12 =	vadd.f32 v13, v6;
	v7 =	vld [tilespmem:s16+$0x16AD0]  }
0x9b: {  	s17 =	sadd.s32 $0x200, s17;
	v11 =	vadd.f32 v14, v11;
	v6 =	vld [tilespmem:s16+$0x16AE0]  }
0x9c: {  	v12 =	vmax.f32 v12, $0.0e+00;
	v5 =	vadd.f32 v5, v10;
	v63 =	vld [tilespmem:s16+$0x16AF0]  }
0x9d: {  	[tilespmem:s16+$0x16A80] =	vst v12;
	v11 =	vmax.f32 v11, $0.0e+00;
	v4 =	vadd.f32 v4, v9  }
0x9e: {  	[tilespmem:s16+$0x16A90] =	vst v11;
	v5 =	vmax.f32 v5, $0.0e+00;
	v3 =	vadd.f32 v3, v8  }
0x9f: {  	[tilespmem:s16+$0x16AA0] =	vst v5;
	v4 =	vmax.f32 v4, $0.0e+00;
	v2 =	vadd.f32 v2, v7  }
0xa0: {  	[tilespmem:s16+$0x16AB0] =	vst v4;
	v3 =	vmax.f32 v3, $0.0e+00;
	v1 =	vadd.f32 v1, v6  }
0xa1: {  	[tilespmem:s16+$0x16AC0] =	vst v3;
	v2 =	vmax.f32 v2, $0.0e+00;
	v0 =	vadd.f32 v0, v63  }
0xa2: {  	[tilespmem:s16+$0x16AD0] =	vst v2;
	v1 =	vmax.f32 v1, $0.0e+00  }
0xa3: {  	[tilespmem:s16+$0x16AE0] =	vst v1;
	v0 =	vmax.f32 v0, $0.0e+00  }
0xa4: {  	s15 =	sadd.s32 s7, s15;
	[tilespmem:s16+$0x16AF0] =	vst v0  }
0xa5: {  	[tilespmem:s11], [sflag:$0x5] =	stream.linear.gather [hbm4b:s15+s4], $0x60, $0x38;
	[tilespmem:$0x1FA80] =	vst v63  }
0xa6: {  	s13 =	sadd.s32 $0x1, s13;
	_ =	swait.ge [sflag:s20], $0x60  }
0xa7: {  	p1 =	sne.s32 s13, $0x35;
	[sflag:s20] =	ssyncset.done $0x0  }
.Ltmp2:
0xa8: {  	[sflag:s20] =	ssyncadd.s32 $0xFFFFFFA0;
	(pc) =	sbr.rel @p1 .LBB2_2-.Ltmp2, $4  }
0xa9: {  	[spmem:s3] =	stream.indirect.scatter.add.f32 [tilespmem:s28], [sflag:$0x5], $0x80, s11, s23, $0xb8;
	[tilespmem:$0x1FA80] =	vst v63  }
0xaa: {  	_ =	swait.ge [sflag:s20], $0x3000  }
0xab: {  	[sflag:s20] =	ssyncset.done $0x0  }
0xac: {  	[sflag:s20] =	ssyncadd.s32 $0xFFFFD000  }
0xad: {  	_ =	swait.ge [sflag:s30], $0x3000  }
0xae: {  	[sflag:s30] =	ssyncset.done $0x0  }
0xaf: {  	[sflag:s30] =	ssyncadd.s32 $0xFFFFD000  }
0xb0: {  	_ =	swait.ge [sflag:s31], $0x3000  }
0xb1: {  	[sflag:s31] =	ssyncset.done $0x0  }
0xb2: {  	s13 =	simm.s32 $0x0;
	[sflag:s31] =	ssyncadd.s32 $0xFFFFD000  }
0xb3: {  	v6 =	vld [tilespmem:s13+$0x19A80]  }
0xb4: {  	v11 =	vld [tilespmem:s13+$0x19A90]  }
0xb5: {  	v5 =	vld [tilespmem:s13+$0x19AA0]  }
0xb6: {  	v4 =	vld [tilespmem:s13+$0x19AB0]  }
0xb7: {  	v3 =	vld [tilespmem:s13+$0x19AC0]  }
0xb8: {  	v2 =	vld [tilespmem:s13+$0x19AD0]  }
0xb9: {  	v1 =	vld [tilespmem:s13+$0x19AE0]  }
0xba: {  	v0 =	vld [tilespmem:s13+$0x19AF0]  }
0xbb: {  	v12 =	vld [tilespmem:s13+$0x13A80]  }
0xbc: {  	v13 =	vld [tilespmem:s13+$0x13A90]  }
0xbd: {  	v10 =	vld [tilespmem:s13+$0x13AA0]  }
0xbe: {  	v9 =	vld [tilespmem:s13+$0x13AB0]  }
0xbf: {  	v8 =	vld [tilespmem:s13+$0x13AC0]  }
0xc0: {  	v7 =	vld [tilespmem:s13+$0x13AD0];
	v12 =	vadd.f32 v6, v12  }
0xc1: {  	s15 =	simm.s32 $0x200;
	v11 =	vadd.f32 v11, v13;
	v6 =	vld [tilespmem:s13+$0x13AE0]  }
.LBB2_8:
0xc2: {  	s16 =	sshra.s32 s15, $0x2;
	p1 =	sne.s32 s15, $0xBE00;
	v12 =	vmax.f32 v12, $0.0e+00;
	v5 =	vadd.f32 v5, v10;
	v10 =	vld [tilespmem:s13+$0x13AF0]  }
0xc3: {  	v13 =	vld [tilespmem:s16+$0x19A80];
	[tilespmem:s13+$0x13A80] =	vst v12;
	v11 =	vmax.f32 v11, $0.0e+00;
	v4 =	vadd.f32 v4, v9  }
0xc4: {  	v14 =	vld [tilespmem:s16+$0x19A90];
	[tilespmem:s13+$0x13A90] =	vst v11;
	v9 =	vmax.f32 v5, $0.0e+00;
	v3 =	vadd.f32 v3, v8  }
0xc5: {  	v5 =	vld [tilespmem:s16+$0x19AA0];
	[tilespmem:s13+$0x13AA0] =	vst v9;
	v8 =	vmax.f32 v4, $0.0e+00;
	v2 =	vadd.f32 v2, v7  }
0xc6: {  	v4 =	vld [tilespmem:s16+$0x19AB0];
	[tilespmem:s13+$0x13AB0] =	vst v8;
	v7 =	vmax.f32 v3, $0.0e+00;
	v1 =	vadd.f32 v1, v6  }
0xc7: {  	v3 =	vld [tilespmem:s16+$0x19AC0];
	[tilespmem:s13+$0x13AC0] =	vst v7;
	v6 =	vmax.f32 v2, $0.0e+00;
	v0 =	vadd.f32 v0, v10  }
0xc8: {  	v2 =	vld [tilespmem:s16+$0x19AD0];
	[tilespmem:s13+$0x13AD0] =	vst v6;
	v6 =	vmax.f32 v1, $0.0e+00  }
0xc9: {  	v1 =	vld [tilespmem:s16+$0x19AE0];
	[tilespmem:s13+$0x13AE0] =	vst v6;
	v6 =	vmax.f32 v0, $0.0e+00  }
0xca: {  	v0 =	vld [tilespmem:s16+$0x19AF0];
	[tilespmem:s13+$0x13AF0] =	vst v6;
	s13 =	smov.u32 s16  }
0xcb: {  	v6 =	vld [tilespmem:s13+$0x13A80]  }
0xcc: {  	v11 =	vld [tilespmem:s13+$0x13A90]  }
.Ltmp3:
0xcd: {  	v10 =	vld [tilespmem:s13+$0x13AA0];
	(pc) =	sbr.rel @p1 .LBB2_8-.Ltmp3, $4  }
0xce: {  	v9 =	vld [tilespmem:s13+$0x13AB0]  }
0xcf: {  	v8 =	vld [tilespmem:s13+$0x13AC0]  }
0xd0: {  	v12 =	vadd.f32 v13, v6;
	v7 =	vld [tilespmem:s13+$0x13AD0]  }
0xd1: {  	s15 =	sadd.s32 $0x200, s15;
	v11 =	vadd.f32 v14, v11;
	v6 =	vld [tilespmem:s13+$0x13AE0]  }
0xd2: {  	v12 =	vmax.f32 v12, $0.0e+00;
	v5 =	vadd.f32 v5, v10;
	v63 =	vld [tilespmem:s13+$0x13AF0]  }
0xd3: {  	[tilespmem:s13+$0x13A80] =	vst v12;
	v11 =	vmax.f32 v11, $0.0e+00;
	v4 =	vadd.f32 v4, v9  }
0xd4: {  	[tilespmem:s13+$0x13A90] =	vst v11;
	v5 =	vmax.f32 v5, $0.0e+00;
	v3 =	vadd.f32 v3, v8  }
0xd5: {  	[tilespmem:s13+$0x13AA0] =	vst v5;
	v4 =	vmax.f32 v4, $0.0e+00;
	v2 =	vadd.f32 v2, v7  }
0xd6: {  	[tilespmem:s13+$0x13AB0] =	vst v4;
	v3 =	vmax.f32 v3, $0.0e+00;
	v1 =	vadd.f32 v1, v6  }
0xd7: {  	[tilespmem:s13+$0x13AC0] =	vst v3;
	v2 =	vmax.f32 v2, $0.0e+00;
	v0 =	vadd.f32 v0, v63  }
0xd8: {  	[tilespmem:s13+$0x13AD0] =	vst v2;
	v1 =	vmax.f32 v1, $0.0e+00  }
0xd9: {  	[tilespmem:s13+$0x13AE0] =	vst v1;
	v0 =	vmax.f32 v0, $0.0e+00  }
0xda: {  	s18 =	rddreg [dreg:$0x8];
	[tilespmem:s13+$0x13AF0] =	vst v0  }
0xdb: {  	[tilespmem:s0], [sflag:$0x5] =	stream.linear.gather [hbm4b:s18+s4], $0x60, $0x38;
	[tilespmem:$0x1FA80] =	vst v63  }
0xdc: {  	_ =	swait.ge [sflag:s20], $0x60  }
0xdd: {  	[sflag:s20] =	ssyncset.done $0x0  }
0xde: {  	[sflag:s20] =	ssyncadd.s32 $0xFFFFFFA0  }
0xdf: {  	[spmem:s3] =	stream.indirect.scatter.add.f32 [tilespmem:s24], [sflag:$0x5], $0x80, s0, s23, $0xb8;
	[tilespmem:$0x1FA80] =	vst v63  }
0xe0: {  	_ =	swait.ge [sflag:s20], $0x3000  }
0xe1: {  	[sflag:s20] =	ssyncset.done $0x0  }
0xe2: {  	[sflag:s20] =	ssyncadd.s32 $0xFFFFD000  }
0xe3: {  	[bflag:$0x0] =	sbarrier.arrive $0xFFFF  }
0xe4: {  	s19 =	rddreg [dreg:$0x9]  }
0xe5: {  	[hbm:s19], [sflag:s10] =	dma.local [spmem:s21], $0x2700  }
0xe6: {  	_ =	swait.ge [sflag:s20], $0x2700  }
0xe7: {  	[sflag:s20] =	ssyncset.done $0x0;
	s13 =	rddreg [dreg:$0xa]  }
0xe8: {  	s17 =	rddreg [dreg:$0xc];
	[sflag:s20] =	ssyncadd.s32 $0xFFFFD900  }
0xe9: {  	[hbm:s13], [sflag:s10] =	dma.local @!p0 [spmem:s17], $0x100  }
0xea: {  	s13 =	simm.s32 @!p0 $0x5  }
0xeb: {  	_ =	swait.ge @!p0 [sflag:s13], $0x100  }
0xec: {  	s12 =	sadd.s32 $0x1, s12;
	s15 =	rddreg [dreg:$0xb]  }
0xed: {  	p1 =	sne.s32 s12, s15  }
.Ltmp4:
0xee: {  	_ = 	snop;
	(pc) =	sbr.rel @p1 .LBB2_1-.Ltmp4, $3  }
0xef: {  	_ =	sdelay $0x1  }
0xf0: {  	[sflag:s13] =	ssyncset.done @!p0 $0x0  }
0xf1: {  	s16 =	smov.u32 s21;
	[sflag:s13] =	ssyncadd.s32 @!p0 $0xFFFFFF00  }
0xf2: {  	_ =	sfence.sel $0x180000  }
0xf3: {  	[bflag:$0x0] =	sbarrier.arrive $0xFFFF  }
0xf4: {  	_ =	strace $0x90000047  }
0xf5: {  	s0 =	stileid.u32;
	[bflag:$0x2] =	sbarrier.arrive $0xFFFF  }
0xf6: {  	p0 =	sne.s32 s0, $0x0;
	s0 =	rddreg [dreg:$0x3]  }
0xf7: {  	s0 =	sadd.s32 @!p0 $0x100000, s0  }
0xf8: {  	[sflag:s0] =	ssyncadd.tile.s32 @!p0 $0x1;
	_ =	shalt  }
.Lfunc_end2:
_tile_overlayer_lowered:
.L_overlay_start_2:
0xf9: {  	(tag) =	ssettag $0x2  }
0xfa: {  	s0 =	rddreg [dreg:$0x0];
	s2 =	stileid.u32  }
0xfb: {  	s1 =	rddreg [dreg:$0x1];
	p0 =	sne.s32 s2, $0x0  }
0xfc: {  	s3 =	rddreg [dreg:$0x2];
	[bflag:$0x3] =	sbarrier.arrive $0xFFFF;
	s2 =	simm.s32 @!p0 $0x1C05  }
0xfd: {  	[timem:s3], [sflag:s2] =	dma.local @!p0 [hbm:s0], s1  }
0xfe: {  	s0 =	simm.s32 @!p0 $0x5  }
0xff: {  	_ =	swait.ge @!p0 [sflag:s0], s1  }
0x100: {  	s1 =	ssub.s32 @!p0 $0x0, s1;
	[sflag:s0] =	ssyncset.done @!p0 $0x0  }
0x101: {  	[sflag:s0] =	ssyncadd.s32 @!p0 s1  }
0x102: {  	[bflag:$0x3] =	sbarrier.arrive $0xFFFF  }
0x103: {  	_ =	shalt  }

// kernel: kernel.15.cloned.1.call-start
scs
__scs_entry_jumppad:
0x0: {  	(pc) =	sbr.rel $0x88, $3  }
0x1: {  	(tag) =	ssettag $0x0;
	lr =	simm.s32 $0x1  }
0x2: {  	[smem:$0x3F97] =	sst lr;
	_ =	strace $0xD0000000  }
0x3: {  	_ = 	snop  }
0x4: {  	_ = 	snop  }
0x5: {  	_ = 	snop  }
0x6: {  	_ = 	snop  }
0x7: {  	_ = 	snop  }
__scs_overlays_trampoline_lowered:
0x8: {  	[smem:$0x3FA6] =	sst s0  }
0x9: {  	[smem:$0x3FA7] =	sst s1  }
0xa: {  	[smem:$0x3FA8] =	sst s2  }
0xb: {  	[smem:$0x3FA9] =	sst s3  }
0xc: {  	[smem:$0x3FAA] =	sst s4  }
0xd: {  	[smem:$0x3FAB] =	sst s5  }
0xe: {  	[smem:$0x3FAC] =	sst s6  }
0xf: {  	[smem:$0x3FAD] =	sst s7  }
0x10: {  	[smem:$0x3FAE] =	sst s8  }
0x11: {  	[smem:$0x3FAF] =	sst s9;
	s0 =	simm.s32 @!p0 $0x0  }
0x12: {  	s1 =	sld [smem:$0x3F95];
	s0 =	simm.s32 @p0 $0x1  }
0x13: {  	[smem:$0x3FB0] =	sst s0;
	s0 =	simm.s32 @!p1 $0x0  }
0x14: {  	s2 =	sld [smem:$0x3F94];
	s0 =	simm.s32 @p1 $0x1  }
0x15: {  	[smem:$0x3FB1] =	sst s0;
	s0 =	simm.s32 @!p2 $0x0  }
0x16: {  	s3 =	sld [smem:$0x3FDB];
	s0 =	simm.s32 @p2 $0x1  }
0x17: {  	s4 =	simm.s32 $0x1BF5;
	[smem:$0x3FB3] =	sst s0  }
0x18: {  	s0 =	sld [smem:$0x3F96];
	_ =	swait.ge [sflag:s4], $0x0  }
0x19: {  	s7 =	sld [smem:$0x3F97]  }
0x1a: {  	s8 =	sadd.s32 $0xFFFFE003, lr  }
0x1b: {  	s9 =	sadd.s32 $0xFFFFFEF7, lr;
	s5 =	simm.s32 $0xFFFFFFFF;
	p2 =	slt.u32 s8, $0xFFFFF086  }
0x1c: {  	p1 =	slt.u32 s9, $0xF7A;
	s5 =	simm.s32 @!p2 $0x0  }
0x1d: {  	s5 =	simm.s32 @p1 $0x1;
	p0 =	seq.s32 s7, s2  }
0x1e: {  	s7 =	smul.u32 @!p0 $0xF7A, s2;
	p2 =	seq.s32 @!p0 s5, $0x0  }
0x1f: {  	s9 =	smul.u32 $0xF7A, s1;
	s8 =	simm.s32 @!p0 $0x1BF5;
	p2 =	por !p2, p0  }
0x20: {  	[sflag:s8] =	ssyncset.s32 @!p0 $0xFFFFF086;
	s6 =	sadd.s32 @!p0 s3, s7;
	s7 =	simm.s32 @!p0 $0x108  }
0x21: {  	s3 =	sadd.s32 s3, s9;
	s6 =	sadd.s32 @!p0 $0x88, s6;
	s7 =	simm.s32 @p2 $0x1082  }
0x22: {  	[simem:s7], [sflag:s8] =	dma.local @!p0 [hbm:s6], $0xF7A  }
0x23: {  	s9 =	sor.u32 $0xD0000000, s2;
	s6 =	simm.s32 $0x108;
	_ =	swait.ge @!p0 [sflag:s8], $0x0  }
0x24: {  	s3 =	sadd.s32 $0x88, s3;
	s6 =	simm.s32 @!p1 $0x1082;
	[sflag:s4] =	ssyncset.s32 $0xFFFFF086  }
0x25: {  	[simem:s6], [sflag:s4] =	dma.local [hbm:s3], $0xF7A  }
0x26: {  	[smem:$0x3F97] =	sst s1;
	(tag) =	ssettag s2;
	_ =	strace s9  }
0x27: {  	s1 =	sld [smem:$0x3FA7]  }
0x28: {  	s2 =	sld [smem:$0x3FA8]  }
0x29: {  	s4 =	sld [smem:$0x3FAA]  }
0x2a: {  	p0 =	seq.s32 s5, $0x0;
	s5 =	sld [smem:$0x3FAB]  }
0x2b: {  	s6 =	sld [smem:$0x3FAC]  }
0x2c: {  	s7 =	sld [smem:$0x3FAD]  }
0x2d: {  	s3 =	simm.s32 $0x108;
	s8 =	sld [smem:$0x3FAE]  }
0x2e: {  	s3 =	simm.s32 @!p0 $0x1082;
	s9 =	sld [smem:$0x3FAF]  }
0x2f: {  	lr =	sadd.s32 s0, s3;
	s0 =	sld [smem:$0x3FA6]  }
0x30: {  	s3 =	sld [smem:$0x3FA9]  }
0x31: {  	[smem:$0x3FB2] =	sst s10  }
0x32: {  	s10 =	sld [smem:$0x3FB0];
	_ =	sdelay $0x3  }
0x33: {  	p0 =	seq.s32 s10, $0x1;
	s10 =	sld [smem:$0x3FB2];
	_ =	sdelay $0x3  }
0x34: {  	[smem:$0x3FB2] =	sst s10  }
0x35: {  	s10 =	sld [smem:$0x3FB1];
	_ =	sdelay $0x3  }
0x36: {  	p1 =	seq.s32 s10, $0x1;
	s10 =	sld [smem:$0x3FB2];
	_ =	sdelay $0x3  }
0x37: {  	[smem:$0x3FB2] =	sst s10  }
0x38: {  	s10 =	sld [smem:$0x3FB3]  }
0x39: {  	_ = 	snop;
	(pc) =	sbr.ind lr, $3  }
0x3a: {  	_ = 	snop  }
0x3b: {  	_ = 	snop  }
0x3c: {  	p2 =	seq.s32 s10, $0x1;
	s10 =	sld [smem:$0x3FB2]  }
0x3d: {  	_ =	shalt  }
0x3e: {  	_ =	shalt  }
0x3f: {  	_ =	shalt  }
0x40: {  	_ =	shalt  }
0x41: {  	_ =	shalt  }
0x42: {  	_ =	shalt  }
0x43: {  	_ =	shalt  }
0x44: {  	_ =	shalt  }
0x45: {  	_ =	shalt  }
0x46: {  	_ =	shalt  }
0x47: {  	_ =	shalt  }
0x48: {  	_ =	shalt  }
0x49: {  	_ =	shalt  }
0x4a: {  	_ =	shalt  }
0x4b: {  	_ =	shalt  }
0x4c: {  	_ =	shalt  }
0x4d: {  	_ =	shalt  }
0x4e: {  	_ =	shalt  }
0x4f: {  	_ =	shalt  }
0x50: {  	_ =	shalt  }
0x51: {  	_ =	shalt  }
0x52: {  	_ =	shalt  }
0x53: {  	_ =	shalt  }
0x54: {  	_ =	shalt  }
0x55: {  	_ =	shalt  }
0x56: {  	_ =	shalt  }
0x57: {  	_ =	shalt  }
0x58: {  	_ =	shalt  }
0x59: {  	_ =	shalt  }
0x5a: {  	_ =	shalt  }
0x5b: {  	_ =	shalt  }
0x5c: {  	_ =	shalt  }
0x5d: {  	_ =	shalt  }
0x5e: {  	_ =	shalt  }
0x5f: {  	_ =	shalt  }
0x60: {  	_ =	shalt  }
0x61: {  	_ =	shalt  }
0x62: {  	_ =	shalt  }
0x63: {  	_ =	shalt  }
0x64: {  	_ =	shalt  }
0x65: {  	_ =	shalt  }
0x66: {  	_ =	shalt  }
0x67: {  	_ =	shalt  }
0x68: {  	_ =	shalt  }
0x69: {  	_ =	shalt  }
0x6a: {  	_ =	shalt  }
0x6b: {  	_ =	shalt  }
0x6c: {  	_ =	shalt  }
0x6d: {  	_ =	shalt  }
0x6e: {  	_ =	shalt  }
0x6f: {  	_ =	shalt  }
0x70: {  	_ =	shalt  }
0x71: {  	_ =	shalt  }
0x72: {  	_ =	shalt  }
0x73: {  	_ =	shalt  }
0x74: {  	_ =	shalt  }
0x75: {  	_ =	shalt  }
0x76: {  	_ =	shalt  }
0x77: {  	_ =	shalt  }
0x78: {  	_ =	shalt  }
0x79: {  	_ =	shalt  }
0x7a: {  	_ =	shalt  }
0x7b: {  	_ =	shalt  }
0x7c: {  	_ =	shalt  }
0x7d: {  	_ =	shalt  }
0x7e: {  	_ =	shalt  }
0x7f: {  	_ =	shalt  }
0x80: {  	_ =	shalt  }
0x81: {  	_ =	shalt  }
0x82: {  	_ =	shalt  }
0x83: {  	_ =	shalt  }
0x84: {  	_ =	shalt  }
0x85: {  	_ =	shalt  }
0x86: {  	_ =	shalt  }
0x87: {  	_ =	shalt  }
.Lfunc_end0:
.L_simem_size_0:
called_computation.1_lowered:
.L_overlay_start_0:
0x88: {  	s2 =	sld [smem:$0x3FD9]  }
0x89: {  	s3 =	sld [smem:$0x3FFE];
	_ =	sdelay $0x1  }
0x8a: {  	s1 =	srdreg.scid  }
0x8b: {  	s0 =	sand.u32 $0x1, s1  }
0x8c: {  	s16 =	sshll.u32 s0, $0xA;
	s2 =	sadd.s32 s3, s2  }
0x8d: {  	s2 =	sadd.s32 s2, s16  }
0x8e: {  	[smem:$0x3FBE] =	sst s2  }
0x8f: {  	_ = 	snop  }
0x90: {  	(tm) =	ssettm $0x1  }
0x91: {  	s17 =	sld [smem:$0x3FFB];
	_ =	sdelay $0x3  }
0x92: {  	_ =	strace s17  }
0x93: {  	s2 =	sld [smem:$0x3FFC];
	_ =	sdelay $0x3  }
0x94: {  	_ =	strace s2  }
0x95: {  	s2 =	sld [smem:$0x3FFD];
	_ =	sdelay $0x3  }
0x96: {  	_ =	strace s2  }
0x97: {  	_ =	strace $0x8FFFFFFF  }
0x98: {  	s18 =	sld [smem:$0x3FDB];
	_ =	sdelay $0x1  }
0x99: {  	s19 =	simm.s32 $_scs_section_size  }
0x9a: {  	s4 =	simm.s32 $_size__tile_overlayer_lowered;
	s5 =	simm.s32 $_tile_overlayer_lowered  }
0x9b: {  	s22 =	simm.s32 $0x1BFF;
	s21 =	sshll.u32 s5, $0x1;
	s2 =	sadd.s32 s19, s18  }
0x9c: {  	s6 =	simm.s32 $0x0;
	s20 =	sshll.u32 s4, $0x1;
	s4 =	sadd.s32 s21, s2  }
0x9d: {  	[timem:s6], [sflag:s22] =	dma.local [hbm:s4], s20  }
0x9e: {  	_ =	swait.ge [sflag:s22], s20  }
0x9f: {  	s3 =	ssub.s32 $0x0, s20;
	[sflag:s22] =	ssyncset.done $0x0  }
0xa0: {  	[sflag:s22] =	ssyncadd.s32 s3;
	_ =	sdelay $0x1  }
0xa1: {  	s23 =	simm.s32 $0x1B8B  }
0xa2: {  	_ =	swait.ge [sflag:s23], $0x1  }
0xa3: {  	[sflag:s23] =	ssyncset.done $0x0  }
0xa4: {  	s25 =	simm.s32 $0x1B8E;
	s24 =	sld [smem:$0x3FFE];
	[sflag:s23] =	ssyncadd.s32 $0xFFFFFFFF  }
0xa5: {  	s26 =	simm.s32 $execute0_lowered;
	[smem:$0x3FD2] =	sst s25  }
0xa6: {  	s4 =	sshll.u32 s26, $0x1;
	_ =	strace $0x80000049;
	[dreg:$0x1] =	wrdreg $0xFFFFFFFF  }
0xa7: {  	s28 =	simm.s32 $_size_execute0_lowered;
	s2 =	sadd.s32 s2, s4;
	[dreg:$0x0] =	wrdreg $0x0  }
0xa8: {  	s4 =	sshll.u32 s28, $0x1;
	[dreg:$0x2] =	wrdreg s2  }
0xa9: {  	[dreg:$0x3] =	wrdreg s4  }
0xaa: {  	[dreg:$0x4] =	wrdreg $0xC0  }
0xab: {  	_ =	task [dreg:s6], $0x5FFFF  }
0xac: {  	[dreg:$0x1] =	wrdreg $0xFFFFFFFF  }
0xad: {  	[dreg:$0x0] =	wrdreg $0x60  }
0xae: {  	[dreg:$0x2] =	wrdreg s24  }
0xaf: {  	[dreg:$0x3] =	wrdreg $0x0  }
0xb0: {  	[dreg:$0x4] =	wrdreg $0x9  }
0xb1: {  	_ =	task.clear_ibuf [dreg:s6], $0x5FFFF;
	_ =	strace $0x90000049  }
0xb2: {  	s29 =	simm.s32 $0x9;
	_ =	strace $0x8000004B  }
0xb3: {  	_ =	swait.ge [sflag:s29], $0x1  }
0xb4: {  	[sflag:s29] =	ssyncadd.s32 $0xFFFFFFFF  }
0xb5: {  	_ =	strace $0x9000004B  }
0xb6: {  	_ =	sfence  }
0xb7: {  	s30 =	sld [smem:$0x0];
	_ =	sdelay $0x2  }
0xb8: {  	s31 =	sshll.u32 s1, $0xD;
	s1 =	sshrl.u32 s1, $0x2  }
0xb9: {  	s3 =	sand.u32 $0x4000, s31;
	s1 =	sadd.s32 s1, s30  }
0xba: {  	s0 =	sor.u32 s3, s0;
	s1 =	sshll.u32 s1, $0x11  }
0xbb: {  	s0 =	sor.u32 s1, s0  }
0xbc: {  	s0 =	sadd.s32 $0x8F2B, s0  }
0xbd: {  	[sflag:s0] =	ssyncadd.remote.s32 $0x1  }
0xbe: {  	_ =	sfence.sel $0xFFFF  }
0xbf: {  	[dreg:$0x0] =	wrdreg $0xFFFFFFFF;
	(pc) =	sbr.abs _section_cstart, $3  }
0xc0: {  	[dreg:$0x1] =	wrdreg $0xFFFFFFFF  }
0xc1: {  	_ =	task.clear_ibuf [dreg:s6], $0x2FFFF;
	_ =	strace $0x9FFFFFFF  }
0xc2: {  	(tm) =	ssettm $0x7FFFFFFF  }
0xc3: {  	_ =	shalt  }
tec
execute0_lowered:
.L_overlay_start_1:
0x0: {  	(tag) =	ssettag $0x1  }
0x1: {  	s0 =	rddreg [dreg:$0x0]  }
0x2: {  	s2 =	rddreg [dreg:$0x1]  }
0x3: {  	s3 =	simm.s32 $0x0;
	s19 =	stileid.u32;
	s17 =	srdreg.scid  }
0x4: {  	s28 =	simm.s32 $0x16A80;
	s29 =	simm.s32 $0x1CA80;
	s30 =	simm.s32 $0x1  }
0x5: {  	[smem:$0x7FF] =	sst s3;
	s1 =	smul.u32 $0x13800, s19;
	s4 =	sadd.s32 $0xA25800, s0  }
0x6: {  	s31 =	simm.s32 $0x3;
	s5 =	sadd.s32 $0xA73A00, s0;
	s6 =	sadd.s32 $0x4E6200, s0  }
0x7: {  	s7 =	sadd.s32 $0x4F0400, s0;
	s11 =	sand.u32 $0x1, s17;
	s18 =	sshll.u32 s19, $0x1  }
0x8: {  	s10 =	smul.u32 $0x4E000, s19;
	s12 =	sadd.s32 $0x4FA600, s0;
	s21 =	sshll.u32 s19, $0x6  }
0x9: {  	p0 =	sne.s32 s19, $0xF;
	s14 =	sor.u32 s11, s18;
	s23 =	smul.u32 $0x138800, s11  }
0xa: {  	_ =	strace $0x8000004A;
	s13 =	ssub.s32 $0x2, s11;
	s16 =	smul.u32 $0x504, s14  }
0xb: {  	s8 =	sshrl.u32 s1, $0x3;
	s15 =	sshrl.u32 s13, $0x1;
	s17 =	smul.u32 $0x28200, s14  }
0xc: {  	s10 =	sshrl.u32 s10, $0x2;
	s18 =	smul.u32 $0x2820, s14;
	s9 =	sadd.s32 s8, s0  }
0xd: {  	s8 =	smul.u32 $0x6B, s14;
	s13 =	ssub.s32 s13, s15;
	s20 =	sadd.s32 s10, s2  }
0xe: {  	s10 =	sor.u32 $0x1C05, s21;
	s0 =	sadd.s32 $0xA25600, s0;
	s1 =	sadd.s32 s1, s23  }
0xf: {  	s9 =	sadd.s32 $0x9FE600, s9;
	[dreg:$0x4] =	wrdreg s0;
	s22 =	sadd.s32 s6, s16  }
0x10: {  	s24 =	sadd.s32 s5, s17;
	s25 =	sshrl.u32 s18, $0x3;
	s0 =	sshrl.u32 s23, $0x3  }
0x11: {  	s1 =	sshrl.u32 s1, $0x3;
	s26 =	smax.u32 s13, $0x1;
	[dreg:$0x3] =	wrdreg s9  }
0x12: {  	s16 =	sshrl.u32 s20, $0x3;
	s20 =	simm.s32 $0x5;
	[dreg:$0x5] =	wrdreg s22  }
0x13: {  	s23 =	simm.s32 $0x60;
	s9 =	sadd.s32 $0x138000, s2;
	[dreg:$0x6] =	wrdreg s24  }
0x14: {  	s14 =	sadd.s32 $0x2, s8;
	s11 =	sadd.s32 s7, s25;
	s0 =	sadd.s32 s12, s0  }
0x15: {  	s1 =	sadd.s32 s12, s1;
	[dreg:$0xa] =	wrdreg s26;
	s22 =	simm.s32 $0x13880  }
0x16: {  	s24 =	simm.s32 $0x13A80;
	s25 =	simm.s32 $0x19A80;
	s26 =	simm.s32 $0x13900  }
0x17: {  	s12 =	simm.s32 $0x0;
	s11 =	sadd.s32 $0x4F8, s11;
	[dreg:$0x8] =	wrdreg s1  }
0x18: {  	s0 =	sadd.s32 $0x27000, s0;
	s17 =	sshrl.u32 @!p0 s9, $0x3;
	[dreg:$0x7] =	wrdreg s11  }
0x19: {  	s1 =	simm.s32 $0x2;
	s9 =	simm.s32 $0x4;
	[dreg:$0x9] =	wrdreg s0  }
0x1a: {  	s0 =	simm.s32 $0x13980;
	s11 =	simm.s32 $0x13A00;
	[dreg:$0xb] =	wrdreg s17  }
.LBB2_1:
0x1b: {  	s13 =	rddreg [dreg:$0x3]  }
0x1c: {  	[spmem:s16], [sflag:s10] =	dma.local [hbm:s13], $0x2700  }
0x1d: {  	_ =	swait.ge [sflag:s20], $0x2700  }
0x1e: {  	[sflag:s20] =	ssyncset.done $0x0  }
0x1f: {  	s13 =	rddreg [dreg:$0x4];
	[sflag:s20] =	ssyncadd.s32 $0xFFFFD900  }
0x20: {  	[spmem:s17], [sflag:s10] =	dma.local @!p0 [hbm:s13], $0x100  }
0x21: {  	s13 =	simm.s32 @!p0 $0x5  }
0x22: {  	_ =	swait.ge @!p0 [sflag:s13], $0x100  }
0x23: {  	[sflag:s13] =	ssyncset.done @!p0 $0x0  }
0x24: {  	[sflag:s13] =	ssyncadd.s32 @!p0 $0xFFFFFF00  }
0x25: {  	[bflag:$0x0] =	sbarrier.arrive $0xFFFF  }
0x26: {  	s18 =	rddreg [dreg:$0x5]  }
0x27: {  	[tilespmem:s22], [sflag:$0x5] =	stream.linear.gather [hbm4b:s18+s3], $0x60, $0x38;
	[tilespmem:$0x1FA80] =	vst v63  }
0x28: {  	_ =	swait.ge [sflag:s20], $0x60  }
0x29: {  	[sflag:s20] =	ssyncset.done $0x0  }
0x2a: {  	[sflag:s20] =	ssyncadd.s32 $0xFFFFFFA0  }
0x2b: {  	[tilespmem:s24], [sflag:$0x1] =	stream.indirect.gather [hbm4b:s4+s23], $0x80, s22, s23, $0xb8;
	[tilespmem:$0x1FA80] =	vst v63  }
0x2c: {  	s21 =	smov.u32 s16;
	s13 =	simm.s32 $0x0;
	s19 =	rddreg [dreg:$0x6]  }
0x2d: {  	[tilespmem:s25], [sflag:$0x3] =	stream.linear.gather [hbm4b:s19+s3], $0x3000, $0x38;
	[tilespmem:$0x1FA80] =	vst v63  }
.LBB2_2:
0x2e: {  	s16 =	sshll.u32 s13, $0x1  }
0x2f: {  	s15 =	sadd.s32 s16, s8  }
0x30: {  	s17 =	sadd.s32 $0x1, s15  }
0x31: {  	s15 =	smul.u32 $0xC, s17;
	_ =	sdelay $0x1  }
0x32: {  	s19 =	simm.s32 $0x0;
	s18 =	sadd.s32 s6, s15  }
0x33: {  	[tilespmem:s26], [sflag:$0x5] =	stream.linear.gather [hbm4b:s18+s19], $0x60, $0x38;
	[tilespmem:$0x1FA80] =	vst v63  }
0x34: {  	_ =	swait.ge [sflag:s20], $0x60  }
0x35: {  	[sflag:s20] =	ssyncset.done $0x0  }
0x36: {  	s17 =	smul.u32 $0x600, s17;
	[sflag:s20] =	ssyncadd.s32 $0xFFFFFFA0  }
0x37: {  	[tilespmem:s28], [sflag:$0x2] =	stream.indirect.gather [hbm4b:s4+s23], $0x80, s26, s23, $0xb8;
	[tilespmem:$0x1FA80] =	vst v63  }
0x38: {  	s17 =	sadd.s32 s5, s17  }
0x39: {  	[tilespmem:s29], [sflag:$0x4] =	stream.linear.gather [hbm4b:s17+s19], $0x3000, $0x38;
	[tilespmem:$0x1FA80] =	vst v63  }
0x3a: {  	_ =	swait.ge [sflag:s30], $0x3000  }
0x3b: {  	[sflag:s30] =	ssyncset.done $0x0  }
0x3c: {  	[sflag:s30] =	ssyncadd.s32 $0xFFFFD000  }
0x3d: {  	_ =	swait.ge [sflag:s31], $0x3000  }
0x3e: {  	[sflag:s31] =	ssyncset.done $0x0  }
0x3f: {  	s17 =	simm.s32 $0x0;
	[sflag:s31] =	ssyncadd.s32 $0xFFFFD000  }
0x40: {  	v6 =	vld [tilespmem:s17+$0x19A80]  }
0x41: {  	v11 =	vld [tilespmem:s17+$0x19A90]  }
0x42: {  	v5 =	vld [tilespmem:s17+$0x19AA0]  }
0x43: {  	v4 =	vld [tilespmem:s17+$0x19AB0]  }
0x44: {  	v3 =	vld [tilespmem:s17+$0x19AC0]  }
0x45: {  	v2 =	vld [tilespmem:s17+$0x19AD0]  }
0x46: {  	v1 =	vld [tilespmem:s17+$0x19AE0]  }
0x47: {  	v0 =	vld [tilespmem:s17+$0x19AF0]  }
0x48: {  	v12 =	vld [tilespmem:s17+$0x13A80]  }
0x49: {  	v13 =	vld [tilespmem:s17+$0x13A90]  }
0x4a: {  	v10 =	vld [tilespmem:s17+$0x13AA0]  }
0x4b: {  	v9 =	vld [tilespmem:s17+$0x13AB0]  }
0x4c: {  	v8 =	vld [tilespmem:s17+$0x13AC0]  }
0x4d: {  	v7 =	vld [tilespmem:s17+$0x13AD0];
	v12 =	vadd.f32 v6, v12  }
0x4e: {  	s18 =	simm.s32 $0x200;
	v11 =	vadd.f32 v11, v13;
	v6 =	vld [tilespmem:s17+$0x13AE0]  }
.LBB2_3:
0x4f: {  	s19 =	sshra.s32 s18, $0x2;
	p1 =	sne.s32 s18, $0xBE00;
	v12 =	vmax.f32 v12, $0.0e+00;
	v5 =	vadd.f32 v5, v10;
	v10 =	vld [tilespmem:s17+$0x13AF0]  }
0x50: {  	v13 =	vld [tilespmem:s19+$0x19A80];
	[tilespmem:s17+$0x13A80] =	vst v12;
	v11 =	vmax.f32 v11, $0.0e+00;
	v4 =	vadd.f32 v4, v9  }
0x51: {  	v14 =	vld [tilespmem:s19+$0x19A90];
	[tilespmem:s17+$0x13A90] =	vst v11;
	v9 =	vmax.f32 v5, $0.0e+00;
	v3 =	vadd.f32 v3, v8  }
0x52: {  	v5 =	vld [tilespmem:s19+$0x19AA0];
	[tilespmem:s17+$0x13AA0] =	vst v9;
	v8 =	vmax.f32 v4, $0.0e+00;
	v2 =	vadd.f32 v2, v7  }
0x53: {  	v4 =	vld [tilespmem:s19+$0x19AB0];
	[tilespmem:s17+$0x13AB0] =	vst v8;
	v7 =	vmax.f32 v3, $0.0e+00;
	v1 =	vadd.f32 v1, v6  }
0x54: {  	v3 =	vld [tilespmem:s19+$0x19AC0];
	[tilespmem:s17+$0x13AC0] =	vst v7;
	v6 =	vmax.f32 v2, $0.0e+00;
	v0 =	vadd.f32 v0, v10  }
0x55: {  	v2 =	vld [tilespmem:s19+$0x19AD0];
	[tilespmem:s17+$0x13AD0] =	vst v6;
	v6 =	vmax.f32 v1, $0.0e+00  }
0x56: {  	v1 =	vld [tilespmem:s19+$0x19AE0];
	[tilespmem:s17+$0x13AE0] =	vst v6;
	v6 =	vmax.f32 v0, $0.0e+00  }
0x57: {  	v0 =	vld [tilespmem:s19+$0x19AF0];
	[tilespmem:s17+$0x13AF0] =	vst v6;
	s17 =	smov.u32 s19  }
0x58: {  	v6 =	vld [tilespmem:s17+$0x13A80]  }
0x59: {  	v11 =	vld [tilespmem:s17+$0x13A90]  }
.Ltmp0:
0x5a: {  	v10 =	vld [tilespmem:s17+$0x13AA0];
	(pc) =	sbr.rel @p1 .LBB2_3-.Ltmp0, $4  }
0x5b: {  	v9 =	vld [tilespmem:s17+$0x13AB0]  }
0x5c: {  	v8 =	vld [tilespmem:s17+$0x13AC0]  }
0x5d: {  	v12 =	vadd.f32 v13, v6;
	v7 =	vld [tilespmem:s17+$0x13AD0]  }
0x5e: {  	s18 =	sadd.s32 $0x200, s18;
	v11 =	vadd.f32 v14, v11;
	v6 =	vld [tilespmem:s17+$0x13AE0]  }
0x5f: {  	v12 =	vmax.f32 v12, $0.0e+00;
	v5 =	vadd.f32 v5, v10;
	v10 =	vld [tilespmem:s17+$0x13AF0]  }
0x60: {  	[tilespmem:s17+$0x13A80] =	vst v12;
	v11 =	vmax.f32 v11, $0.0e+00;
	v4 =	vadd.f32 v4, v9  }
0x61: {  	[tilespmem:s17+$0x13A90] =	vst v11;
	v5 =	vmax.f32 v5, $0.0e+00;
	v3 =	vadd.f32 v3, v8  }
0x62: {  	[tilespmem:s17+$0x13AA0] =	vst v5;
	v4 =	vmax.f32 v4, $0.0e+00;
	v2 =	vadd.f32 v2, v7  }
0x63: {  	[tilespmem:s17+$0x13AB0] =	vst v4;
	v3 =	vmax.f32 v3, $0.0e+00;
	v1 =	vadd.f32 v1, v6  }
0x64: {  	s18 =	sadd.s32 s8, s16;
	[tilespmem:s17+$0x13AC0] =	vst v3;
	v2 =	vmax.f32 v2, $0.0e+00;
	v0 =	vadd.f32 v0, v10  }
0x65: {  	s18 =	smul.u32 $0xC, s18;
	[tilespmem:s17+$0x13AD0] =	vst v2;
	v1 =	vmax.f32 v1, $0.0e+00  }
0x66: {  	[tilespmem:s17+$0x13AE0] =	vst v1;
	v0 =	vmax.f32 v0, $0.0e+00  }
0x67: {  	s19 =	sadd.s32 s7, s18;
	s18 =	simm.s32 $0x0;
	[tilespmem:s17+$0x13AF0] =	vst v0  }
0x68: {  	[tilespmem:s0], [sflag:$0x5] =	stream.linear.gather [hbm4b:s19+s18], $0x60, $0x38;
	[tilespmem:$0x1FA80] =	vst v63  }
0x69: {  	_ =	swait.ge [sflag:s20], $0x60  }
0x6a: {  	[sflag:s20] =	ssyncset.done $0x0  }
0x6b: {  	s16 =	sadd.s32 s16, s14;
	[sflag:s20] =	ssyncadd.s32 $0xFFFFFFA0  }
0x6c: {  	[spmem:s2] =	stream.indirect.scatter.add.f32 [tilespmem:s24], [sflag:$0x5], $0x80, s0, s23, $0xb8;
	[tilespmem:$0x1FA80] =	vst v63  }
0x6d: {  	s19 =	smul.u32 $0xC, s16;
	_ =	swait.ge [sflag:s20], $0x3000  }
0x6e: {  	[sflag:s20] =	ssyncset.done $0x0  }
0x6f: {  	s17 =	sadd.s32 s6, s19;
	[sflag:s20] =	ssyncadd.s32 $0xFFFFD000  }
0x70: {  	[tilespmem:s22], [sflag:$0x5] =	stream.linear.gather [hbm4b:s17+s18], $0x60, $0x38;
	[tilespmem:$0x1FA80] =	vst v63  }
0x71: {  	_ =	swait.ge [sflag:s20], $0x60  }
0x72: {  	[sflag:s20] =	ssyncset.done $0x0  }
0x73: {  	s16 =	smul.u32 $0x600, s16;
	[sflag:s20] =	ssyncadd.s32 $0xFFFFFFA0  }
0x74: {  	[tilespmem:s24], [sflag:$0x1] =	stream.indirect.gather [hbm4b:s4+s23], $0x80, s22, s23, $0xb8;
	[tilespmem:$0x1FA80] =	vst v63  }
0x75: {  	s16 =	sadd.s32 s5, s16  }
0x76: {  	[tilespmem:s25], [sflag:$0x3] =	stream.linear.gather [hbm4b:s16+s18], $0x3000, $0x38;
	[tilespmem:$0x1FA80] =	vst v63  }
0x77: {  	_ =	swait.ge [sflag:s1], $0x3000  }
0x78: {  	[sflag:s1] =	ssyncset.done $0x0  }
0x79: {  	[sflag:s1] =	ssyncadd.s32 $0xFFFFD000  }
0x7a: {  	_ =	swait.ge [sflag:s9], $0x3000  }
0x7b: {  	[sflag:s9] =	ssyncset.done $0x0  }
0x7c: {  	s16 =	simm.s32 $0x0;
	[sflag:s9] =	ssyncadd.s32 $0xFFFFD000  }
0x7d: {  	v6 =	vld [tilespmem:s16+$0x1CA80]  }
0x7e: {  	v11 =	vld [tilespmem:s16+$0x1CA90]  }
0x7f: {  	v5 =	vld [tilespmem:s16+$0x1CAA0]  }
0x80: {  	v4 =	vld [tilespmem:s16+$0x1CAB0]  }
0x81: {  	v3 =	vld [tilespmem:s16+$0x1CAC0]  }
0x82: {  	v2 =	vld [tilespmem:s16+$0x1CAD0]  }
0x83: {  	v1 =	vld [tilespmem:s16+$0x1CAE0]  }
0x84: {  	v0 =	vld [tilespmem:s16+$0x1CAF0]  }
0x85: {  	v12 =	vld [tilespmem:s16+$0x16A80]  }
0x86: {  	v13 =	vld [tilespmem:s16+$0x16A90]  }
0x87: {  	v10 =	vld [tilespmem:s16+$0x16AA0]  }
0x88: {  	v9 =	vld [tilespmem:s16+$0x16AB0]  }
0x89: {  	v8 =	vld [tilespmem:s16+$0x16AC0]  }
0x8a: {  	v7 =	vld [tilespmem:s16+$0x16AD0];
	v12 =	vadd.f32 v6, v12  }
0x8b: {  	s17 =	simm.s32 $0x200;
	v11 =	vadd.f32 v11, v13;
	v6 =	vld [tilespmem:s16+$0x16AE0]  }
.LBB2_5:
0x8c: {  	s18 =	sshra.s32 s17, $0x2;
	p1 =	sne.s32 s17, $0xBE00;
	v12 =	vmax.f32 v12, $0.0e+00;
	v5 =	vadd.f32 v5, v10;
	v10 =	vld [tilespmem:s16+$0x16AF0]  }
0x8d: {  	v13 =	vld [tilespmem:s18+$0x1CA80];
	[tilespmem:s16+$0x16A80] =	vst v12;
	v11 =	vmax.f32 v11, $0.0e+00;
	v4 =	vadd.f32 v4, v9  }
0x8e: {  	v14 =	vld [tilespmem:s18+$0x1CA90];
	[tilespmem:s16+$0x16A90] =	vst v11;
	v9 =	vmax.f32 v5, $0.0e+00;
	v3 =	vadd.f32 v3, v8  }
0x8f: {  	v5 =	vld [tilespmem:s18+$0x1CAA0];
	[tilespmem:s16+$0x16AA0] =	vst v9;
	v8 =	vmax.f32 v4, $0.0e+00;
	v2 =	vadd.f32 v2, v7  }
0x90: {  	v4 =	vld [tilespmem:s18+$0x1CAB0];
	[tilespmem:s16+$0x16AB0] =	vst v8;
	v7 =	vmax.f32 v3, $0.0e+00;
	v1 =	vadd.f32 v1, v6  }
0x91: {  	v3 =	vld [tilespmem:s18+$0x1CAC0];
	[tilespmem:s16+$0x16AC0] =	vst v7;
	v6 =	vmax.f32 v2, $0.0e+00;
	v0 =	vadd.f32 v0, v10  }
0x92: {  	v2 =	vld [tilespmem:s18+$0x1CAD0];
	[tilespmem:s16+$0x16AD0] =	vst v6;
	v6 =	vmax.f32 v1, $0.0e+00  }
0x93: {  	v1 =	vld [tilespmem:s18+$0x1CAE0];
	[tilespmem:s16+$0x16AE0] =	vst v6;
	v6 =	vmax.f32 v0, $0.0e+00  }
0x94: {  	v0 =	vld [tilespmem:s18+$0x1CAF0];
	[tilespmem:s16+$0x16AF0] =	vst v6;
	s16 =	smov.u32 s18  }
0x95: {  	v6 =	vld [tilespmem:s16+$0x16A80]  }
0x96: {  	v11 =	vld [tilespmem:s16+$0x16A90]  }
.Ltmp1:
0x97: {  	v10 =	vld [tilespmem:s16+$0x16AA0];
	(pc) =	sbr.rel @p1 .LBB2_5-.Ltmp1, $4  }
0x98: {  	v9 =	vld [tilespmem:s16+$0x16AB0]  }
0x99: {  	v8 =	vld [tilespmem:s16+$0x16AC0]  }
0x9a: {  	v12 =	vadd.f32 v13, v6;
	v7 =	vld [tilespmem:s16+$0x16AD0]  }
0x9b: {  	s17 =	sadd.s32 $0x200, s17;
	v11 =	vadd.f32 v14, v11;
	v6 =	vld [tilespmem:s16+$0x16AE0]  }
0x9c: {  	v12 =	vmax.f32 v12, $0.0e+00;
	v5 =	vadd.f32 v5, v10;
	v63 =	vld [tilespmem:s16+$0x16AF0]  }
0x9d: {  	[tilespmem:s16+$0x16A80] =	vst v12;
	v11 =	vmax.f32 v11, $0.0e+00;
	v4 =	vadd.f32 v4, v9  }
0x9e: {  	[tilespmem:s16+$0x16A90] =	vst v11;
	v5 =	vmax.f32 v5, $0.0e+00;
	v3 =	vadd.f32 v3, v8  }
0x9f: {  	[tilespmem:s16+$0x16AA0] =	vst v5;
	v4 =	vmax.f32 v4, $0.0e+00;
	v2 =	vadd.f32 v2, v7  }
0xa0: {  	[tilespmem:s16+$0x16AB0] =	vst v4;
	v3 =	vmax.f32 v3, $0.0e+00;
	v1 =	vadd.f32 v1, v6  }
0xa1: {  	[tilespmem:s16+$0x16AC0] =	vst v3;
	v2 =	vmax.f32 v2, $0.0e+00;
	v0 =	vadd.f32 v0, v63  }
0xa2: {  	[tilespmem:s16+$0x16AD0] =	vst v2;
	v1 =	vmax.f32 v1, $0.0e+00  }
0xa3: {  	[tilespmem:s16+$0x16AE0] =	vst v1;
	v0 =	vmax.f32 v0, $0.0e+00  }
0xa4: {  	s15 =	sadd.s32 s7, s15;
	[tilespmem:s16+$0x16AF0] =	vst v0  }
0xa5: {  	[tilespmem:s11], [sflag:$0x5] =	stream.linear.gather [hbm4b:s15+s3], $0x60, $0x38;
	[tilespmem:$0x1FA80] =	vst v63  }
0xa6: {  	s13 =	sadd.s32 $0x1, s13;
	_ =	swait.ge [sflag:s20], $0x60  }
0xa7: {  	p1 =	sne.s32 s13, $0x35;
	[sflag:s20] =	ssyncset.done $0x0  }
.Ltmp2:
0xa8: {  	[sflag:s20] =	ssyncadd.s32 $0xFFFFFFA0;
	(pc) =	sbr.rel @p1 .LBB2_2-.Ltmp2, $4  }
0xa9: {  	[spmem:s2] =	stream.indirect.scatter.add.f32 [tilespmem:s28], [sflag:$0x5], $0x80, s11, s23, $0xb8;
	[tilespmem:$0x1FA80] =	vst v63  }
0xaa: {  	_ =	swait.ge [sflag:s20], $0x3000  }
0xab: {  	[sflag:s20] =	ssyncset.done $0x0  }
0xac: {  	[sflag:s20] =	ssyncadd.s32 $0xFFFFD000  }
0xad: {  	_ =	swait.ge [sflag:s30], $0x3000  }
0xae: {  	[sflag:s30] =	ssyncset.done $0x0  }
0xaf: {  	[sflag:s30] =	ssyncadd.s32 $0xFFFFD000  }
0xb0: {  	_ =	swait.ge [sflag:s31], $0x3000  }
0xb1: {  	[sflag:s31] =	ssyncset.done $0x0  }
0xb2: {  	s13 =	simm.s32 $0x0;
	[sflag:s31] =	ssyncadd.s32 $0xFFFFD000  }
0xb3: {  	v6 =	vld [tilespmem:s13+$0x19A80]  }
0xb4: {  	v11 =	vld [tilespmem:s13+$0x19A90]  }
0xb5: {  	v5 =	vld [tilespmem:s13+$0x19AA0]  }
0xb6: {  	v4 =	vld [tilespmem:s13+$0x19AB0]  }
0xb7: {  	v3 =	vld [tilespmem:s13+$0x19AC0]  }
0xb8: {  	v2 =	vld [tilespmem:s13+$0x19AD0]  }
0xb9: {  	v1 =	vld [tilespmem:s13+$0x19AE0]  }
0xba: {  	v0 =	vld [tilespmem:s13+$0x19AF0]  }
0xbb: {  	v12 =	vld [tilespmem:s13+$0x13A80]  }
0xbc: {  	v13 =	vld [tilespmem:s13+$0x13A90]  }
0xbd: {  	v10 =	vld [tilespmem:s13+$0x13AA0]  }
0xbe: {  	v9 =	vld [tilespmem:s13+$0x13AB0]  }
0xbf: {  	v8 =	vld [tilespmem:s13+$0x13AC0]  }
0xc0: {  	v7 =	vld [tilespmem:s13+$0x13AD0];
	v12 =	vadd.f32 v6, v12  }
0xc1: {  	s15 =	simm.s32 $0x200;
	v11 =	vadd.f32 v11, v13;
	v6 =	vld [tilespmem:s13+$0x13AE0]  }
.LBB2_8:
0xc2: {  	s16 =	sshra.s32 s15, $0x2;
	p1 =	sne.s32 s15, $0xBE00;
	v12 =	vmax.f32 v12, $0.0e+00;
	v5 =	vadd.f32 v5, v10;
	v10 =	vld [tilespmem:s13+$0x13AF0]  }
0xc3: {  	v13 =	vld [tilespmem:s16+$0x19A80];
	[tilespmem:s13+$0x13A80] =	vst v12;
	v11 =	vmax.f32 v11, $0.0e+00;
	v4 =	vadd.f32 v4, v9  }
0xc4: {  	v14 =	vld [tilespmem:s16+$0x19A90];
	[tilespmem:s13+$0x13A90] =	vst v11;
	v9 =	vmax.f32 v5, $0.0e+00;
	v3 =	vadd.f32 v3, v8  }
0xc5: {  	v5 =	vld [tilespmem:s16+$0x19AA0];
	[tilespmem:s13+$0x13AA0] =	vst v9;
	v8 =	vmax.f32 v4, $0.0e+00;
	v2 =	vadd.f32 v2, v7  }
0xc6: {  	v4 =	vld [tilespmem:s16+$0x19AB0];
	[tilespmem:s13+$0x13AB0] =	vst v8;
	v7 =	vmax.f32 v3, $0.0e+00;
	v1 =	vadd.f32 v1, v6  }
0xc7: {  	v3 =	vld [tilespmem:s16+$0x19AC0];
	[tilespmem:s13+$0x13AC0] =	vst v7;
	v6 =	vmax.f32 v2, $0.0e+00;
	v0 =	vadd.f32 v0, v10  }
0xc8: {  	v2 =	vld [tilespmem:s16+$0x19AD0];
	[tilespmem:s13+$0x13AD0] =	vst v6;
	v6 =	vmax.f32 v1, $0.0e+00  }
0xc9: {  	v1 =	vld [tilespmem:s16+$0x19AE0];
	[tilespmem:s13+$0x13AE0] =	vst v6;
	v6 =	vmax.f32 v0, $0.0e+00  }
0xca: {  	v0 =	vld [tilespmem:s16+$0x19AF0];
	[tilespmem:s13+$0x13AF0] =	vst v6;
	s13 =	smov.u32 s16  }
0xcb: {  	v6 =	vld [tilespmem:s13+$0x13A80]  }
0xcc: {  	v11 =	vld [tilespmem:s13+$0x13A90]  }
.Ltmp3:
0xcd: {  	v10 =	vld [tilespmem:s13+$0x13AA0];
	(pc) =	sbr.rel @p1 .LBB2_8-.Ltmp3, $4  }
0xce: {  	v9 =	vld [tilespmem:s13+$0x13AB0]  }
0xcf: {  	v8 =	vld [tilespmem:s13+$0x13AC0]  }
0xd0: {  	v12 =	vadd.f32 v13, v6;
	v7 =	vld [tilespmem:s13+$0x13AD0]  }
0xd1: {  	s15 =	sadd.s32 $0x200, s15;
	v11 =	vadd.f32 v14, v11;
	v6 =	vld [tilespmem:s13+$0x13AE0]  }
0xd2: {  	v12 =	vmax.f32 v12, $0.0e+00;
	v5 =	vadd.f32 v5, v10;
	v63 =	vld [tilespmem:s13+$0x13AF0]  }
0xd3: {  	[tilespmem:s13+$0x13A80] =	vst v12;
	v11 =	vmax.f32 v11, $0.0e+00;
	v4 =	vadd.f32 v4, v9  }
0xd4: {  	[tilespmem:s13+$0x13A90] =	vst v11;
	v5 =	vmax.f32 v5, $0.0e+00;
	v3 =	vadd.f32 v3, v8  }
0xd5: {  	[tilespmem:s13+$0x13AA0] =	vst v5;
	v4 =	vmax.f32 v4, $0.0e+00;
	v2 =	vadd.f32 v2, v7  }
0xd6: {  	[tilespmem:s13+$0x13AB0] =	vst v4;
	v3 =	vmax.f32 v3, $0.0e+00;
	v1 =	vadd.f32 v1, v6  }
0xd7: {  	[tilespmem:s13+$0x13AC0] =	vst v3;
	v2 =	vmax.f32 v2, $0.0e+00;
	v0 =	vadd.f32 v0, v63  }
0xd8: {  	[tilespmem:s13+$0x13AD0] =	vst v2;
	v1 =	vmax.f32 v1, $0.0e+00  }
0xd9: {  	[tilespmem:s13+$0x13AE0] =	vst v1;
	v0 =	vmax.f32 v0, $0.0e+00  }
0xda: {  	s18 =	rddreg [dreg:$0x7];
	[tilespmem:s13+$0x13AF0] =	vst v0  }
0xdb: {  	[tilespmem:s0], [sflag:$0x5] =	stream.linear.gather [hbm4b:s18+s3], $0x60, $0x38;
	[tilespmem:$0x1FA80] =	vst v63  }
0xdc: {  	_ =	swait.ge [sflag:s20], $0x60  }
0xdd: {  	[sflag:s20] =	ssyncset.done $0x0  }
0xde: {  	[sflag:s20] =	ssyncadd.s32 $0xFFFFFFA0  }
0xdf: {  	[spmem:s2] =	stream.indirect.scatter.add.f32 [tilespmem:s24], [sflag:$0x5], $0x80, s0, s23, $0xb8;
	[tilespmem:$0x1FA80] =	vst v63  }
0xe0: {  	_ =	swait.ge [sflag:s20], $0x3000  }
0xe1: {  	[sflag:s20] =	ssyncset.done $0x0  }
0xe2: {  	[sflag:s20] =	ssyncadd.s32 $0xFFFFD000  }
0xe3: {  	[bflag:$0x0] =	sbarrier.arrive $0xFFFF  }
0xe4: {  	s19 =	rddreg [dreg:$0x8]  }
0xe5: {  	[hbm:s19], [sflag:s10] =	dma.local [spmem:s21], $0x2700  }
0xe6: {  	_ =	swait.ge [sflag:s20], $0x2700  }
0xe7: {  	[sflag:s20] =	ssyncset.done $0x0;
	s13 =	rddreg [dreg:$0x9]  }
0xe8: {  	s17 =	rddreg [dreg:$0xb];
	[sflag:s20] =	ssyncadd.s32 $0xFFFFD900  }
0xe9: {  	[hbm:s13], [sflag:s10] =	dma.local @!p0 [spmem:s17], $0x100  }
0xea: {  	s13 =	simm.s32 @!p0 $0x5  }
0xeb: {  	_ =	swait.ge @!p0 [sflag:s13], $0x100  }
0xec: {  	s12 =	sadd.s32 $0x1, s12;
	s15 =	rddreg [dreg:$0xa]  }
0xed: {  	p1 =	sne.s32 s12, s15  }
.Ltmp4:
0xee: {  	_ = 	snop;
	(pc) =	sbr.rel @p1 .LBB2_1-.Ltmp4, $3  }
0xef: {  	_ =	sdelay $0x1  }
0xf0: {  	[sflag:s13] =	ssyncset.done @!p0 $0x0  }
0xf1: {  	s16 =	smov.u32 s21;
	[sflag:s13] =	ssyncadd.s32 @!p0 $0xFFFFFF00  }
0xf2: {  	_ =	sfence.sel $0x180000  }
0xf3: {  	[bflag:$0x0] =	sbarrier.arrive $0xFFFF  }
0xf4: {  	_ =	strace $0x9000004A  }
0xf5: {  	s0 =	stileid.u32;
	[bflag:$0x2] =	sbarrier.arrive $0xFFFF  }
0xf6: {  	p0 =	sne.s32 s0, $0x0;
	s0 =	rddreg [dreg:$0x2]  }
0xf7: {  	s0 =	sadd.s32 @!p0 $0x100000, s0  }
0xf8: {  	[sflag:s0] =	ssyncadd.tile.s32 @!p0 $0x1;
	_ =	shalt  }
.Lfunc_end2:
_tile_overlayer_lowered:
.L_overlay_start_2:
0xf9: {  	(tag) =	ssettag $0x2  }
0xfa: {  	s0 =	rddreg [dreg:$0x0];
	s2 =	stileid.u32  }
0xfb: {  	s1 =	rddreg [dreg:$0x1];
	p0 =	sne.s32 s2, $0x0  }
0xfc: {  	s3 =	rddreg [dreg:$0x2];
	[bflag:$0x3] =	sbarrier.arrive $0xFFFF;
	s2 =	simm.s32 @!p0 $0x1C05  }
0xfd: {  	[timem:s3], [sflag:s2] =	dma.local @!p0 [hbm:s0], s1  }
0xfe: {  	s0 =	simm.s32 @!p0 $0x5  }
0xff: {  	_ =	swait.ge @!p0 [sflag:s0], s1  }
0x100: {  	s1 =	ssub.s32 @!p0 $0x0, s1;
	[sflag:s0] =	ssyncset.done @!p0 $0x0  }
0x101: {  	[sflag:s0] =	ssyncadd.s32 @!p0 s1  }
0x102: {  	[bflag:$0x3] =	sbarrier.arrive $0xFFFF  }
0x103: {  	_ =	shalt  }

// kernel: kernel.18.cloned.1.call-start
scs
__scs_entry_jumppad:
0x0: {  	(pc) =	sbr.rel $0x88, $3  }
0x1: {  	(tag) =	ssettag $0x0;
	lr =	simm.s32 $0x1  }
0x2: {  	[smem:$0x3F97] =	sst lr;
	_ =	strace $0xD0000000  }
0x3: {  	_ = 	snop  }
0x4: {  	_ = 	snop  }
0x5: {  	_ = 	snop  }
0x6: {  	_ = 	snop  }
0x7: {  	_ = 	snop  }
__scs_overlays_trampoline_lowered:
0x8: {  	[smem:$0x3FA6] =	sst s0  }
0x9: {  	[smem:$0x3FA7] =	sst s1  }
0xa: {  	[smem:$0x3FA8] =	sst s2  }
0xb: {  	[smem:$0x3FA9] =	sst s3  }
0xc: {  	[smem:$0x3FAA] =	sst s4  }
0xd: {  	[smem:$0x3FAB] =	sst s5  }
0xe: {  	[smem:$0x3FAC] =	sst s6  }
0xf: {  	[smem:$0x3FAD] =	sst s7  }
0x10: {  	[smem:$0x3FAE] =	sst s8  }
0x11: {  	[smem:$0x3FAF] =	sst s9;
	s0 =	simm.s32 @!p0 $0x0  }
0x12: {  	s1 =	sld [smem:$0x3F95];
	s0 =	simm.s32 @p0 $0x1  }
0x13: {  	[smem:$0x3FB0] =	sst s0;
	s0 =	simm.s32 @!p1 $0x0  }
0x14: {  	s2 =	sld [smem:$0x3F94];
	s0 =	simm.s32 @p1 $0x1  }
0x15: {  	[smem:$0x3FB1] =	sst s0;
	s0 =	simm.s32 @!p2 $0x0  }
0x16: {  	s3 =	sld [smem:$0x3FDB];
	s0 =	simm.s32 @p2 $0x1  }
0x17: {  	s4 =	simm.s32 $0x1BF5;
	[smem:$0x3FB3] =	sst s0  }
0x18: {  	s0 =	sld [smem:$0x3F96];
	_ =	swait.ge [sflag:s4], $0x0  }
0x19: {  	s7 =	sld [smem:$0x3F97]  }
0x1a: {  	s8 =	sadd.s32 $0xFFFFE003, lr  }
0x1b: {  	s9 =	sadd.s32 $0xFFFFFEF7, lr;
	s5 =	simm.s32 $0xFFFFFFFF;
	p2 =	slt.u32 s8, $0xFFFFF086  }
0x1c: {  	p1 =	slt.u32 s9, $0xF7A;
	s5 =	simm.s32 @!p2 $0x0  }
0x1d: {  	s5 =	simm.s32 @p1 $0x1;
	p0 =	seq.s32 s7, s2  }
0x1e: {  	s7 =	smul.u32 @!p0 $0xF7A, s2;
	p2 =	seq.s32 @!p0 s5, $0x0  }
0x1f: {  	s9 =	smul.u32 $0xF7A, s1;
	s8 =	simm.s32 @!p0 $0x1BF5;
	p2 =	por !p2, p0  }
0x20: {  	[sflag:s8] =	ssyncset.s32 @!p0 $0xFFFFF086;
	s6 =	sadd.s32 @!p0 s3, s7;
	s7 =	simm.s32 @!p0 $0x108  }
0x21: {  	s3 =	sadd.s32 s3, s9;
	s6 =	sadd.s32 @!p0 $0x88, s6;
	s7 =	simm.s32 @p2 $0x1082  }
0x22: {  	[simem:s7], [sflag:s8] =	dma.local @!p0 [hbm:s6], $0xF7A  }
0x23: {  	s9 =	sor.u32 $0xD0000000, s2;
	s6 =	simm.s32 $0x108;
	_ =	swait.ge @!p0 [sflag:s8], $0x0  }
0x24: {  	s3 =	sadd.s32 $0x88, s3;
	s6 =	simm.s32 @!p1 $0x1082;
	[sflag:s4] =	ssyncset.s32 $0xFFFFF086  }
0x25: {  	[simem:s6], [sflag:s4] =	dma.local [hbm:s3], $0xF7A  }
0x26: {  	[smem:$0x3F97] =	sst s1;
	(tag) =	ssettag s2;
	_ =	strace s9  }
0x27: {  	s1 =	sld [smem:$0x3FA7]  }
0x28: {  	s2 =	sld [smem:$0x3FA8]  }
0x29: {  	s4 =	sld [smem:$0x3FAA]  }
0x2a: {  	p0 =	seq.s32 s5, $0x0;
	s5 =	sld [smem:$0x3FAB]  }
0x2b: {  	s6 =	sld [smem:$0x3FAC]  }
0x2c: {  	s7 =	sld [smem:$0x3FAD]  }
0x2d: {  	s3 =	simm.s32 $0x108;
	s8 =	sld [smem:$0x3FAE]  }
0x2e: {  	s3 =	simm.s32 @!p0 $0x1082;
	s9 =	sld [smem:$0x3FAF]  }
0x2f: {  	lr =	sadd.s32 s0, s3;
	s0 =	sld [smem:$0x3FA6]  }
0x30: {  	s3 =	sld [smem:$0x3FA9]  }
0x31: {  	[smem:$0x3FB2] =	sst s10  }
0x32: {  	s10 =	sld [smem:$0x3FB0];
	_ =	sdelay $0x3  }
0x33: {  	p0 =	seq.s32 s10, $0x1;
	s10 =	sld [smem:$0x3FB2];
	_ =	sdelay $0x3  }
0x34: {  	[smem:$0x3FB2] =	sst s10  }
0x35: {  	s10 =	sld [smem:$0x3FB1];
	_ =	sdelay $0x3  }
0x36: {  	p1 =	seq.s32 s10, $0x1;
	s10 =	sld [smem:$0x3FB2];
	_ =	sdelay $0x3  }
0x37: {  	[smem:$0x3FB2] =	sst s10  }
0x38: {  	s10 =	sld [smem:$0x3FB3]  }
0x39: {  	_ = 	snop;
	(pc) =	sbr.ind lr, $3  }
0x3a: {  	_ = 	snop  }
0x3b: {  	_ = 	snop  }
0x3c: {  	p2 =	seq.s32 s10, $0x1;
	s10 =	sld [smem:$0x3FB2]  }
0x3d: {  	_ =	shalt  }
0x3e: {  	_ =	shalt  }
0x3f: {  	_ =	shalt  }
0x40: {  	_ =	shalt  }
0x41: {  	_ =	shalt  }
0x42: {  	_ =	shalt  }
0x43: {  	_ =	shalt  }
0x44: {  	_ =	shalt  }
0x45: {  	_ =	shalt  }
0x46: {  	_ =	shalt  }
0x47: {  	_ =	shalt  }
0x48: {  	_ =	shalt  }
0x49: {  	_ =	shalt  }
0x4a: {  	_ =	shalt  }
0x4b: {  	_ =	shalt  }
0x4c: {  	_ =	shalt  }
0x4d: {  	_ =	shalt  }
0x4e: {  	_ =	shalt  }
0x4f: {  	_ =	shalt  }
0x50: {  	_ =	shalt  }
0x51: {  	_ =	shalt  }
0x52: {  	_ =	shalt  }
0x53: {  	_ =	shalt  }
0x54: {  	_ =	shalt  }
0x55: {  	_ =	shalt  }
0x56: {  	_ =	shalt  }
0x57: {  	_ =	shalt  }
0x58: {  	_ =	shalt  }
0x59: {  	_ =	shalt  }
0x5a: {  	_ =	shalt  }
0x5b: {  	_ =	shalt  }
0x5c: {  	_ =	shalt  }
0x5d: {  	_ =	shalt  }
0x5e: {  	_ =	shalt  }
0x5f: {  	_ =	shalt  }
0x60: {  	_ =	shalt  }
0x61: {  	_ =	shalt  }
0x62: {  	_ =	shalt  }
0x63: {  	_ =	shalt  }
0x64: {  	_ =	shalt  }
0x65: {  	_ =	shalt  }
0x66: {  	_ =	shalt  }
0x67: {  	_ =	shalt  }
0x68: {  	_ =	shalt  }
0x69: {  	_ =	shalt  }
0x6a: {  	_ =	shalt  }
0x6b: {  	_ =	shalt  }
0x6c: {  	_ =	shalt  }
0x6d: {  	_ =	shalt  }
0x6e: {  	_ =	shalt  }
0x6f: {  	_ =	shalt  }
0x70: {  	_ =	shalt  }
0x71: {  	_ =	shalt  }
0x72: {  	_ =	shalt  }
0x73: {  	_ =	shalt  }
0x74: {  	_ =	shalt  }
0x75: {  	_ =	shalt  }
0x76: {  	_ =	shalt  }
0x77: {  	_ =	shalt  }
0x78: {  	_ =	shalt  }
0x79: {  	_ =	shalt  }
0x7a: {  	_ =	shalt  }
0x7b: {  	_ =	shalt  }
0x7c: {  	_ =	shalt  }
0x7d: {  	_ =	shalt  }
0x7e: {  	_ =	shalt  }
0x7f: {  	_ =	shalt  }
0x80: {  	_ =	shalt  }
0x81: {  	_ =	shalt  }
0x82: {  	_ =	shalt  }
0x83: {  	_ =	shalt  }
0x84: {  	_ =	shalt  }
0x85: {  	_ =	shalt  }
0x86: {  	_ =	shalt  }
0x87: {  	_ =	shalt  }
.Lfunc_end0:
.L_simem_size_0:
called_computation.2_lowered:
.L_overlay_start_0:
0x88: {  	s2 =	sld [smem:$0x3FD9]  }
0x89: {  	s3 =	sld [smem:$0x3FFE];
	_ =	sdelay $0x1  }
0x8a: {  	s1 =	srdreg.scid  }
0x8b: {  	s0 =	sand.u32 $0x1, s1  }
0x8c: {  	s16 =	sshll.u32 s0, $0xA;
	s2 =	sadd.s32 s3, s2  }
0x8d: {  	s2 =	sadd.s32 s2, s16  }
0x8e: {  	[smem:$0x3FBE] =	sst s2  }
0x8f: {  	_ = 	snop  }
0x90: {  	(tm) =	ssettm $0x1  }
0x91: {  	s17 =	sld [smem:$0x3FFB];
	_ =	sdelay $0x3  }
0x92: {  	_ =	strace s17  }
0x93: {  	s2 =	sld [smem:$0x3FFC];
	_ =	sdelay $0x3  }
0x94: {  	_ =	strace s2  }
0x95: {  	s2 =	sld [smem:$0x3FFD];
	_ =	sdelay $0x3  }
0x96: {  	_ =	strace s2  }
0x97: {  	_ =	strace $0x8FFFFFFF  }
0x98: {  	s18 =	sld [smem:$0x3FDB];
	_ =	sdelay $0x1  }
0x99: {  	s19 =	simm.s32 $_scs_section_size  }
0x9a: {  	s4 =	simm.s32 $_size__tile_overlayer_lowered;
	s5 =	simm.s32 $_tile_overlayer_lowered  }
0x9b: {  	s22 =	simm.s32 $0x1BFF;
	s21 =	sshll.u32 s5, $0x1;
	s2 =	sadd.s32 s19, s18  }
0x9c: {  	s6 =	simm.s32 $0x0;
	s20 =	sshll.u32 s4, $0x1;
	s4 =	sadd.s32 s21, s2  }
0x9d: {  	[timem:s6], [sflag:s22] =	dma.local [hbm:s4], s20  }
0x9e: {  	_ =	swait.ge [sflag:s22], s20  }
0x9f: {  	s3 =	ssub.s32 $0x0, s20;
	[sflag:s22] =	ssyncset.done $0x0  }
0xa0: {  	[sflag:s22] =	ssyncadd.s32 s3;
	_ =	sdelay $0x1  }
0xa1: {  	s23 =	simm.s32 $0x1B8B  }
0xa2: {  	_ =	swait.ge [sflag:s23], $0x1  }
0xa3: {  	[sflag:s23] =	ssyncset.done $0x0  }
0xa4: {  	s25 =	simm.s32 $0x1B8E;
	s24 =	sld [smem:$0x3FFE];
	[sflag:s23] =	ssyncadd.s32 $0xFFFFFFFF  }
0xa5: {  	s26 =	simm.s32 $execute0_lowered;
	[smem:$0x3FD2] =	sst s25  }
0xa6: {  	s4 =	sshll.u32 s26, $0x1;
	_ =	strace $0x8000004C;
	[dreg:$0x1] =	wrdreg $0xFFFFFFFF  }
0xa7: {  	s28 =	simm.s32 $_size_execute0_lowered;
	s2 =	sadd.s32 s2, s4;
	[dreg:$0x0] =	wrdreg $0x0  }
0xa8: {  	s4 =	sshll.u32 s28, $0x1;
	[dreg:$0x2] =	wrdreg s2  }
0xa9: {  	[dreg:$0x3] =	wrdreg s4  }
0xaa: {  	[dreg:$0x4] =	wrdreg $0xC0  }
0xab: {  	_ =	task [dreg:s6], $0x5FFFF  }
0xac: {  	[dreg:$0x1] =	wrdreg $0xFFFFFFFF  }
0xad: {  	[dreg:$0x0] =	wrdreg $0x60  }
0xae: {  	[dreg:$0x2] =	wrdreg s24  }
0xaf: {  	[dreg:$0x3] =	wrdreg $0x0  }
0xb0: {  	[dreg:$0x4] =	wrdreg $0x9  }
0xb1: {  	_ =	task.clear_ibuf [dreg:s6], $0x5FFFF;
	_ =	strace $0x9000004C  }
0xb2: {  	s29 =	simm.s32 $0x9;
	_ =	strace $0x8000004E  }
0xb3: {  	_ =	swait.ge [sflag:s29], $0x1  }
0xb4: {  	[sflag:s29] =	ssyncadd.s32 $0xFFFFFFFF  }
0xb5: {  	_ =	strace $0x9000004E  }
0xb6: {  	_ =	sfence  }
0xb7: {  	s30 =	sld [smem:$0x0];
	_ =	sdelay $0x2  }
0xb8: {  	s31 =	sshll.u32 s1, $0xD;
	s1 =	sshrl.u32 s1, $0x2  }
0xb9: {  	s3 =	sand.u32 $0x4000, s31;
	s1 =	sadd.s32 s1, s30  }
0xba: {  	s0 =	sor.u32 s3, s0;
	s1 =	sshll.u32 s1, $0x11  }
0xbb: {  	s0 =	sor.u32 s1, s0  }
0xbc: {  	s0 =	sadd.s32 $0x8F2B, s0  }
0xbd: {  	[sflag:s0] =	ssyncadd.remote.s32 $0x1  }
0xbe: {  	_ =	sfence.sel $0xFFFF  }
0xbf: {  	[dreg:$0x0] =	wrdreg $0xFFFFFFFF;
	(pc) =	sbr.abs _section_cstart, $3  }
0xc0: {  	[dreg:$0x1] =	wrdreg $0xFFFFFFFF  }
0xc1: {  	_ =	task.clear_ibuf [dreg:s6], $0x2FFFF;
	_ =	strace $0x9FFFFFFF  }
0xc2: {  	(tm) =	ssettm $0x7FFFFFFF  }
0xc3: {  	_ =	shalt  }
tec
execute0_lowered:
.L_overlay_start_1:
0x0: {  	(tag) =	ssettag $0x1  }
0x1: {  	s0 =	rddreg [dreg:$0x0]  }
0x2: {  	s2 =	rddreg [dreg:$0x1]  }
0x3: {  	s3 =	simm.s32 $0x0;
	s19 =	stileid.u32;
	s17 =	srdreg.scid  }
0x4: {  	s28 =	simm.s32 $0x16A80;
	s29 =	simm.s32 $0x1CA80;
	s30 =	simm.s32 $0x1  }
0x5: {  	s31 =	simm.s32 $0x3;
	[smem:$0x7FF] =	sst s3;
	s1 =	smul.u32 $0x13800, s19  }
0x6: {  	s4 =	sadd.s32 $0x4000, s0;
	s5 =	sadd.s32 $0xF7A000, s0;
	s6 =	sadd.s32 $0x4E6200, s0  }
0x7: {  	s7 =	sadd.s32 $0x4F0400, s0;
	s11 =	sand.u32 $0x1, s17;
	s18 =	sshll.u32 s19, $0x1  }
0x8: {  	s10 =	smul.u32 $0x4E000, s19;
	s12 =	sadd.s32 $0x2B200, s0;
	s21 =	sshll.u32 s19, $0x6  }
0x9: {  	p0 =	sne.s32 s19, $0xF;
	s14 =	sor.u32 s11, s18;
	s23 =	smul.u32 $0x138800, s11  }
0xa: {  	_ =	strace $0x8000004D;
	s13 =	ssub.s32 $0x2, s11;
	s16 =	smul.u32 $0x504, s14  }
0xb: {  	s8 =	sshrl.u32 s1, $0x3;
	s15 =	sshrl.u32 s13, $0x1;
	s17 =	smul.u32 $0x28200, s14  }
0xc: {  	s10 =	sshrl.u32 s10, $0x2;
	s18 =	smul.u32 $0x2820, s14;
	s9 =	sadd.s32 s8, s0  }
0xd: {  	s8 =	smul.u32 $0x6B, s14;
	s13 =	ssub.s32 s13, s15;
	s20 =	sadd.s32 s10, s2  }
0xe: {  	s10 =	sor.u32 $0x1C05, s21;
	s0 =	sadd.s32 $0xA25600, s0;
	s1 =	sadd.s32 s1, s23  }
0xf: {  	s9 =	sadd.s32 $0x9FE600, s9;
	[dreg:$0x4] =	wrdreg s0;
	s22 =	sadd.s32 s6, s16  }
0x10: {  	s24 =	sadd.s32 s5, s17;
	s25 =	sshrl.u32 s18, $0x3;
	s0 =	sshrl.u32 s23, $0x3  }
0x11: {  	s1 =	sshrl.u32 s1, $0x3;
	s26 =	smax.u32 s13, $0x1;
	[dreg:$0x3] =	wrdreg s9  }
0x12: {  	s16 =	sshrl.u32 s20, $0x3;
	s20 =	simm.s32 $0x5;
	[dreg:$0x5] =	wrdreg s22  }
0x13: {  	s23 =	simm.s32 $0x60;
	s9 =	sadd.s32 $0x138000, s2;
	[dreg:$0x6] =	wrdreg s24  }
0x14: {  	s14 =	sadd.s32 $0x2, s8;
	s11 =	sadd.s32 s7, s25;
	s0 =	sadd.s32 s12, s0  }
0x15: {  	s1 =	sadd.s32 s12, s1;
	[dreg:$0xa] =	wrdreg s26;
	s22 =	simm.s32 $0x13880  }
0x16: {  	s24 =	simm.s32 $0x13A80;
	s25 =	simm.s32 $0x19A80;
	s26 =	simm.s32 $0x13900  }
0x17: {  	s12 =	simm.s32 $0x0;
	s11 =	sadd.s32 $0x4F8, s11;
	[dreg:$0x8] =	wrdreg s1  }
0x18: {  	s0 =	sadd.s32 $0x27000, s0;
	s17 =	sshrl.u32 @!p0 s9, $0x3;
	[dreg:$0x7] =	wrdreg s11  }
0x19: {  	s1 =	simm.s32 $0x2;
	s9 =	simm.s32 $0x4;
	[dreg:$0x9] =	wrdreg s0  }
0x1a: {  	s0 =	simm.s32 $0x13980;
	s11 =	simm.s32 $0x13A00;
	[dreg:$0xb] =	wrdreg s17  }
.LBB2_1:
0x1b: {  	s13 =	rddreg [dreg:$0x3]  }
0x1c: {  	[spmem:s16], [sflag:s10] =	dma.local [hbm:s13], $0x2700  }
0x1d: {  	_ =	swait.ge [sflag:s20], $0x2700  }
0x1e: {  	[sflag:s20] =	ssyncset.done $0x0  }
0x1f: {  	s13 =	rddreg [dreg:$0x4];
	[sflag:s20] =	ssyncadd.s32 $0xFFFFD900  }
0x20: {  	[spmem:s17], [sflag:s10] =	dma.local @!p0 [hbm:s13], $0x100  }
0x21: {  	s13 =	simm.s32 @!p0 $0x5  }
0x22: {  	_ =	swait.ge @!p0 [sflag:s13], $0x100  }
0x23: {  	[sflag:s13] =	ssyncset.done @!p0 $0x0  }
0x24: {  	[sflag:s13] =	ssyncadd.s32 @!p0 $0xFFFFFF00  }
0x25: {  	[bflag:$0x0] =	sbarrier.arrive $0xFFFF  }
0x26: {  	s18 =	rddreg [dreg:$0x5]  }
0x27: {  	[tilespmem:s22], [sflag:$0x5] =	stream.linear.gather [hbm4b:s18+s3], $0x60, $0x38;
	[tilespmem:$0x1FA80] =	vst v63  }
0x28: {  	_ =	swait.ge [sflag:s20], $0x60  }
0x29: {  	[sflag:s20] =	ssyncset.done $0x0  }
0x2a: {  	[sflag:s20] =	ssyncadd.s32 $0xFFFFFFA0  }
0x2b: {  	[tilespmem:s24], [sflag:$0x1] =	stream.indirect.gather [hbm4b:s4+s23], $0x80, s22, s23, $0xb8;
	[tilespmem:$0x1FA80] =	vst v63  }
0x2c: {  	s21 =	smov.u32 s16;
	s13 =	simm.s32 $0x0;
	s19 =	rddreg [dreg:$0x6]  }
0x2d: {  	[tilespmem:s25], [sflag:$0x3] =	stream.linear.gather [hbm4b:s19+s3], $0x3000, $0x38;
	[tilespmem:$0x1FA80] =	vst v63  }
.LBB2_2:
0x2e: {  	s16 =	sshll.u32 s13, $0x1  }
0x2f: {  	s15 =	sadd.s32 s16, s8  }
0x30: {  	s17 =	sadd.s32 $0x1, s15  }
0x31: {  	s15 =	smul.u32 $0xC, s17;
	_ =	sdelay $0x1  }
0x32: {  	s19 =	simm.s32 $0x0;
	s18 =	sadd.s32 s6, s15  }
0x33: {  	[tilespmem:s26], [sflag:$0x5] =	stream.linear.gather [hbm4b:s18+s19], $0x60, $0x38;
	[tilespmem:$0x1FA80] =	vst v63  }
0x34: {  	_ =	swait.ge [sflag:s20], $0x60  }
0x35: {  	[sflag:s20] =	ssyncset.done $0x0  }
0x36: {  	s17 =	smul.u32 $0x600, s17;
	[sflag:s20] =	ssyncadd.s32 $0xFFFFFFA0  }
0x37: {  	[tilespmem:s28], [sflag:$0x2] =	stream.indirect.gather [hbm4b:s4+s23], $0x80, s26, s23, $0xb8;
	[tilespmem:$0x1FA80] =	vst v63  }
0x38: {  	s17 =	sadd.s32 s5, s17  }
0x39: {  	[tilespmem:s29], [sflag:$0x4] =	stream.linear.gather [hbm4b:s17+s19], $0x3000, $0x38;
	[tilespmem:$0x1FA80] =	vst v63  }
0x3a: {  	_ =	swait.ge [sflag:s30], $0x3000  }
0x3b: {  	[sflag:s30] =	ssyncset.done $0x0  }
0x3c: {  	[sflag:s30] =	ssyncadd.s32 $0xFFFFD000  }
0x3d: {  	_ =	swait.ge [sflag:s31], $0x3000  }
0x3e: {  	[sflag:s31] =	ssyncset.done $0x0  }
0x3f: {  	s17 =	simm.s32 $0x0;
	[sflag:s31] =	ssyncadd.s32 $0xFFFFD000  }
0x40: {  	v6 =	vld [tilespmem:s17+$0x19A80]  }
0x41: {  	v11 =	vld [tilespmem:s17+$0x19A90]  }
0x42: {  	v5 =	vld [tilespmem:s17+$0x19AA0]  }
0x43: {  	v4 =	vld [tilespmem:s17+$0x19AB0]  }
0x44: {  	v3 =	vld [tilespmem:s17+$0x19AC0]  }
0x45: {  	v2 =	vld [tilespmem:s17+$0x19AD0]  }
0x46: {  	v1 =	vld [tilespmem:s17+$0x19AE0]  }
0x47: {  	v0 =	vld [tilespmem:s17+$0x19AF0]  }
0x48: {  	v12 =	vld [tilespmem:s17+$0x13A80]  }
0x49: {  	v13 =	vld [tilespmem:s17+$0x13A90]  }
0x4a: {  	v10 =	vld [tilespmem:s17+$0x13AA0]  }
0x4b: {  	v9 =	vld [tilespmem:s17+$0x13AB0]  }
0x4c: {  	v8 =	vld [tilespmem:s17+$0x13AC0]  }
0x4d: {  	v7 =	vld [tilespmem:s17+$0x13AD0];
	v12 =	vadd.f32 v6, v12  }
0x4e: {  	s18 =	simm.s32 $0x200;
	v11 =	vadd.f32 v11, v13;
	v6 =	vld [tilespmem:s17+$0x13AE0]  }
.LBB2_3:
0x4f: {  	s19 =	sshra.s32 s18, $0x2;
	p1 =	sne.s32 s18, $0xBE00;
	v12 =	vmax.f32 v12, $0.0e+00;
	v5 =	vadd.f32 v5, v10;
	v10 =	vld [tilespmem:s17+$0x13AF0]  }
0x50: {  	v13 =	vld [tilespmem:s19+$0x19A80];
	[tilespmem:s17+$0x13A80] =	vst v12;
	v11 =	vmax.f32 v11, $0.0e+00;
	v4 =	vadd.f32 v4, v9  }
0x51: {  	v14 =	vld [tilespmem:s19+$0x19A90];
	[tilespmem:s17+$0x13A90] =	vst v11;
	v9 =	vmax.f32 v5, $0.0e+00;
	v3 =	vadd.f32 v3, v8  }
0x52: {  	v5 =	vld [tilespmem:s19+$0x19AA0];
	[tilespmem:s17+$0x13AA0] =	vst v9;
	v8 =	vmax.f32 v4, $0.0e+00;
	v2 =	vadd.f32 v2, v7  }
0x53: {  	v4 =	vld [tilespmem:s19+$0x19AB0];
	[tilespmem:s17+$0x13AB0] =	vst v8;
	v7 =	vmax.f32 v3, $0.0e+00;
	v1 =	vadd.f32 v1, v6  }
0x54: {  	v3 =	vld [tilespmem:s19+$0x19AC0];
	[tilespmem:s17+$0x13AC0] =	vst v7;
	v6 =	vmax.f32 v2, $0.0e+00;
	v0 =	vadd.f32 v0, v10  }
0x55: {  	v2 =	vld [tilespmem:s19+$0x19AD0];
	[tilespmem:s17+$0x13AD0] =	vst v6;
	v6 =	vmax.f32 v1, $0.0e+00  }
0x56: {  	v1 =	vld [tilespmem:s19+$0x19AE0];
	[tilespmem:s17+$0x13AE0] =	vst v6;
	v6 =	vmax.f32 v0, $0.0e+00  }
0x57: {  	v0 =	vld [tilespmem:s19+$0x19AF0];
	[tilespmem:s17+$0x13AF0] =	vst v6;
	s17 =	smov.u32 s19  }
0x58: {  	v6 =	vld [tilespmem:s17+$0x13A80]  }
0x59: {  	v11 =	vld [tilespmem:s17+$0x13A90]  }
.Ltmp0:
0x5a: {  	v10 =	vld [tilespmem:s17+$0x13AA0];
	(pc) =	sbr.rel @p1 .LBB2_3-.Ltmp0, $4  }
0x5b: {  	v9 =	vld [tilespmem:s17+$0x13AB0]  }
0x5c: {  	v8 =	vld [tilespmem:s17+$0x13AC0]  }
0x5d: {  	v12 =	vadd.f32 v13, v6;
	v7 =	vld [tilespmem:s17+$0x13AD0]  }
0x5e: {  	s18 =	sadd.s32 $0x200, s18;
	v11 =	vadd.f32 v14, v11;
	v6 =	vld [tilespmem:s17+$0x13AE0]  }
0x5f: {  	v12 =	vmax.f32 v12, $0.0e+00;
	v5 =	vadd.f32 v5, v10;
	v10 =	vld [tilespmem:s17+$0x13AF0]  }
0x60: {  	[tilespmem:s17+$0x13A80] =	vst v12;
	v11 =	vmax.f32 v11, $0.0e+00;
	v4 =	vadd.f32 v4, v9  }
0x61: {  	[tilespmem:s17+$0x13A90] =	vst v11;
	v5 =	vmax.f32 v5, $0.0e+00;
	v3 =	vadd.f32 v3, v8  }
0x62: {  	[tilespmem:s17+$0x13AA0] =	vst v5;
	v4 =	vmax.f32 v4, $0.0e+00;
	v2 =	vadd.f32 v2, v7  }
0x63: {  	[tilespmem:s17+$0x13AB0] =	vst v4;
	v3 =	vmax.f32 v3, $0.0e+00;
	v1 =	vadd.f32 v1, v6  }
0x64: {  	s18 =	sadd.s32 s8, s16;
	[tilespmem:s17+$0x13AC0] =	vst v3;
	v2 =	vmax.f32 v2, $0.0e+00;
	v0 =	vadd.f32 v0, v10  }
0x65: {  	s18 =	smul.u32 $0xC, s18;
	[tilespmem:s17+$0x13AD0] =	vst v2;
	v1 =	vmax.f32 v1, $0.0e+00  }
0x66: {  	[tilespmem:s17+$0x13AE0] =	vst v1;
	v0 =	vmax.f32 v0, $0.0e+00  }
0x67: {  	s19 =	sadd.s32 s7, s18;
	s18 =	simm.s32 $0x0;
	[tilespmem:s17+$0x13AF0] =	vst v0  }
0x68: {  	[tilespmem:s0], [sflag:$0x5] =	stream.linear.gather [hbm4b:s19+s18], $0x60, $0x38;
	[tilespmem:$0x1FA80] =	vst v63  }
0x69: {  	_ =	swait.ge [sflag:s20], $0x60  }
0x6a: {  	[sflag:s20] =	ssyncset.done $0x0  }
0x6b: {  	s16 =	sadd.s32 s16, s14;
	[sflag:s20] =	ssyncadd.s32 $0xFFFFFFA0  }
0x6c: {  	[spmem:s2] =	stream.indirect.scatter.add.f32 [tilespmem:s24], [sflag:$0x5], $0x80, s0, s23, $0xb8;
	[tilespmem:$0x1FA80] =	vst v63  }
0x6d: {  	s19 =	smul.u32 $0xC, s16;
	_ =	swait.ge [sflag:s20], $0x3000  }
0x6e: {  	[sflag:s20] =	ssyncset.done $0x0  }
0x6f: {  	s17 =	sadd.s32 s6, s19;
	[sflag:s20] =	ssyncadd.s32 $0xFFFFD000  }
0x70: {  	[tilespmem:s22], [sflag:$0x5] =	stream.linear.gather [hbm4b:s17+s18], $0x60, $0x38;
	[tilespmem:$0x1FA80] =	vst v63  }
0x71: {  	_ =	swait.ge [sflag:s20], $0x60  }
0x72: {  	[sflag:s20] =	ssyncset.done $0x0  }
0x73: {  	s16 =	smul.u32 $0x600, s16;
	[sflag:s20] =	ssyncadd.s32 $0xFFFFFFA0  }
0x74: {  	[tilespmem:s24], [sflag:$0x1] =	stream.indirect.gather [hbm4b:s4+s23], $0x80, s22, s23, $0xb8;
	[tilespmem:$0x1FA80] =	vst v63  }
0x75: {  	s16 =	sadd.s32 s5, s16  }
0x76: {  	[tilespmem:s25], [sflag:$0x3] =	stream.linear.gather [hbm4b:s16+s18], $0x3000, $0x38;
	[tilespmem:$0x1FA80] =	vst v63  }
0x77: {  	_ =	swait.ge [sflag:s1], $0x3000  }
0x78: {  	[sflag:s1] =	ssyncset.done $0x0  }
0x79: {  	[sflag:s1] =	ssyncadd.s32 $0xFFFFD000  }
0x7a: {  	_ =	swait.ge [sflag:s9], $0x3000  }
0x7b: {  	[sflag:s9] =	ssyncset.done $0x0  }
0x7c: {  	s16 =	simm.s32 $0x0;
	[sflag:s9] =	ssyncadd.s32 $0xFFFFD000  }
0x7d: {  	v6 =	vld [tilespmem:s16+$0x1CA80]  }
0x7e: {  	v11 =	vld [tilespmem:s16+$0x1CA90]  }
0x7f: {  	v5 =	vld [tilespmem:s16+$0x1CAA0]  }
0x80: {  	v4 =	vld [tilespmem:s16+$0x1CAB0]  }
0x81: {  	v3 =	vld [tilespmem:s16+$0x1CAC0]  }
0x82: {  	v2 =	vld [tilespmem:s16+$0x1CAD0]  }
0x83: {  	v1 =	vld [tilespmem:s16+$0x1CAE0]  }
0x84: {  	v0 =	vld [tilespmem:s16+$0x1CAF0]  }
0x85: {  	v12 =	vld [tilespmem:s16+$0x16A80]  }
0x86: {  	v13 =	vld [tilespmem:s16+$0x16A90]  }
0x87: {  	v10 =	vld [tilespmem:s16+$0x16AA0]  }
0x88: {  	v9 =	vld [tilespmem:s16+$0x16AB0]  }
0x89: {  	v8 =	vld [tilespmem:s16+$0x16AC0]  }
0x8a: {  	v7 =	vld [tilespmem:s16+$0x16AD0];
	v12 =	vadd.f32 v6, v12  }
0x8b: {  	s17 =	simm.s32 $0x200;
	v11 =	vadd.f32 v11, v13;
	v6 =	vld [tilespmem:s16+$0x16AE0]  }
.LBB2_5:
0x8c: {  	s18 =	sshra.s32 s17, $0x2;
	p1 =	sne.s32 s17, $0xBE00;
	v12 =	vmax.f32 v12, $0.0e+00;
	v5 =	vadd.f32 v5, v10;
	v10 =	vld [tilespmem:s16+$0x16AF0]  }
0x8d: {  	v13 =	vld [tilespmem:s18+$0x1CA80];
	[tilespmem:s16+$0x16A80] =	vst v12;
	v11 =	vmax.f32 v11, $0.0e+00;
	v4 =	vadd.f32 v4, v9  }
0x8e: {  	v14 =	vld [tilespmem:s18+$0x1CA90];
	[tilespmem:s16+$0x16A90] =	vst v11;
	v9 =	vmax.f32 v5, $0.0e+00;
	v3 =	vadd.f32 v3, v8  }
0x8f: {  	v5 =	vld [tilespmem:s18+$0x1CAA0];
	[tilespmem:s16+$0x16AA0] =	vst v9;
	v8 =	vmax.f32 v4, $0.0e+00;
	v2 =	vadd.f32 v2, v7  }
0x90: {  	v4 =	vld [tilespmem:s18+$0x1CAB0];
	[tilespmem:s16+$0x16AB0] =	vst v8;
	v7 =	vmax.f32 v3, $0.0e+00;
	v1 =	vadd.f32 v1, v6  }
0x91: {  	v3 =	vld [tilespmem:s18+$0x1CAC0];
	[tilespmem:s16+$0x16AC0] =	vst v7;
	v6 =	vmax.f32 v2, $0.0e+00;
	v0 =	vadd.f32 v0, v10  }
0x92: {  	v2 =	vld [tilespmem:s18+$0x1CAD0];
	[tilespmem:s16+$0x16AD0] =	vst v6;
	v6 =	vmax.f32 v1, $0.0e+00  }
0x93: {  	v1 =	vld [tilespmem:s18+$0x1CAE0];
	[tilespmem:s16+$0x16AE0] =	vst v6;
	v6 =	vmax.f32 v0, $0.0e+00  }
0x94: {  	v0 =	vld [tilespmem:s18+$0x1CAF0];
	[tilespmem:s16+$0x16AF0] =	vst v6;
	s16 =	smov.u32 s18  }
0x95: {  	v6 =	vld [tilespmem:s16+$0x16A80]  }
0x96: {  	v11 =	vld [tilespmem:s16+$0x16A90]  }
.Ltmp1:
0x97: {  	v10 =	vld [tilespmem:s16+$0x16AA0];
	(pc) =	sbr.rel @p1 .LBB2_5-.Ltmp1, $4  }
0x98: {  	v9 =	vld [tilespmem:s16+$0x16AB0]  }
0x99: {  	v8 =	vld [tilespmem:s16+$0x16AC0]  }
0x9a: {  	v12 =	vadd.f32 v13, v6;
	v7 =	vld [tilespmem:s16+$0x16AD0]  }
0x9b: {  	s17 =	sadd.s32 $0x200, s17;
	v11 =	vadd.f32 v14, v11;
	v6 =	vld [tilespmem:s16+$0x16AE0]  }
0x9c: {  	v12 =	vmax.f32 v12, $0.0e+00;
	v5 =	vadd.f32 v5, v10;
	v63 =	vld [tilespmem:s16+$0x16AF0]  }
0x9d: {  	[tilespmem:s16+$0x16A80] =	vst v12;
	v11 =	vmax.f32 v11, $0.0e+00;
	v4 =	vadd.f32 v4, v9  }
0x9e: {  	[tilespmem:s16+$0x16A90] =	vst v11;
	v5 =	vmax.f32 v5, $0.0e+00;
	v3 =	vadd.f32 v3, v8  }
0x9f: {  	[tilespmem:s16+$0x16AA0] =	vst v5;
	v4 =	vmax.f32 v4, $0.0e+00;
	v2 =	vadd.f32 v2, v7  }
0xa0: {  	[tilespmem:s16+$0x16AB0] =	vst v4;
	v3 =	vmax.f32 v3, $0.0e+00;
	v1 =	vadd.f32 v1, v6  }
0xa1: {  	[tilespmem:s16+$0x16AC0] =	vst v3;
	v2 =	vmax.f32 v2, $0.0e+00;
	v0 =	vadd.f32 v0, v63  }
0xa2: {  	[tilespmem:s16+$0x16AD0] =	vst v2;
	v1 =	vmax.f32 v1, $0.0e+00  }
0xa3: {  	[tilespmem:s16+$0x16AE0] =	vst v1;
	v0 =	vmax.f32 v0, $0.0e+00  }
0xa4: {  	s15 =	sadd.s32 s7, s15;
	[tilespmem:s16+$0x16AF0] =	vst v0  }
0xa5: {  	[tilespmem:s11], [sflag:$0x5] =	stream.linear.gather [hbm4b:s15+s3], $0x60, $0x38;
	[tilespmem:$0x1FA80] =	vst v63  }
0xa6: {  	s13 =	sadd.s32 $0x1, s13;
	_ =	swait.ge [sflag:s20], $0x60  }
0xa7: {  	p1 =	sne.s32 s13, $0x35;
	[sflag:s20] =	ssyncset.done $0x0  }
.Ltmp2:
0xa8: {  	[sflag:s20] =	ssyncadd.s32 $0xFFFFFFA0;
	(pc) =	sbr.rel @p1 .LBB2_2-.Ltmp2, $4  }
0xa9: {  	[spmem:s2] =	stream.indirect.scatter.add.f32 [tilespmem:s28], [sflag:$0x5], $0x80, s11, s23, $0xb8;
	[tilespmem:$0x1FA80] =	vst v63  }
0xaa: {  	_ =	swait.ge [sflag:s20], $0x3000  }
0xab: {  	[sflag:s20] =	ssyncset.done $0x0  }
0xac: {  	[sflag:s20] =	ssyncadd.s32 $0xFFFFD000  }
0xad: {  	_ =	swait.ge [sflag:s30], $0x3000  }
0xae: {  	[sflag:s30] =	ssyncset.done $0x0  }
0xaf: {  	[sflag:s30] =	ssyncadd.s32 $0xFFFFD000  }
0xb0: {  	_ =	swait.ge [sflag:s31], $0x3000  }
0xb1: {  	[sflag:s31] =	ssyncset.done $0x0  }
0xb2: {  	s13 =	simm.s32 $0x0;
	[sflag:s31] =	ssyncadd.s32 $0xFFFFD000  }
0xb3: {  	v6 =	vld [tilespmem:s13+$0x19A80]  }
0xb4: {  	v11 =	vld [tilespmem:s13+$0x19A90]  }
0xb5: {  	v5 =	vld [tilespmem:s13+$0x19AA0]  }
0xb6: {  	v4 =	vld [tilespmem:s13+$0x19AB0]  }
0xb7: {  	v3 =	vld [tilespmem:s13+$0x19AC0]  }
0xb8: {  	v2 =	vld [tilespmem:s13+$0x19AD0]  }
0xb9: {  	v1 =	vld [tilespmem:s13+$0x19AE0]  }
0xba: {  	v0 =	vld [tilespmem:s13+$0x19AF0]  }
0xbb: {  	v12 =	vld [tilespmem:s13+$0x13A80]  }
0xbc: {  	v13 =	vld [tilespmem:s13+$0x13A90]  }
0xbd: {  	v10 =	vld [tilespmem:s13+$0x13AA0]  }
0xbe: {  	v9 =	vld [tilespmem:s13+$0x13AB0]  }
0xbf: {  	v8 =	vld [tilespmem:s13+$0x13AC0]  }
0xc0: {  	v7 =	vld [tilespmem:s13+$0x13AD0];
	v12 =	vadd.f32 v6, v12  }
0xc1: {  	s15 =	simm.s32 $0x200;
	v11 =	vadd.f32 v11, v13;
	v6 =	vld [tilespmem:s13+$0x13AE0]  }
.LBB2_8:
0xc2: {  	s16 =	sshra.s32 s15, $0x2;
	p1 =	sne.s32 s15, $0xBE00;
	v12 =	vmax.f32 v12, $0.0e+00;
	v5 =	vadd.f32 v5, v10;
	v10 =	vld [tilespmem:s13+$0x13AF0]  }
0xc3: {  	v13 =	vld [tilespmem:s16+$0x19A80];
	[tilespmem:s13+$0x13A80] =	vst v12;
	v11 =	vmax.f32 v11, $0.0e+00;
	v4 =	vadd.f32 v4, v9  }
0xc4: {  	v14 =	vld [tilespmem:s16+$0x19A90];
	[tilespmem:s13+$0x13A90] =	vst v11;
	v9 =	vmax.f32 v5, $0.0e+00;
	v3 =	vadd.f32 v3, v8  }
0xc5: {  	v5 =	vld [tilespmem:s16+$0x19AA0];
	[tilespmem:s13+$0x13AA0] =	vst v9;
	v8 =	vmax.f32 v4, $0.0e+00;
	v2 =	vadd.f32 v2, v7  }
0xc6: {  	v4 =	vld [tilespmem:s16+$0x19AB0];
	[tilespmem:s13+$0x13AB0] =	vst v8;
	v7 =	vmax.f32 v3, $0.0e+00;
	v1 =	vadd.f32 v1, v6  }
0xc7: {  	v3 =	vld [tilespmem:s16+$0x19AC0];
	[tilespmem:s13+$0x13AC0] =	vst v7;
	v6 =	vmax.f32 v2, $0.0e+00;
	v0 =	vadd.f32 v0, v10  }
0xc8: {  	v2 =	vld [tilespmem:s16+$0x19AD0];
	[tilespmem:s13+$0x13AD0] =	vst v6;
	v6 =	vmax.f32 v1, $0.0e+00  }
0xc9: {  	v1 =	vld [tilespmem:s16+$0x19AE0];
	[tilespmem:s13+$0x13AE0] =	vst v6;
	v6 =	vmax.f32 v0, $0.0e+00  }
0xca: {  	v0 =	vld [tilespmem:s16+$0x19AF0];
	[tilespmem:s13+$0x13AF0] =	vst v6;
	s13 =	smov.u32 s16  }
0xcb: {  	v6 =	vld [tilespmem:s13+$0x13A80]  }
0xcc: {  	v11 =	vld [tilespmem:s13+$0x13A90]  }
.Ltmp3:
0xcd: {  	v10 =	vld [tilespmem:s13+$0x13AA0];
	(pc) =	sbr.rel @p1 .LBB2_8-.Ltmp3, $4  }
0xce: {  	v9 =	vld [tilespmem:s13+$0x13AB0]  }
0xcf: {  	v8 =	vld [tilespmem:s13+$0x13AC0]  }
0xd0: {  	v12 =	vadd.f32 v13, v6;
	v7 =	vld [tilespmem:s13+$0x13AD0]  }
0xd1: {  	s15 =	sadd.s32 $0x200, s15;
	v11 =	vadd.f32 v14, v11;
	v6 =	vld [tilespmem:s13+$0x13AE0]  }
0xd2: {  	v12 =	vmax.f32 v12, $0.0e+00;
	v5 =	vadd.f32 v5, v10;
	v63 =	vld [tilespmem:s13+$0x13AF0]  }
0xd3: {  	[tilespmem:s13+$0x13A80] =	vst v12;
	v11 =	vmax.f32 v11, $0.0e+00;
	v4 =	vadd.f32 v4, v9  }
0xd4: {  	[tilespmem:s13+$0x13A90] =	vst v11;
	v5 =	vmax.f32 v5, $0.0e+00;
	v3 =	vadd.f32 v3, v8  }
0xd5: {  	[tilespmem:s13+$0x13AA0] =	vst v5;
	v4 =	vmax.f32 v4, $0.0e+00;
	v2 =	vadd.f32 v2, v7  }
0xd6: {  	[tilespmem:s13+$0x13AB0] =	vst v4;
	v3 =	vmax.f32 v3, $0.0e+00;
	v1 =	vadd.f32 v1, v6  }
0xd7: {  	[tilespmem:s13+$0x13AC0] =	vst v3;
	v2 =	vmax.f32 v2, $0.0e+00;
	v0 =	vadd.f32 v0, v63  }
0xd8: {  	[tilespmem:s13+$0x13AD0] =	vst v2;
	v1 =	vmax.f32 v1, $0.0e+00  }
0xd9: {  	[tilespmem:s13+$0x13AE0] =	vst v1;
	v0 =	vmax.f32 v0, $0.0e+00  }
0xda: {  	s18 =	rddreg [dreg:$0x7];
	[tilespmem:s13+$0x13AF0] =	vst v0  }
0xdb: {  	[tilespmem:s0], [sflag:$0x5] =	stream.linear.gather [hbm4b:s18+s3], $0x60, $0x38;
	[tilespmem:$0x1FA80] =	vst v63  }
0xdc: {  	_ =	swait.ge [sflag:s20], $0x60  }
0xdd: {  	[sflag:s20] =	ssyncset.done $0x0  }
0xde: {  	[sflag:s20] =	ssyncadd.s32 $0xFFFFFFA0  }
0xdf: {  	[spmem:s2] =	stream.indirect.scatter.add.f32 [tilespmem:s24], [sflag:$0x5], $0x80, s0, s23, $0xb8;
	[tilespmem:$0x1FA80] =	vst v63  }
0xe0: {  	_ =	swait.ge [sflag:s20], $0x3000  }
0xe1: {  	[sflag:s20] =	ssyncset.done $0x0  }
0xe2: {  	[sflag:s20] =	ssyncadd.s32 $0xFFFFD000  }
0xe3: {  	[bflag:$0x0] =	sbarrier.arrive $0xFFFF  }
0xe4: {  	s19 =	rddreg [dreg:$0x8]  }
0xe5: {  	[hbm:s19], [sflag:s10] =	dma.local [spmem:s21], $0x2700  }
0xe6: {  	_ =	swait.ge [sflag:s20], $0x2700  }
0xe7: {  	[sflag:s20] =	ssyncset.done $0x0;
	s13 =	rddreg [dreg:$0x9]  }
0xe8: {  	s17 =	rddreg [dreg:$0xb];
	[sflag:s20] =	ssyncadd.s32 $0xFFFFD900  }
0xe9: {  	[hbm:s13], [sflag:s10] =	dma.local @!p0 [spmem:s17], $0x100  }
0xea: {  	s13 =	simm.s32 @!p0 $0x5  }
0xeb: {  	_ =	swait.ge @!p0 [sflag:s13], $0x100  }
0xec: {  	s12 =	sadd.s32 $0x1, s12;
	s15 =	rddreg [dreg:$0xa]  }
0xed: {  	p1 =	sne.s32 s12, s15  }
.Ltmp4:
0xee: {  	_ = 	snop;
	(pc) =	sbr.rel @p1 .LBB2_1-.Ltmp4, $3  }
0xef: {  	_ =	sdelay $0x1  }
0xf0: {  	[sflag:s13] =	ssyncset.done @!p0 $0x0  }
0xf1: {  	s16 =	smov.u32 s21;
	[sflag:s13] =	ssyncadd.s32 @!p0 $0xFFFFFF00  }
0xf2: {  	_ =	sfence.sel $0x180000  }
0xf3: {  	[bflag:$0x0] =	sbarrier.arrive $0xFFFF  }
0xf4: {  	_ =	strace $0x9000004D  }
0xf5: {  	s0 =	stileid.u32;
	[bflag:$0x2] =	sbarrier.arrive $0xFFFF  }
0xf6: {  	p0 =	sne.s32 s0, $0x0;
	s0 =	rddreg [dreg:$0x2]  }
0xf7: {  	s0 =	sadd.s32 @!p0 $0x100000, s0  }
0xf8: {  	[sflag:s0] =	ssyncadd.tile.s32 @!p0 $0x1;
	_ =	shalt  }
.Lfunc_end2:
_tile_overlayer_lowered:
.L_overlay_start_2:
0xf9: {  	(tag) =	ssettag $0x2  }
0xfa: {  	s0 =	rddreg [dreg:$0x0];
	s2 =	stileid.u32  }
0xfb: {  	s1 =	rddreg [dreg:$0x1];
	p0 =	sne.s32 s2, $0x0  }
0xfc: {  	s3 =	rddreg [dreg:$0x2];
	[bflag:$0x3] =	sbarrier.arrive $0xFFFF;
	s2 =	simm.s32 @!p0 $0x1C05  }
0xfd: {  	[timem:s3], [sflag:s2] =	dma.local @!p0 [hbm:s0], s1  }
0xfe: {  	s0 =	simm.s32 @!p0 $0x5  }
0xff: {  	_ =	swait.ge @!p0 [sflag:s0], s1  }
0x100: {  	s1 =	ssub.s32 @!p0 $0x0, s1;
	[sflag:s0] =	ssyncset.done @!p0 $0x0  }
0x101: {  	[sflag:s0] =	ssyncadd.s32 @!p0 s1  }
0x102: {  	[bflag:$0x3] =	sbarrier.arrive $0xFFFF  }
0x103: {  	_ =	shalt  }

</sc_bundles>
